<compile_context>
chip_gen: v7x
topology: tpu7x:2x2x1
jax: 0.10.2.dev20260603
libtpu: 0.0.44.dev20260713+nightly
codegen_flags: <defaults>
</compile_context>

<pallas_src>
import functools

import jax
import jax.numpy as jnp
from jax import lax
from jax.experimental import pallas as pl
from jax.experimental.pallas import tpu as pltpu
from jax.experimental.pallas import tpu_sc as plsc

N = 10000
NP = 10240
E = 320000
D = 128
H = 4
C = 32
T = 10
TEMP = 0.7

NC = 2
NS = 16
NW = NC * NS
EPW = E // NW
RPT = NP // NS

KD = 80
NITD = EPW // KD
EPWP = 10240
KE = 128
NITE = EPWP // KE
SEGE = 8
KB = 64
NITB = EPWP // KB
SEGB = 8

_f32 = jnp.float32
_i32 = jnp.int32


def _wid():
    cid = lax.axis_index("c")
    sid = lax.axis_index("s")
    return cid, sid, cid * NS + sid


_SC_MESH = dict(
    mesh=plsc.VectorSubcoreMesh(core_axis_name="c", subcore_axis_name="s",
                                num_cores=NC, num_subcores=NS),
    compiler_params=pltpu.CompilerParams(needs_layout_passes=False),
)


@functools.partial(
    pl.kernel,
    out_type=jax.ShapeDtypeStruct((NC, NP, D), _f32),
    scratch_types=[
        pltpu.VMEM((NITE, KE), _i32),
        pltpu.VMEM((KE, D), _f32),
        pltpu.VMEM_SHARED((NP, D), _f32),
        pltpu.SemaphoreType.DMA,
    ],
    **_SC_MESH,
)
def _deg_kernel(dsts_hbm, ones_hbm, zeros_hbm, deg_hbm,
                didx_v, ones_v, acc_sh, sem):
    cid, sid, wid = _wid()
    pltpu.sync_copy(dsts_hbm.at[wid], didx_v)
    pltpu.sync_copy(ones_hbm, ones_v)
    rows = pl.ds(sid * RPT, RPT)
    pltpu.sync_copy(zeros_hbm.at[rows], acc_sh.at[rows])
    plsc.subcore_barrier()

    DEPTH = 2
    for t0 in range(DEPTH):
        pltpu.async_copy(ones_v, acc_sh.at[didx_v.at[t0]], sem, add=True)

    def body(t, carry):
        @pl.when(t + DEPTH < NITE)
        def _():
            pltpu.async_copy(ones_v, acc_sh.at[didx_v.at[t + DEPTH]], sem,
                             add=True)
        pltpu.make_async_copy(ones_v, acc_sh.at[didx_v.at[0]], sem).wait()
        return carry

    lax.fori_loop(0, NITE, body, 0)
    plsc.subcore_barrier()
    pltpu.sync_copy(acc_sh.at[rows], deg_hbm.at[cid, rows])


@functools.partial(
    pl.kernel,
    out_type=jax.ShapeDtypeStruct((NC, NP, D), _f32),
    scratch_types=[
        pltpu.VMEM((SEGE, KE), _i32),
        pltpu.VMEM((SEGE, KE), _i32),
        pltpu.VMEM((KE, D), _f32),
        pltpu.VMEM((KE, D), _f32),
        pltpu.VMEM_SHARED((NP, D), _f32),
        pltpu.SemaphoreType.DMA,
        pltpu.SemaphoreType.DMA,
    ],
    **_SC_MESH,
)
def _gcn_kernel(xw_hbm, srcs_hbm, dsts_hbm, zeros_hbm, out_hbm,
                sidx_v, didx_v, rows0, rows1, acc_sh, gsem0, gsem1):
    cid, sid, wid = _wid()
    rows = pl.ds(sid * RPT, RPT)
    pltpu.sync_copy(zeros_hbm.at[rows], acc_sh.at[rows])
    plsc.subcore_barrier()

    rowsb = (rows0, rows1)
    gsem = (gsem0, gsem1)

    def cpseg(s):
        s = pl.multiple_of(s, SEGE)
        pltpu.sync_copy(srcs_hbm.at[wid, pl.ds(s, SEGE)], sidx_v)
        pltpu.sync_copy(dsts_hbm.at[wid, pl.ds(s, SEGE)], didx_v)

    def issue(jl, b):
        pltpu.async_copy(xw_hbm.at[sidx_v.at[jl]], rowsb[b], gsem[b])

    def drain(b):
        pltpu.make_async_copy(xw_hbm.at[sidx_v.at[0]], rowsb[b],
                              gsem[b]).wait()

    cpseg(0)
    issue(0, 0)
    issue(1, 1)

    def body(t, carry):
        j = 2 * t
        jl = lax.rem(j, SEGE)
        drain(0)
        pltpu.sync_copy(rows0, acc_sh.at[didx_v.at[jl]], add=True)
        drain(1)
        pltpu.sync_copy(rows1, acc_sh.at[didx_v.at[jl + 1]], add=True)

        @pl.when(j + 2 < NITE)
        def _():
            @pl.when(lax.rem(j + 2, SEGE) == 0)
            def _():
                cpseg(j + 2)
            issue(lax.rem(j + 2, SEGE), 0)

        @pl.when(j + 3 < NITE)
        def _():
            issue(lax.rem(j + 3, SEGE), 1)
        return carry

    lax.fori_loop(0, NITE // 2, body, 0)
    plsc.subcore_barrier()
    pltpu.sync_copy(acc_sh.at[rows], out_hbm.at[cid, rows])


@functools.partial(
    pl.kernel,
    out_type=jax.ShapeDtypeStruct((NW, NITB, KB, D), _f32),
    scratch_types=[
        pltpu.VMEM((SEGB, KB), _i32),
        pltpu.VMEM((SEGB, KB), _i32),
        pltpu.VMEM((NP * 8,), _f32),
        pltpu.VMEM((KB, D), _f32),
        pltpu.VMEM((KB, D), _f32),
        pltpu.SemaphoreType.DMA,
        pltpu.SemaphoreType.DMA,
    ],
    **_SC_MESH,
)
def _gat_att_kernel(alsd_hbm, srcs_hbm, dsts_hbm, zk_hbm, ee_hbm,
                    sidx_v, didx_v, tab_v, ee0, ee1, esem0, esem1):
    cid, sid, wid = _wid()
    pltpu.sync_copy(alsd_hbm, tab_v)
    pltpu.sync_copy(zk_hbm, ee0)
    pltpu.sync_copy(zk_hbm, ee1)

    eeb = (ee0, ee1)
    esem = (esem0, esem1)
    iota16 = lax.broadcasted_iota(_i32, (16,), 0)

    def cpseg(s):
        s = pl.multiple_of(s, SEGB)
        pltpu.sync_copy(srcs_hbm.at[wid, pl.ds(s, SEGB)], sidx_v)
        pltpu.sync_copy(dsts_hbm.at[wid, pl.ds(s, SEGB)], didx_v)

    def process(j, jl, b):
        @pl.when(j >= 2)
        def _():
            pltpu.make_async_copy(eeb[b], ee_hbm.at[0, 0], esem[b]).wait()
        for g in range(KB // 16):
            sv = sidx_v[jl, pl.ds(g * 16, 16)] * 8
            dv = didx_v[jl, pl.ds(g * 16, 16)] * 8
            rv = iota16 + (g * 16)
            for h in range(H):
                hs = jnp.full((16,), h, _i32)
                va = (plsc.load_gather(tab_v, [sv + h])
                      + plsc.load_gather(tab_v, [dv + (h + 4)]))
                ee = jnp.exp(jnp.where(va >= 0.0, va, 0.2 * va))
                plsc.store_scatter(eeb[b], [rv, hs], ee)
        pltpu.async_copy(eeb[b], ee_hbm.at[wid, j], esem[b])

    cpseg(0)

    def body(t, carry):
        j = 2 * t
        jl = lax.rem(j, SEGB)
        process(j, jl, 0)
        process(j + 1, jl + 1, 1)

        @pl.when(j + 2 < NITB)
        def _():
            @pl.when(lax.rem(j + 2, SEGB) == 0)
            def _():
                cpseg(j + 2)
        return carry

    lax.fori_loop(0, NITB // 2, body, 0)
    pltpu.make_async_copy(ee0, ee_hbm.at[0, 0], esem0).wait()
    pltpu.make_async_copy(ee1, ee_hbm.at[0, 0], esem1).wait()


@functools.partial(
    pl.kernel,
    out_type=jax.ShapeDtypeStruct((NC, NP, D), _f32),
    scratch_types=[
        pltpu.VMEM((SEGB, KB), _i32),
        pltpu.VMEM((KB, D), _f32),
        pltpu.VMEM((KB, D), _f32),
        pltpu.VMEM_SHARED((NP, D), _f32),
        pltpu.SemaphoreType.DMA,
        pltpu.SemaphoreType.DMA,
    ],
    **_SC_MESH,
)
def _den_kernel(ee_hbm, dsts_hbm, zeros_hbm, den_hbm,
                didx_v, ee0, ee1, dacc_sh, gsem0, gsem1):
    cid, sid, wid = _wid()
    rows = pl.ds(sid * RPT, RPT)
    pltpu.sync_copy(zeros_hbm.at[rows], dacc_sh.at[rows])
    plsc.subcore_barrier()

    eeb = (ee0, ee1)
    gsem = (gsem0, gsem1)

    def cpseg(s):
        s = pl.multiple_of(s, SEGB)
        pltpu.sync_copy(dsts_hbm.at[wid, pl.ds(s, SEGB)], didx_v)

    def issue(j, b):
        pltpu.async_copy(ee_hbm.at[wid, j], eeb[b], gsem[b])

    def drain(b):
        pltpu.make_async_copy(ee_hbm.at[0, 0], eeb[b], gsem[b]).wait()

    cpseg(0)
    issue(0, 0)
    issue(1, 1)

    def body(t, carry):
        j = 2 * t
        jl = lax.rem(j, SEGB)
        drain(0)
        pltpu.sync_copy(ee0, dacc_sh.at[didx_v.at[jl]], add=True)
        drain(1)
        pltpu.sync_copy(ee1, dacc_sh.at[didx_v.at[jl + 1]], add=True)

        @pl.when(j + 2 < NITB)
        def _():
            @pl.when(lax.rem(j + 2, SEGB) == 0)
            def _():
                cpseg(j + 2)
            issue(j + 2, 0)

        @pl.when(j + 3 < NITB)
        def _():
            issue(j + 3, 1)
        return carry

    lax.fori_loop(0, NITB // 2, body, 0)
    plsc.subcore_barrier()
    pltpu.sync_copy(dacc_sh.at[rows], den_hbm.at[cid, rows])


@functools.partial(
    pl.kernel,
    out_type=jax.ShapeDtypeStruct((NC, NP, D), _f32),
    scratch_types=[
        pltpu.VMEM((SEGB, KB), _i32),
        pltpu.VMEM((SEGB, KB), _i32),
        pltpu.VMEM((KB, D), _f32),
        pltpu.VMEM((KB, D), _f32),
        pltpu.VMEM((KB, D), _f32),
        pltpu.VMEM((KB, D), _f32),
        pltpu.VMEM_SHARED((NP, D), _f32),
        pltpu.SemaphoreType.DMA,
        pltpu.SemaphoreType.DMA,
    ],
    **_SC_MESH,
)
def _gat_agg_kernel(xw2_hbm, ee_hbm, srcs_hbm, dsts_hbm, zeros_hbm,
                    num_hbm,
                    sidx_v, didx_v, rows0, rows1, ee0, ee1,
                    nacc_sh, gsem0, gsem1):
    cid, sid, wid = _wid()
    rows = pl.ds(sid * RPT, RPT)
    pltpu.sync_copy(zeros_hbm.at[rows], nacc_sh.at[rows])
    plsc.subcore_barrier()

    rowsb = (rows0, rows1)
    eeb = (ee0, ee1)
    gsem = (gsem0, gsem1)

    def cpseg(s):
        s = pl.multiple_of(s, SEGB)
        pltpu.sync_copy(srcs_hbm.at[wid, pl.ds(s, SEGB)], sidx_v)
        pltpu.sync_copy(dsts_hbm.at[wid, pl.ds(s, SEGB)], didx_v)

    def issue(jl, j, b):
        pltpu.async_copy(xw2_hbm.at[sidx_v.at[jl]], rowsb[b], gsem[b])
        pltpu.async_copy(ee_hbm.at[wid, j], eeb[b], gsem[b])

    def drain(b):
        pltpu.make_async_copy(xw2_hbm.at[sidx_v.at[0]], rowsb[b],
                              gsem[b]).wait()
        pltpu.make_async_copy(ee_hbm.at[0, 0], eeb[b], gsem[b]).wait()

    def process(jl, b):
        rb = rowsb[b]

        def scale(i4, carry):
            for u in range(4):
                i = i4 * 4 + u
                eer = eeb[b][i, pl.ds(0, 16)]
                for h in range(H):
                    s = eer[h]
                    for q in range(2):
                        sl = pl.ds(h * 32 + q * 16, 16)
                        rb[i, sl] = rb[i, sl] * s
            return carry

        lax.fori_loop(0, KB // 4, scale, 0)
        pltpu.sync_copy(rb, nacc_sh.at[didx_v.at[jl]], add=True)

    cpseg(0)
    issue(0, 0, 0)
    issue(1, 1, 1)

    def body(t, carry):
        j = 2 * t
        jl = lax.rem(j, SEGB)
        drain(0)
        process(jl, 0)
        drain(1)
        process(jl + 1, 1)

        @pl.when(j + 2 < NITB)
        def _():
            @pl.when(lax.rem(j + 2, SEGB) == 0)
            def _():
                cpseg(j + 2)
            issue(lax.rem(j + 2, SEGB), j + 2, 0)

        @pl.when(j + 3 < NITB)
        def _():
            issue(lax.rem(j + 3, SEGB), j + 3, 1)
        return carry

    lax.fori_loop(0, NITB // 2, body, 0)
    plsc.subcore_barrier()
    pltpu.sync_copy(nacc_sh.at[rows], num_hbm.at[cid, rows])


_B = 512
_GRID = NP // _B


def _full_spec(shape):
    return pl.BlockSpec(shape, lambda i: (0,) * len(shape))


def _row_spec(cols):
    return pl.BlockSpec((_B, cols), lambda i: (i, 0))


def _pair_spec(cols):
    return pl.BlockSpec((NC, _B, cols), lambda i: (0, i, 0))


def _tc_call(body, in_specs, out_specs, out_shapes):
    return pl.pallas_call(
        body,
        grid=(_GRID,),
        in_specs=in_specs,
        out_specs=out_specs,
        out_shape=out_shapes,
    )


def _k2_body(x_ref, w_ref, dg_ref, xw_ref, dv_ref):
    dv8 = lax.rsqrt(1.0 + dg_ref[0] + dg_ref[1])
    xw = jnp.dot(x_ref[...], w_ref[...], preferred_element_type=_f32)
    xw_ref[...] = xw * dv8[:, 0:1]
    dv_ref[...] = dv8[:, 0:8]


def _k4_body(a_ref, xwp_ref, dv_ref, b1_ref, wg_ref, asd_ref,
             xw2_ref, alsd_ref):
    dv = dv_ref[...][:, 0:1]
    h1 = jnp.maximum(
        dv * (a_ref[0] + a_ref[1] + xwp_ref[...]) + b1_ref[...], 0.0)
    xw2 = jnp.dot(h1, wg_ref[...], preferred_element_type=_f32)
    xw2_ref[...] = xw2
    alsd_ref[...] = jnp.dot(xw2, asd_ref[...], preferred_element_type=_f32)


def _k6_body(n_ref, q_ref, alsd_ref, xw2_ref,
             bg_ref, w3_ref, dv_ref, out_ref):
    al = alsd_ref[...]
    a = al[:, 0:4] + al[:, 4:8]
    ees = jnp.exp(jnp.where(a >= 0.0, a, 0.2 * a))
    den4 = q_ref[0][:, 0:4] + q_ref[1][:, 0:4] + ees + 1e-16
    hh = lax.broadcasted_iota(_i32, (4, D), 0)
    cc = lax.broadcasted_iota(_i32, (4, D), 1)
    sel = (cc // C == hh).astype(_f32)
    eef = jnp.dot(ees, sel, preferred_element_type=_f32)
    denf = jnp.dot(den4, sel, preferred_element_type=_f32)
    num = n_ref[0] + n_ref[1] + eef * xw2_ref[...]
    h2 = jnp.maximum(num / denf + bg_ref[...], 0.0)
    out_ref[...] = (jnp.dot(h2, w3_ref[...], preferred_element_type=_f32)
                    * dv_ref[...][:, 0:1])


_RS = float((1.0 + 1e-5) ** -0.5)


def _k8_body(r_ref, xwp_ref, dv_ref, b3_ref, wm1_ref, bm1_ref,
             gam_ref, bet_ref, wm2_ref, bm2_ref, wu_ref, bu_ref, tv_ref,
             p_ref, tu_ref):
    dv = dv_ref[...][:, 0:1]
    h3 = jnp.maximum(
        dv * (r_ref[0] + r_ref[1] + xwp_ref[...]) + b3_ref[...], 0.0)

    def mlp(h):
        z = jnp.dot(h, wm1_ref[...], preferred_element_type=_f32) + bm1_ref[...]
        z = z * _RS * gam_ref[...] + bet_ref[...]
        z = jnp.maximum(z, 0.0)
        return jnp.dot(z, wm2_ref[...], preferred_element_type=_f32) + bm2_ref[...]

    def softmax(logits):
        l = logits / TEMP
        m = jnp.max(l, axis=1, keepdims=True)
        ex = jnp.exp(l - m)
        return ex / jnp.sum(ex, axis=1, keepdims=True)

    tv = tv_ref[...]
    p1 = softmax(mlp(h3))
    us = jnp.dot(p1 * tv, wu_ref[...], preferred_element_type=_f32) + bu_ref[...]
    p2 = softmax(mlp(h3 + us))
    p_ref[...] = p2[:, 0:T]
    tu_ref[...] = jnp.sum(p2 * tv, axis=1, keepdims=True)


def kernel(x, edge_index, W1, b1, Wg, att_src, att_dst, bg, W3, b3,
           Wm1, bm1, gamma, beta, Wm2, bm2, Wu, bu, type_unc):
    pad = jnp.full((NW, EPWP - EPW), N, _i32)
    srcp = jnp.concatenate([edge_index[0].reshape(NW, EPW), pad], axis=1)
    dstp = jnp.concatenate([edge_index[1].reshape(NW, EPW), pad], axis=1)
    srcsE = srcp.reshape(NW, NITE, KE)
    dstsE = dstp.reshape(NW, NITE, KE)
    srcsB = srcp.reshape(NW, NITB, KB)
    dstsB = dstp.reshape(NW, NITB, KB)
    dsts80 = edge_index[1].reshape(NW, NITD, KD)
    xp = jnp.zeros((NP, D), _f32).at[:N].set(x)

    zerosND = jnp.zeros((NP, D), _f32)
    zerosN8 = jnp.zeros((NP, 8), _f32)
    zerosKBD = jnp.zeros((KB, D), _f32)
    onesKE = jnp.zeros((KE, D), _f32).at[:, 0].set(1.0)

    eye = jnp.eye(H, dtype=_f32)
    Asd = jnp.concatenate(
        [(att_src[:, :, None] * eye[:, None, :]).reshape(D, H),
         (att_dst[:, :, None] * eye[:, None, :]).reshape(D, H)], axis=1)

    Wm2p = jnp.zeros((D, D), _f32).at[:, :T].set(Wm2)
    bm2p = jnp.full((1, D), -1e30, _f32).at[0, :T].set(bm2)
    Wup = jnp.zeros((D, D), _f32).at[:T, :].set(Wu)
    tvp = jnp.zeros((1, D), _f32).at[0, :T].set(type_unc)

    b1r = b1.reshape(1, D)
    bgr = bg.reshape(1, D)
    b3r = b3.reshape(1, D)
    bm1r = bm1.reshape(1, D)
    gammar = gamma.reshape(1, D)
    betar = beta.reshape(1, D)
    bur = bu.reshape(1, D)

    deg = _deg_kernel(dstsE, onesKE, zerosND)

    xw1p, dinv8 = _tc_call(
        _k2_body,
        [_row_spec(D), _full_spec((D, D)), _pair_spec(D)],
        [_row_spec(D), _row_spec(8)],
        [jax.ShapeDtypeStruct((NP, D), _f32), jax.ShapeDtypeStruct((NP, 8), _f32)],
    )(xp, W1, deg)

    agg1 = _gcn_kernel(xw1p, srcsE, dstsE, zerosND)

    xw2, alsd = _tc_call(
        _k4_body,
        [_pair_spec(D), _row_spec(D), _row_spec(8),
         _full_spec((1, D)), _full_spec((D, D)), _full_spec((D, 2 * H))],
        [_row_spec(D), _row_spec(2 * H)],
        [jax.ShapeDtypeStruct((NP, D), _f32),
         jax.ShapeDtypeStruct((NP, 2 * H), _f32)],
    )(agg1, xw1p, dinv8, b1r, Wg, Asd)

    ee = _gat_att_kernel(alsd.reshape(NP * 8), srcsB, dstsB, zerosKBD)
    q = _den_kernel(ee, dstsB, zerosND)
    num = _gat_agg_kernel(xw2, ee, srcsB, dstsB, zerosND)

    xw3p = _tc_call(
        _k6_body,
        [_pair_spec(D), _pair_spec(D),
         _row_spec(2 * H), _row_spec(D),
         _full_spec((1, D)), _full_spec((D, D)), _row_spec(8)],
        _row_spec(D),
        jax.ShapeDtypeStruct((NP, D), _f32),
    )(num, q, alsd, xw2, bgr, W3, dinv8)

    agg3 = _gcn_kernel(xw3p, srcsE, dstsE, zerosND)

    p, tu = _tc_call(
        _k8_body,
        [_pair_spec(D), _row_spec(D), _row_spec(8),
         _full_spec((1, D)), _full_spec((D, D)), _full_spec((1, D)),
         _full_spec((1, D)), _full_spec((1, D)), _full_spec((D, D)),
         _full_spec((1, D)), _full_spec((D, D)), _full_spec((1, D)),
         _full_spec((1, D))],
        [_row_spec(T), _row_spec(1)],
        [jax.ShapeDtypeStruct((NP, T), _f32), jax.ShapeDtypeStruct((NP, 1), _f32)],
    )(agg3, xw3p, dinv8, b3r, Wm1, bm1r, gammar, betar, Wm2p, bm2p,
      Wup, bur, tvp)

    return (p[:N], tu[:N])

# --- scband reference (transcript-rebuilt; emitter-appended) ---
"""Pipeline reference for scband-improved-uncertainty-gcn-73839077753526 (READ-ONLY COPY).

The authoritative reference and input builder live on the scoring server;
editing this copy changes nothing except your own understanding.
"""

import jax, jax.numpy as jnp
import numpy as np

N = 10000
E = 320000
D = 128
H = 4
C = 32
T = 10
TEMP = 0.7

def setup_inputs(seed: int = 0):
    key = jax.random.key(seed)
    ks = jax.random.split(key, 12)
    x = jax.random.normal(ks[0], (N, D), dtype=jnp.float32)
    edge_index = jax.random.randint(ks[1], (2, E), 0, N, dtype=jnp.int32)
    W1 = jax.random.normal(ks[2], (D, D), dtype=jnp.float32) * 0.05
    b1 = jnp.zeros((D,), jnp.float32)
    Wg = jax.random.normal(ks[3], (D, D), dtype=jnp.float32) * 0.05
    att_src = jax.random.normal(ks[4], (H, C), dtype=jnp.float32) * 0.05
    att_dst = jax.random.normal(ks[5], (H, C), dtype=jnp.float32) * 0.05
    bg = jnp.zeros((D,), jnp.float32)
    W3 = jax.random.normal(ks[6], (D, D), dtype=jnp.float32) * 0.05
    b3 = jnp.zeros((D,), jnp.float32)
    Wm1 = jax.random.normal(ks[7], (D, D), dtype=jnp.float32) * 0.05
    bm1 = jnp.zeros((D,), jnp.float32)
    gamma = jnp.ones((D,), jnp.float32)
    beta = jnp.zeros((D,), jnp.float32)
    Wm2 = jax.random.normal(ks[8], (D, T), dtype=jnp.float32) * 0.05
    bm2 = jnp.zeros((T,), jnp.float32)
    Wu = jax.random.normal(ks[9], (T, D), dtype=jnp.float32) * 0.05
    bu = jnp.zeros((D,), jnp.float32)
    type_unc = jnp.array([0.5, 0.3, 0.8, 0.2, 0.9, 0.4, 0.6, 0.7, 0.1, 0.55], dtype=jnp.float32)
    return {'x': x, 'edge_index': edge_index, 'W1': W1, 'b1': b1, 'Wg': Wg, 'att_src': att_src, 'att_dst': att_dst, 'bg': bg, 'W3': W3, 'b3': b3, 'Wm1': Wm1, 'bm1': bm1, 'gamma': gamma, 'beta': beta, 'Wm2': Wm2, 'bm2': bm2, 'Wu': Wu, 'bu': bu, 'type_unc': type_unc}

def _self_loops(src, dst, n):
    loop = jnp.arange(n, dtype=src.dtype)
    return jnp.concatenate([src, loop]), jnp.concatenate([dst, loop])

def _gcn(x, src, dst, W, b):
    n = x.shape[0]
    s, d = _self_loops(src, dst, n)
    deg = jnp.zeros((n,), x.dtype).at[d].add(1.0)
    dinv = jax.lax.rsqrt(deg)
    norm = dinv[s] * dinv[d]
    xw = x @ W
    out = jnp.zeros((n, W.shape[1]), x.dtype).at[d].add(xw[s] * norm[:, None])
    return out + b

def _gat(x, src, dst, W, a_s, a_d, b):
    n = x.shape[0]
    s, d = _self_loops(src, dst, n)
    xw = (x @ W).reshape(n, H, C)
    al_s = (xw * a_s[None, :, :]).sum(-1)
    al_d = (xw * a_d[None, :, :]).sum(-1)
    e = jax.nn.leaky_relu(al_s[s] + al_d[d], 0.2)
    emax = jnp.full((n, H), -1e30, x.dtype).at[d].max(e)
    ee = jnp.exp(e - emax[d])
    denom = jnp.zeros((n, H), x.dtype).at[d].add(ee)
    alpha = ee / (denom[d] + 1e-16)
    out = jnp.zeros((n, H, C), x.dtype).at[d].add(alpha[:, :, None] * xw[s])
    return out.reshape(n, H * C) + b

def _mlp(h, Wm1, bm1, gamma, beta, Wm2, bm2):
    z = h @ Wm1 + bm1
    z = z * jax.lax.rsqrt(jnp.asarray(1.0 + 1e-5, z.dtype)) * gamma + beta
    z = jax.nn.relu(z)
    return z @ Wm2 + bm2

def reference(x, edge_index, W1, b1, Wg, att_src, att_dst, bg, W3, b3, Wm1, bm1, gamma, beta, Wm2, bm2, Wu, bu, type_unc):
    src, dst = edge_index[0], edge_index[1]
    h1 = jax.nn.relu(_gcn(x, src, dst, W1, b1))
    h2 = jax.nn.relu(_gat(h1, src, dst, Wg, att_src, att_dst, bg))
    h3 = jax.nn.relu(_gcn(h2, src, dst, W3, b3))
    logits_initial = _mlp(h3, Wm1, bm1, gamma, beta, Wm2, bm2)
    p_initial = jax.nn.softmax(logits_initial / TEMP, axis=-1)
    uw = p_initial * type_unc[None, :]
    us = uw @ Wu + bu
    h_final = h3 + us
    logits = _mlp(h_final, Wm1, bm1, gamma, beta, Wm2, bm2)
    p = jax.nn.softmax(logits / TEMP, axis=-1)
    tu = (p * type_unc[None, :]).sum(axis=1, keepdims=True)
    return (p, tu)

if __name__ == "__main__":
    import jax
    _d = setup_inputs()
    print(jax.jit(kernel)(*tuple(_d.values())))

</pallas_src>

<mosaic_0001>
#map = affine_map<(d0, d1) -> (0, 0)>
#map1 = affine_map<(d0, d1) -> (0, 0, 0)>
module attributes {stable_mosaic.version = 14 : i64} {
  func.func @_gcn_kernel(%arg0: i32, %arg1: i32, %arg2: memref<10240x128xf32, #tpu.memory_space<hbm>>, %arg3: memref<32x80x128xi32, #tpu.memory_space<hbm>>, %arg4: memref<32x80x128xi32, #tpu.memory_space<hbm>>, %arg5: memref<10240x128xf32, #tpu.memory_space<hbm>>, %arg6: memref<2x10240x128xf32, #tpu.memory_space<hbm>>, %arg7: memref<8x128xi32, #tpu.memory_space<vmem>>, %arg8: memref<8x128xi32, #tpu.memory_space<vmem>>, %arg9: memref<128x128xf32, #tpu.memory_space<vmem>>, %arg10: memref<128x128xf32, #tpu.memory_space<vmem>>, %arg11: memref<10240x128xf32, #tpu.memory_space<vmem_shared>>, %arg12: memref<!tpu.dma_semaphore, #tpu.memory_space<semaphore_mem>>, %arg13: memref<!tpu.dma_semaphore, #tpu.memory_space<semaphore_mem>>) attributes {dimension_semantics = [#tpu.dimension_semantics<core_parallel>, #tpu.dimension_semantics<subcore_parallel>], iteration_bounds = array<i64: 2, 16>, scalar_prefetch = 0 : i64, scratch_operands = 7 : i64, tpu.core_type = #tpu.core_type<sc_vector_subcore>, window_params = [{transform_indices = #map}, {transform_indices = #map1}, {transform_indices = #map1}, {transform_indices = #map}, {transform_indices = #map1}]} {
    %mul3A = arith.constant 16 : i32
    %mul3A_0 = arith.muli %arg0, %mul3A : i32
    %add3A = arith.addi %mul3A_0, %arg1 : i32
    %mul3A_1 = arith.constant 640 : i32
    %mul3A_2 = arith.muli %arg1, %mul3A_1 : i32
    "tpu.region"() ({
      %run_scoped3A = tpu.sem_alloc : memref<!tpu.dma_semaphore, #tpu.memory_space<semaphore_mem>>
      %dma_start3A_23 = arith.constant 0 : i32
      %dma_start3A_24 = tpu.memref_slice %arg11[%mul3A_2, %dma_start3A_23] : memref<10240x128xf32, #tpu.memory_space<vmem_shared>> -> memref<640x128xf32, #tpu.memory_space<vmem_shared>>
      %dma_start3A_25 = arith.constant 0 : i32
      %dma_start3A_26 = tpu.memref_slice %arg5[%mul3A_2, %dma_start3A_25] : memref<10240x128xf32, #tpu.memory_space<hbm>> -> memref<640x128xf32, #tpu.memory_space<hbm>>
      tpu.enqueue_dma source(%dma_start3A_26 : memref<640x128xf32, #tpu.memory_space<hbm>>) target(%dma_start3A_24 : memref<640x128xf32, #tpu.memory_space<vmem_shared>>) target_semaphore(%run_scoped3A : memref<!tpu.dma_semaphore, #tpu.memory_space<semaphore_mem>>)
      %dma_wait3A = arith.constant 0 : i32
      %dma_wait3A_27 = tpu.memref_slice %arg11[%mul3A_2, %dma_wait3A] : memref<10240x128xf32, #tpu.memory_space<vmem_shared>> -> memref<640x128xf32, #tpu.memory_space<vmem_shared>>
      %dma_wait3A_28 = arith.constant 0 : i32
      %dma_wait3A_29 = tpu.memref_slice %arg5[%mul3A_2, %dma_wait3A_28] : memref<10240x128xf32, #tpu.memory_space<hbm>> -> memref<640x128xf32, #tpu.memory_space<hbm>>
      tpu.wait_dma2 semaphore(%run_scoped3A : memref<!tpu.dma_semaphore, #tpu.memory_space<semaphore_mem>>) src(%dma_wait3A_29 : memref<640x128xf32, #tpu.memory_space<hbm>>) dst(%dma_wait3A_27 : memref<640x128xf32, #tpu.memory_space<vmem_shared>>)
      tpu.yield
    }) : () -> ()
    %barrier3A = arith.constant 0 : index
    tpu.barrier barrier_id(%barrier3A)
    %multiple_of3A = arith.constant 0 : i32
    %multiple_of3A_3 = tpu.assume_multiple %multiple_of3A, 8 : i32
    "tpu.region"() ({
      %run_scoped3A = tpu.sem_alloc : memref<!tpu.dma_semaphore, #tpu.memory_space<semaphore_mem>>
      %dma_start3A_23 = arith.constant 0 : i32
      %dma_start3A_24 = tpu.memref_slice %arg3[%add3A, %multiple_of3A_3, %dma_start3A_23] : memref<32x80x128xi32, #tpu.memory_space<hbm>> -> memref<1x8x128xi32, #tpu.memory_space<hbm>>
      %dma_start3A_25 = tpu.memref_squeeze %dma_start3A_24 : memref<1x8x128xi32, #tpu.memory_space<hbm>> -> memref<8x128xi32, #tpu.memory_space<hbm>>
      %dma_start3A_26 = arith.constant 0 : i32
      %dma_start3A_27 = tpu.memref_slice %arg3[%add3A, %multiple_of3A_3, %dma_start3A_26] : memref<32x80x128xi32, #tpu.memory_space<hbm>> -> memref<1x8x128xi32, #tpu.memory_space<hbm>>
      %dma_start3A_28 = tpu.memref_squeeze %dma_start3A_27 : memref<1x8x128xi32, #tpu.memory_space<hbm>> -> memref<8x128xi32, #tpu.memory_space<hbm>>
      tpu.enqueue_dma source(%dma_start3A_28 : memref<8x128xi32, #tpu.memory_space<hbm>>) target(%arg7 : memref<8x128xi32, #tpu.memory_space<vmem>>) target_semaphore(%run_scoped3A : memref<!tpu.dma_semaphore, #tpu.memory_space<semaphore_mem>>)
      %dma_wait3A = arith.constant 0 : i32
      %dma_wait3A_29 = tpu.memref_slice %arg3[%add3A, %multiple_of3A_3, %dma_wait3A] : memref<32x80x128xi32, #tpu.memory_space<hbm>> -> memref<1x8x128xi32, #tpu.memory_space<hbm>>
      %dma_wait3A_30 = tpu.memref_squeeze %dma_wait3A_29 : memref<1x8x128xi32, #tpu.memory_space<hbm>> -> memref<8x128xi32, #tpu.memory_space<hbm>>
      %dma_wait3A_31 = arith.constant 0 : i32
      %dma_wait3A_32 = tpu.memref_slice %arg3[%add3A, %multiple_of3A_3, %dma_wait3A_31] : memref<32x80x128xi32, #tpu.memory_space<hbm>> -> memref<1x8x128xi32, #tpu.memory_space<hbm>>
      %dma_wait3A_33 = tpu.memref_squeeze %dma_wait3A_32 : memref<1x8x128xi32, #tpu.memory_space<hbm>> -> memref<8x128xi32, #tpu.memory_space<hbm>>
      tpu.wait_dma2 semaphore(%run_scoped3A : memref<!tpu.dma_semaphore, #tpu.memory_space<semaphore_mem>>) src(%dma_wait3A_33 : memref<8x128xi32, #tpu.memory_space<hbm>>) dst(%arg7 : memref<8x128xi32, #tpu.memory_space<vmem>>)
      tpu.yield
    }) : () -> ()
    "tpu.region"() ({
      %run_scoped3A = tpu.sem_alloc : memref<!tpu.dma_semaphore, #tpu.memory_space<semaphore_mem>>
      %dma_start3A_23 = arith.constant 0 : i32
      %dma_start3A_24 = tpu.memref_slice %arg4[%add3A, %multiple_of3A_3, %dma_start3A_23] : memref<32x80x128xi32, #tpu.memory_space<hbm>> -> memref<1x8x128xi32, #tpu.memory_space<hbm>>
      %dma_start3A_25 = tpu.memref_squeeze %dma_start3A_24 : memref<1x8x128xi32, #tpu.memory_space<hbm>> -> memref<8x128xi32, #tpu.memory_space<hbm>>
      %dma_start3A_26 = arith.constant 0 : i32
      %dma_start3A_27 = tpu.memref_slice %arg4[%add3A, %multiple_of3A_3, %dma_start3A_26] : memref<32x80x128xi32, #tpu.memory_space<hbm>> -> memref<1x8x128xi32, #tpu.memory_space<hbm>>
      %dma_start3A_28 = tpu.memref_squeeze %dma_start3A_27 : memref<1x8x128xi32, #tpu.memory_space<hbm>> -> memref<8x128xi32, #tpu.memory_space<hbm>>
      tpu.enqueue_dma source(%dma_start3A_28 : memref<8x128xi32, #tpu.memory_space<hbm>>) target(%arg8 : memref<8x128xi32, #tpu.memory_space<vmem>>) target_semaphore(%run_scoped3A : memref<!tpu.dma_semaphore, #tpu.memory_space<semaphore_mem>>)
      %dma_wait3A = arith.constant 0 : i32
      %dma_wait3A_29 = tpu.memref_slice %arg4[%add3A, %multiple_of3A_3, %dma_wait3A] : memref<32x80x128xi32, #tpu.memory_space<hbm>> -> memref<1x8x128xi32, #tpu.memory_space<hbm>>
      %dma_wait3A_30 = tpu.memref_squeeze %dma_wait3A_29 : memref<1x8x128xi32, #tpu.memory_space<hbm>> -> memref<8x128xi32, #tpu.memory_space<hbm>>
      %dma_wait3A_31 = arith.constant 0 : i32
      %dma_wait3A_32 = tpu.memref_slice %arg4[%add3A, %multiple_of3A_3, %dma_wait3A_31] : memref<32x80x128xi32, #tpu.memory_space<hbm>> -> memref<1x8x128xi32, #tpu.memory_space<hbm>>
      %dma_wait3A_33 = tpu.memref_squeeze %dma_wait3A_32 : memref<1x8x128xi32, #tpu.memory_space<hbm>> -> memref<8x128xi32, #tpu.memory_space<hbm>>
      tpu.wait_dma2 semaphore(%run_scoped3A : memref<!tpu.dma_semaphore, #tpu.memory_space<semaphore_mem>>) src(%dma_wait3A_33 : memref<8x128xi32, #tpu.memory_space<hbm>>) dst(%arg8 : memref<8x128xi32, #tpu.memory_space<vmem>>)
      tpu.yield
    }) : () -> ()
    %dma_start3A = arith.constant 0 : i32
    %dma_start3A_4 = arith.constant 0 : i32
    %dma_start3A_5 = tpu.memref_slice %arg7[%dma_start3A, %dma_start3A_4] : memref<8x128xi32, #tpu.memory_space<vmem>> -> memref<1x128xi32, #tpu.memory_space<vmem>>
    %dma_start3A_6 = tpu.memref_squeeze %dma_start3A_5 : memref<1x128xi32, #tpu.memory_space<vmem>> -> memref<128xi32, #tpu.memory_space<vmem>>
    %dma_start3A_7 = arith.constant 0 : i32
    %dma_start3A_8 = arith.constant 0 : i32
    %dma_start3A_9 = tpu.memref_slice %arg2[%dma_start3A_7, %dma_start3A_8] : memref<10240x128xf32, #tpu.memory_space<hbm>> -> memref<10240x128xf32, #tpu.memory_space<hbm>>
    tpu.enqueue_indirect_dma source(%dma_start3A_9 : memref<10240x128xf32, #tpu.memory_space<hbm>>) target(%arg9 : memref<128x128xf32, #tpu.memory_space<vmem>>) offsets(%dma_start3A_6 : memref<128xi32, #tpu.memory_space<vmem>>) semaphore(%arg12 : memref<!tpu.dma_semaphore, #tpu.memory_space<semaphore_mem>>)
    %dma_start3A_10 = arith.constant 1 : i32
    %dma_start3A_11 = arith.constant 0 : i32
    %dma_start3A_12 = tpu.memref_slice %arg7[%dma_start3A_10, %dma_start3A_11] : memref<8x128xi32, #tpu.memory_space<vmem>> -> memref<1x128xi32, #tpu.memory_space<vmem>>
    %dma_start3A_13 = tpu.memref_squeeze %dma_start3A_12 : memref<1x128xi32, #tpu.memory_space<vmem>> -> memref<128xi32, #tpu.memory_space<vmem>>
    %dma_start3A_14 = arith.constant 0 : i32
    %dma_start3A_15 = arith.constant 0 : i32
    %dma_start3A_16 = tpu.memref_slice %arg2[%dma_start3A_14, %dma_start3A_15] : memref<10240x128xf32, #tpu.memory_space<hbm>> -> memref<10240x128xf32, #tpu.memory_space<hbm>>
    tpu.enqueue_indirect_dma source(%dma_start3A_16 : memref<10240x128xf32, #tpu.memory_space<hbm>>) target(%arg10 : memref<128x128xf32, #tpu.memory_space<vmem>>) offsets(%dma_start3A_13 : memref<128xi32, #tpu.memory_space<vmem>>) semaphore(%arg13 : memref<!tpu.dma_semaphore, #tpu.memory_space<semaphore_mem>>)
    %scan3A = arith.constant 0 : i32
    %scan3A_17 = arith.constant 0 : i32
    %scan3A_18 = arith.constant 40 : i32
    %scan3A_19 = arith.addi %scan3A_17, %scan3A_18 : i32
    %scan3A_20 = arith.constant 1 : i32
    scf.for %scan3A_23 = %scan3A_17 to %scan3A_19 step %scan3A_20  : i32 {
      %mul3A_24 = arith.constant 2 : i32
      %mul3A_25 = arith.muli %mul3A_24, %scan3A_23 : i32
      %rem3A = arith.constant 8 : i32
      %rem3A_26 = arith.remsi %mul3A_25, %rem3A : i32
      %dma_wait3A = arith.constant 0 : i32
      %dma_wait3A_27 = arith.constant 0 : i32
      %dma_wait3A_28 = tpu.memref_slice %arg7[%dma_wait3A, %dma_wait3A_27] : memref<8x128xi32, #tpu.memory_space<vmem>> -> memref<1x128xi32, #tpu.memory_space<vmem>>
      %dma_wait3A_29 = tpu.memref_squeeze %dma_wait3A_28 : memref<1x128xi32, #tpu.memory_space<vmem>> -> memref<128xi32, #tpu.memory_space<vmem>>
      %dma_wait3A_30 = arith.constant 0 : i32
      %dma_wait3A_31 = arith.constant 0 : i32
      %dma_wait3A_32 = tpu.memref_slice %arg2[%dma_wait3A_30, %dma_wait3A_31] : memref<10240x128xf32, #tpu.memory_space<hbm>> -> memref<10240x128xf32, #tpu.memory_space<hbm>>
      tpu.wait_indirect_dma semaphore(%arg12 : memref<!tpu.dma_semaphore, #tpu.memory_space<semaphore_mem>>) src(%dma_wait3A_32 : memref<10240x128xf32, #tpu.memory_space<hbm>>) dst(%arg9 : memref<128x128xf32, #tpu.memory_space<vmem>>)
      "tpu.region"() ({
        %run_scoped3A = tpu.sem_alloc : memref<!tpu.dma_semaphore, #tpu.memory_space<semaphore_mem>>
        %dma_start3A_53 = arith.constant 0 : i32
        %dma_start3A_54 = tpu.memref_slice %arg8[%rem3A_26, %dma_start3A_53] : memref<8x128xi32, #tpu.memory_space<vmem>> -> memref<1x128xi32, #tpu.memory_space<vmem>>
        %dma_start3A_55 = tpu.memref_squeeze %dma_start3A_54 : memref<1x128xi32, #tpu.memory_space<vmem>> -> memref<128xi32, #tpu.memory_space<vmem>>
        %dma_start3A_56 = arith.constant 0 : i32
        %dma_start3A_57 = arith.constant 0 : i32
        %dma_start3A_58 = tpu.memref_slice %arg11[%dma_start3A_56, %dma_start3A_57] : memref<10240x128xf32, #tpu.memory_space<vmem_shared>> -> memref<10240x128xf32, #tpu.memory_space<vmem_shared>>
        tpu.enqueue_indirect_dma source(%arg9 : memref<128x128xf32, #tpu.memory_space<vmem>>) target(%dma_start3A_58 : memref<10240x128xf32, #tpu.memory_space<vmem_shared>>) offsets(%dma_start3A_55 : memref<128xi32, #tpu.memory_space<vmem>>) semaphore(%run_scoped3A : memref<!tpu.dma_semaphore, #tpu.memory_space<semaphore_mem>>) {add = true}
        %dma_wait3A_59 = arith.constant 0 : i32
        %dma_wait3A_60 = tpu.memref_slice %arg8[%rem3A_26, %dma_wait3A_59] : memref<8x128xi32, #tpu.memory_space<vmem>> -> memref<1x128xi32, #tpu.memory_space<vmem>>
        %dma_wait3A_61 = tpu.memref_squeeze %dma_wait3A_60 : memref<1x128xi32, #tpu.memory_space<vmem>> -> memref<128xi32, #tpu.memory_space<vmem>>
        %dma_wait3A_62 = arith.constant 0 : i32
        %dma_wait3A_63 = arith.constant 0 : i32
        %dma_wait3A_64 = tpu.memref_slice %arg11[%dma_wait3A_62, %dma_wait3A_63] : memref<10240x128xf32, #tpu.memory_space<vmem_shared>> -> memref<10240x128xf32, #tpu.memory_space<vmem_shared>>
        tpu.wait_indirect_dma semaphore(%run_scoped3A : memref<!tpu.dma_semaphore, #tpu.memory_space<semaphore_mem>>) src(%arg9 : memref<128x128xf32, #tpu.memory_space<vmem>>) dst(%dma_wait3A_64 : memref<10240x128xf32, #tpu.memory_space<vmem_shared>>)
        tpu.yield
      }) : () -> ()
      %dma_wait3A_33 = arith.constant 0 : i32
      %dma_wait3A_34 = arith.constant 0 : i32
      %dma_wait3A_35 = tpu.memref_slice %arg7[%dma_wait3A_33, %dma_wait3A_34] : memref<8x128xi32, #tpu.memory_space<vmem>> -> memref<1x128xi32, #tpu.memory_space<vmem>>
      %dma_wait3A_36 = tpu.memref_squeeze %dma_wait3A_35 : memref<1x128xi32, #tpu.memory_space<vmem>> -> memref<128xi32, #tpu.memory_space<vmem>>
      %dma_wait3A_37 = arith.constant 0 : i32
      %dma_wait3A_38 = arith.constant 0 : i32
      %dma_wait3A_39 = tpu.memref_slice %arg2[%dma_wait3A_37, %dma_wait3A_38] : memref<10240x128xf32, #tpu.memory_space<hbm>> -> memref<10240x128xf32, #tpu.memory_space<hbm>>
      tpu.wait_indirect_dma semaphore(%arg13 : memref<!tpu.dma_semaphore, #tpu.memory_space<semaphore_mem>>) src(%dma_wait3A_39 : memref<10240x128xf32, #tpu.memory_space<hbm>>) dst(%arg10 : memref<128x128xf32, #tpu.memory_space<vmem>>)
      %add3A_40 = arith.constant 1 : i32
      %add3A_41 = arith.addi %rem3A_26, %add3A_40 : i32
      "tpu.region"() ({
        %run_scoped3A = tpu.sem_alloc : memref<!tpu.dma_semaphore, #tpu.memory_space<semaphore_mem>>
        %dma_start3A_53 = arith.constant 0 : i32
        %dma_start3A_54 = tpu.memref_slice %arg8[%add3A_41, %dma_start3A_53] : memref<8x128xi32, #tpu.memory_space<vmem>> -> memref<1x128xi32, #tpu.memory_space<vmem>>
        %dma_start3A_55 = tpu.memref_squeeze %dma_start3A_54 : memref<1x128xi32, #tpu.memory_space<vmem>> -> memref<128xi32, #tpu.memory_space<vmem>>
        %dma_start3A_56 = arith.constant 0 : i32
        %dma_start3A_57 = arith.constant 0 : i32
        %dma_start3A_58 = tpu.memref_slice %arg11[%dma_start3A_56, %dma_start3A_57] : memref<10240x128xf32, #tpu.memory_space<vmem_shared>> -> memref<10240x128xf32, #tpu.memory_space<vmem_shared>>
        tpu.enqueue_indirect_dma source(%arg10 : memref<128x128xf32, #tpu.memory_space<vmem>>) target(%dma_start3A_58 : memref<10240x128xf32, #tpu.memory_space<vmem_shared>>) offsets(%dma_start3A_55 : memref<128xi32, #tpu.memory_space<vmem>>) semaphore(%run_scoped3A : memref<!tpu.dma_semaphore, #tpu.memory_space<semaphore_mem>>) {add = true}
        %dma_wait3A_59 = arith.constant 0 : i32
        %dma_wait3A_60 = tpu.memref_slice %arg8[%add3A_41, %dma_wait3A_59] : memref<8x128xi32, #tpu.memory_space<vmem>> -> memref<1x128xi32, #tpu.memory_space<vmem>>
        %dma_wait3A_61 = tpu.memref_squeeze %dma_wait3A_60 : memref<1x128xi32, #tpu.memory_space<vmem>> -> memref<128xi32, #tpu.memory_space<vmem>>
        %dma_wait3A_62 = arith.constant 0 : i32
        %dma_wait3A_63 = arith.constant 0 : i32
        %dma_wait3A_64 = tpu.memref_slice %arg11[%dma_wait3A_62, %dma_wait3A_63] : memref<10240x128xf32, #tpu.memory_space<vmem_shared>> -> memref<10240x128xf32, #tpu.memory_space<vmem_shared>>
        tpu.wait_indirect_dma semaphore(%run_scoped3A : memref<!tpu.dma_semaphore, #tpu.memory_space<semaphore_mem>>) src(%arg10 : memref<128x128xf32, #tpu.memory_space<vmem>>) dst(%dma_wait3A_64 : memref<10240x128xf32, #tpu.memory_space<vmem_shared>>)
        tpu.yield
      }) : () -> ()
      %add3A_42 = arith.constant 2 : i32
      %add3A_43 = arith.addi %mul3A_25, %add3A_42 : i32
      %lt3A = arith.constant 80 : i32
      %lt3A_44 = arith.cmpi slt, %add3A_43, %lt3A : i32
      %convert_element_type3A = arith.extui %lt3A_44 : i1 to i32
      %cond3A = arith.constant 0 : i32
      %cond3A_45 = arith.cmpi ne, %convert_element_type3A, %cond3A : i32
      scf.if %cond3A_45 {
        %add3A_53 = arith.constant 2 : i32
        %add3A_54 = arith.addi %mul3A_25, %add3A_53 : i32
        %rem3A_55 = arith.constant 8 : i32
        %rem3A_56 = arith.remsi %add3A_54, %rem3A_55 : i32
        %eq3A = arith.constant 0 : i32
        %eq3A_57 = arith.cmpi eq, %rem3A_56, %eq3A : i32
        %convert_element_type3A_58 = arith.extui %eq3A_57 : i1 to i32
        %cond3A_59 = arith.constant 0 : i32
        %cond3A_60 = arith.cmpi ne, %convert_element_type3A_58, %cond3A_59 : i32
        scf.if %cond3A_60 {
          %add3A_71 = arith.constant 2 : i32
          %add3A_72 = arith.addi %mul3A_25, %add3A_71 : i32
          %multiple_of3A_73 = tpu.assume_multiple %add3A_72, 8 : i32
          "tpu.region"() ({
            %run_scoped3A = tpu.sem_alloc : memref<!tpu.dma_semaphore, #tpu.memory_space<semaphore_mem>>
            %dma_start3A_74 = arith.constant 0 : i32
            %dma_start3A_75 = tpu.memref_slice %arg3[%add3A, %multiple_of3A_73, %dma_start3A_74] : memref<32x80x128xi32, #tpu.memory_space<hbm>> -> memref<1x8x128xi32, #tpu.memory_space<hbm>>
            %dma_start3A_76 = tpu.memref_squeeze %dma_start3A_75 : memref<1x8x128xi32, #tpu.memory_space<hbm>> -> memref<8x128xi32, #tpu.memory_space<hbm>>
            %dma_start3A_77 = arith.constant 0 : i32
            %dma_start3A_78 = tpu.memref_slice %arg3[%add3A, %multiple_of3A_73, %dma_start3A_77] : memref<32x80x128xi32, #tpu.memory_space<hbm>> -> memref<1x8x128xi32, #tpu.memory_space<hbm>>
            %dma_start3A_79 = tpu.memref_squeeze %dma_start3A_78 : memref<1x8x128xi32, #tpu.memory_space<hbm>> -> memref<8x128xi32, #tpu.memory_space<hbm>>
            tpu.enqueue_dma source(%dma_start3A_79 : memref<8x128xi32, #tpu.memory_space<hbm>>) target(%arg7 : memref<8x128xi32, #tpu.memory_space<vmem>>) target_semaphore(%run_scoped3A : memref<!tpu.dma_semaphore, #tpu.memory_space<semaphore_mem>>)
            %dma_wait3A_80 = arith.constant 0 : i32
            %dma_wait3A_81 = tpu.memref_slice %arg3[%add3A, %multiple_of3A_73, %dma_wait3A_80] : memref<32x80x128xi32, #tpu.memory_space<hbm>> -> memref<1x8x128xi32, #tpu.memory_space<hbm>>
            %dma_wait3A_82 = tpu.memref_squeeze %dma_wait3A_81 : memref<1x8x128xi32, #tpu.memory_space<hbm>> -> memref<8x128xi32, #tpu.memory_space<hbm>>
            %dma_wait3A_83 = arith.constant 0 : i32
            %dma_wait3A_84 = tpu.memref_slice %arg3[%add3A, %multiple_of3A_73, %dma_wait3A_83] : memref<32x80x128xi32, #tpu.memory_space<hbm>> -> memref<1x8x128xi32, #tpu.memory_space<hbm>>
            %dma_wait3A_85 = tpu.memref_squeeze %dma_wait3A_84 : memref<1x8x128xi32, #tpu.memory_space<hbm>> -> memref<8x128xi32, #tpu.memory_space<hbm>>
            tpu.wait_dma2 semaphore(%run_scoped3A : memref<!tpu.dma_semaphore, #tpu.memory_space<semaphore_mem>>) src(%dma_wait3A_85 : memref<8x128xi32, #tpu.memory_space<hbm>>) dst(%arg7 : memref<8x128xi32, #tpu.memory_space<vmem>>)
            tpu.yield
          }) : () -> ()
          "tpu.region"() ({
            %run_scoped3A = tpu.sem_alloc : memref<!tpu.dma_semaphore, #tpu.memory_space<semaphore_mem>>
            %dma_start3A_74 = arith.constant 0 : i32
            %dma_start3A_75 = tpu.memref_slice %arg4[%add3A, %multiple_of3A_73, %dma_start3A_74] : memref<32x80x128xi32, #tpu.memory_space<hbm>> -> memref<1x8x128xi32, #tpu.memory_space<hbm>>
            %dma_start3A_76 = tpu.memref_squeeze %dma_start3A_75 : memref<1x8x128xi32, #tpu.memory_space<hbm>> -> memref<8x128xi32, #tpu.memory_space<hbm>>
            %dma_start3A_77 = arith.constant 0 : i32
            %dma_start3A_78 = tpu.memref_slice %arg4[%add3A, %multiple_of3A_73, %dma_start3A_77] : memref<32x80x128xi32, #tpu.memory_space<hbm>> -> memref<1x8x128xi32, #tpu.memory_space<hbm>>
            %dma_start3A_79 = tpu.memref_squeeze %dma_start3A_78 : memref<1x8x128xi32, #tpu.memory_space<hbm>> -> memref<8x128xi32, #tpu.memory_space<hbm>>
            tpu.enqueue_dma source(%dma_start3A_79 : memref<8x128xi32, #tpu.memory_space<hbm>>) target(%arg8 : memref<8x128xi32, #tpu.memory_space<vmem>>) target_semaphore(%run_scoped3A : memref<!tpu.dma_semaphore, #tpu.memory_space<semaphore_mem>>)
            %dma_wait3A_80 = arith.constant 0 : i32
            %dma_wait3A_81 = tpu.memref_slice %arg4[%add3A, %multiple_of3A_73, %dma_wait3A_80] : memref<32x80x128xi32, #tpu.memory_space<hbm>> -> memref<1x8x128xi32, #tpu.memory_space<hbm>>
            %dma_wait3A_82 = tpu.memref_squeeze %dma_wait3A_81 : memref<1x8x128xi32, #tpu.memory_space<hbm>> -> memref<8x128xi32, #tpu.memory_space<hbm>>
            %dma_wait3A_83 = arith.constant 0 : i32
            %dma_wait3A_84 = tpu.memref_slice %arg4[%add3A, %multiple_of3A_73, %dma_wait3A_83] : memref<32x80x128xi32, #tpu.memory_space<hbm>> -> memref<1x8x128xi32, #tpu.memory_space<hbm>>
            %dma_wait3A_85 = tpu.memref_squeeze %dma_wait3A_84 : memref<1x8x128xi32, #tpu.memory_space<hbm>> -> memref<8x128xi32, #tpu.memory_space<hbm>>
            tpu.wait_dma2 semaphore(%run_scoped3A : memref<!tpu.dma_semaphore, #tpu.memory_space<semaphore_mem>>) src(%dma_wait3A_85 : memref<8x128xi32, #tpu.memory_space<hbm>>) dst(%arg8 : memref<8x128xi32, #tpu.memory_space<vmem>>)
            tpu.yield
          }) : () -> ()
        } else {
        }
        %add3A_61 = arith.constant 2 : i32
        %add3A_62 = arith.addi %mul3A_25, %add3A_61 : i32
        %rem3A_63 = arith.constant 8 : i32
        %rem3A_64 = arith.remsi %add3A_62, %rem3A_63 : i32
        %dma_start3A_65 = arith.constant 0 : i32
        %dma_start3A_66 = tpu.memref_slice %arg7[%rem3A_64, %dma_start3A_65] : memref<8x128xi32, #tpu.memory_space<vmem>> -> memref<1x128xi32, #tpu.memory_space<vmem>>
        %dma_start3A_67 = tpu.memref_squeeze %dma_start3A_66 : memref<1x128xi32, #tpu.memory_space<vmem>> -> memref<128xi32, #tpu.memory_space<vmem>>
        %dma_start3A_68 = arith.constant 0 : i32
        %dma_start3A_69 = arith.constant 0 : i32
        %dma_start3A_70 = tpu.memref_slice %arg2[%dma_start3A_68, %dma_start3A_69] : memref<10240x128xf32, #tpu.memory_space<hbm>> -> memref<10240x128xf32, #tpu.memory_space<hbm>>
        tpu.enqueue_indirect_dma source(%dma_start3A_70 : memref<10240x128xf32, #tpu.memory_space<hbm>>) target(%arg9 : memref<128x128xf32, #tpu.memory_space<vmem>>) offsets(%dma_start3A_67 : memref<128xi32, #tpu.memory_space<vmem>>) semaphore(%arg12 : memref<!tpu.dma_semaphore, #tpu.memory_space<semaphore_mem>>)
      } else {
      }
      %add3A_46 = arith.constant 3 : i32
      %add3A_47 = arith.addi %mul3A_25, %add3A_46 : i32
      %lt3A_48 = arith.constant 80 : i32
      %lt3A_49 = arith.cmpi slt, %add3A_47, %lt3A_48 : i32
      %convert_element_type3A_50 = arith.extui %lt3A_49 : i1 to i32
      %cond3A_51 = arith.constant 0 : i32
      %cond3A_52 = arith.cmpi ne, %convert_element_type3A_50, %cond3A_51 : i32
      scf.if %cond3A_52 {
        %add3A_53 = arith.constant 3 : i32
        %add3A_54 = arith.addi %mul3A_25, %add3A_53 : i32
        %rem3A_55 = arith.constant 8 : i32
        %rem3A_56 = arith.remsi %add3A_54, %rem3A_55 : i32
        %dma_start3A_57 = arith.constant 0 : i32
        %dma_start3A_58 = tpu.memref_slice %arg7[%rem3A_56, %dma_start3A_57] : memref<8x128xi32, #tpu.memory_space<vmem>> -> memref<1x128xi32, #tpu.memory_space<vmem>>
        %dma_start3A_59 = tpu.memref_squeeze %dma_start3A_58 : memref<1x128xi32, #tpu.memory_space<vmem>> -> memref<128xi32, #tpu.memory_space<vmem>>
        %dma_start3A_60 = arith.constant 0 : i32
        %dma_start3A_61 = arith.constant 0 : i32
        %dma_start3A_62 = tpu.memref_slice %arg2[%dma_start3A_60, %dma_start3A_61] : memref<10240x128xf32, #tpu.memory_space<hbm>> -> memref<10240x128xf32, #tpu.memory_space<hbm>>
        tpu.enqueue_indirect_dma source(%dma_start3A_62 : memref<10240x128xf32, #tpu.memory_space<hbm>>) target(%arg10 : memref<128x128xf32, #tpu.memory_space<vmem>>) offsets(%dma_start3A_59 : memref<128xi32, #tpu.memory_space<vmem>>) semaphore(%arg13 : memref<!tpu.dma_semaphore, #tpu.memory_space<semaphore_mem>>)
      } else {
      }
    }
    %scan3A_21 = arith.constant 40 : i32
    %barrier3A_22 = arith.constant 0 : index
    tpu.barrier barrier_id(%barrier3A_22)
    "tpu.region"() ({
      %run_scoped3A = tpu.sem_alloc : memref<!tpu.dma_semaphore, #tpu.memory_space<semaphore_mem>>
      %dma_start3A_23 = arith.constant 0 : i32
      %dma_start3A_24 = tpu.memref_slice %arg6[%arg0, %mul3A_2, %dma_start3A_23] : memref<2x10240x128xf32, #tpu.memory_space<hbm>> -> memref<1x640x128xf32, #tpu.memory_space<hbm>>
      %dma_start3A_25 = tpu.memref_squeeze %dma_start3A_24 : memref<1x640x128xf32, #tpu.memory_space<hbm>> -> memref<640x128xf32, #tpu.memory_space<hbm>>
      %dma_start3A_26 = arith.constant 0 : i32
      %dma_start3A_27 = tpu.memref_slice %arg11[%mul3A_2, %dma_start3A_26] : memref<10240x128xf32, #tpu.memory_space<vmem_shared>> -> memref<640x128xf32, #tpu.memory_space<vmem_shared>>
      tpu.enqueue_dma source(%dma_start3A_27 : memref<640x128xf32, #tpu.memory_space<vmem_shared>>) target(%dma_start3A_25 : memref<640x128xf32, #tpu.memory_space<hbm>>) target_semaphore(%run_scoped3A : memref<!tpu.dma_semaphore, #tpu.memory_space<semaphore_mem>>)
      %dma_wait3A = arith.constant 0 : i32
      %dma_wait3A_28 = tpu.memref_slice %arg6[%arg0, %mul3A_2, %dma_wait3A] : memref<2x10240x128xf32, #tpu.memory_space<hbm>> -> memref<1x640x128xf32, #tpu.memory_space<hbm>>
      %dma_wait3A_29 = tpu.memref_squeeze %dma_wait3A_28 : memref<1x640x128xf32, #tpu.memory_space<hbm>> -> memref<640x128xf32, #tpu.memory_space<hbm>>
      %dma_wait3A_30 = arith.constant 0 : i32
      %dma_wait3A_31 = tpu.memref_slice %arg11[%mul3A_2, %dma_wait3A_30] : memref<10240x128xf32, #tpu.memory_space<vmem_shared>> -> memref<640x128xf32, #tpu.memory_space<vmem_shared>>
      tpu.wait_dma2 semaphore(%run_scoped3A : memref<!tpu.dma_semaphore, #tpu.memory_space<semaphore_mem>>) src(%dma_wait3A_31 : memref<640x128xf32, #tpu.memory_space<vmem_shared>>) dst(%dma_wait3A_29 : memref<640x128xf32, #tpu.memory_space<hbm>>)
      tpu.yield
    }) : () -> ()
    return
  }
}

#map = affine_map<(d0, d1) -> (0)>
#map1 = affine_map<(d0, d1) -> (0, 0, 0)>
#map2 = affine_map<(d0, d1) -> (0, 0)>
#map3 = affine_map<(d0, d1) -> (0, 0, 0, 0)>
module attributes {stable_mosaic.version = 14 : i64} {
  func.func @_gat_att_kernel(%arg0: i32, %arg1: i32, %arg2: memref<81920xf32, #tpu.memory_space<hbm>>, %arg3: memref<32x160x64xi32, #tpu.memory_space<hbm>>, %arg4: memref<32x160x64xi32, #tpu.memory_space<hbm>>, %arg5: memref<64x128xf32, #tpu.memory_space<hbm>>, %arg6: memref<32x160x64x128xf32, #tpu.memory_space<hbm>>, %arg7: memref<8x64xi32, #tpu.memory_space<vmem>>, %arg8: memref<8x64xi32, #tpu.memory_space<vmem>>, %arg9: memref<81920xf32, #tpu.memory_space<vmem>>, %arg10: memref<64x128xf32, #tpu.memory_space<vmem>>, %arg11: memref<64x128xf32, #tpu.memory_space<vmem>>, %arg12: memref<!tpu.dma_semaphore, #tpu.memory_space<semaphore_mem>>, %arg13: memref<!tpu.dma_semaphore, #tpu.memory_space<semaphore_mem>>) attributes {dimension_semantics = [#tpu.dimension_semantics<core_parallel>, #tpu.dimension_semantics<subcore_parallel>], iteration_bounds = array<i64: 2, 16>, scalar_prefetch = 0 : i64, scratch_operands = 7 : i64, tpu.core_type = #tpu.core_type<sc_vector_subcore>, window_params = [{transform_indices = #map}, {transform_indices = #map1}, {transform_indices = #map1}, {transform_indices = #map2}, {transform_indices = #map3}]} {
    %mul3A = arith.constant 16 : i32
    %mul3A_0 = arith.muli %arg0, %mul3A : i32
    %add3A = arith.addi %mul3A_0, %arg1 : i32
    "tpu.region"() ({
      %run_scoped3A = tpu.sem_alloc : memref<!tpu.dma_semaphore, #tpu.memory_space<semaphore_mem>>
      tpu.enqueue_dma source(%arg2 : memref<81920xf32, #tpu.memory_space<hbm>>) target(%arg9 : memref<81920xf32, #tpu.memory_space<vmem>>) target_semaphore(%run_scoped3A : memref<!tpu.dma_semaphore, #tpu.memory_space<semaphore_mem>>)
      tpu.wait_dma2 semaphore(%run_scoped3A : memref<!tpu.dma_semaphore, #tpu.memory_space<semaphore_mem>>) src(%arg2 : memref<81920xf32, #tpu.memory_space<hbm>>) dst(%arg9 : memref<81920xf32, #tpu.memory_space<vmem>>)
      tpu.yield
    }) : () -> ()
    "tpu.region"() ({
      %run_scoped3A = tpu.sem_alloc : memref<!tpu.dma_semaphore, #tpu.memory_space<semaphore_mem>>
      tpu.enqueue_dma source(%arg5 : memref<64x128xf32, #tpu.memory_space<hbm>>) target(%arg10 : memref<64x128xf32, #tpu.memory_space<vmem>>) target_semaphore(%run_scoped3A : memref<!tpu.dma_semaphore, #tpu.memory_space<semaphore_mem>>)
      tpu.wait_dma2 semaphore(%run_scoped3A : memref<!tpu.dma_semaphore, #tpu.memory_space<semaphore_mem>>) src(%arg5 : memref<64x128xf32, #tpu.memory_space<hbm>>) dst(%arg10 : memref<64x128xf32, #tpu.memory_space<vmem>>)
      tpu.yield
    }) : () -> ()
    "tpu.region"() ({
      %run_scoped3A = tpu.sem_alloc : memref<!tpu.dma_semaphore, #tpu.memory_space<semaphore_mem>>
      tpu.enqueue_dma source(%arg5 : memref<64x128xf32, #tpu.memory_space<hbm>>) target(%arg11 : memref<64x128xf32, #tpu.memory_space<vmem>>) target_semaphore(%run_scoped3A : memref<!tpu.dma_semaphore, #tpu.memory_space<semaphore_mem>>)
      tpu.wait_dma2 semaphore(%run_scoped3A : memref<!tpu.dma_semaphore, #tpu.memory_space<semaphore_mem>>) src(%arg5 : memref<64x128xf32, #tpu.memory_space<hbm>>) dst(%arg11 : memref<64x128xf32, #tpu.memory_space<vmem>>)
      tpu.yield
    }) : () -> ()
    %iota3A = tpu.iota {dimensions = array<i32: 0>} : vector<16xi32>
    %multiple_of3A = arith.constant 0 : i32
    %multiple_of3A_1 = tpu.assume_multiple %multiple_of3A, 8 : i32
    "tpu.region"() ({
      %run_scoped3A = tpu.sem_alloc : memref<!tpu.dma_semaphore, #tpu.memory_space<semaphore_mem>>
      %dma_start3A = arith.constant 0 : i32
      %dma_start3A_26 = tpu.memref_slice %arg3[%add3A, %multiple_of3A_1, %dma_start3A] : memref<32x160x64xi32, #tpu.memory_space<hbm>> -> memref<1x8x64xi32, #tpu.memory_space<hbm>>
      %dma_start3A_27 = tpu.memref_squeeze %dma_start3A_26 : memref<1x8x64xi32, #tpu.memory_space<hbm>> -> memref<8x64xi32, #tpu.memory_space<hbm>>
      %dma_start3A_28 = arith.constant 0 : i32
      %dma_start3A_29 = tpu.memref_slice %arg3[%add3A, %multiple_of3A_1, %dma_start3A_28] : memref<32x160x64xi32, #tpu.memory_space<hbm>> -> memref<1x8x64xi32, #tpu.memory_space<hbm>>
      %dma_start3A_30 = tpu.memref_squeeze %dma_start3A_29 : memref<1x8x64xi32, #tpu.memory_space<hbm>> -> memref<8x64xi32, #tpu.memory_space<hbm>>
      tpu.enqueue_dma source(%dma_start3A_30 : memref<8x64xi32, #tpu.memory_space<hbm>>) target(%arg7 : memref<8x64xi32, #tpu.memory_space<vmem>>) target_semaphore(%run_scoped3A : memref<!tpu.dma_semaphore, #tpu.memory_space<semaphore_mem>>)
      %dma_wait3A_31 = arith.constant 0 : i32
      %dma_wait3A_32 = tpu.memref_slice %arg3[%add3A, %multiple_of3A_1, %dma_wait3A_31] : memref<32x160x64xi32, #tpu.memory_space<hbm>> -> memref<1x8x64xi32, #tpu.memory_space<hbm>>
      %dma_wait3A_33 = tpu.memref_squeeze %dma_wait3A_32 : memref<1x8x64xi32, #tpu.memory_space<hbm>> -> memref<8x64xi32, #tpu.memory_space<hbm>>
      %dma_wait3A_34 = arith.constant 0 : i32
      %dma_wait3A_35 = tpu.memref_slice %arg3[%add3A, %multiple_of3A_1, %dma_wait3A_34] : memref<32x160x64xi32, #tpu.memory_space<hbm>> -> memref<1x8x64xi32, #tpu.memory_space<hbm>>
      %dma_wait3A_36 = tpu.memref_squeeze %dma_wait3A_35 : memref<1x8x64xi32, #tpu.memory_space<hbm>> -> memref<8x64xi32, #tpu.memory_space<hbm>>
      tpu.wait_dma2 semaphore(%run_scoped3A : memref<!tpu.dma_semaphore, #tpu.memory_space<semaphore_mem>>) src(%dma_wait3A_36 : memref<8x64xi32, #tpu.memory_space<hbm>>) dst(%arg7 : memref<8x64xi32, #tpu.memory_space<vmem>>)
      tpu.yield
    }) : () -> ()
    "tpu.region"() ({
      %run_scoped3A = tpu.sem_alloc : memref<!tpu.dma_semaphore, #tpu.memory_space<semaphore_mem>>
      %dma_start3A = arith.constant 0 : i32
      %dma_start3A_26 = tpu.memref_slice %arg4[%add3A, %multiple_of3A_1, %dma_start3A] : memref<32x160x64xi32, #tpu.memory_space<hbm>> -> memref<1x8x64xi32, #tpu.memory_space<hbm>>
      %dma_start3A_27 = tpu.memref_squeeze %dma_start3A_26 : memref<1x8x64xi32, #tpu.memory_space<hbm>> -> memref<8x64xi32, #tpu.memory_space<hbm>>
      %dma_start3A_28 = arith.constant 0 : i32
      %dma_start3A_29 = tpu.memref_slice %arg4[%add3A, %multiple_of3A_1, %dma_start3A_28] : memref<32x160x64xi32, #tpu.memory_space<hbm>> -> memref<1x8x64xi32, #tpu.memory_space<hbm>>
      %dma_start3A_30 = tpu.memref_squeeze %dma_start3A_29 : memref<1x8x64xi32, #tpu.memory_space<hbm>> -> memref<8x64xi32, #tpu.memory_space<hbm>>
      tpu.enqueue_dma source(%dma_start3A_30 : memref<8x64xi32, #tpu.memory_space<hbm>>) target(%arg8 : memref<8x64xi32, #tpu.memory_space<vmem>>) target_semaphore(%run_scoped3A : memref<!tpu.dma_semaphore, #tpu.memory_space<semaphore_mem>>)
      %dma_wait3A_31 = arith.constant 0 : i32
      %dma_wait3A_32 = tpu.memref_slice %arg4[%add3A, %multiple_of3A_1, %dma_wait3A_31] : memref<32x160x64xi32, #tpu.memory_space<hbm>> -> memref<1x8x64xi32, #tpu.memory_space<hbm>>
      %dma_wait3A_33 = tpu.memref_squeeze %dma_wait3A_32 : memref<1x8x64xi32, #tpu.memory_space<hbm>> -> memref<8x64xi32, #tpu.memory_space<hbm>>
      %dma_wait3A_34 = arith.constant 0 : i32
      %dma_wait3A_35 = tpu.memref_slice %arg4[%add3A, %multiple_of3A_1, %dma_wait3A_34] : memref<32x160x64xi32, #tpu.memory_space<hbm>> -> memref<1x8x64xi32, #tpu.memory_space<hbm>>
      %dma_wait3A_36 = tpu.memref_squeeze %dma_wait3A_35 : memref<1x8x64xi32, #tpu.memory_space<hbm>> -> memref<8x64xi32, #tpu.memory_space<hbm>>
      tpu.wait_dma2 semaphore(%run_scoped3A : memref<!tpu.dma_semaphore, #tpu.memory_space<semaphore_mem>>) src(%dma_wait3A_36 : memref<8x64xi32, #tpu.memory_space<hbm>>) dst(%arg8 : memref<8x64xi32, #tpu.memory_space<vmem>>)
      tpu.yield
    }) : () -> ()
    %scan3A = arith.constant 0 : i32
    %scan3A_2 = arith.constant 0 : i32
    %scan3A_3 = arith.constant 80 : i32
    %scan3A_4 = arith.addi %scan3A_2, %scan3A_3 : i32
    %scan3A_5 = arith.constant 1 : i32
    scf.for %scan3A_26 = %scan3A_2 to %scan3A_4 step %scan3A_5  : i32 {
      %mul3A_27 = arith.constant 2 : i32
      %mul3A_28 = arith.muli %mul3A_27, %scan3A_26 : i32
      %rem3A = arith.constant 8 : i32
      %rem3A_29 = arith.remsi %mul3A_28, %rem3A : i32
      %ge3A = arith.constant 2 : i32
      %ge3A_30 = arith.cmpi sge, %mul3A_28, %ge3A : i32
      %convert_element_type3A = arith.extui %ge3A_30 : i1 to i32
      %cond3A = arith.constant 0 : i32
      %cond3A_31 = arith.cmpi ne, %convert_element_type3A, %cond3A : i32
      scf.if %cond3A_31 {
        %dma_wait3A_785 = arith.constant 0 : i32
        %dma_wait3A_786 = arith.constant 0 : i32
        %dma_wait3A_787 = arith.constant 0 : i32
        %dma_wait3A_788 = arith.constant 0 : i32
        %dma_wait3A_789 = tpu.memref_slice %arg6[%dma_wait3A_785, %dma_wait3A_786, %dma_wait3A_787, %dma_wait3A_788] : memref<32x160x64x128xf32, #tpu.memory_space<hbm>> -> memref<1x1x64x128xf32, #tpu.memory_space<hbm>>
        %dma_wait3A_790 = tpu.memref_squeeze %dma_wait3A_789 : memref<1x1x64x128xf32, #tpu.memory_space<hbm>> -> memref<64x128xf32, #tpu.memory_space<hbm>>
        %dma_wait3A_791 = arith.constant 0 : i32
        %dma_wait3A_792 = arith.constant 0 : i32
        %dma_wait3A_793 = tpu.memref_slice %arg6[%dma_wait3A_785, %dma_wait3A_786, %dma_wait3A_791, %dma_wait3A_792] : memref<32x160x64x128xf32, #tpu.memory_space<hbm>> -> memref<1x1x64x128xf32, #tpu.memory_space<hbm>>
        %dma_wait3A_794 = tpu.memref_squeeze %dma_wait3A_793 : memref<1x1x64x128xf32, #tpu.memory_space<hbm>> -> memref<64x128xf32, #tpu.memory_space<hbm>>
        tpu.wait_dma2 semaphore(%arg12 : memref<!tpu.dma_semaphore, #tpu.memory_space<semaphore_mem>>) src(%arg10 : memref<64x128xf32, #tpu.memory_space<vmem>>) dst(%dma_wait3A_794 : memref<64x128xf32, #tpu.memory_space<hbm>>)
      } else {
      }
      %get3A = arith.index_cast %rem3A_29 : i32 to index
      %get3A_32 = arith.constant 0 : index
      %get3A_33 = tpu.vector_load %arg7[%get3A, %get3A_32] {strides = array<i32>} : memref<8x64xi32, #tpu.memory_space<vmem>>, vector<16xi32>,
      %mul3A_34 = arith.constant 8 : i32
      %mul3A_35 = vector.broadcast %mul3A_34 : i32 to vector<16xi32>
      %mul3A_36 = arith.muli %get3A_33, %mul3A_35 : vector<16xi32>
      %get3A_37 = arith.index_cast %rem3A_29 : i32 to index
      %get3A_38 = arith.constant 0 : index
      %get3A_39 = tpu.vector_load %arg8[%get3A_37, %get3A_38] {strides = array<i32>} : memref<8x64xi32, #tpu.memory_space<vmem>>, vector<16xi32>,
      %mul3A_40 = arith.constant 8 : i32
      %mul3A_41 = vector.broadcast %mul3A_40 : i32 to vector<16xi32>
      %mul3A_42 = arith.muli %get3A_39, %mul3A_41 : vector<16xi32>
      %add3A_43 = arith.constant 0 : i32
      %add3A_44 = vector.broadcast %add3A_43 : i32 to vector<16xi32>
      %add3A_45 = arith.addi %iota3A, %add3A_44 : vector<16xi32>
      %broadcast_in_dim3A = arith.constant 0 : i32
      %broadcast_in_dim3A_46 = vector.broadcast %broadcast_in_dim3A : i32 to vector<16xi32>
      %add3A_47 = arith.constant 0 : i32
      %add3A_48 = vector.broadcast %add3A_47 : i32 to vector<16xi32>
      %add3A_49 = arith.addi %mul3A_36, %add3A_48 : vector<16xi32>
      %gather3A = tpu.vector_load_idx %arg9[%add3A_49] : memref<81920xf32, #tpu.memory_space<vmem>>[vector<16xi32>], vector<16xf32>,
      %add3A_50 = arith.constant 4 : i32
      %add3A_51 = vector.broadcast %add3A_50 : i32 to vector<16xi32>
      %add3A_52 = arith.addi %mul3A_42, %add3A_51 : vector<16xi32>
      %gather3A_53 = tpu.vector_load_idx %arg9[%add3A_52] : memref<81920xf32, #tpu.memory_space<vmem>>[vector<16xi32>], vector<16xf32>,
      %add3A_54 = arith.addf %gather3A, %gather3A_53 : vector<16xf32>
      %ge3A_55 = arith.constant 0.000000e+00 : f32
      %ge3A_56 = vector.broadcast %ge3A_55 : f32 to vector<16xf32>
      %ge3A_57 = arith.cmpf oge, %add3A_54, %ge3A_56 : vector<16xf32>
      %mul3A_58 = arith.constant 2.000000e-01 : f32
      %mul3A_59 = vector.broadcast %mul3A_58 : f32 to vector<16xf32>
      %mul3A_60 = arith.mulf %mul3A_59, %add3A_54 : vector<16xf32>
      %select_n3A = arith.select %ge3A_57, %add3A_54, %mul3A_60 : vector<16xi1>, vector<16xf32>
      %exp3A = math.exp %select_n3A : vector<16xf32>
      tpu.vector_store_idx %arg10[%add3A_45, %broadcast_in_dim3A_46], %exp3A : memref<64x128xf32, #tpu.memory_space<vmem>>[vector<16xi32>, vector<16xi32>], vector<16xf32>,
      %broadcast_in_dim3A_61 = arith.constant 1 : i32
      %broadcast_in_dim3A_62 = vector.broadcast %broadcast_in_dim3A_61 : i32 to vector<16xi32>
      %add3A_63 = arith.constant 1 : i32
      %add3A_64 = vector.broadcast %add3A_63 : i32 to vector<16xi32>
      %add3A_65 = arith.addi %mul3A_36, %add3A_64 : vector<16xi32>
      %gather3A_66 = tpu.vector_load_idx %arg9[%add3A_65] : memref<81920xf32, #tpu.memory_space<vmem>>[vector<16xi32>], vector<16xf32>,
      %add3A_67 = arith.constant 5 : i32
      %add3A_68 = vector.broadcast %add3A_67 : i32 to vector<16xi32>
      %add3A_69 = arith.addi %mul3A_42, %add3A_68 : vector<16xi32>
      %gather3A_70 = tpu.vector_load_idx %arg9[%add3A_69] : memref<81920xf32, #tpu.memory_space<vmem>>[vector<16xi32>], vector<16xf32>,
      %add3A_71 = arith.addf %gather3A_66, %gather3A_70 : vector<16xf32>
      %ge3A_72 = arith.constant 0.000000e+00 : f32
      %ge3A_73 = vector.broadcast %ge3A_72 : f32 to vector<16xf32>
      %ge3A_74 = arith.cmpf oge, %add3A_71, %ge3A_73 : vector<16xf32>
      %mul3A_75 = arith.constant 2.000000e-01 : f32
      %mul3A_76 = vector.broadcast %mul3A_75 : f32 to vector<16xf32>
      %mul3A_77 = arith.mulf %mul3A_76, %add3A_71 : vector<16xf32>
      %select_n3A_78 = arith.select %ge3A_74, %add3A_71, %mul3A_77 : vector<16xi1>, vector<16xf32>
      %exp3A_79 = math.exp %select_n3A_78 : vector<16xf32>
      tpu.vector_store_idx %arg10[%add3A_45, %broadcast_in_dim3A_62], %exp3A_79 : memref<64x128xf32, #tpu.memory_space<vmem>>[vector<16xi32>, vector<16xi32>], vector<16xf32>,
      %broadcast_in_dim3A_80 = arith.constant 2 : i32
      %broadcast_in_dim3A_81 = vector.broadcast %broadcast_in_dim3A_80 : i32 to vector<16xi32>
      %add3A_82 = arith.constant 2 : i32
      %add3A_83 = vector.broadcast %add3A_82 : i32 to vector<16xi32>
      %add3A_84 = arith.addi %mul3A_36, %add3A_83 : vector<16xi32>
      %gather3A_85 = tpu.vector_load_idx %arg9[%add3A_84] : memref<81920xf32, #tpu.memory_space<vmem>>[vector<16xi32>], vector<16xf32>,
      %add3A_86 = arith.constant 6 : i32
      %add3A_87 = vector.broadcast %add3A_86 : i32 to vector<16xi32>
      %add3A_88 = arith.addi %mul3A_42, %add3A_87 : vector<16xi32>
      %gather3A_89 = tpu.vector_load_idx %arg9[%add3A_88] : memref<81920xf32, #tpu.memory_space<vmem>>[vector<16xi32>], vector<16xf32>,
      %add3A_90 = arith.addf %gather3A_85, %gather3A_89 : vector<16xf32>
      %ge3A_91 = arith.constant 0.000000e+00 : f32
      %ge3A_92 = vector.broadcast %ge3A_91 : f32 to vector<16xf32>
      %ge3A_93 = arith.cmpf oge, %add3A_90, %ge3A_92 : vector<16xf32>
      %mul3A_94 = arith.constant 2.000000e-01 : f32
      %mul3A_95 = vector.broadcast %mul3A_94 : f32 to vector<16xf32>
      %mul3A_96 = arith.mulf %mul3A_95, %add3A_90 : vector<16xf32>
      %select_n3A_97 = arith.select %ge3A_93, %add3A_90, %mul3A_96 : vector<16xi1>, vector<16xf32>
      %exp3A_98 = math.exp %select_n3A_97 : vector<16xf32>
      tpu.vector_store_idx %arg10[%add3A_45, %broadcast_in_dim3A_81], %exp3A_98 : memref<64x128xf32, #tpu.memory_space<vmem>>[vector<16xi32>, vector<16xi32>], vector<16xf32>,
      %broadcast_in_dim3A_99 = arith.constant 3 : i32
      %broadcast_in_dim3A_100 = vector.broadcast %broadcast_in_dim3A_99 : i32 to vector<16xi32>
      %add3A_101 = arith.constant 3 : i32
      %add3A_102 = vector.broadcast %add3A_101 : i32 to vector<16xi32>
      %add3A_103 = arith.addi %mul3A_36, %add3A_102 : vector<16xi32>
      %gather3A_104 = tpu.vector_load_idx %arg9[%add3A_103] : memref<81920xf32, #tpu.memory_space<vmem>>[vector<16xi32>], vector<16xf32>,
      %add3A_105 = arith.constant 7 : i32
      %add3A_106 = vector.broadcast %add3A_105 : i32 to vector<16xi32>
      %add3A_107 = arith.addi %mul3A_42, %add3A_106 : vector<16xi32>
      %gather3A_108 = tpu.vector_load_idx %arg9[%add3A_107] : memref<81920xf32, #tpu.memory_space<vmem>>[vector<16xi32>], vector<16xf32>,
      %add3A_109 = arith.addf %gather3A_104, %gather3A_108 : vector<16xf32>
      %ge3A_110 = arith.constant 0.000000e+00 : f32
      %ge3A_111 = vector.broadcast %ge3A_110 : f32 to vector<16xf32>
      %ge3A_112 = arith.cmpf oge, %add3A_109, %ge3A_111 : vector<16xf32>
      %mul3A_113 = arith.constant 2.000000e-01 : f32
      %mul3A_114 = vector.broadcast %mul3A_113 : f32 to vector<16xf32>
      %mul3A_115 = arith.mulf %mul3A_114, %add3A_109 : vector<16xf32>
      %select_n3A_116 = arith.select %ge3A_112, %add3A_109, %mul3A_115 : vector<16xi1>, vector<16xf32>
      %exp3A_117 = math.exp %select_n3A_116 : vector<16xf32>
      tpu.vector_store_idx %arg10[%add3A_45, %broadcast_in_dim3A_100], %exp3A_117 : memref<64x128xf32, #tpu.memory_space<vmem>>[vector<16xi32>, vector<16xi32>], vector<16xf32>,
      %get3A_118 = arith.index_cast %rem3A_29 : i32 to index
      %get3A_119 = arith.constant 16 : index
      %get3A_120 = tpu.vector_load %arg7[%get3A_118, %get3A_119] {strides = array<i32>} : memref<8x64xi32, #tpu.memory_space<vmem>>, vector<16xi32>,
      %mul3A_121 = arith.constant 8 : i32
      %mul3A_122 = vector.broadcast %mul3A_121 : i32 to vector<16xi32>
      %mul3A_123 = arith.muli %get3A_120, %mul3A_122 : vector<16xi32>
      %get3A_124 = arith.index_cast %rem3A_29 : i32 to index
      %get3A_125 = arith.constant 16 : index
      %get3A_126 = tpu.vector_load %arg8[%get3A_124, %get3A_125] {strides = array<i32>} : memref<8x64xi32, #tpu.memory_space<vmem>>, vector<16xi32>,
      %mul3A_127 = arith.constant 8 : i32
      %mul3A_128 = vector.broadcast %mul3A_127 : i32 to vector<16xi32>
      %mul3A_129 = arith.muli %get3A_126, %mul3A_128 : vector<16xi32>
      %add3A_130 = arith.constant 16 : i32
      %add3A_131 = vector.broadcast %add3A_130 : i32 to vector<16xi32>
      %add3A_132 = arith.addi %iota3A, %add3A_131 : vector<16xi32>
      %broadcast_in_dim3A_133 = arith.constant 0 : i32
      %broadcast_in_dim3A_134 = vector.broadcast %broadcast_in_dim3A_133 : i32 to vector<16xi32>
      %add3A_135 = arith.constant 0 : i32
      %add3A_136 = vector.broadcast %add3A_135 : i32 to vector<16xi32>
      %add3A_137 = arith.addi %mul3A_123, %add3A_136 : vector<16xi32>
      %gather3A_138 = tpu.vector_load_idx %arg9[%add3A_137] : memref<81920xf32, #tpu.memory_space<vmem>>[vector<16xi32>], vector<16xf32>,
      %add3A_139 = arith.constant 4 : i32
      %add3A_140 = vector.broadcast %add3A_139 : i32 to vector<16xi32>
      %add3A_141 = arith.addi %mul3A_129, %add3A_140 : vector<16xi32>
      %gather3A_142 = tpu.vector_load_idx %arg9[%add3A_141] : memref<81920xf32, #tpu.memory_space<vmem>>[vector<16xi32>], vector<16xf32>,
      %add3A_143 = arith.addf %gather3A_138, %gather3A_142 : vector<16xf32>
      %ge3A_144 = arith.constant 0.000000e+00 : f32
      %ge3A_145 = vector.broadcast %ge3A_144 : f32 to vector<16xf32>
      %ge3A_146 = arith.cmpf oge, %add3A_143, %ge3A_145 : vector<16xf32>
      %mul3A_147 = arith.constant 2.000000e-01 : f32
      %mul3A_148 = vector.broadcast %mul3A_147 : f32 to vector<16xf32>
      %mul3A_149 = arith.mulf %mul3A_148, %add3A_143 : vector<16xf32>
      %select_n3A_150 = arith.select %ge3A_146, %add3A_143, %mul3A_149 : vector<16xi1>, vector<16xf32>
      %exp3A_151 = math.exp %select_n3A_150 : vector<16xf32>
      tpu.vector_store_idx %arg10[%add3A_132, %broadcast_in_dim3A_134], %exp3A_151 : memref<64x128xf32, #tpu.memory_space<vmem>>[vector<16xi32>, vector<16xi32>], vector<16xf32>,
      %broadcast_in_dim3A_152 = arith.constant 1 : i32
      %broadcast_in_dim3A_153 = vector.broadcast %broadcast_in_dim3A_152 : i32 to vector<16xi32>
      %add3A_154 = arith.constant 1 : i32
      %add3A_155 = vector.broadcast %add3A_154 : i32 to vector<16xi32>
      %add3A_156 = arith.addi %mul3A_123, %add3A_155 : vector<16xi32>
      %gather3A_157 = tpu.vector_load_idx %arg9[%add3A_156] : memref<81920xf32, #tpu.memory_space<vmem>>[vector<16xi32>], vector<16xf32>,
      %add3A_158 = arith.constant 5 : i32
      %add3A_159 = vector.broadcast %add3A_158 : i32 to vector<16xi32>
      %add3A_160 = arith.addi %mul3A_129, %add3A_159 : vector<16xi32>
      %gather3A_161 = tpu.vector_load_idx %arg9[%add3A_160] : memref<81920xf32, #tpu.memory_space<vmem>>[vector<16xi32>], vector<16xf32>,
      %add3A_162 = arith.addf %gather3A_157, %gather3A_161 : vector<16xf32>
      %ge3A_163 = arith.constant 0.000000e+00 : f32
      %ge3A_164 = vector.broadcast %ge3A_163 : f32 to vector<16xf32>
      %ge3A_165 = arith.cmpf oge, %add3A_162, %ge3A_164 : vector<16xf32>
      %mul3A_166 = arith.constant 2.000000e-01 : f32
      %mul3A_167 = vector.broadcast %mul3A_166 : f32 to vector<16xf32>
      %mul3A_168 = arith.mulf %mul3A_167, %add3A_162 : vector<16xf32>
      %select_n3A_169 = arith.select %ge3A_165, %add3A_162, %mul3A_168 : vector<16xi1>, vector<16xf32>
      %exp3A_170 = math.exp %select_n3A_169 : vector<16xf32>
      tpu.vector_store_idx %arg10[%add3A_132, %broadcast_in_dim3A_153], %exp3A_170 : memref<64x128xf32, #tpu.memory_space<vmem>>[vector<16xi32>, vector<16xi32>], vector<16xf32>,
      %broadcast_in_dim3A_171 = arith.constant 2 : i32
      %broadcast_in_dim3A_172 = vector.broadcast %broadcast_in_dim3A_171 : i32 to vector<16xi32>
      %add3A_173 = arith.constant 2 : i32
      %add3A_174 = vector.broadcast %add3A_173 : i32 to vector<16xi32>
      %add3A_175 = arith.addi %mul3A_123, %add3A_174 : vector<16xi32>
      %gather3A_176 = tpu.vector_load_idx %arg9[%add3A_175] : memref<81920xf32, #tpu.memory_space<vmem>>[vector<16xi32>], vector<16xf32>,
      %add3A_177 = arith.constant 6 : i32
      %add3A_178 = vector.broadcast %add3A_177 : i32 to vector<16xi32>
      %add3A_179 = arith.addi %mul3A_129, %add3A_178 : vector<16xi32>
      %gather3A_180 = tpu.vector_load_idx %arg9[%add3A_179] : memref<81920xf32, #tpu.memory_space<vmem>>[vector<16xi32>], vector<16xf32>,
      %add3A_181 = arith.addf %gather3A_176, %gather3A_180 : vector<16xf32>
      %ge3A_182 = arith.constant 0.000000e+00 : f32
      %ge3A_183 = vector.broadcast %ge3A_182 : f32 to vector<16xf32>
      %ge3A_184 = arith.cmpf oge, %add3A_181, %ge3A_183 : vector<16xf32>
      %mul3A_185 = arith.constant 2.000000e-01 : f32
      %mul3A_186 = vector.broadcast %mul3A_185 : f32 to vector<16xf32>
      %mul3A_187 = arith.mulf %mul3A_186, %add3A_181 : vector<16xf32>
      %select_n3A_188 = arith.select %ge3A_184, %add3A_181, %mul3A_187 : vector<16xi1>, vector<16xf32>
      %exp3A_189 = math.exp %select_n3A_188 : vector<16xf32>
      tpu.vector_store_idx %arg10[%add3A_132, %broadcast_in_dim3A_172], %exp3A_189 : memref<64x128xf32, #tpu.memory_space<vmem>>[vector<16xi32>, vector<16xi32>], vector<16xf32>,
      %broadcast_in_dim3A_190 = arith.constant 3 : i32
      %broadcast_in_dim3A_191 = vector.broadcast %broadcast_in_dim3A_190 : i32 to vector<16xi32>
      %add3A_192 = arith.constant 3 : i32
      %add3A_193 = vector.broadcast %add3A_192 : i32 to vector<16xi32>
      %add3A_194 = arith.addi %mul3A_123, %add3A_193 : vector<16xi32>
      %gather3A_195 = tpu.vector_load_idx %arg9[%add3A_194] : memref<81920xf32, #tpu.memory_space<vmem>>[vector<16xi32>], vector<16xf32>,
      %add3A_196 = arith.constant 7 : i32
      %add3A_197 = vector.broadcast %add3A_196 : i32 to vector<16xi32>
      %add3A_198 = arith.addi %mul3A_129, %add3A_197 : vector<16xi32>
      %gather3A_199 = tpu.vector_load_idx %arg9[%add3A_198] : memref<81920xf32, #tpu.memory_space<vmem>>[vector<16xi32>], vector<16xf32>,
      %add3A_200 = arith.addf %gather3A_195, %gather3A_199 : vector<16xf32>
      %ge3A_201 = arith.constant 0.000000e+00 : f32
      %ge3A_202 = vector.broadcast %ge3A_201 : f32 to vector<16xf32>
      %ge3A_203 = arith.cmpf oge, %add3A_200, %ge3A_202 : vector<16xf32>
      %mul3A_204 = arith.constant 2.000000e-01 : f32
      %mul3A_205 = vector.broadcast %mul3A_204 : f32 to vector<16xf32>
      %mul3A_206 = arith.mulf %mul3A_205, %add3A_200 : vector<16xf32>
      %select_n3A_207 = arith.select %ge3A_203, %add3A_200, %mul3A_206 : vector<16xi1>, vector<16xf32>
      %exp3A_208 = math.exp %select_n3A_207 : vector<16xf32>
      tpu.vector_store_idx %arg10[%add3A_132, %broadcast_in_dim3A_191], %exp3A_208 : memref<64x128xf32, #tpu.memory_space<vmem>>[vector<16xi32>, vector<16xi32>], vector<16xf32>,
      %get3A_209 = arith.index_cast %rem3A_29 : i32 to index
      %get3A_210 = arith.constant 32 : index
      %get3A_211 = tpu.vector_load %arg7[%get3A_209, %get3A_210] {strides = array<i32>} : memref<8x64xi32, #tpu.memory_space<vmem>>, vector<16xi32>,
      %mul3A_212 = arith.constant 8 : i32
      %mul3A_213 = vector.broadcast %mul3A_212 : i32 to vector<16xi32>
      %mul3A_214 = arith.muli %get3A_211, %mul3A_213 : vector<16xi32>
      %get3A_215 = arith.index_cast %rem3A_29 : i32 to index
      %get3A_216 = arith.constant 32 : index
      %get3A_217 = tpu.vector_load %arg8[%get3A_215, %get3A_216] {strides = array<i32>} : memref<8x64xi32, #tpu.memory_space<vmem>>, vector<16xi32>,
      %mul3A_218 = arith.constant 8 : i32
      %mul3A_219 = vector.broadcast %mul3A_218 : i32 to vector<16xi32>
      %mul3A_220 = arith.muli %get3A_217, %mul3A_219 : vector<16xi32>
      %add3A_221 = arith.constant 32 : i32
      %add3A_222 = vector.broadcast %add3A_221 : i32 to vector<16xi32>
      %add3A_223 = arith.addi %iota3A, %add3A_222 : vector<16xi32>
      %broadcast_in_dim3A_224 = arith.constant 0 : i32
      %broadcast_in_dim3A_225 = vector.broadcast %broadcast_in_dim3A_224 : i32 to vector<16xi32>
      %add3A_226 = arith.constant 0 : i32
      %add3A_227 = vector.broadcast %add3A_226 : i32 to vector<16xi32>
      %add3A_228 = arith.addi %mul3A_214, %add3A_227 : vector<16xi32>
      %gather3A_229 = tpu.vector_load_idx %arg9[%add3A_228] : memref<81920xf32, #tpu.memory_space<vmem>>[vector<16xi32>], vector<16xf32>,
      %add3A_230 = arith.constant 4 : i32
      %add3A_231 = vector.broadcast %add3A_230 : i32 to vector<16xi32>
      %add3A_232 = arith.addi %mul3A_220, %add3A_231 : vector<16xi32>
      %gather3A_233 = tpu.vector_load_idx %arg9[%add3A_232] : memref<81920xf32, #tpu.memory_space<vmem>>[vector<16xi32>], vector<16xf32>,
      %add3A_234 = arith.addf %gather3A_229, %gather3A_233 : vector<16xf32>
      %ge3A_235 = arith.constant 0.000000e+00 : f32
      %ge3A_236 = vector.broadcast %ge3A_235 : f32 to vector<16xf32>
      %ge3A_237 = arith.cmpf oge, %add3A_234, %ge3A_236 : vector<16xf32>
      %mul3A_238 = arith.constant 2.000000e-01 : f32
      %mul3A_239 = vector.broadcast %mul3A_238 : f32 to vector<16xf32>
      %mul3A_240 = arith.mulf %mul3A_239, %add3A_234 : vector<16xf32>
      %select_n3A_241 = arith.select %ge3A_237, %add3A_234, %mul3A_240 : vector<16xi1>, vector<16xf32>
      %exp3A_242 = math.exp %select_n3A_241 : vector<16xf32>
      tpu.vector_store_idx %arg10[%add3A_223, %broadcast_in_dim3A_225], %exp3A_242 : memref<64x128xf32, #tpu.memory_space<vmem>>[vector<16xi32>, vector<16xi32>], vector<16xf32>,
      %broadcast_in_dim3A_243 = arith.constant 1 : i32
      %broadcast_in_dim3A_244 = vector.broadcast %broadcast_in_dim3A_243 : i32 to vector<16xi32>
      %add3A_245 = arith.constant 1 : i32
      %add3A_246 = vector.broadcast %add3A_245 : i32 to vector<16xi32>
      %add3A_247 = arith.addi %mul3A_214, %add3A_246 : vector<16xi32>
      %gather3A_248 = tpu.vector_load_idx %arg9[%add3A_247] : memref<81920xf32, #tpu.memory_space<vmem>>[vector<16xi32>], vector<16xf32>,
      %add3A_249 = arith.constant 5 : i32
      %add3A_250 = vector.broadcast %add3A_249 : i32 to vector<16xi32>
      %add3A_251 = arith.addi %mul3A_220, %add3A_250 : vector<16xi32>
      %gather3A_252 = tpu.vector_load_idx %arg9[%add3A_251] : memref<81920xf32, #tpu.memory_space<vmem>>[vector<16xi32>], vector<16xf32>,
      %add3A_253 = arith.addf %gather3A_248, %gather3A_252 : vector<16xf32>
      %ge3A_254 = arith.constant 0.000000e+00 : f32
      %ge3A_255 = vector.broadcast %ge3A_254 : f32 to vector<16xf32>
      %ge3A_256 = arith.cmpf oge, %add3A_253, %ge3A_255 : vector<16xf32>
      %mul3A_257 = arith.constant 2.000000e-01 : f32
      %mul3A_258 = vector.broadcast %mul3A_257 : f32 to vector<16xf32>
      %mul3A_259 = arith.mulf %mul3A_258, %add3A_253 : vector<16xf32>
      %select_n3A_260 = arith.select %ge3A_256, %add3A_253, %mul3A_259 : vector<16xi1>, vector<16xf32>
      %exp3A_261 = math.exp %select_n3A_260 : vector<16xf32>
      tpu.vector_store_idx %arg10[%add3A_223, %broadcast_in_dim3A_244], %exp3A_261 : memref<64x128xf32, #tpu.memory_space<vmem>>[vector<16xi32>, vector<16xi32>], vector<16xf32>,
      %broadcast_in_dim3A_262 = arith.constant 2 : i32
      %broadcast_in_dim3A_263 = vector.broadcast %broadcast_in_dim3A_262 : i32 to vector<16xi32>
      %add3A_264 = arith.constant 2 : i32
      %add3A_265 = vector.broadcast %add3A_264 : i32 to vector<16xi32>
      %add3A_266 = arith.addi %mul3A_214, %add3A_265 : vector<16xi32>
      %gather3A_267 = tpu.vector_load_idx %arg9[%add3A_266] : memref<81920xf32, #tpu.memory_space<vmem>>[vector<16xi32>], vector<16xf32>,
      %add3A_268 = arith.constant 6 : i32
      %add3A_269 = vector.broadcast %add3A_268 : i32 to vector<16xi32>
      %add3A_270 = arith.addi %mul3A_220, %add3A_269 : vector<16xi32>
      %gather3A_271 = tpu.vector_load_idx %arg9[%add3A_270] : memref<81920xf32, #tpu.memory_space<vmem>>[vector<16xi32>], vector<16xf32>,
      %add3A_272 = arith.addf %gather3A_267, %gather3A_271 : vector<16xf32>
      %ge3A_273 = arith.constant 0.000000e+00 : f32
      %ge3A_274 = vector.broadcast %ge3A_273 : f32 to vector<16xf32>
      %ge3A_275 = arith.cmpf oge, %add3A_272, %ge3A_274 : vector<16xf32>
      %mul3A_276 = arith.constant 2.000000e-01 : f32
      %mul3A_277 = vector.broadcast %mul3A_276 : f32 to vector<16xf32>
      %mul3A_278 = arith.mulf %mul3A_277, %add3A_272 : vector<16xf32>
      %select_n3A_279 = arith.select %ge3A_275, %add3A_272, %mul3A_278 : vector<16xi1>, vector<16xf32>
      %exp3A_280 = math.exp %select_n3A_279 : vector<16xf32>
      tpu.vector_store_idx %arg10[%add3A_223, %broadcast_in_dim3A_263], %exp3A_280 : memref<64x128xf32, #tpu.memory_space<vmem>>[vector<16xi32>, vector<16xi32>], vector<16xf32>,
      %broadcast_in_dim3A_281 = arith.constant 3 : i32
      %broadcast_in_dim3A_282 = vector.broadcast %broadcast_in_dim3A_281 : i32 to vector<16xi32>
      %add3A_283 = arith.constant 3 : i32
      %add3A_284 = vector.broadcast %add3A_283 : i32 to vector<16xi32>
      %add3A_285 = arith.addi %mul3A_214, %add3A_284 : vector<16xi32>
      %gather3A_286 = tpu.vector_load_idx %arg9[%add3A_285] : memref<81920xf32, #tpu.memory_space<vmem>>[vector<16xi32>], vector<16xf32>,
      %add3A_287 = arith.constant 7 : i32
      %add3A_288 = vector.broadcast %add3A_287 : i32 to vector<16xi32>
      %add3A_289 = arith.addi %mul3A_220, %add3A_288 : vector<16xi32>
      %gather3A_290 = tpu.vector_load_idx %arg9[%add3A_289] : memref<81920xf32, #tpu.memory_space<vmem>>[vector<16xi32>], vector<16xf32>,
      %add3A_291 = arith.addf %gather3A_286, %gather3A_290 : vector<16xf32>
      %ge3A_292 = arith.constant 0.000000e+00 : f32
      %ge3A_293 = vector.broadcast %ge3A_292 : f32 to vector<16xf32>
      %ge3A_294 = arith.cmpf oge, %add3A_291, %ge3A_293 : vector<16xf32>
      %mul3A_295 = arith.constant 2.000000e-01 : f32
      %mul3A_296 = vector.broadcast %mul3A_295 : f32 to vector<16xf32>
      %mul3A_297 = arith.mulf %mul3A_296, %add3A_291 : vector<16xf32>
      %select_n3A_298 = arith.select %ge3A_294, %add3A_291, %mul3A_297 : vector<16xi1>, vector<16xf32>
      %exp3A_299 = math.exp %select_n3A_298 : vector<16xf32>
      tpu.vector_store_idx %arg10[%add3A_223, %broadcast_in_dim3A_282], %exp3A_299 : memref<64x128xf32, #tpu.memory_space<vmem>>[vector<16xi32>, vector<16xi32>], vector<16xf32>,
      %get3A_300 = arith.index_cast %rem3A_29 : i32 to index
      %get3A_301 = arith.constant 48 : index
      %get3A_302 = tpu.vector_load %arg7[%get3A_300, %get3A_301] {strides = array<i32>} : memref<8x64xi32, #tpu.memory_space<vmem>>, vector<16xi32>,
      %mul3A_303 = arith.constant 8 : i32
      %mul3A_304 = vector.broadcast %mul3A_303 : i32 to vector<16xi32>
      %mul3A_305 = arith.muli %get3A_302, %mul3A_304 : vector<16xi32>
      %get3A_306 = arith.index_cast %rem3A_29 : i32 to index
      %get3A_307 = arith.constant 48 : index
      %get3A_308 = tpu.vector_load %arg8[%get3A_306, %get3A_307] {strides = array<i32>} : memref<8x64xi32, #tpu.memory_space<vmem>>, vector<16xi32>,
      %mul3A_309 = arith.constant 8 : i32
      %mul3A_310 = vector.broadcast %mul3A_309 : i32 to vector<16xi32>
      %mul3A_311 = arith.muli %get3A_308, %mul3A_310 : vector<16xi32>
      %add3A_312 = arith.constant 48 : i32
      %add3A_313 = vector.broadcast %add3A_312 : i32 to vector<16xi32>
      %add3A_314 = arith.addi %iota3A, %add3A_313 : vector<16xi32>
      %broadcast_in_dim3A_315 = arith.constant 0 : i32
      %broadcast_in_dim3A_316 = vector.broadcast %broadcast_in_dim3A_315 : i32 to vector<16xi32>
      %add3A_317 = arith.constant 0 : i32
      %add3A_318 = vector.broadcast %add3A_317 : i32 to vector<16xi32>
      %add3A_319 = arith.addi %mul3A_305, %add3A_318 : vector<16xi32>
      %gather3A_320 = tpu.vector_load_idx %arg9[%add3A_319] : memref<81920xf32, #tpu.memory_space<vmem>>[vector<16xi32>], vector<16xf32>,
      %add3A_321 = arith.constant 4 : i32
      %add3A_322 = vector.broadcast %add3A_321 : i32 to vector<16xi32>
      %add3A_323 = arith.addi %mul3A_311, %add3A_322 : vector<16xi32>
      %gather3A_324 = tpu.vector_load_idx %arg9[%add3A_323] : memref<81920xf32, #tpu.memory_space<vmem>>[vector<16xi32>], vector<16xf32>,
      %add3A_325 = arith.addf %gather3A_320, %gather3A_324 : vector<16xf32>
      %ge3A_326 = arith.constant 0.000000e+00 : f32
      %ge3A_327 = vector.broadcast %ge3A_326 : f32 to vector<16xf32>
      %ge3A_328 = arith.cmpf oge, %add3A_325, %ge3A_327 : vector<16xf32>
      %mul3A_329 = arith.constant 2.000000e-01 : f32
      %mul3A_330 = vector.broadcast %mul3A_329 : f32 to vector<16xf32>
      %mul3A_331 = arith.mulf %mul3A_330, %add3A_325 : vector<16xf32>
      %select_n3A_332 = arith.select %ge3A_328, %add3A_325, %mul3A_331 : vector<16xi1>, vector<16xf32>
      %exp3A_333 = math.exp %select_n3A_332 : vector<16xf32>
      tpu.vector_store_idx %arg10[%add3A_314, %broadcast_in_dim3A_316], %exp3A_333 : memref<64x128xf32, #tpu.memory_space<vmem>>[vector<16xi32>, vector<16xi32>], vector<16xf32>,
      %broadcast_in_dim3A_334 = arith.constant 1 : i32
      %broadcast_in_dim3A_335 = vector.broadcast %broadcast_in_dim3A_334 : i32 to vector<16xi32>
      %add3A_336 = arith.constant 1 : i32
      %add3A_337 = vector.broadcast %add3A_336 : i32 to vector<16xi32>
      %add3A_338 = arith.addi %mul3A_305, %add3A_337 : vector<16xi32>
      %gather3A_339 = tpu.vector_load_idx %arg9[%add3A_338] : memref<81920xf32, #tpu.memory_space<vmem>>[vector<16xi32>], vector<16xf32>,
      %add3A_340 = arith.constant 5 : i32
      %add3A_341 = vector.broadcast %add3A_340 : i32 to vector<16xi32>
      %add3A_342 = arith.addi %mul3A_311, %add3A_341 : vector<16xi32>
      %gather3A_343 = tpu.vector_load_idx %arg9[%add3A_342] : memref<81920xf32, #tpu.memory_space<vmem>>[vector<16xi32>], vector<16xf32>,
      %add3A_344 = arith.addf %gather3A_339, %gather3A_343 : vector<16xf32>
      %ge3A_345 = arith.constant 0.000000e+00 : f32
      %ge3A_346 = vector.broadcast %ge3A_345 : f32 to vector<16xf32>
      %ge3A_347 = arith.cmpf oge, %add3A_344, %ge3A_346 : vector<16xf32>
      %mul3A_348 = arith.constant 2.000000e-01 : f32
      %mul3A_349 = vector.broadcast %mul3A_348 : f32 to vector<16xf32>
      %mul3A_350 = arith.mulf %mul3A_349, %add3A_344 : vector<16xf32>
      %select_n3A_351 = arith.select %ge3A_347, %add3A_344, %mul3A_350 : vector<16xi1>, vector<16xf32>
      %exp3A_352 = math.exp %select_n3A_351 : vector<16xf32>
      tpu.vector_store_idx %arg10[%add3A_314, %broadcast_in_dim3A_335], %exp3A_352 : memref<64x128xf32, #tpu.memory_space<vmem>>[vector<16xi32>, vector<16xi32>], vector<16xf32>,
      %broadcast_in_dim3A_353 = arith.constant 2 : i32
      %broadcast_in_dim3A_354 = vector.broadcast %broadcast_in_dim3A_353 : i32 to vector<16xi32>
      %add3A_355 = arith.constant 2 : i32
      %add3A_356 = vector.broadcast %add3A_355 : i32 to vector<16xi32>
      %add3A_357 = arith.addi %mul3A_305, %add3A_356 : vector<16xi32>
      %gather3A_358 = tpu.vector_load_idx %arg9[%add3A_357] : memref<81920xf32, #tpu.memory_space<vmem>>[vector<16xi32>], vector<16xf32>,
      %add3A_359 = arith.constant 6 : i32
      %add3A_360 = vector.broadcast %add3A_359 : i32 to vector<16xi32>
      %add3A_361 = arith.addi %mul3A_311, %add3A_360 : vector<16xi32>
      %gather3A_362 = tpu.vector_load_idx %arg9[%add3A_361] : memref<81920xf32, #tpu.memory_space<vmem>>[vector<16xi32>], vector<16xf32>,
      %add3A_363 = arith.addf %gather3A_358, %gather3A_362 : vector<16xf32>
      %ge3A_364 = arith.constant 0.000000e+00 : f32
      %ge3A_365 = vector.broadcast %ge3A_364 : f32 to vector<16xf32>
      %ge3A_366 = arith.cmpf oge, %add3A_363, %ge3A_365 : vector<16xf32>
      %mul3A_367 = arith.constant 2.000000e-01 : f32
      %mul3A_368 = vector.broadcast %mul3A_367 : f32 to vector<16xf32>
      %mul3A_369 = arith.mulf %mul3A_368, %add3A_363 : vector<16xf32>
      %select_n3A_370 = arith.select %ge3A_366, %add3A_363, %mul3A_369 : vector<16xi1>, vector<16xf32>
      %exp3A_371 = math.exp %select_n3A_370 : vector<16xf32>
      tpu.vector_store_idx %arg10[%add3A_314, %broadcast_in_dim3A_354], %exp3A_371 : memref<64x128xf32, #tpu.memory_space<vmem>>[vector<16xi32>, vector<16xi32>], vector<16xf32>,
      %broadcast_in_dim3A_372 = arith.constant 3 : i32
      %broadcast_in_dim3A_373 = vector.broadcast %broadcast_in_dim3A_372 : i32 to vector<16xi32>
      %add3A_374 = arith.constant 3 : i32
      %add3A_375 = vector.broadcast %add3A_374 : i32 to vector<16xi32>
      %add3A_376 = arith.addi %mul3A_305, %add3A_375 : vector<16xi32>
      %gather3A_377 = tpu.vector_load_idx %arg9[%add3A_376] : memref<81920xf32, #tpu.memory_space<vmem>>[vector<16xi32>], vector<16xf32>,
      %add3A_378 = arith.constant 7 : i32
      %add3A_379 = vector.broadcast %add3A_378 : i32 to vector<16xi32>
      %add3A_380 = arith.addi %mul3A_311, %add3A_379 : vector<16xi32>
      %gather3A_381 = tpu.vector_load_idx %arg9[%add3A_380] : memref<81920xf32, #tpu.memory_space<vmem>>[vector<16xi32>], vector<16xf32>,
      %add3A_382 = arith.addf %gather3A_377, %gather3A_381 : vector<16xf32>
      %ge3A_383 = arith.constant 0.000000e+00 : f32
      %ge3A_384 = vector.broadcast %ge3A_383 : f32 to vector<16xf32>
      %ge3A_385 = arith.cmpf oge, %add3A_382, %ge3A_384 : vector<16xf32>
      %mul3A_386 = arith.constant 2.000000e-01 : f32
      %mul3A_387 = vector.broadcast %mul3A_386 : f32 to vector<16xf32>
      %mul3A_388 = arith.mulf %mul3A_387, %add3A_382 : vector<16xf32>
      %select_n3A_389 = arith.select %ge3A_385, %add3A_382, %mul3A_388 : vector<16xi1>, vector<16xf32>
      %exp3A_390 = math.exp %select_n3A_389 : vector<16xf32>
      tpu.vector_store_idx %arg10[%add3A_314, %broadcast_in_dim3A_373], %exp3A_390 : memref<64x128xf32, #tpu.memory_space<vmem>>[vector<16xi32>, vector<16xi32>], vector<16xf32>,
      %dma_start3A = arith.constant 0 : i32
      %dma_start3A_391 = arith.constant 0 : i32
      %dma_start3A_392 = tpu.memref_slice %arg6[%add3A, %mul3A_28, %dma_start3A, %dma_start3A_391] : memref<32x160x64x128xf32, #tpu.memory_space<hbm>> -> memref<1x1x64x128xf32, #tpu.memory_space<hbm>>
      %dma_start3A_393 = tpu.memref_squeeze %dma_start3A_392 : memref<1x1x64x128xf32, #tpu.memory_space<hbm>> -> memref<64x128xf32, #tpu.memory_space<hbm>>
      %dma_start3A_394 = arith.constant 0 : i32
      %dma_start3A_395 = arith.constant 0 : i32
      %dma_start3A_396 = tpu.memref_slice %arg6[%add3A, %mul3A_28, %dma_start3A_394, %dma_start3A_395] : memref<32x160x64x128xf32, #tpu.memory_space<hbm>> -> memref<1x1x64x128xf32, #tpu.memory_space<hbm>>
      %dma_start3A_397 = tpu.memref_squeeze %dma_start3A_396 : memref<1x1x64x128xf32, #tpu.memory_space<hbm>> -> memref<64x128xf32, #tpu.memory_space<hbm>>
      tpu.enqueue_dma source(%arg10 : memref<64x128xf32, #tpu.memory_space<vmem>>) target(%dma_start3A_397 : memref<64x128xf32, #tpu.memory_space<hbm>>) target_semaphore(%arg12 : memref<!tpu.dma_semaphore, #tpu.memory_space<semaphore_mem>>)
      %add3A_398 = arith.constant 1 : i32
      %add3A_399 = arith.addi %mul3A_28, %add3A_398 : i32
      %add3A_400 = arith.constant 1 : i32
      %add3A_401 = arith.addi %rem3A_29, %add3A_400 : i32
      %ge3A_402 = arith.constant 2 : i32
      %ge3A_403 = arith.cmpi sge, %add3A_399, %ge3A_402 : i32
      %convert_element_type3A_404 = arith.extui %ge3A_403 : i1 to i32
      %cond3A_405 = arith.constant 0 : i32
      %cond3A_406 = arith.cmpi ne, %convert_element_type3A_404, %cond3A_405 : i32
      scf.if %cond3A_406 {
        %dma_wait3A_785 = arith.constant 0 : i32
        %dma_wait3A_786 = arith.constant 0 : i32
        %dma_wait3A_787 = arith.constant 0 : i32
        %dma_wait3A_788 = arith.constant 0 : i32
        %dma_wait3A_789 = tpu.memref_slice %arg6[%dma_wait3A_785, %dma_wait3A_786, %dma_wait3A_787, %dma_wait3A_788] : memref<32x160x64x128xf32, #tpu.memory_space<hbm>> -> memref<1x1x64x128xf32, #tpu.memory_space<hbm>>
        %dma_wait3A_790 = tpu.memref_squeeze %dma_wait3A_789 : memref<1x1x64x128xf32, #tpu.memory_space<hbm>> -> memref<64x128xf32, #tpu.memory_space<hbm>>
        %dma_wait3A_791 = arith.constant 0 : i32
        %dma_wait3A_792 = arith.constant 0 : i32
        %dma_wait3A_793 = tpu.memref_slice %arg6[%dma_wait3A_785, %dma_wait3A_786, %dma_wait3A_791, %dma_wait3A_792] : memref<32x160x64x128xf32, #tpu.memory_space<hbm>> -> memref<1x1x64x128xf32, #tpu.memory_space<hbm>>
        %dma_wait3A_794 = tpu.memref_squeeze %dma_wait3A_793 : memref<1x1x64x128xf32, #tpu.memory_space<hbm>> -> memref<64x128xf32, #tpu.memory_space<hbm>>
        tpu.wait_dma2 semaphore(%arg13 : memref<!tpu.dma_semaphore, #tpu.memory_space<semaphore_mem>>) src(%arg11 : memref<64x128xf32, #tpu.memory_space<vmem>>) dst(%dma_wait3A_794 : memref<64x128xf32, #tpu.memory_space<hbm>>)
      } else {
      }
      %get3A_407 = arith.index_cast %add3A_401 : i32 to index
      %get3A_408 = arith.constant 0 : index
      %get3A_409 = tpu.vector_load %arg7[%get3A_407, %get3A_408] {strides = array<i32>} : memref<8x64xi32, #tpu.memory_space<vmem>>, vector<16xi32>,
      %mul3A_410 = arith.constant 8 : i32
      %mul3A_411 = vector.broadcast %mul3A_410 : i32 to vector<16xi32>
      %mul3A_412 = arith.muli %get3A_409, %mul3A_411 : vector<16xi32>
      %get3A_413 = arith.index_cast %add3A_401 : i32 to index
      %get3A_414 = arith.constant 0 : index
      %get3A_415 = tpu.vector_load %arg8[%get3A_413, %get3A_414] {strides = array<i32>} : memref<8x64xi32, #tpu.memory_space<vmem>>, vector<16xi32>,
      %mul3A_416 = arith.constant 8 : i32
      %mul3A_417 = vector.broadcast %mul3A_416 : i32 to vector<16xi32>
      %mul3A_418 = arith.muli %get3A_415, %mul3A_417 : vector<16xi32>
      %add3A_419 = arith.constant 0 : i32
      %add3A_420 = vector.broadcast %add3A_419 : i32 to vector<16xi32>
      %add3A_421 = arith.addi %iota3A, %add3A_420 : vector<16xi32>
      %broadcast_in_dim3A_422 = arith.constant 0 : i32
      %broadcast_in_dim3A_423 = vector.broadcast %broadcast_in_dim3A_422 : i32 to vector<16xi32>
      %add3A_424 = arith.constant 0 : i32
      %add3A_425 = vector.broadcast %add3A_424 : i32 to vector<16xi32>
      %add3A_426 = arith.addi %mul3A_412, %add3A_425 : vector<16xi32>
      %gather3A_427 = tpu.vector_load_idx %arg9[%add3A_426] : memref<81920xf32, #tpu.memory_space<vmem>>[vector<16xi32>], vector<16xf32>,
      %add3A_428 = arith.constant 4 : i32
      %add3A_429 = vector.broadcast %add3A_428 : i32 to vector<16xi32>
      %add3A_430 = arith.addi %mul3A_418, %add3A_429 : vector<16xi32>
      %gather3A_431 = tpu.vector_load_idx %arg9[%add3A_430] : memref<81920xf32, #tpu.memory_space<vmem>>[vector<16xi32>], vector<16xf32>,
      %add3A_432 = arith.addf %gather3A_427, %gather3A_431 : vector<16xf32>
      %ge3A_433 = arith.constant 0.000000e+00 : f32
      %ge3A_434 = vector.broadcast %ge3A_433 : f32 to vector<16xf32>
      %ge3A_435 = arith.cmpf oge, %add3A_432, %ge3A_434 : vector<16xf32>
      %mul3A_436 = arith.constant 2.000000e-01 : f32
      %mul3A_437 = vector.broadcast %mul3A_436 : f32 to vector<16xf32>
      %mul3A_438 = arith.mulf %mul3A_437, %add3A_432 : vector<16xf32>
      %select_n3A_439 = arith.select %ge3A_435, %add3A_432, %mul3A_438 : vector<16xi1>, vector<16xf32>
      %exp3A_440 = math.exp %select_n3A_439 : vector<16xf32>
      tpu.vector_store_idx %arg11[%add3A_421, %broadcast_in_dim3A_423], %exp3A_440 : memref<64x128xf32, #tpu.memory_space<vmem>>[vector<16xi32>, vector<16xi32>], vector<16xf32>,
      %broadcast_in_dim3A_441 = arith.constant 1 : i32
      %broadcast_in_dim3A_442 = vector.broadcast %broadcast_in_dim3A_441 : i32 to vector<16xi32>
      %add3A_443 = arith.constant 1 : i32
      %add3A_444 = vector.broadcast %add3A_443 : i32 to vector<16xi32>
      %add3A_445 = arith.addi %mul3A_412, %add3A_444 : vector<16xi32>
      %gather3A_446 = tpu.vector_load_idx %arg9[%add3A_445] : memref<81920xf32, #tpu.memory_space<vmem>>[vector<16xi32>], vector<16xf32>,
      %add3A_447 = arith.constant 5 : i32
      %add3A_448 = vector.broadcast %add3A_447 : i32 to vector<16xi32>
      %add3A_449 = arith.addi %mul3A_418, %add3A_448 : vector<16xi32>
      %gather3A_450 = tpu.vector_load_idx %arg9[%add3A_449] : memref<81920xf32, #tpu.memory_space<vmem>>[vector<16xi32>], vector<16xf32>,
      %add3A_451 = arith.addf %gather3A_446, %gather3A_450 : vector<16xf32>
      %ge3A_452 = arith.constant 0.000000e+00 : f32
      %ge3A_453 = vector.broadcast %ge3A_452 : f32 to vector<16xf32>
      %ge3A_454 = arith.cmpf oge, %add3A_451, %ge3A_453 : vector<16xf32>
      %mul3A_455 = arith.constant 2.000000e-01 : f32
      %mul3A_456 = vector.broadcast %mul3A_455 : f32 to vector<16xf32>
      %mul3A_457 = arith.mulf %mul3A_456, %add3A_451 : vector<16xf32>
      %select_n3A_458 = arith.select %ge3A_454, %add3A_451, %mul3A_457 : vector<16xi1>, vector<16xf32>
      %exp3A_459 = math.exp %select_n3A_458 : vector<16xf32>
      tpu.vector_store_idx %arg11[%add3A_421, %broadcast_in_dim3A_442], %exp3A_459 : memref<64x128xf32, #tpu.memory_space<vmem>>[vector<16xi32>, vector<16xi32>], vector<16xf32>,
      %broadcast_in_dim3A_460 = arith.constant 2 : i32
      %broadcast_in_dim3A_461 = vector.broadcast %broadcast_in_dim3A_460 : i32 to vector<16xi32>
      %add3A_462 = arith.constant 2 : i32
      %add3A_463 = vector.broadcast %add3A_462 : i32 to vector<16xi32>
      %add3A_464 = arith.addi %mul3A_412, %add3A_463 : vector<16xi32>
      %gather3A_465 = tpu.vector_load_idx %arg9[%add3A_464] : memref<81920xf32, #tpu.memory_space<vmem>>[vector<16xi32>], vector<16xf32>,
      %add3A_466 = arith.constant 6 : i32
      %add3A_467 = vector.broadcast %add3A_466 : i32 to vector<16xi32>
      %add3A_468 = arith.addi %mul3A_418, %add3A_467 : vector<16xi32>
      %gather3A_469 = tpu.vector_load_idx %arg9[%add3A_468] : memref<81920xf32, #tpu.memory_space<vmem>>[vector<16xi32>], vector<16xf32>,
      %add3A_470 = arith.addf %gather3A_465, %gather3A_469 : vector<16xf32>
      %ge3A_471 = arith.constant 0.000000e+00 : f32
      %ge3A_472 = vector.broadcast %ge3A_471 : f32 to vector<16xf32>
      %ge3A_473 = arith.cmpf oge, %add3A_470, %ge3A_472 : vector<16xf32>
      %mul3A_474 = arith.constant 2.000000e-01 : f32
      %mul3A_475 = vector.broadcast %mul3A_474 : f32 to vector<16xf32>
      %mul3A_476 = arith.mulf %mul3A_475, %add3A_470 : vector<16xf32>
      %select_n3A_477 = arith.select %ge3A_473, %add3A_470, %mul3A_476 : vector<16xi1>, vector<16xf32>
      %exp3A_478 = math.exp %select_n3A_477 : vector<16xf32>
      tpu.vector_store_idx %arg11[%add3A_421, %broadcast_in_dim3A_461], %exp3A_478 : memref<64x128xf32, #tpu.memory_space<vmem>>[vector<16xi32>, vector<16xi32>], vector<16xf32>,
      %broadcast_in_dim3A_479 = arith.constant 3 : i32
      %broadcast_in_dim3A_480 = vector.broadcast %broadcast_in_dim3A_479 : i32 to vector<16xi32>
      %add3A_481 = arith.constant 3 : i32
      %add3A_482 = vector.broadcast %add3A_481 : i32 to vector<16xi32>
      %add3A_483 = arith.addi %mul3A_412, %add3A_482 : vector<16xi32>
      %gather3A_484 = tpu.vector_load_idx %arg9[%add3A_483] : memref<81920xf32, #tpu.memory_space<vmem>>[vector<16xi32>], vector<16xf32>,
      %add3A_485 = arith.constant 7 : i32
      %add3A_486 = vector.broadcast %add3A_485 : i32 to vector<16xi32>
      %add3A_487 = arith.addi %mul3A_418, %add3A_486 : vector<16xi32>
      %gather3A_488 = tpu.vector_load_idx %arg9[%add3A_487] : memref<81920xf32, #tpu.memory_space<vmem>>[vector<16xi32>], vector<16xf32>,
      %add3A_489 = arith.addf %gather3A_484, %gather3A_488 : vector<16xf32>
      %ge3A_490 = arith.constant 0.000000e+00 : f32
      %ge3A_491 = vector.broadcast %ge3A_490 : f32 to vector<16xf32>
      %ge3A_492 = arith.cmpf oge, %add3A_489, %ge3A_491 : vector<16xf32>
      %mul3A_493 = arith.constant 2.000000e-01 : f32
      %mul3A_494 = vector.broadcast %mul3A_493 : f32 to vector<16xf32>
      %mul3A_495 = arith.mulf %mul3A_494, %add3A_489 : vector<16xf32>
      %select_n3A_496 = arith.select %ge3A_492, %add3A_489, %mul3A_495 : vector<16xi1>, vector<16xf32>
      %exp3A_497 = math.exp %select_n3A_496 : vector<16xf32>
      tpu.vector_store_idx %arg11[%add3A_421, %broadcast_in_dim3A_480], %exp3A_497 : memref<64x128xf32, #tpu.memory_space<vmem>>[vector<16xi32>, vector<16xi32>], vector<16xf32>,
      %get3A_498 = arith.index_cast %add3A_401 : i32 to index
      %get3A_499 = arith.constant 16 : index
      %get3A_500 = tpu.vector_load %arg7[%get3A_498, %get3A_499] {strides = array<i32>} : memref<8x64xi32, #tpu.memory_space<vmem>>, vector<16xi32>,
      %mul3A_501 = arith.constant 8 : i32
      %mul3A_502 = vector.broadcast %mul3A_501 : i32 to vector<16xi32>
      %mul3A_503 = arith.muli %get3A_500, %mul3A_502 : vector<16xi32>
      %get3A_504 = arith.index_cast %add3A_401 : i32 to index
      %get3A_505 = arith.constant 16 : index
      %get3A_506 = tpu.vector_load %arg8[%get3A_504, %get3A_505] {strides = array<i32>} : memref<8x64xi32, #tpu.memory_space<vmem>>, vector<16xi32>,
      %mul3A_507 = arith.constant 8 : i32
      %mul3A_508 = vector.broadcast %mul3A_507 : i32 to vector<16xi32>
      %mul3A_509 = arith.muli %get3A_506, %mul3A_508 : vector<16xi32>
      %add3A_510 = arith.constant 16 : i32
      %add3A_511 = vector.broadcast %add3A_510 : i32 to vector<16xi32>
      %add3A_512 = arith.addi %iota3A, %add3A_511 : vector<16xi32>
      %broadcast_in_dim3A_513 = arith.constant 0 : i32
      %broadcast_in_dim3A_514 = vector.broadcast %broadcast_in_dim3A_513 : i32 to vector<16xi32>
      %add3A_515 = arith.constant 0 : i32
      %add3A_516 = vector.broadcast %add3A_515 : i32 to vector<16xi32>
      %add3A_517 = arith.addi %mul3A_503, %add3A_516 : vector<16xi32>
      %gather3A_518 = tpu.vector_load_idx %arg9[%add3A_517] : memref<81920xf32, #tpu.memory_space<vmem>>[vector<16xi32>], vector<16xf32>,
      %add3A_519 = arith.constant 4 : i32
      %add3A_520 = vector.broadcast %add3A_519 : i32 to vector<16xi32>
      %add3A_521 = arith.addi %mul3A_509, %add3A_520 : vector<16xi32>
      %gather3A_522 = tpu.vector_load_idx %arg9[%add3A_521] : memref<81920xf32, #tpu.memory_space<vmem>>[vector<16xi32>], vector<16xf32>,
      %add3A_523 = arith.addf %gather3A_518, %gather3A_522 : vector<16xf32>
      %ge3A_524 = arith.constant 0.000000e+00 : f32
      %ge3A_525 = vector.broadcast %ge3A_524 : f32 to vector<16xf32>
      %ge3A_526 = arith.cmpf oge, %add3A_523, %ge3A_525 : vector<16xf32>
      %mul3A_527 = arith.constant 2.000000e-01 : f32
      %mul3A_528 = vector.broadcast %mul3A_527 : f32 to vector<16xf32>
      %mul3A_529 = arith.mulf %mul3A_528, %add3A_523 : vector<16xf32>
      %select_n3A_530 = arith.select %ge3A_526, %add3A_523, %mul3A_529 : vector<16xi1>, vector<16xf32>
      %exp3A_531 = math.exp %select_n3A_530 : vector<16xf32>
      tpu.vector_store_idx %arg11[%add3A_512, %broadcast_in_dim3A_514], %exp3A_531 : memref<64x128xf32, #tpu.memory_space<vmem>>[vector<16xi32>, vector<16xi32>], vector<16xf32>,
      %broadcast_in_dim3A_532 = arith.constant 1 : i32
      %broadcast_in_dim3A_533 = vector.broadcast %broadcast_in_dim3A_532 : i32 to vector<16xi32>
      %add3A_534 = arith.constant 1 : i32
      %add3A_535 = vector.broadcast %add3A_534 : i32 to vector<16xi32>
      %add3A_536 = arith.addi %mul3A_503, %add3A_535 : vector<16xi32>
      %gather3A_537 = tpu.vector_load_idx %arg9[%add3A_536] : memref<81920xf32, #tpu.memory_space<vmem>>[vector<16xi32>], vector<16xf32>,
      %add3A_538 = arith.constant 5 : i32
      %add3A_539 = vector.broadcast %add3A_538 : i32 to vector<16xi32>
      %add3A_540 = arith.addi %mul3A_509, %add3A_539 : vector<16xi32>
      %gather3A_541 = tpu.vector_load_idx %arg9[%add3A_540] : memref<81920xf32, #tpu.memory_space<vmem>>[vector<16xi32>], vector<16xf32>,
      %add3A_542 = arith.addf %gather3A_537, %gather3A_541 : vector<16xf32>
      %ge3A_543 = arith.constant 0.000000e+00 : f32
      %ge3A_544 = vector.broadcast %ge3A_543 : f32 to vector<16xf32>
      %ge3A_545 = arith.cmpf oge, %add3A_542, %ge3A_544 : vector<16xf32>
      %mul3A_546 = arith.constant 2.000000e-01 : f32
      %mul3A_547 = vector.broadcast %mul3A_546 : f32 to vector<16xf32>
      %mul3A_548 = arith.mulf %mul3A_547, %add3A_542 : vector<16xf32>
      %select_n3A_549 = arith.select %ge3A_545, %add3A_542, %mul3A_548 : vector<16xi1>, vector<16xf32>
      %exp3A_550 = math.exp %select_n3A_549 : vector<16xf32>
      tpu.vector_store_idx %arg11[%add3A_512, %broadcast_in_dim3A_533], %exp3A_550 : memref<64x128xf32, #tpu.memory_space<vmem>>[vector<16xi32>, vector<16xi32>], vector<16xf32>,
      %broadcast_in_dim3A_551 = arith.constant 2 : i32
      %broadcast_in_dim3A_552 = vector.broadcast %broadcast_in_dim3A_551 : i32 to vector<16xi32>
      %add3A_553 = arith.constant 2 : i32
      %add3A_554 = vector.broadcast %add3A_553 : i32 to vector<16xi32>
      %add3A_555 = arith.addi %mul3A_503, %add3A_554 : vector<16xi32>
      %gather3A_556 = tpu.vector_load_idx %arg9[%add3A_555] : memref<81920xf32, #tpu.memory_space<vmem>>[vector<16xi32>], vector<16xf32>,
      %add3A_557 = arith.constant 6 : i32
      %add3A_558 = vector.broadcast %add3A_557 : i32 to vector<16xi32>
      %add3A_559 = arith.addi %mul3A_509, %add3A_558 : vector<16xi32>
      %gather3A_560 = tpu.vector_load_idx %arg9[%add3A_559] : memref<81920xf32, #tpu.memory_space<vmem>>[vector<16xi32>], vector<16xf32>,
      %add3A_561 = arith.addf %gather3A_556, %gather3A_560 : vector<16xf32>
      %ge3A_562 = arith.constant 0.000000e+00 : f32
      %ge3A_563 = vector.broadcast %ge3A_562 : f32 to vector<16xf32>
      %ge3A_564 = arith.cmpf oge, %add3A_561, %ge3A_563 : vector<16xf32>
      %mul3A_565 = arith.constant 2.000000e-01 : f32
      %mul3A_566 = vector.broadcast %mul3A_565 : f32 to vector<16xf32>
      %mul3A_567 = arith.mulf %mul3A_566, %add3A_561 : vector<16xf32>
      %select_n3A_568 = arith.select %ge3A_564, %add3A_561, %mul3A_567 : vector<16xi1>, vector<16xf32>
      %exp3A_569 = math.exp %select_n3A_568 : vector<16xf32>
      tpu.vector_store_idx %arg11[%add3A_512, %broadcast_in_dim3A_552], %exp3A_569 : memref<64x128xf32, #tpu.memory_space<vmem>>[vector<16xi32>, vector<16xi32>], vector<16xf32>,
      %broadcast_in_dim3A_570 = arith.constant 3 : i32
      %broadcast_in_dim3A_571 = vector.broadcast %broadcast_in_dim3A_570 : i32 to vector<16xi32>
      %add3A_572 = arith.constant 3 : i32
      %add3A_573 = vector.broadcast %add3A_572 : i32 to vector<16xi32>
      %add3A_574 = arith.addi %mul3A_503, %add3A_573 : vector<16xi32>
      %gather3A_575 = tpu.vector_load_idx %arg9[%add3A_574] : memref<81920xf32, #tpu.memory_space<vmem>>[vector<16xi32>], vector<16xf32>,
      %add3A_576 = arith.constant 7 : i32
      %add3A_577 = vector.broadcast %add3A_576 : i32 to vector<16xi32>
      %add3A_578 = arith.addi %mul3A_509, %add3A_577 : vector<16xi32>
      %gather3A_579 = tpu.vector_load_idx %arg9[%add3A_578] : memref<81920xf32, #tpu.memory_space<vmem>>[vector<16xi32>], vector<16xf32>,
      %add3A_580 = arith.addf %gather3A_575, %gather3A_579 : vector<16xf32>
      %ge3A_581 = arith.constant 0.000000e+00 : f32
      %ge3A_582 = vector.broadcast %ge3A_581 : f32 to vector<16xf32>
      %ge3A_583 = arith.cmpf oge, %add3A_580, %ge3A_582 : vector<16xf32>
      %mul3A_584 = arith.constant 2.000000e-01 : f32
      %mul3A_585 = vector.broadcast %mul3A_584 : f32 to vector<16xf32>
      %mul3A_586 = arith.mulf %mul3A_585, %add3A_580 : vector<16xf32>
      %select_n3A_587 = arith.select %ge3A_583, %add3A_580, %mul3A_586 : vector<16xi1>, vector<16xf32>
      %exp3A_588 = math.exp %select_n3A_587 : vector<16xf32>
      tpu.vector_store_idx %arg11[%add3A_512, %broadcast_in_dim3A_571], %exp3A_588 : memref<64x128xf32, #tpu.memory_space<vmem>>[vector<16xi32>, vector<16xi32>], vector<16xf32>,
      %get3A_589 = arith.index_cast %add3A_401 : i32 to index
      %get3A_590 = arith.constant 32 : index
      %get3A_591 = tpu.vector_load %arg7[%get3A_589, %get3A_590] {strides = array<i32>} : memref<8x64xi32, #tpu.memory_space<vmem>>, vector<16xi32>,
      %mul3A_592 = arith.constant 8 : i32
      %mul3A_593 = vector.broadcast %mul3A_592 : i32 to vector<16xi32>
      %mul3A_594 = arith.muli %get3A_591, %mul3A_593 : vector<16xi32>
      %get3A_595 = arith.index_cast %add3A_401 : i32 to index
      %get3A_596 = arith.constant 32 : index
      %get3A_597 = tpu.vector_load %arg8[%get3A_595, %get3A_596] {strides = array<i32>} : memref<8x64xi32, #tpu.memory_space<vmem>>, vector<16xi32>,
      %mul3A_598 = arith.constant 8 : i32
      %mul3A_599 = vector.broadcast %mul3A_598 : i32 to vector<16xi32>
      %mul3A_600 = arith.muli %get3A_597, %mul3A_599 : vector<16xi32>
      %add3A_601 = arith.constant 32 : i32
      %add3A_602 = vector.broadcast %add3A_601 : i32 to vector<16xi32>
      %add3A_603 = arith.addi %iota3A, %add3A_602 : vector<16xi32>
      %broadcast_in_dim3A_604 = arith.constant 0 : i32
      %broadcast_in_dim3A_605 = vector.broadcast %broadcast_in_dim3A_604 : i32 to vector<16xi32>
      %add3A_606 = arith.constant 0 : i32
      %add3A_607 = vector.broadcast %add3A_606 : i32 to vector<16xi32>
      %add3A_608 = arith.addi %mul3A_594, %add3A_607 : vector<16xi32>
      %gather3A_609 = tpu.vector_load_idx %arg9[%add3A_608] : memref<81920xf32, #tpu.memory_space<vmem>>[vector<16xi32>], vector<16xf32>,
      %add3A_610 = arith.constant 4 : i32
      %add3A_611 = vector.broadcast %add3A_610 : i32 to vector<16xi32>
      %add3A_612 = arith.addi %mul3A_600, %add3A_611 : vector<16xi32>
      %gather3A_613 = tpu.vector_load_idx %arg9[%add3A_612] : memref<81920xf32, #tpu.memory_space<vmem>>[vector<16xi32>], vector<16xf32>,
      %add3A_614 = arith.addf %gather3A_609, %gather3A_613 : vector<16xf32>
      %ge3A_615 = arith.constant 0.000000e+00 : f32
      %ge3A_616 = vector.broadcast %ge3A_615 : f32 to vector<16xf32>
      %ge3A_617 = arith.cmpf oge, %add3A_614, %ge3A_616 : vector<16xf32>
      %mul3A_618 = arith.constant 2.000000e-01 : f32
      %mul3A_619 = vector.broadcast %mul3A_618 : f32 to vector<16xf32>
      %mul3A_620 = arith.mulf %mul3A_619, %add3A_614 : vector<16xf32>
      %select_n3A_621 = arith.select %ge3A_617, %add3A_614, %mul3A_620 : vector<16xi1>, vector<16xf32>
      %exp3A_622 = math.exp %select_n3A_621 : vector<16xf32>
      tpu.vector_store_idx %arg11[%add3A_603, %broadcast_in_dim3A_605], %exp3A_622 : memref<64x128xf32, #tpu.memory_space<vmem>>[vector<16xi32>, vector<16xi32>], vector<16xf32>,
      %broadcast_in_dim3A_623 = arith.constant 1 : i32
      %broadcast_in_dim3A_624 = vector.broadcast %broadcast_in_dim3A_623 : i32 to vector<16xi32>
      %add3A_625 = arith.constant 1 : i32
      %add3A_626 = vector.broadcast %add3A_625 : i32 to vector<16xi32>
      %add3A_627 = arith.addi %mul3A_594, %add3A_626 : vector<16xi32>
      %gather3A_628 = tpu.vector_load_idx %arg9[%add3A_627] : memref<81920xf32, #tpu.memory_space<vmem>>[vector<16xi32>], vector<16xf32>,
      %add3A_629 = arith.constant 5 : i32
      %add3A_630 = vector.broadcast %add3A_629 : i32 to vector<16xi32>
      %add3A_631 = arith.addi %mul3A_600, %add3A_630 : vector<16xi32>
      %gather3A_632 = tpu.vector_load_idx %arg9[%add3A_631] : memref<81920xf32, #tpu.memory_space<vmem>>[vector<16xi32>], vector<16xf32>,
      %add3A_633 = arith.addf %gather3A_628, %gather3A_632 : vector<16xf32>
      %ge3A_634 = arith.constant 0.000000e+00 : f32
      %ge3A_635 = vector.broadcast %ge3A_634 : f32 to vector<16xf32>
      %ge3A_636 = arith.cmpf oge, %add3A_633, %ge3A_635 : vector<16xf32>
      %mul3A_637 = arith.constant 2.000000e-01 : f32
      %mul3A_638 = vector.broadcast %mul3A_637 : f32 to vector<16xf32>
      %mul3A_639 = arith.mulf %mul3A_638, %add3A_633 : vector<16xf32>
      %select_n3A_640 = arith.select %ge3A_636, %add3A_633, %mul3A_639 : vector<16xi1>, vector<16xf32>
      %exp3A_641 = math.exp %select_n3A_640 : vector<16xf32>
      tpu.vector_store_idx %arg11[%add3A_603, %broadcast_in_dim3A_624], %exp3A_641 : memref<64x128xf32, #tpu.memory_space<vmem>>[vector<16xi32>, vector<16xi32>], vector<16xf32>,
      %broadcast_in_dim3A_642 = arith.constant 2 : i32
      %broadcast_in_dim3A_643 = vector.broadcast %broadcast_in_dim3A_642 : i32 to vector<16xi32>
      %add3A_644 = arith.constant 2 : i32
      %add3A_645 = vector.broadcast %add3A_644 : i32 to vector<16xi32>
      %add3A_646 = arith.addi %mul3A_594, %add3A_645 : vector<16xi32>
      %gather3A_647 = tpu.vector_load_idx %arg9[%add3A_646] : memref<81920xf32, #tpu.memory_space<vmem>>[vector<16xi32>], vector<16xf32>,
      %add3A_648 = arith.constant 6 : i32
      %add3A_649 = vector.broadcast %add3A_648 : i32 to vector<16xi32>
      %add3A_650 = arith.addi %mul3A_600, %add3A_649 : vector<16xi32>
      %gather3A_651 = tpu.vector_load_idx %arg9[%add3A_650] : memref<81920xf32, #tpu.memory_space<vmem>>[vector<16xi32>], vector<16xf32>,
      %add3A_652 = arith.addf %gather3A_647, %gather3A_651 : vector<16xf32>
      %ge3A_653 = arith.constant 0.000000e+00 : f32
      %ge3A_654 = vector.broadcast %ge3A_653 : f32 to vector<16xf32>
      %ge3A_655 = arith.cmpf oge, %add3A_652, %ge3A_654 : vector<16xf32>
      %mul3A_656 = arith.constant 2.000000e-01 : f32
      %mul3A_657 = vector.broadcast %mul3A_656 : f32 to vector<16xf32>
      %mul3A_658 = arith.mulf %mul3A_657, %add3A_652 : vector<16xf32>
      %select_n3A_659 = arith.select %ge3A_655, %add3A_652, %mul3A_658 : vector<16xi1>, vector<16xf32>
      %exp3A_660 = math.exp %select_n3A_659 : vector<16xf32>
      tpu.vector_store_idx %arg11[%add3A_603, %broadcast_in_dim3A_643], %exp3A_660 : memref<64x128xf32, #tpu.memory_space<vmem>>[vector<16xi32>, vector<16xi32>], vector<16xf32>,
      %broadcast_in_dim3A_661 = arith.constant 3 : i32
      %broadcast_in_dim3A_662 = vector.broadcast %broadcast_in_dim3A_661 : i32 to vector<16xi32>
      %add3A_663 = arith.constant 3 : i32
      %add3A_664 = vector.broadcast %add3A_663 : i32 to vector<16xi32>
      %add3A_665 = arith.addi %mul3A_594, %add3A_664 : vector<16xi32>
      %gather3A_666 = tpu.vector_load_idx %arg9[%add3A_665] : memref<81920xf32, #tpu.memory_space<vmem>>[vector<16xi32>], vector<16xf32>,
      %add3A_667 = arith.constant 7 : i32
      %add3A_668 = vector.broadcast %add3A_667 : i32 to vector<16xi32>
      %add3A_669 = arith.addi %mul3A_600, %add3A_668 : vector<16xi32>
      %gather3A_670 = tpu.vector_load_idx %arg9[%add3A_669] : memref<81920xf32, #tpu.memory_space<vmem>>[vector<16xi32>], vector<16xf32>,
      %add3A_671 = arith.addf %gather3A_666, %gather3A_670 : vector<16xf32>
      %ge3A_672 = arith.constant 0.000000e+00 : f32
      %ge3A_673 = vector.broadcast %ge3A_672 : f32 to vector<16xf32>
      %ge3A_674 = arith.cmpf oge, %add3A_671, %ge3A_673 : vector<16xf32>
      %mul3A_675 = arith.constant 2.000000e-01 : f32
      %mul3A_676 = vector.broadcast %mul3A_675 : f32 to vector<16xf32>
      %mul3A_677 = arith.mulf %mul3A_676, %add3A_671 : vector<16xf32>
      %select_n3A_678 = arith.select %ge3A_674, %add3A_671, %mul3A_677 : vector<16xi1>, vector<16xf32>
      %exp3A_679 = math.exp %select_n3A_678 : vector<16xf32>
      tpu.vector_store_idx %arg11[%add3A_603, %broadcast_in_dim3A_662], %exp3A_679 : memref<64x128xf32, #tpu.memory_space<vmem>>[vector<16xi32>, vector<16xi32>], vector<16xf32>,
      %get3A_680 = arith.index_cast %add3A_401 : i32 to index
      %get3A_681 = arith.constant 48 : index
      %get3A_682 = tpu.vector_load %arg7[%get3A_680, %get3A_681] {strides = array<i32>} : memref<8x64xi32, #tpu.memory_space<vmem>>, vector<16xi32>,
      %mul3A_683 = arith.constant 8 : i32
      %mul3A_684 = vector.broadcast %mul3A_683 : i32 to vector<16xi32>
      %mul3A_685 = arith.muli %get3A_682, %mul3A_684 : vector<16xi32>
      %get3A_686 = arith.index_cast %add3A_401 : i32 to index
      %get3A_687 = arith.constant 48 : index
      %get3A_688 = tpu.vector_load %arg8[%get3A_686, %get3A_687] {strides = array<i32>} : memref<8x64xi32, #tpu.memory_space<vmem>>, vector<16xi32>,
      %mul3A_689 = arith.constant 8 : i32
      %mul3A_690 = vector.broadcast %mul3A_689 : i32 to vector<16xi32>
      %mul3A_691 = arith.muli %get3A_688, %mul3A_690 : vector<16xi32>
      %add3A_692 = arith.constant 48 : i32
      %add3A_693 = vector.broadcast %add3A_692 : i32 to vector<16xi32>
      %add3A_694 = arith.addi %iota3A, %add3A_693 : vector<16xi32>
      %broadcast_in_dim3A_695 = arith.constant 0 : i32
      %broadcast_in_dim3A_696 = vector.broadcast %broadcast_in_dim3A_695 : i32 to vector<16xi32>
      %add3A_697 = arith.constant 0 : i32
      %add3A_698 = vector.broadcast %add3A_697 : i32 to vector<16xi32>
      %add3A_699 = arith.addi %mul3A_685, %add3A_698 : vector<16xi32>
      %gather3A_700 = tpu.vector_load_idx %arg9[%add3A_699] : memref<81920xf32, #tpu.memory_space<vmem>>[vector<16xi32>], vector<16xf32>,
      %add3A_701 = arith.constant 4 : i32
      %add3A_702 = vector.broadcast %add3A_701 : i32 to vector<16xi32>
      %add3A_703 = arith.addi %mul3A_691, %add3A_702 : vector<16xi32>
      %gather3A_704 = tpu.vector_load_idx %arg9[%add3A_703] : memref<81920xf32, #tpu.memory_space<vmem>>[vector<16xi32>], vector<16xf32>,
      %add3A_705 = arith.addf %gather3A_700, %gather3A_704 : vector<16xf32>
      %ge3A_706 = arith.constant 0.000000e+00 : f32
      %ge3A_707 = vector.broadcast %ge3A_706 : f32 to vector<16xf32>
      %ge3A_708 = arith.cmpf oge, %add3A_705, %ge3A_707 : vector<16xf32>
      %mul3A_709 = arith.constant 2.000000e-01 : f32
      %mul3A_710 = vector.broadcast %mul3A_709 : f32 to vector<16xf32>
      %mul3A_711 = arith.mulf %mul3A_710, %add3A_705 : vector<16xf32>
      %select_n3A_712 = arith.select %ge3A_708, %add3A_705, %mul3A_711 : vector<16xi1>, vector<16xf32>
      %exp3A_713 = math.exp %select_n3A_712 : vector<16xf32>
      tpu.vector_store_idx %arg11[%add3A_694, %broadcast_in_dim3A_696], %exp3A_713 : memref<64x128xf32, #tpu.memory_space<vmem>>[vector<16xi32>, vector<16xi32>], vector<16xf32>,
      %broadcast_in_dim3A_714 = arith.constant 1 : i32
      %broadcast_in_dim3A_715 = vector.broadcast %broadcast_in_dim3A_714 : i32 to vector<16xi32>
      %add3A_716 = arith.constant 1 : i32
      %add3A_717 = vector.broadcast %add3A_716 : i32 to vector<16xi32>
      %add3A_718 = arith.addi %mul3A_685, %add3A_717 : vector<16xi32>
      %gather3A_719 = tpu.vector_load_idx %arg9[%add3A_718] : memref<81920xf32, #tpu.memory_space<vmem>>[vector<16xi32>], vector<16xf32>,
      %add3A_720 = arith.constant 5 : i32
      %add3A_721 = vector.broadcast %add3A_720 : i32 to vector<16xi32>
      %add3A_722 = arith.addi %mul3A_691, %add3A_721 : vector<16xi32>
      %gather3A_723 = tpu.vector_load_idx %arg9[%add3A_722] : memref<81920xf32, #tpu.memory_space<vmem>>[vector<16xi32>], vector<16xf32>,
      %add3A_724 = arith.addf %gather3A_719, %gather3A_723 : vector<16xf32>
      %ge3A_725 = arith.constant 0.000000e+00 : f32
      %ge3A_726 = vector.broadcast %ge3A_725 : f32 to vector<16xf32>
      %ge3A_727 = arith.cmpf oge, %add3A_724, %ge3A_726 : vector<16xf32>
      %mul3A_728 = arith.constant 2.000000e-01 : f32
      %mul3A_729 = vector.broadcast %mul3A_728 : f32 to vector<16xf32>
      %mul3A_730 = arith.mulf %mul3A_729, %add3A_724 : vector<16xf32>
      %select_n3A_731 = arith.select %ge3A_727, %add3A_724, %mul3A_730 : vector<16xi1>, vector<16xf32>
      %exp3A_732 = math.exp %select_n3A_731 : vector<16xf32>
      tpu.vector_store_idx %arg11[%add3A_694, %broadcast_in_dim3A_715], %exp3A_732 : memref<64x128xf32, #tpu.memory_space<vmem>>[vector<16xi32>, vector<16xi32>], vector<16xf32>,
      %broadcast_in_dim3A_733 = arith.constant 2 : i32
      %broadcast_in_dim3A_734 = vector.broadcast %broadcast_in_dim3A_733 : i32 to vector<16xi32>
      %add3A_735 = arith.constant 2 : i32
      %add3A_736 = vector.broadcast %add3A_735 : i32 to vector<16xi32>
      %add3A_737 = arith.addi %mul3A_685, %add3A_736 : vector<16xi32>
      %gather3A_738 = tpu.vector_load_idx %arg9[%add3A_737] : memref<81920xf32, #tpu.memory_space<vmem>>[vector<16xi32>], vector<16xf32>,
      %add3A_739 = arith.constant 6 : i32
      %add3A_740 = vector.broadcast %add3A_739 : i32 to vector<16xi32>
      %add3A_741 = arith.addi %mul3A_691, %add3A_740 : vector<16xi32>
      %gather3A_742 = tpu.vector_load_idx %arg9[%add3A_741] : memref<81920xf32, #tpu.memory_space<vmem>>[vector<16xi32>], vector<16xf32>,
      %add3A_743 = arith.addf %gather3A_738, %gather3A_742 : vector<16xf32>
      %ge3A_744 = arith.constant 0.000000e+00 : f32
      %ge3A_745 = vector.broadcast %ge3A_744 : f32 to vector<16xf32>
      %ge3A_746 = arith.cmpf oge, %add3A_743, %ge3A_745 : vector<16xf32>
      %mul3A_747 = arith.constant 2.000000e-01 : f32
      %mul3A_748 = vector.broadcast %mul3A_747 : f32 to vector<16xf32>
      %mul3A_749 = arith.mulf %mul3A_748, %add3A_743 : vector<16xf32>
      %select_n3A_750 = arith.select %ge3A_746, %add3A_743, %mul3A_749 : vector<16xi1>, vector<16xf32>
      %exp3A_751 = math.exp %select_n3A_750 : vector<16xf32>
      tpu.vector_store_idx %arg11[%add3A_694, %broadcast_in_dim3A_734], %exp3A_751 : memref<64x128xf32, #tpu.memory_space<vmem>>[vector<16xi32>, vector<16xi32>], vector<16xf32>,
      %broadcast_in_dim3A_752 = arith.constant 3 : i32
      %broadcast_in_dim3A_753 = vector.broadcast %broadcast_in_dim3A_752 : i32 to vector<16xi32>
      %add3A_754 = arith.constant 3 : i32
      %add3A_755 = vector.broadcast %add3A_754 : i32 to vector<16xi32>
      %add3A_756 = arith.addi %mul3A_685, %add3A_755 : vector<16xi32>
      %gather3A_757 = tpu.vector_load_idx %arg9[%add3A_756] : memref<81920xf32, #tpu.memory_space<vmem>>[vector<16xi32>], vector<16xf32>,
      %add3A_758 = arith.constant 7 : i32
      %add3A_759 = vector.broadcast %add3A_758 : i32 to vector<16xi32>
      %add3A_760 = arith.addi %mul3A_691, %add3A_759 : vector<16xi32>
      %gather3A_761 = tpu.vector_load_idx %arg9[%add3A_760] : memref<81920xf32, #tpu.memory_space<vmem>>[vector<16xi32>], vector<16xf32>,
      %add3A_762 = arith.addf %gather3A_757, %gather3A_761 : vector<16xf32>
      %ge3A_763 = arith.constant 0.000000e+00 : f32
      %ge3A_764 = vector.broadcast %ge3A_763 : f32 to vector<16xf32>
      %ge3A_765 = arith.cmpf oge, %add3A_762, %ge3A_764 : vector<16xf32>
      %mul3A_766 = arith.constant 2.000000e-01 : f32
      %mul3A_767 = vector.broadcast %mul3A_766 : f32 to vector<16xf32>
      %mul3A_768 = arith.mulf %mul3A_767, %add3A_762 : vector<16xf32>
      %select_n3A_769 = arith.select %ge3A_765, %add3A_762, %mul3A_768 : vector<16xi1>, vector<16xf32>
      %exp3A_770 = math.exp %select_n3A_769 : vector<16xf32>
      tpu.vector_store_idx %arg11[%add3A_694, %broadcast_in_dim3A_753], %exp3A_770 : memref<64x128xf32, #tpu.memory_space<vmem>>[vector<16xi32>, vector<16xi32>], vector<16xf32>,
      %dma_start3A_771 = arith.constant 0 : i32
      %dma_start3A_772 = arith.constant 0 : i32
      %dma_start3A_773 = tpu.memref_slice %arg6[%add3A, %add3A_399, %dma_start3A_771, %dma_start3A_772] : memref<32x160x64x128xf32, #tpu.memory_space<hbm>> -> memref<1x1x64x128xf32, #tpu.memory_space<hbm>>
      %dma_start3A_774 = tpu.memref_squeeze %dma_start3A_773 : memref<1x1x64x128xf32, #tpu.memory_space<hbm>> -> memref<64x128xf32, #tpu.memory_space<hbm>>
      %dma_start3A_775 = arith.constant 0 : i32
      %dma_start3A_776 = arith.constant 0 : i32
      %dma_start3A_777 = tpu.memref_slice %arg6[%add3A, %add3A_399, %dma_start3A_775, %dma_start3A_776] : memref<32x160x64x128xf32, #tpu.memory_space<hbm>> -> memref<1x1x64x128xf32, #tpu.memory_space<hbm>>
      %dma_start3A_778 = tpu.memref_squeeze %dma_start3A_777 : memref<1x1x64x128xf32, #tpu.memory_space<hbm>> -> memref<64x128xf32, #tpu.memory_space<hbm>>
      tpu.enqueue_dma source(%arg11 : memref<64x128xf32, #tpu.memory_space<vmem>>) target(%dma_start3A_778 : memref<64x128xf32, #tpu.memory_space<hbm>>) target_semaphore(%arg13 : memref<!tpu.dma_semaphore, #tpu.memory_space<semaphore_mem>>)
      %add3A_779 = arith.constant 2 : i32
      %add3A_780 = arith.addi %mul3A_28, %add3A_779 : i32
      %lt3A = arith.constant 160 : i32
      %lt3A_781 = arith.cmpi slt, %add3A_780, %lt3A : i32
      %convert_element_type3A_782 = arith.extui %lt3A_781 : i1 to i32
      %cond3A_783 = arith.constant 0 : i32
      %cond3A_784 = arith.cmpi ne, %convert_element_type3A_782, %cond3A_783 : i32
      scf.if %cond3A_784 {
        %add3A_785 = arith.constant 2 : i32
        %add3A_786 = arith.addi %mul3A_28, %add3A_785 : i32
        %rem3A_787 = arith.constant 8 : i32
        %rem3A_788 = arith.remsi %add3A_786, %rem3A_787 : i32
        %eq3A = arith.constant 0 : i32
        %eq3A_789 = arith.cmpi eq, %rem3A_788, %eq3A : i32
        %convert_element_type3A_790 = arith.extui %eq3A_789 : i1 to i32
        %cond3A_791 = arith.constant 0 : i32
        %cond3A_792 = arith.cmpi ne, %convert_element_type3A_790, %cond3A_791 : i32
        scf.if %cond3A_792 {
          %add3A_793 = arith.constant 2 : i32
          %add3A_794 = arith.addi %mul3A_28, %add3A_793 : i32
          %multiple_of3A_795 = tpu.assume_multiple %add3A_794, 8 : i32
          "tpu.region"() ({
            %run_scoped3A = tpu.sem_alloc : memref<!tpu.dma_semaphore, #tpu.memory_space<semaphore_mem>>
            %dma_start3A_796 = arith.constant 0 : i32
            %dma_start3A_797 = tpu.memref_slice %arg3[%add3A, %multiple_of3A_795, %dma_start3A_796] : memref<32x160x64xi32, #tpu.memory_space<hbm>> -> memref<1x8x64xi32, #tpu.memory_space<hbm>>
            %dma_start3A_798 = tpu.memref_squeeze %dma_start3A_797 : memref<1x8x64xi32, #tpu.memory_space<hbm>> -> memref<8x64xi32, #tpu.memory_space<hbm>>
            %dma_start3A_799 = arith.constant 0 : i32
            %dma_start3A_800 = tpu.memref_slice %arg3[%add3A, %multiple_of3A_795, %dma_start3A_799] : memref<32x160x64xi32, #tpu.memory_space<hbm>> -> memref<1x8x64xi32, #tpu.memory_space<hbm>>
            %dma_start3A_801 = tpu.memref_squeeze %dma_start3A_800 : memref<1x8x64xi32, #tpu.memory_space<hbm>> -> memref<8x64xi32, #tpu.memory_space<hbm>>
            tpu.enqueue_dma source(%dma_start3A_801 : memref<8x64xi32, #tpu.memory_space<hbm>>) target(%arg7 : memref<8x64xi32, #tpu.memory_space<vmem>>) target_semaphore(%run_scoped3A : memref<!tpu.dma_semaphore, #tpu.memory_space<semaphore_mem>>)
            %dma_wait3A_802 = arith.constant 0 : i32
            %dma_wait3A_803 = tpu.memref_slice %arg3[%add3A, %multiple_of3A_795, %dma_wait3A_802] : memref<32x160x64xi32, #tpu.memory_space<hbm>> -> memref<1x8x64xi32, #tpu.memory_space<hbm>>
            %dma_wait3A_804 = tpu.memref_squeeze %dma_wait3A_803 : memref<1x8x64xi32, #tpu.memory_space<hbm>> -> memref<8x64xi32, #tpu.memory_space<hbm>>
            %dma_wait3A_805 = arith.constant 0 : i32
            %dma_wait3A_806 = tpu.memref_slice %arg3[%add3A, %multiple_of3A_795, %dma_wait3A_805] : memref<32x160x64xi32, #tpu.memory_space<hbm>> -> memref<1x8x64xi32, #tpu.memory_space<hbm>>
            %dma_wait3A_807 = tpu.memref_squeeze %dma_wait3A_806 : memref<1x8x64xi32, #tpu.memory_space<hbm>> -> memref<8x64xi32, #tpu.memory_space<hbm>>
            tpu.wait_dma2 semaphore(%run_scoped3A : memref<!tpu.dma_semaphore, #tpu.memory_space<semaphore_mem>>) src(%dma_wait3A_807 : memref<8x64xi32, #tpu.memory_space<hbm>>) dst(%arg7 : memref<8x64xi32, #tpu.memory_space<vmem>>)
            tpu.yield
          }) : () -> ()
          "tpu.region"() ({
            %run_scoped3A = tpu.sem_alloc : memref<!tpu.dma_semaphore, #tpu.memory_space<semaphore_mem>>
            %dma_start3A_796 = arith.constant 0 : i32
            %dma_start3A_797 = tpu.memref_slice %arg4[%add3A, %multiple_of3A_795, %dma_start3A_796] : memref<32x160x64xi32, #tpu.memory_space<hbm>> -> memref<1x8x64xi32, #tpu.memory_space<hbm>>
            %dma_start3A_798 = tpu.memref_squeeze %dma_start3A_797 : memref<1x8x64xi32, #tpu.memory_space<hbm>> -> memref<8x64xi32, #tpu.memory_space<hbm>>
            %dma_start3A_799 = arith.constant 0 : i32
            %dma_start3A_800 = tpu.memref_slice %arg4[%add3A, %multiple_of3A_795, %dma_start3A_799] : memref<32x160x64xi32, #tpu.memory_space<hbm>> -> memref<1x8x64xi32, #tpu.memory_space<hbm>>
            %dma_start3A_801 = tpu.memref_squeeze %dma_start3A_800 : memref<1x8x64xi32, #tpu.memory_space<hbm>> -> memref<8x64xi32, #tpu.memory_space<hbm>>
            tpu.enqueue_dma source(%dma_start3A_801 : memref<8x64xi32, #tpu.memory_space<hbm>>) target(%arg8 : memref<8x64xi32, #tpu.memory_space<vmem>>) target_semaphore(%run_scoped3A : memref<!tpu.dma_semaphore, #tpu.memory_space<semaphore_mem>>)
            %dma_wait3A_802 = arith.constant 0 : i32
            %dma_wait3A_803 = tpu.memref_slice %arg4[%add3A, %multiple_of3A_795, %dma_wait3A_802] : memref<32x160x64xi32, #tpu.memory_space<hbm>> -> memref<1x8x64xi32, #tpu.memory_space<hbm>>
            %dma_wait3A_804 = tpu.memref_squeeze %dma_wait3A_803 : memref<1x8x64xi32, #tpu.memory_space<hbm>> -> memref<8x64xi32, #tpu.memory_space<hbm>>
            %dma_wait3A_805 = arith.constant 0 : i32
            %dma_wait3A_806 = tpu.memref_slice %arg4[%add3A, %multiple_of3A_795, %dma_wait3A_805] : memref<32x160x64xi32, #tpu.memory_space<hbm>> -> memref<1x8x64xi32, #tpu.memory_space<hbm>>
            %dma_wait3A_807 = tpu.memref_squeeze %dma_wait3A_806 : memref<1x8x64xi32, #tpu.memory_space<hbm>> -> memref<8x64xi32, #tpu.memory_space<hbm>>
            tpu.wait_dma2 semaphore(%run_scoped3A : memref<!tpu.dma_semaphore, #tpu.memory_space<semaphore_mem>>) src(%dma_wait3A_807 : memref<8x64xi32, #tpu.memory_space<hbm>>) dst(%arg8 : memref<8x64xi32, #tpu.memory_space<vmem>>)
            tpu.yield
          }) : () -> ()
        } else {
        }
      } else {
      }
    }
    %scan3A_6 = arith.constant 80 : i32
    %dma_wait3A = arith.constant 0 : i32
    %dma_wait3A_7 = arith.constant 0 : i32
    %dma_wait3A_8 = arith.constant 0 : i32
    %dma_wait3A_9 = arith.constant 0 : i32
    %dma_wait3A_10 = tpu.memref_slice %arg6[%dma_wait3A, %dma_wait3A_7, %dma_wait3A_8, %dma_wait3A_9] : memref<32x160x64x128xf32, #tpu.memory_space<hbm>> -> memref<1x1x64x128xf32, #tpu.memory_space<hbm>>
    %dma_wait3A_11 = tpu.memref_squeeze %dma_wait3A_10 : memref<1x1x64x128xf32, #tpu.memory_space<hbm>> -> memref<64x128xf32, #tpu.memory_space<hbm>>
    %dma_wait3A_12 = arith.constant 0 : i32
    %dma_wait3A_13 = arith.constant 0 : i32
    %dma_wait3A_14 = tpu.memref_slice %arg6[%dma_wait3A, %dma_wait3A_7, %dma_wait3A_12, %dma_wait3A_13] : memref<32x160x64x128xf32, #tpu.memory_space<hbm>> -> memref<1x1x64x128xf32, #tpu.memory_space<hbm>>
    %dma_wait3A_15 = tpu.memref_squeeze %dma_wait3A_14 : memref<1x1x64x128xf32, #tpu.memory_space<hbm>> -> memref<64x128xf32, #tpu.memory_space<hbm>>
    tpu.wait_dma2 semaphore(%arg12 : memref<!tpu.dma_semaphore, #tpu.memory_space<semaphore_mem>>) src(%arg10 : memref<64x128xf32, #tpu.memory_space<vmem>>) dst(%dma_wait3A_15 : memref<64x128xf32, #tpu.memory_space<hbm>>)
    %dma_wait3A_16 = arith.constant 0 : i32
    %dma_wait3A_17 = arith.constant 0 : i32
    %dma_wait3A_18 = arith.constant 0 : i32
    %dma_wait3A_19 = arith.constant 0 : i32
    %dma_wait3A_20 = tpu.memref_slice %arg6[%dma_wait3A_16, %dma_wait3A_17, %dma_wait3A_18, %dma_wait3A_19] : memref<32x160x64x128xf32, #tpu.memory_space<hbm>> -> memref<1x1x64x128xf32, #tpu.memory_space<hbm>>
    %dma_wait3A_21 = tpu.memref_squeeze %dma_wait3A_20 : memref<1x1x64x128xf32, #tpu.memory_space<hbm>> -> memref<64x128xf32, #tpu.memory_space<hbm>>
    %dma_wait3A_22 = arith.constant 0 : i32
    %dma_wait3A_23 = arith.constant 0 : i32
    %dma_wait3A_24 = tpu.memref_slice %arg6[%dma_wait3A_16, %dma_wait3A_17, %dma_wait3A_22, %dma_wait3A_23] : memref<32x160x64x128xf32, #tpu.memory_space<hbm>> -> memref<1x1x64x128xf32, #tpu.memory_space<hbm>>
    %dma_wait3A_25 = tpu.memref_squeeze %dma_wait3A_24 : memref<1x1x64x128xf32, #tpu.memory_space<hbm>> -> memref<64x128xf32, #tpu.memory_space<hbm>>
    tpu.wait_dma2 semaphore(%arg13 : memref<!tpu.dma_semaphore, #tpu.memory_space<semaphore_mem>>) src(%arg11 : memref<64x128xf32, #tpu.memory_space<vmem>>) dst(%dma_wait3A_25 : memref<64x128xf32, #tpu.memory_space<hbm>>)
    return
  }
}

#map = affine_map<(d0, d1) -> (0, 0, 0)>
#map1 = affine_map<(d0, d1) -> (0, 0)>
module attributes {stable_mosaic.version = 14 : i64} {
  func.func @_deg_kernel(%arg0: i32, %arg1: i32, %arg2: memref<32x80x128xi32, #tpu.memory_space<hbm>>, %arg3: memref<128x128xf32, #tpu.memory_space<hbm>>, %arg4: memref<10240x128xf32, #tpu.memory_space<hbm>>, %arg5: memref<2x10240x128xf32, #tpu.memory_space<hbm>>, %arg6: memref<80x128xi32, #tpu.memory_space<vmem>>, %arg7: memref<128x128xf32, #tpu.memory_space<vmem>>, %arg8: memref<10240x128xf32, #tpu.memory_space<vmem_shared>>, %arg9: memref<!tpu.dma_semaphore, #tpu.memory_space<semaphore_mem>>) attributes {dimension_semantics = [#tpu.dimension_semantics<core_parallel>, #tpu.dimension_semantics<subcore_parallel>], iteration_bounds = array<i64: 2, 16>, scalar_prefetch = 0 : i64, scratch_operands = 4 : i64, tpu.core_type = #tpu.core_type<sc_vector_subcore>, window_params = [{transform_indices = #map}, {transform_indices = #map1}, {transform_indices = #map1}, {transform_indices = #map}]} {
    %mul3A = arith.constant 16 : i32
    %mul3A_0 = arith.muli %arg0, %mul3A : i32
    %add3A = arith.addi %mul3A_0, %arg1 : i32
    "tpu.region"() ({
      %run_scoped3A = tpu.sem_alloc : memref<!tpu.dma_semaphore, #tpu.memory_space<semaphore_mem>>
      %dma_start3A_22 = arith.constant 0 : i32
      %dma_start3A_23 = arith.constant 0 : i32
      %dma_start3A_24 = tpu.memref_slice %arg2[%add3A, %dma_start3A_22, %dma_start3A_23] : memref<32x80x128xi32, #tpu.memory_space<hbm>> -> memref<1x80x128xi32, #tpu.memory_space<hbm>>
      %dma_start3A_25 = tpu.memref_squeeze %dma_start3A_24 : memref<1x80x128xi32, #tpu.memory_space<hbm>> -> memref<80x128xi32, #tpu.memory_space<hbm>>
      %dma_start3A_26 = arith.constant 0 : i32
      %dma_start3A_27 = arith.constant 0 : i32
      %dma_start3A_28 = tpu.memref_slice %arg2[%add3A, %dma_start3A_26, %dma_start3A_27] : memref<32x80x128xi32, #tpu.memory_space<hbm>> -> memref<1x80x128xi32, #tpu.memory_space<hbm>>
      %dma_start3A_29 = tpu.memref_squeeze %dma_start3A_28 : memref<1x80x128xi32, #tpu.memory_space<hbm>> -> memref<80x128xi32, #tpu.memory_space<hbm>>
      tpu.enqueue_dma source(%dma_start3A_29 : memref<80x128xi32, #tpu.memory_space<hbm>>) target(%arg6 : memref<80x128xi32, #tpu.memory_space<vmem>>) target_semaphore(%run_scoped3A : memref<!tpu.dma_semaphore, #tpu.memory_space<semaphore_mem>>)
      %dma_wait3A = arith.constant 0 : i32
      %dma_wait3A_30 = arith.constant 0 : i32
      %dma_wait3A_31 = tpu.memref_slice %arg2[%add3A, %dma_wait3A, %dma_wait3A_30] : memref<32x80x128xi32, #tpu.memory_space<hbm>> -> memref<1x80x128xi32, #tpu.memory_space<hbm>>
      %dma_wait3A_32 = tpu.memref_squeeze %dma_wait3A_31 : memref<1x80x128xi32, #tpu.memory_space<hbm>> -> memref<80x128xi32, #tpu.memory_space<hbm>>
      %dma_wait3A_33 = arith.constant 0 : i32
      %dma_wait3A_34 = arith.constant 0 : i32
      %dma_wait3A_35 = tpu.memref_slice %arg2[%add3A, %dma_wait3A_33, %dma_wait3A_34] : memref<32x80x128xi32, #tpu.memory_space<hbm>> -> memref<1x80x128xi32, #tpu.memory_space<hbm>>
      %dma_wait3A_36 = tpu.memref_squeeze %dma_wait3A_35 : memref<1x80x128xi32, #tpu.memory_space<hbm>> -> memref<80x128xi32, #tpu.memory_space<hbm>>
      tpu.wait_dma2 semaphore(%run_scoped3A : memref<!tpu.dma_semaphore, #tpu.memory_space<semaphore_mem>>) src(%dma_wait3A_36 : memref<80x128xi32, #tpu.memory_space<hbm>>) dst(%arg6 : memref<80x128xi32, #tpu.memory_space<vmem>>)
      tpu.yield
    }) : () -> ()
    "tpu.region"() ({
      %run_scoped3A = tpu.sem_alloc : memref<!tpu.dma_semaphore, #tpu.memory_space<semaphore_mem>>
      tpu.enqueue_dma source(%arg3 : memref<128x128xf32, #tpu.memory_space<hbm>>) target(%arg7 : memref<128x128xf32, #tpu.memory_space<vmem>>) target_semaphore(%run_scoped3A : memref<!tpu.dma_semaphore, #tpu.memory_space<semaphore_mem>>)
      tpu.wait_dma2 semaphore(%run_scoped3A : memref<!tpu.dma_semaphore, #tpu.memory_space<semaphore_mem>>) src(%arg3 : memref<128x128xf32, #tpu.memory_space<hbm>>) dst(%arg7 : memref<128x128xf32, #tpu.memory_space<vmem>>)
      tpu.yield
    }) : () -> ()
    %mul3A_1 = arith.constant 640 : i32
    %mul3A_2 = arith.muli %arg1, %mul3A_1 : i32
    "tpu.region"() ({
      %run_scoped3A = tpu.sem_alloc : memref<!tpu.dma_semaphore, #tpu.memory_space<semaphore_mem>>
      %dma_start3A_22 = arith.constant 0 : i32
      %dma_start3A_23 = tpu.memref_slice %arg8[%mul3A_2, %dma_start3A_22] : memref<10240x128xf32, #tpu.memory_space<vmem_shared>> -> memref<640x128xf32, #tpu.memory_space<vmem_shared>>
      %dma_start3A_24 = arith.constant 0 : i32
      %dma_start3A_25 = tpu.memref_slice %arg4[%mul3A_2, %dma_start3A_24] : memref<10240x128xf32, #tpu.memory_space<hbm>> -> memref<640x128xf32, #tpu.memory_space<hbm>>
      tpu.enqueue_dma source(%dma_start3A_25 : memref<640x128xf32, #tpu.memory_space<hbm>>) target(%dma_start3A_23 : memref<640x128xf32, #tpu.memory_space<vmem_shared>>) target_semaphore(%run_scoped3A : memref<!tpu.dma_semaphore, #tpu.memory_space<semaphore_mem>>)
      %dma_wait3A = arith.constant 0 : i32
      %dma_wait3A_26 = tpu.memref_slice %arg8[%mul3A_2, %dma_wait3A] : memref<10240x128xf32, #tpu.memory_space<vmem_shared>> -> memref<640x128xf32, #tpu.memory_space<vmem_shared>>
      %dma_wait3A_27 = arith.constant 0 : i32
      %dma_wait3A_28 = tpu.memref_slice %arg4[%mul3A_2, %dma_wait3A_27] : memref<10240x128xf32, #tpu.memory_space<hbm>> -> memref<640x128xf32, #tpu.memory_space<hbm>>
      tpu.wait_dma2 semaphore(%run_scoped3A : memref<!tpu.dma_semaphore, #tpu.memory_space<semaphore_mem>>) src(%dma_wait3A_28 : memref<640x128xf32, #tpu.memory_space<hbm>>) dst(%dma_wait3A_26 : memref<640x128xf32, #tpu.memory_space<vmem_shared>>)
      tpu.yield
    }) : () -> ()
    %barrier3A = arith.constant 0 : index
    tpu.barrier barrier_id(%barrier3A)
    %dma_start3A = arith.constant 0 : i32
    %dma_start3A_3 = arith.constant 0 : i32
    %dma_start3A_4 = tpu.memref_slice %arg6[%dma_start3A, %dma_start3A_3] : memref<80x128xi32, #tpu.memory_space<vmem>> -> memref<1x128xi32, #tpu.memory_space<vmem>>
    %dma_start3A_5 = tpu.memref_squeeze %dma_start3A_4 : memref<1x128xi32, #tpu.memory_space<vmem>> -> memref<128xi32, #tpu.memory_space<vmem>>
    %dma_start3A_6 = arith.constant 0 : i32
    %dma_start3A_7 = arith.constant 0 : i32
    %dma_start3A_8 = tpu.memref_slice %arg8[%dma_start3A_6, %dma_start3A_7] : memref<10240x128xf32, #tpu.memory_space<vmem_shared>> -> memref<10240x128xf32, #tpu.memory_space<vmem_shared>>
    tpu.enqueue_indirect_dma source(%arg7 : memref<128x128xf32, #tpu.memory_space<vmem>>) target(%dma_start3A_8 : memref<10240x128xf32, #tpu.memory_space<vmem_shared>>) offsets(%dma_start3A_5 : memref<128xi32, #tpu.memory_space<vmem>>) semaphore(%arg9 : memref<!tpu.dma_semaphore, #tpu.memory_space<semaphore_mem>>) {add = true}
    %dma_start3A_9 = arith.constant 1 : i32
    %dma_start3A_10 = arith.constant 0 : i32
    %dma_start3A_11 = tpu.memref_slice %arg6[%dma_start3A_9, %dma_start3A_10] : memref<80x128xi32, #tpu.memory_space<vmem>> -> memref<1x128xi32, #tpu.memory_space<vmem>>
    %dma_start3A_12 = tpu.memref_squeeze %dma_start3A_11 : memref<1x128xi32, #tpu.memory_space<vmem>> -> memref<128xi32, #tpu.memory_space<vmem>>
    %dma_start3A_13 = arith.constant 0 : i32
    %dma_start3A_14 = arith.constant 0 : i32
    %dma_start3A_15 = tpu.memref_slice %arg8[%dma_start3A_13, %dma_start3A_14] : memref<10240x128xf32, #tpu.memory_space<vmem_shared>> -> memref<10240x128xf32, #tpu.memory_space<vmem_shared>>
    tpu.enqueue_indirect_dma source(%arg7 : memref<128x128xf32, #tpu.memory_space<vmem>>) target(%dma_start3A_15 : memref<10240x128xf32, #tpu.memory_space<vmem_shared>>) offsets(%dma_start3A_12 : memref<128xi32, #tpu.memory_space<vmem>>) semaphore(%arg9 : memref<!tpu.dma_semaphore, #tpu.memory_space<semaphore_mem>>) {add = true}
    %scan3A = arith.constant 0 : i32
    %scan3A_16 = arith.constant 0 : i32
    %scan3A_17 = arith.constant 80 : i32
    %scan3A_18 = arith.addi %scan3A_16, %scan3A_17 : i32
    %scan3A_19 = arith.constant 1 : i32
    scf.for %scan3A_22 = %scan3A_16 to %scan3A_18 step %scan3A_19  : i32 {
      %add3A_23 = arith.constant 2 : i32
      %add3A_24 = arith.addi %scan3A_22, %add3A_23 : i32
      %lt3A = arith.constant 80 : i32
      %lt3A_25 = arith.cmpi slt, %add3A_24, %lt3A : i32
      %convert_element_type3A = arith.extui %lt3A_25 : i1 to i32
      %cond3A = arith.constant 0 : i32
      %cond3A_26 = arith.cmpi ne, %convert_element_type3A, %cond3A : i32
      scf.if %cond3A_26 {
        %add3A_33 = arith.constant 2 : i32
        %add3A_34 = arith.addi %scan3A_22, %add3A_33 : i32
        %dma_start3A_35 = arith.constant 0 : i32
        %dma_start3A_36 = tpu.memref_slice %arg6[%add3A_34, %dma_start3A_35] : memref<80x128xi32, #tpu.memory_space<vmem>> -> memref<1x128xi32, #tpu.memory_space<vmem>>
        %dma_start3A_37 = tpu.memref_squeeze %dma_start3A_36 : memref<1x128xi32, #tpu.memory_space<vmem>> -> memref<128xi32, #tpu.memory_space<vmem>>
        %dma_start3A_38 = arith.constant 0 : i32
        %dma_start3A_39 = arith.constant 0 : i32
        %dma_start3A_40 = tpu.memref_slice %arg8[%dma_start3A_38, %dma_start3A_39] : memref<10240x128xf32, #tpu.memory_space<vmem_shared>> -> memref<10240x128xf32, #tpu.memory_space<vmem_shared>>
        tpu.enqueue_indirect_dma source(%arg7 : memref<128x128xf32, #tpu.memory_space<vmem>>) target(%dma_start3A_40 : memref<10240x128xf32, #tpu.memory_space<vmem_shared>>) offsets(%dma_start3A_37 : memref<128xi32, #tpu.memory_space<vmem>>) semaphore(%arg9 : memref<!tpu.dma_semaphore, #tpu.memory_space<semaphore_mem>>) {add = true}
      } else {
      }
      %dma_wait3A = arith.constant 0 : i32
      %dma_wait3A_27 = arith.constant 0 : i32
      %dma_wait3A_28 = tpu.memref_slice %arg6[%dma_wait3A, %dma_wait3A_27] : memref<80x128xi32, #tpu.memory_space<vmem>> -> memref<1x128xi32, #tpu.memory_space<vmem>>
      %dma_wait3A_29 = tpu.memref_squeeze %dma_wait3A_28 : memref<1x128xi32, #tpu.memory_space<vmem>> -> memref<128xi32, #tpu.memory_space<vmem>>
      %dma_wait3A_30 = arith.constant 0 : i32
      %dma_wait3A_31 = arith.constant 0 : i32
      %dma_wait3A_32 = tpu.memref_slice %arg8[%dma_wait3A_30, %dma_wait3A_31] : memref<10240x128xf32, #tpu.memory_space<vmem_shared>> -> memref<10240x128xf32, #tpu.memory_space<vmem_shared>>
      tpu.wait_indirect_dma semaphore(%arg9 : memref<!tpu.dma_semaphore, #tpu.memory_space<semaphore_mem>>) src(%arg7 : memref<128x128xf32, #tpu.memory_space<vmem>>) dst(%dma_wait3A_32 : memref<10240x128xf32, #tpu.memory_space<vmem_shared>>)
    }
    %scan3A_20 = arith.constant 80 : i32
    %barrier3A_21 = arith.constant 0 : index
    tpu.barrier barrier_id(%barrier3A_21)
    "tpu.region"() ({
      %run_scoped3A = tpu.sem_alloc : memref<!tpu.dma_semaphore, #tpu.memory_space<semaphore_mem>>
      %dma_start3A_22 = arith.constant 0 : i32
      %dma_start3A_23 = tpu.memref_slice %arg5[%arg0, %mul3A_2, %dma_start3A_22] : memref<2x10240x128xf32, #tpu.memory_space<hbm>> -> memref<1x640x128xf32, #tpu.memory_space<hbm>>
      %dma_start3A_24 = tpu.memref_squeeze %dma_start3A_23 : memref<1x640x128xf32, #tpu.memory_space<hbm>> -> memref<640x128xf32, #tpu.memory_space<hbm>>
      %dma_start3A_25 = arith.constant 0 : i32
      %dma_start3A_26 = tpu.memref_slice %arg8[%mul3A_2, %dma_start3A_25] : memref<10240x128xf32, #tpu.memory_space<vmem_shared>> -> memref<640x128xf32, #tpu.memory_space<vmem_shared>>
      tpu.enqueue_dma source(%dma_start3A_26 : memref<640x128xf32, #tpu.memory_space<vmem_shared>>) target(%dma_start3A_24 : memref<640x128xf32, #tpu.memory_space<hbm>>) target_semaphore(%run_scoped3A : memref<!tpu.dma_semaphore, #tpu.memory_space<semaphore_mem>>)
      %dma_wait3A = arith.constant 0 : i32
      %dma_wait3A_27 = tpu.memref_slice %arg5[%arg0, %mul3A_2, %dma_wait3A] : memref<2x10240x128xf32, #tpu.memory_space<hbm>> -> memref<1x640x128xf32, #tpu.memory_space<hbm>>
      %dma_wait3A_28 = tpu.memref_squeeze %dma_wait3A_27 : memref<1x640x128xf32, #tpu.memory_space<hbm>> -> memref<640x128xf32, #tpu.memory_space<hbm>>
      %dma_wait3A_29 = arith.constant 0 : i32
      %dma_wait3A_30 = tpu.memref_slice %arg8[%mul3A_2, %dma_wait3A_29] : memref<10240x128xf32, #tpu.memory_space<vmem_shared>> -> memref<640x128xf32, #tpu.memory_space<vmem_shared>>
      tpu.wait_dma2 semaphore(%run_scoped3A : memref<!tpu.dma_semaphore, #tpu.memory_space<semaphore_mem>>) src(%dma_wait3A_30 : memref<640x128xf32, #tpu.memory_space<vmem_shared>>) dst(%dma_wait3A_28 : memref<640x128xf32, #tpu.memory_space<hbm>>)
      tpu.yield
    }) : () -> ()
    return
  }
}

#map = affine_map<(d0, d1) -> (0, 0)>
#map1 = affine_map<(d0, d1) -> (0, 0, 0, 0)>
#map2 = affine_map<(d0, d1) -> (0, 0, 0)>
module attributes {stable_mosaic.version = 14 : i64} {
  func.func @_gat_agg_kernel(%arg0: i32, %arg1: i32, %arg2: memref<10240x128xf32, #tpu.memory_space<hbm>>, %arg3: memref<32x160x64x128xf32, #tpu.memory_space<hbm>>, %arg4: memref<32x160x64xi32, #tpu.memory_space<hbm>>, %arg5: memref<32x160x64xi32, #tpu.memory_space<hbm>>, %arg6: memref<10240x128xf32, #tpu.memory_space<hbm>>, %arg7: memref<2x10240x128xf32, #tpu.memory_space<hbm>>, %arg8: memref<8x64xi32, #tpu.memory_space<vmem>>, %arg9: memref<8x64xi32, #tpu.memory_space<vmem>>, %arg10: memref<64x128xf32, #tpu.memory_space<vmem>>, %arg11: memref<64x128xf32, #tpu.memory_space<vmem>>, %arg12: memref<64x128xf32, #tpu.memory_space<vmem>>, %arg13: memref<64x128xf32, #tpu.memory_space<vmem>>, %arg14: memref<10240x128xf32, #tpu.memory_space<vmem_shared>>, %arg15: memref<!tpu.dma_semaphore, #tpu.memory_space<semaphore_mem>>, %arg16: memref<!tpu.dma_semaphore, #tpu.memory_space<semaphore_mem>>) attributes {dimension_semantics = [#tpu.dimension_semantics<core_parallel>, #tpu.dimension_semantics<subcore_parallel>], iteration_bounds = array<i64: 2, 16>, scalar_prefetch = 0 : i64, scratch_operands = 9 : i64, tpu.core_type = #tpu.core_type<sc_vector_subcore>, window_params = [{transform_indices = #map}, {transform_indices = #map1}, {transform_indices = #map2}, {transform_indices = #map2}, {transform_indices = #map}, {transform_indices = #map2}]} {
    %mul3A = arith.constant 16 : i32
    %mul3A_0 = arith.muli %arg0, %mul3A : i32
    %add3A = arith.addi %mul3A_0, %arg1 : i32
    %mul3A_1 = arith.constant 640 : i32
    %mul3A_2 = arith.muli %arg1, %mul3A_1 : i32
    "tpu.region"() ({
      %run_scoped3A = tpu.sem_alloc : memref<!tpu.dma_semaphore, #tpu.memory_space<semaphore_mem>>
      %dma_start3A_41 = arith.constant 0 : i32
      %dma_start3A_42 = tpu.memref_slice %arg14[%mul3A_2, %dma_start3A_41] : memref<10240x128xf32, #tpu.memory_space<vmem_shared>> -> memref<640x128xf32, #tpu.memory_space<vmem_shared>>
      %dma_start3A_43 = arith.constant 0 : i32
      %dma_start3A_44 = tpu.memref_slice %arg6[%mul3A_2, %dma_start3A_43] : memref<10240x128xf32, #tpu.memory_space<hbm>> -> memref<640x128xf32, #tpu.memory_space<hbm>>
      tpu.enqueue_dma source(%dma_start3A_44 : memref<640x128xf32, #tpu.memory_space<hbm>>) target(%dma_start3A_42 : memref<640x128xf32, #tpu.memory_space<vmem_shared>>) target_semaphore(%run_scoped3A : memref<!tpu.dma_semaphore, #tpu.memory_space<semaphore_mem>>)
      %dma_wait3A = arith.constant 0 : i32
      %dma_wait3A_45 = tpu.memref_slice %arg14[%mul3A_2, %dma_wait3A] : memref<10240x128xf32, #tpu.memory_space<vmem_shared>> -> memref<640x128xf32, #tpu.memory_space<vmem_shared>>
      %dma_wait3A_46 = arith.constant 0 : i32
      %dma_wait3A_47 = tpu.memref_slice %arg6[%mul3A_2, %dma_wait3A_46] : memref<10240x128xf32, #tpu.memory_space<hbm>> -> memref<640x128xf32, #tpu.memory_space<hbm>>
      tpu.wait_dma2 semaphore(%run_scoped3A : memref<!tpu.dma_semaphore, #tpu.memory_space<semaphore_mem>>) src(%dma_wait3A_47 : memref<640x128xf32, #tpu.memory_space<hbm>>) dst(%dma_wait3A_45 : memref<640x128xf32, #tpu.memory_space<vmem_shared>>)
      tpu.yield
    }) : () -> ()
    %barrier3A = arith.constant 0 : index
    tpu.barrier barrier_id(%barrier3A)
    %multiple_of3A = arith.constant 0 : i32
    %multiple_of3A_3 = tpu.assume_multiple %multiple_of3A, 8 : i32
    "tpu.region"() ({
      %run_scoped3A = tpu.sem_alloc : memref<!tpu.dma_semaphore, #tpu.memory_space<semaphore_mem>>
      %dma_start3A_41 = arith.constant 0 : i32
      %dma_start3A_42 = tpu.memref_slice %arg4[%add3A, %multiple_of3A_3, %dma_start3A_41] : memref<32x160x64xi32, #tpu.memory_space<hbm>> -> memref<1x8x64xi32, #tpu.memory_space<hbm>>
      %dma_start3A_43 = tpu.memref_squeeze %dma_start3A_42 : memref<1x8x64xi32, #tpu.memory_space<hbm>> -> memref<8x64xi32, #tpu.memory_space<hbm>>
      %dma_start3A_44 = arith.constant 0 : i32
      %dma_start3A_45 = tpu.memref_slice %arg4[%add3A, %multiple_of3A_3, %dma_start3A_44] : memref<32x160x64xi32, #tpu.memory_space<hbm>> -> memref<1x8x64xi32, #tpu.memory_space<hbm>>
      %dma_start3A_46 = tpu.memref_squeeze %dma_start3A_45 : memref<1x8x64xi32, #tpu.memory_space<hbm>> -> memref<8x64xi32, #tpu.memory_space<hbm>>
      tpu.enqueue_dma source(%dma_start3A_46 : memref<8x64xi32, #tpu.memory_space<hbm>>) target(%arg8 : memref<8x64xi32, #tpu.memory_space<vmem>>) target_semaphore(%run_scoped3A : memref<!tpu.dma_semaphore, #tpu.memory_space<semaphore_mem>>)
      %dma_wait3A = arith.constant 0 : i32
      %dma_wait3A_47 = tpu.memref_slice %arg4[%add3A, %multiple_of3A_3, %dma_wait3A] : memref<32x160x64xi32, #tpu.memory_space<hbm>> -> memref<1x8x64xi32, #tpu.memory_space<hbm>>
      %dma_wait3A_48 = tpu.memref_squeeze %dma_wait3A_47 : memref<1x8x64xi32, #tpu.memory_space<hbm>> -> memref<8x64xi32, #tpu.memory_space<hbm>>
      %dma_wait3A_49 = arith.constant 0 : i32
      %dma_wait3A_50 = tpu.memref_slice %arg4[%add3A, %multiple_of3A_3, %dma_wait3A_49] : memref<32x160x64xi32, #tpu.memory_space<hbm>> -> memref<1x8x64xi32, #tpu.memory_space<hbm>>
      %dma_wait3A_51 = tpu.memref_squeeze %dma_wait3A_50 : memref<1x8x64xi32, #tpu.memory_space<hbm>> -> memref<8x64xi32, #tpu.memory_space<hbm>>
      tpu.wait_dma2 semaphore(%run_scoped3A : memref<!tpu.dma_semaphore, #tpu.memory_space<semaphore_mem>>) src(%dma_wait3A_51 : memref<8x64xi32, #tpu.memory_space<hbm>>) dst(%arg8 : memref<8x64xi32, #tpu.memory_space<vmem>>)
      tpu.yield
    }) : () -> ()
    "tpu.region"() ({
      %run_scoped3A = tpu.sem_alloc : memref<!tpu.dma_semaphore, #tpu.memory_space<semaphore_mem>>
      %dma_start3A_41 = arith.constant 0 : i32
      %dma_start3A_42 = tpu.memref_slice %arg5[%add3A, %multiple_of3A_3, %dma_start3A_41] : memref<32x160x64xi32, #tpu.memory_space<hbm>> -> memref<1x8x64xi32, #tpu.memory_space<hbm>>
      %dma_start3A_43 = tpu.memref_squeeze %dma_start3A_42 : memref<1x8x64xi32, #tpu.memory_space<hbm>> -> memref<8x64xi32, #tpu.memory_space<hbm>>
      %dma_start3A_44 = arith.constant 0 : i32
      %dma_start3A_45 = tpu.memref_slice %arg5[%add3A, %multiple_of3A_3, %dma_start3A_44] : memref<32x160x64xi32, #tpu.memory_space<hbm>> -> memref<1x8x64xi32, #tpu.memory_space<hbm>>
      %dma_start3A_46 = tpu.memref_squeeze %dma_start3A_45 : memref<1x8x64xi32, #tpu.memory_space<hbm>> -> memref<8x64xi32, #tpu.memory_space<hbm>>
      tpu.enqueue_dma source(%dma_start3A_46 : memref<8x64xi32, #tpu.memory_space<hbm>>) target(%arg9 : memref<8x64xi32, #tpu.memory_space<vmem>>) target_semaphore(%run_scoped3A : memref<!tpu.dma_semaphore, #tpu.memory_space<semaphore_mem>>)
      %dma_wait3A = arith.constant 0 : i32
      %dma_wait3A_47 = tpu.memref_slice %arg5[%add3A, %multiple_of3A_3, %dma_wait3A] : memref<32x160x64xi32, #tpu.memory_space<hbm>> -> memref<1x8x64xi32, #tpu.memory_space<hbm>>
      %dma_wait3A_48 = tpu.memref_squeeze %dma_wait3A_47 : memref<1x8x64xi32, #tpu.memory_space<hbm>> -> memref<8x64xi32, #tpu.memory_space<hbm>>
      %dma_wait3A_49 = arith.constant 0 : i32
      %dma_wait3A_50 = tpu.memref_slice %arg5[%add3A, %multiple_of3A_3, %dma_wait3A_49] : memref<32x160x64xi32, #tpu.memory_space<hbm>> -> memref<1x8x64xi32, #tpu.memory_space<hbm>>
      %dma_wait3A_51 = tpu.memref_squeeze %dma_wait3A_50 : memref<1x8x64xi32, #tpu.memory_space<hbm>> -> memref<8x64xi32, #tpu.memory_space<hbm>>
      tpu.wait_dma2 semaphore(%run_scoped3A : memref<!tpu.dma_semaphore, #tpu.memory_space<semaphore_mem>>) src(%dma_wait3A_51 : memref<8x64xi32, #tpu.memory_space<hbm>>) dst(%arg9 : memref<8x64xi32, #tpu.memory_space<vmem>>)
      tpu.yield
    }) : () -> ()
    %dma_start3A = arith.constant 0 : i32
    %dma_start3A_4 = arith.constant 0 : i32
    %dma_start3A_5 = tpu.memref_slice %arg8[%dma_start3A, %dma_start3A_4] : memref<8x64xi32, #tpu.memory_space<vmem>> -> memref<1x64xi32, #tpu.memory_space<vmem>>
    %dma_start3A_6 = tpu.memref_squeeze %dma_start3A_5 : memref<1x64xi32, #tpu.memory_space<vmem>> -> memref<64xi32, #tpu.memory_space<vmem>>
    %dma_start3A_7 = arith.constant 0 : i32
    %dma_start3A_8 = arith.constant 0 : i32
    %dma_start3A_9 = tpu.memref_slice %arg2[%dma_start3A_7, %dma_start3A_8] : memref<10240x128xf32, #tpu.memory_space<hbm>> -> memref<10240x128xf32, #tpu.memory_space<hbm>>
    tpu.enqueue_indirect_dma source(%dma_start3A_9 : memref<10240x128xf32, #tpu.memory_space<hbm>>) target(%arg10 : memref<64x128xf32, #tpu.memory_space<vmem>>) offsets(%dma_start3A_6 : memref<64xi32, #tpu.memory_space<vmem>>) semaphore(%arg15 : memref<!tpu.dma_semaphore, #tpu.memory_space<semaphore_mem>>)
    %dma_start3A_10 = arith.constant 0 : i32
    %dma_start3A_11 = arith.constant 0 : i32
    %dma_start3A_12 = arith.constant 0 : i32
    %dma_start3A_13 = tpu.memref_slice %arg3[%add3A, %dma_start3A_10, %dma_start3A_11, %dma_start3A_12] : memref<32x160x64x128xf32, #tpu.memory_space<hbm>> -> memref<1x1x64x128xf32, #tpu.memory_space<hbm>>
    %dma_start3A_14 = tpu.memref_squeeze %dma_start3A_13 : memref<1x1x64x128xf32, #tpu.memory_space<hbm>> -> memref<64x128xf32, #tpu.memory_space<hbm>>
    %dma_start3A_15 = arith.constant 0 : i32
    %dma_start3A_16 = arith.constant 0 : i32
    %dma_start3A_17 = tpu.memref_slice %arg3[%add3A, %dma_start3A_10, %dma_start3A_15, %dma_start3A_16] : memref<32x160x64x128xf32, #tpu.memory_space<hbm>> -> memref<1x1x64x128xf32, #tpu.memory_space<hbm>>
    %dma_start3A_18 = tpu.memref_squeeze %dma_start3A_17 : memref<1x1x64x128xf32, #tpu.memory_space<hbm>> -> memref<64x128xf32, #tpu.memory_space<hbm>>
    tpu.enqueue_dma source(%dma_start3A_18 : memref<64x128xf32, #tpu.memory_space<hbm>>) target(%arg12 : memref<64x128xf32, #tpu.memory_space<vmem>>) target_semaphore(%arg15 : memref<!tpu.dma_semaphore, #tpu.memory_space<semaphore_mem>>)
    %dma_start3A_19 = arith.constant 1 : i32
    %dma_start3A_20 = arith.constant 0 : i32
    %dma_start3A_21 = tpu.memref_slice %arg8[%dma_start3A_19, %dma_start3A_20] : memref<8x64xi32, #tpu.memory_space<vmem>> -> memref<1x64xi32, #tpu.memory_space<vmem>>
    %dma_start3A_22 = tpu.memref_squeeze %dma_start3A_21 : memref<1x64xi32, #tpu.memory_space<vmem>> -> memref<64xi32, #tpu.memory_space<vmem>>
    %dma_start3A_23 = arith.constant 0 : i32
    %dma_start3A_24 = arith.constant 0 : i32
    %dma_start3A_25 = tpu.memref_slice %arg2[%dma_start3A_23, %dma_start3A_24] : memref<10240x128xf32, #tpu.memory_space<hbm>> -> memref<10240x128xf32, #tpu.memory_space<hbm>>
    tpu.enqueue_indirect_dma source(%dma_start3A_25 : memref<10240x128xf32, #tpu.memory_space<hbm>>) target(%arg11 : memref<64x128xf32, #tpu.memory_space<vmem>>) offsets(%dma_start3A_22 : memref<64xi32, #tpu.memory_space<vmem>>) semaphore(%arg16 : memref<!tpu.dma_semaphore, #tpu.memory_space<semaphore_mem>>)
    %dma_start3A_26 = arith.constant 1 : i32
    %dma_start3A_27 = arith.constant 0 : i32
    %dma_start3A_28 = arith.constant 0 : i32
    %dma_start3A_29 = tpu.memref_slice %arg3[%add3A, %dma_start3A_26, %dma_start3A_27, %dma_start3A_28] : memref<32x160x64x128xf32, #tpu.memory_space<hbm>> -> memref<1x1x64x128xf32, #tpu.memory_space<hbm>>
    %dma_start3A_30 = tpu.memref_squeeze %dma_start3A_29 : memref<1x1x64x128xf32, #tpu.memory_space<hbm>> -> memref<64x128xf32, #tpu.memory_space<hbm>>
    %dma_start3A_31 = arith.constant 0 : i32
    %dma_start3A_32 = arith.constant 0 : i32
    %dma_start3A_33 = tpu.memref_slice %arg3[%add3A, %dma_start3A_26, %dma_start3A_31, %dma_start3A_32] : memref<32x160x64x128xf32, #tpu.memory_space<hbm>> -> memref<1x1x64x128xf32, #tpu.memory_space<hbm>>
    %dma_start3A_34 = tpu.memref_squeeze %dma_start3A_33 : memref<1x1x64x128xf32, #tpu.memory_space<hbm>> -> memref<64x128xf32, #tpu.memory_space<hbm>>
    tpu.enqueue_dma source(%dma_start3A_34 : memref<64x128xf32, #tpu.memory_space<hbm>>) target(%arg13 : memref<64x128xf32, #tpu.memory_space<vmem>>) target_semaphore(%arg16 : memref<!tpu.dma_semaphore, #tpu.memory_space<semaphore_mem>>)
    %scan3A = arith.constant 0 : i32
    %scan3A_35 = arith.constant 0 : i32
    %scan3A_36 = arith.constant 80 : i32
    %scan3A_37 = arith.addi %scan3A_35, %scan3A_36 : i32
    %scan3A_38 = arith.constant 1 : i32
    scf.for %scan3A_41 = %scan3A_35 to %scan3A_37 step %scan3A_38  : i32 {
      %mul3A_42 = arith.constant 2 : i32
      %mul3A_43 = arith.muli %mul3A_42, %scan3A_41 : i32
      %rem3A = arith.constant 8 : i32
      %rem3A_44 = arith.remsi %mul3A_43, %rem3A : i32
      %dma_wait3A = arith.constant 0 : i32
      %dma_wait3A_45 = arith.constant 0 : i32
      %dma_wait3A_46 = tpu.memref_slice %arg8[%dma_wait3A, %dma_wait3A_45] : memref<8x64xi32, #tpu.memory_space<vmem>> -> memref<1x64xi32, #tpu.memory_space<vmem>>
      %dma_wait3A_47 = tpu.memref_squeeze %dma_wait3A_46 : memref<1x64xi32, #tpu.memory_space<vmem>> -> memref<64xi32, #tpu.memory_space<vmem>>
      %dma_wait3A_48 = arith.constant 0 : i32
      %dma_wait3A_49 = arith.constant 0 : i32
      %dma_wait3A_50 = tpu.memref_slice %arg2[%dma_wait3A_48, %dma_wait3A_49] : memref<10240x128xf32, #tpu.memory_space<hbm>> -> memref<10240x128xf32, #tpu.memory_space<hbm>>
      tpu.wait_indirect_dma semaphore(%arg15 : memref<!tpu.dma_semaphore, #tpu.memory_space<semaphore_mem>>) src(%dma_wait3A_50 : memref<10240x128xf32, #tpu.memory_space<hbm>>) dst(%arg10 : memref<64x128xf32, #tpu.memory_space<vmem>>)
      %dma_wait3A_51 = arith.constant 0 : i32
      %dma_wait3A_52 = arith.constant 0 : i32
      %dma_wait3A_53 = arith.constant 0 : i32
      %dma_wait3A_54 = arith.constant 0 : i32
      %dma_wait3A_55 = tpu.memref_slice %arg3[%dma_wait3A_51, %dma_wait3A_52, %dma_wait3A_53, %dma_wait3A_54] : memref<32x160x64x128xf32, #tpu.memory_space<hbm>> -> memref<1x1x64x128xf32, #tpu.memory_space<hbm>>
      %dma_wait3A_56 = tpu.memref_squeeze %dma_wait3A_55 : memref<1x1x64x128xf32, #tpu.memory_space<hbm>> -> memref<64x128xf32, #tpu.memory_space<hbm>>
      %dma_wait3A_57 = arith.constant 0 : i32
      %dma_wait3A_58 = arith.constant 0 : i32
      %dma_wait3A_59 = tpu.memref_slice %arg3[%dma_wait3A_51, %dma_wait3A_52, %dma_wait3A_57, %dma_wait3A_58] : memref<32x160x64x128xf32, #tpu.memory_space<hbm>> -> memref<1x1x64x128xf32, #tpu.memory_space<hbm>>
      %dma_wait3A_60 = tpu.memref_squeeze %dma_wait3A_59 : memref<1x1x64x128xf32, #tpu.memory_space<hbm>> -> memref<64x128xf32, #tpu.memory_space<hbm>>
      tpu.wait_dma2 semaphore(%arg15 : memref<!tpu.dma_semaphore, #tpu.memory_space<semaphore_mem>>) src(%dma_wait3A_60 : memref<64x128xf32, #tpu.memory_space<hbm>>) dst(%arg12 : memref<64x128xf32, #tpu.memory_space<vmem>>)
      %scan3A_61 = arith.constant 0 : i32
      %scan3A_62 = arith.constant 0 : i32
      %scan3A_63 = arith.constant 16 : i32
      %scan3A_64 = arith.addi %scan3A_62, %scan3A_63 : i32
      %scan3A_65 = arith.constant 1 : i32
      scf.for %scan3A_103 = %scan3A_62 to %scan3A_64 step %scan3A_65  : i32 {
        %mul3A_104 = arith.constant 4 : i32
        %mul3A_105 = arith.muli %scan3A_103, %mul3A_104 : i32
        %add3A_106 = arith.constant 0 : i32
        %add3A_107 = arith.addi %mul3A_105, %add3A_106 : i32
        %get3A = arith.index_cast %add3A_107 : i32 to index
        %get3A_108 = arith.constant 0 : index
        %get3A_109 = tpu.vector_load %arg12[%get3A, %get3A_108] {strides = array<i32>} : memref<64x128xf32, #tpu.memory_space<vmem>>, vector<16xf32>,
        %slice3A = vector.extract_strided_slice %get3A_109 {offsets = [0], sizes = [1], strides = [1]} : vector<16xf32> to vector<1xf32>
        %squeeze3A = vector.extract %slice3A[0] : f32 from vector<1xf32>
        %get3A_110 = arith.index_cast %add3A_107 : i32 to index
        %get3A_111 = arith.constant 0 : index
        %get3A_112 = tpu.vector_load %arg10[%get3A_110, %get3A_111] {strides = array<i32>} : memref<64x128xf32, #tpu.memory_space<vmem>>, vector<16xf32>,
        %mul3A_113 = vector.broadcast %squeeze3A : f32 to vector<16xf32>
        %mul3A_114 = arith.mulf %get3A_112, %mul3A_113 : vector<16xf32>
        %swap3A = arith.index_cast %add3A_107 : i32 to index
        %swap3A_115 = arith.constant 0 : index
        %swap3A_116 = tpu.vector_load %arg10[%swap3A, %swap3A_115] {strides = array<i32>} : memref<64x128xf32, #tpu.memory_space<vmem>>, vector<16xf32>,
        tpu.vector_store %arg10[%swap3A, %swap3A_115], %mul3A_114 {strides = array<i32>} : memref<64x128xf32, #tpu.memory_space<vmem>>, vector<16xf32>,
        %get3A_117 = arith.index_cast %add3A_107 : i32 to index
        %get3A_118 = arith.constant 16 : index
        %get3A_119 = tpu.vector_load %arg10[%get3A_117, %get3A_118] {strides = array<i32>} : memref<64x128xf32, #tpu.memory_space<vmem>>, vector<16xf32>,
        %mul3A_120 = vector.broadcast %squeeze3A : f32 to vector<16xf32>
        %mul3A_121 = arith.mulf %get3A_119, %mul3A_120 : vector<16xf32>
        %swap3A_122 = arith.index_cast %add3A_107 : i32 to index
        %swap3A_123 = arith.constant 16 : index
        %swap3A_124 = tpu.vector_load %arg10[%swap3A_122, %swap3A_123] {strides = array<i32>} : memref<64x128xf32, #tpu.memory_space<vmem>>, vector<16xf32>,
        tpu.vector_store %arg10[%swap3A_122, %swap3A_123], %mul3A_121 {strides = array<i32>} : memref<64x128xf32, #tpu.memory_space<vmem>>, vector<16xf32>,
        %slice3A_125 = vector.extract_strided_slice %get3A_109 {offsets = [1], sizes = [1], strides = [1]} : vector<16xf32> to vector<1xf32>
        %squeeze3A_126 = vector.extract %slice3A_125[0] : f32 from vector<1xf32>
        %get3A_127 = arith.index_cast %add3A_107 : i32 to index
        %get3A_128 = arith.constant 32 : index
        %get3A_129 = tpu.vector_load %arg10[%get3A_127, %get3A_128] {strides = array<i32>} : memref<64x128xf32, #tpu.memory_space<vmem>>, vector<16xf32>,
        %mul3A_130 = vector.broadcast %squeeze3A_126 : f32 to vector<16xf32>
        %mul3A_131 = arith.mulf %get3A_129, %mul3A_130 : vector<16xf32>
        %swap3A_132 = arith.index_cast %add3A_107 : i32 to index
        %swap3A_133 = arith.constant 32 : index
        %swap3A_134 = tpu.vector_load %arg10[%swap3A_132, %swap3A_133] {strides = array<i32>} : memref<64x128xf32, #tpu.memory_space<vmem>>, vector<16xf32>,
        tpu.vector_store %arg10[%swap3A_132, %swap3A_133], %mul3A_131 {strides = array<i32>} : memref<64x128xf32, #tpu.memory_space<vmem>>, vector<16xf32>,
        %get3A_135 = arith.index_cast %add3A_107 : i32 to index
        %get3A_136 = arith.constant 48 : index
        %get3A_137 = tpu.vector_load %arg10[%get3A_135, %get3A_136] {strides = array<i32>} : memref<64x128xf32, #tpu.memory_space<vmem>>, vector<16xf32>,
        %mul3A_138 = vector.broadcast %squeeze3A_126 : f32 to vector<16xf32>
        %mul3A_139 = arith.mulf %get3A_137, %mul3A_138 : vector<16xf32>
        %swap3A_140 = arith.index_cast %add3A_107 : i32 to index
        %swap3A_141 = arith.constant 48 : index
        %swap3A_142 = tpu.vector_load %arg10[%swap3A_140, %swap3A_141] {strides = array<i32>} : memref<64x128xf32, #tpu.memory_space<vmem>>, vector<16xf32>,
        tpu.vector_store %arg10[%swap3A_140, %swap3A_141], %mul3A_139 {strides = array<i32>} : memref<64x128xf32, #tpu.memory_space<vmem>>, vector<16xf32>,
        %slice3A_143 = vector.extract_strided_slice %get3A_109 {offsets = [2], sizes = [1], strides = [1]} : vector<16xf32> to vector<1xf32>
        %squeeze3A_144 = vector.extract %slice3A_143[0] : f32 from vector<1xf32>
        %get3A_145 = arith.index_cast %add3A_107 : i32 to index
        %get3A_146 = arith.constant 64 : index
        %get3A_147 = tpu.vector_load %arg10[%get3A_145, %get3A_146] {strides = array<i32>} : memref<64x128xf32, #tpu.memory_space<vmem>>, vector<16xf32>,
        %mul3A_148 = vector.broadcast %squeeze3A_144 : f32 to vector<16xf32>
        %mul3A_149 = arith.mulf %get3A_147, %mul3A_148 : vector<16xf32>
        %swap3A_150 = arith.index_cast %add3A_107 : i32 to index
        %swap3A_151 = arith.constant 64 : index
        %swap3A_152 = tpu.vector_load %arg10[%swap3A_150, %swap3A_151] {strides = array<i32>} : memref<64x128xf32, #tpu.memory_space<vmem>>, vector<16xf32>,
        tpu.vector_store %arg10[%swap3A_150, %swap3A_151], %mul3A_149 {strides = array<i32>} : memref<64x128xf32, #tpu.memory_space<vmem>>, vector<16xf32>,
        %get3A_153 = arith.index_cast %add3A_107 : i32 to index
        %get3A_154 = arith.constant 80 : index
        %get3A_155 = tpu.vector_load %arg10[%get3A_153, %get3A_154] {strides = array<i32>} : memref<64x128xf32, #tpu.memory_space<vmem>>, vector<16xf32>,
        %mul3A_156 = vector.broadcast %squeeze3A_144 : f32 to vector<16xf32>
        %mul3A_157 = arith.mulf %get3A_155, %mul3A_156 : vector<16xf32>
        %swap3A_158 = arith.index_cast %add3A_107 : i32 to index
        %swap3A_159 = arith.constant 80 : index
        %swap3A_160 = tpu.vector_load %arg10[%swap3A_158, %swap3A_159] {strides = array<i32>} : memref<64x128xf32, #tpu.memory_space<vmem>>, vector<16xf32>,
        tpu.vector_store %arg10[%swap3A_158, %swap3A_159], %mul3A_157 {strides = array<i32>} : memref<64x128xf32, #tpu.memory_space<vmem>>, vector<16xf32>,
        %slice3A_161 = vector.extract_strided_slice %get3A_109 {offsets = [3], sizes = [1], strides = [1]} : vector<16xf32> to vector<1xf32>
        %squeeze3A_162 = vector.extract %slice3A_161[0] : f32 from vector<1xf32>
        %get3A_163 = arith.index_cast %add3A_107 : i32 to index
        %get3A_164 = arith.constant 96 : index
        %get3A_165 = tpu.vector_load %arg10[%get3A_163, %get3A_164] {strides = array<i32>} : memref<64x128xf32, #tpu.memory_space<vmem>>, vector<16xf32>,
        %mul3A_166 = vector.broadcast %squeeze3A_162 : f32 to vector<16xf32>
        %mul3A_167 = arith.mulf %get3A_165, %mul3A_166 : vector<16xf32>
        %swap3A_168 = arith.index_cast %add3A_107 : i32 to index
        %swap3A_169 = arith.constant 96 : index
        %swap3A_170 = tpu.vector_load %arg10[%swap3A_168, %swap3A_169] {strides = array<i32>} : memref<64x128xf32, #tpu.memory_space<vmem>>, vector<16xf32>,
        tpu.vector_store %arg10[%swap3A_168, %swap3A_169], %mul3A_167 {strides = array<i32>} : memref<64x128xf32, #tpu.memory_space<vmem>>, vector<16xf32>,
        %get3A_171 = arith.index_cast %add3A_107 : i32 to index
        %get3A_172 = arith.constant 112 : index
        %get3A_173 = tpu.vector_load %arg10[%get3A_171, %get3A_172] {strides = array<i32>} : memref<64x128xf32, #tpu.memory_space<vmem>>, vector<16xf32>,
        %mul3A_174 = vector.broadcast %squeeze3A_162 : f32 to vector<16xf32>
        %mul3A_175 = arith.mulf %get3A_173, %mul3A_174 : vector<16xf32>
        %swap3A_176 = arith.index_cast %add3A_107 : i32 to index
        %swap3A_177 = arith.constant 112 : index
        %swap3A_178 = tpu.vector_load %arg10[%swap3A_176, %swap3A_177] {strides = array<i32>} : memref<64x128xf32, #tpu.memory_space<vmem>>, vector<16xf32>,
        tpu.vector_store %arg10[%swap3A_176, %swap3A_177], %mul3A_175 {strides = array<i32>} : memref<64x128xf32, #tpu.memory_space<vmem>>, vector<16xf32>,
        %mul3A_179 = arith.constant 4 : i32
        %mul3A_180 = arith.muli %scan3A_103, %mul3A_179 : i32
        %add3A_181 = arith.constant 1 : i32
        %add3A_182 = arith.addi %mul3A_180, %add3A_181 : i32
        %get3A_183 = arith.index_cast %add3A_182 : i32 to index
        %get3A_184 = arith.constant 0 : index
        %get3A_185 = tpu.vector_load %arg12[%get3A_183, %get3A_184] {strides = array<i32>} : memref<64x128xf32, #tpu.memory_space<vmem>>, vector<16xf32>,
        %slice3A_186 = vector.extract_strided_slice %get3A_185 {offsets = [0], sizes = [1], strides = [1]} : vector<16xf32> to vector<1xf32>
        %squeeze3A_187 = vector.extract %slice3A_186[0] : f32 from vector<1xf32>
        %get3A_188 = arith.index_cast %add3A_182 : i32 to index
        %get3A_189 = arith.constant 0 : index
        %get3A_190 = tpu.vector_load %arg10[%get3A_188, %get3A_189] {strides = array<i32>} : memref<64x128xf32, #tpu.memory_space<vmem>>, vector<16xf32>,
        %mul3A_191 = vector.broadcast %squeeze3A_187 : f32 to vector<16xf32>
        %mul3A_192 = arith.mulf %get3A_190, %mul3A_191 : vector<16xf32>
        %swap3A_193 = arith.index_cast %add3A_182 : i32 to index
        %swap3A_194 = arith.constant 0 : index
        %swap3A_195 = tpu.vector_load %arg10[%swap3A_193, %swap3A_194] {strides = array<i32>} : memref<64x128xf32, #tpu.memory_space<vmem>>, vector<16xf32>,
        tpu.vector_store %arg10[%swap3A_193, %swap3A_194], %mul3A_192 {strides = array<i32>} : memref<64x128xf32, #tpu.memory_space<vmem>>, vector<16xf32>,
        %get3A_196 = arith.index_cast %add3A_182 : i32 to index
        %get3A_197 = arith.constant 16 : index
        %get3A_198 = tpu.vector_load %arg10[%get3A_196, %get3A_197] {strides = array<i32>} : memref<64x128xf32, #tpu.memory_space<vmem>>, vector<16xf32>,
        %mul3A_199 = vector.broadcast %squeeze3A_187 : f32 to vector<16xf32>
        %mul3A_200 = arith.mulf %get3A_198, %mul3A_199 : vector<16xf32>
        %swap3A_201 = arith.index_cast %add3A_182 : i32 to index
        %swap3A_202 = arith.constant 16 : index
        %swap3A_203 = tpu.vector_load %arg10[%swap3A_201, %swap3A_202] {strides = array<i32>} : memref<64x128xf32, #tpu.memory_space<vmem>>, vector<16xf32>,
        tpu.vector_store %arg10[%swap3A_201, %swap3A_202], %mul3A_200 {strides = array<i32>} : memref<64x128xf32, #tpu.memory_space<vmem>>, vector<16xf32>,
        %slice3A_204 = vector.extract_strided_slice %get3A_185 {offsets = [1], sizes = [1], strides = [1]} : vector<16xf32> to vector<1xf32>
        %squeeze3A_205 = vector.extract %slice3A_204[0] : f32 from vector<1xf32>
        %get3A_206 = arith.index_cast %add3A_182 : i32 to index
        %get3A_207 = arith.constant 32 : index
        %get3A_208 = tpu.vector_load %arg10[%get3A_206, %get3A_207] {strides = array<i32>} : memref<64x128xf32, #tpu.memory_space<vmem>>, vector<16xf32>,
        %mul3A_209 = vector.broadcast %squeeze3A_205 : f32 to vector<16xf32>
        %mul3A_210 = arith.mulf %get3A_208, %mul3A_209 : vector<16xf32>
        %swap3A_211 = arith.index_cast %add3A_182 : i32 to index
        %swap3A_212 = arith.constant 32 : index
        %swap3A_213 = tpu.vector_load %arg10[%swap3A_211, %swap3A_212] {strides = array<i32>} : memref<64x128xf32, #tpu.memory_space<vmem>>, vector<16xf32>,
        tpu.vector_store %arg10[%swap3A_211, %swap3A_212], %mul3A_210 {strides = array<i32>} : memref<64x128xf32, #tpu.memory_space<vmem>>, vector<16xf32>,
        %get3A_214 = arith.index_cast %add3A_182 : i32 to index
        %get3A_215 = arith.constant 48 : index
        %get3A_216 = tpu.vector_load %arg10[%get3A_214, %get3A_215] {strides = array<i32>} : memref<64x128xf32, #tpu.memory_space<vmem>>, vector<16xf32>,
        %mul3A_217 = vector.broadcast %squeeze3A_205 : f32 to vector<16xf32>
        %mul3A_218 = arith.mulf %get3A_216, %mul3A_217 : vector<16xf32>
        %swap3A_219 = arith.index_cast %add3A_182 : i32 to index
        %swap3A_220 = arith.constant 48 : index
        %swap3A_221 = tpu.vector_load %arg10[%swap3A_219, %swap3A_220] {strides = array<i32>} : memref<64x128xf32, #tpu.memory_space<vmem>>, vector<16xf32>,
        tpu.vector_store %arg10[%swap3A_219, %swap3A_220], %mul3A_218 {strides = array<i32>} : memref<64x128xf32, #tpu.memory_space<vmem>>, vector<16xf32>,
        %slice3A_222 = vector.extract_strided_slice %get3A_185 {offsets = [2], sizes = [1], strides = [1]} : vector<16xf32> to vector<1xf32>
        %squeeze3A_223 = vector.extract %slice3A_222[0] : f32 from vector<1xf32>
        %get3A_224 = arith.index_cast %add3A_182 : i32 to index
        %get3A_225 = arith.constant 64 : index
        %get3A_226 = tpu.vector_load %arg10[%get3A_224, %get3A_225] {strides = array<i32>} : memref<64x128xf32, #tpu.memory_space<vmem>>, vector<16xf32>,
        %mul3A_227 = vector.broadcast %squeeze3A_223 : f32 to vector<16xf32>
        %mul3A_228 = arith.mulf %get3A_226, %mul3A_227 : vector<16xf32>
        %swap3A_229 = arith.index_cast %add3A_182 : i32 to index
        %swap3A_230 = arith.constant 64 : index
        %swap3A_231 = tpu.vector_load %arg10[%swap3A_229, %swap3A_230] {strides = array<i32>} : memref<64x128xf32, #tpu.memory_space<vmem>>, vector<16xf32>,
        tpu.vector_store %arg10[%swap3A_229, %swap3A_230], %mul3A_228 {strides = array<i32>} : memref<64x128xf32, #tpu.memory_space<vmem>>, vector<16xf32>,
        %get3A_232 = arith.index_cast %add3A_182 : i32 to index
        %get3A_233 = arith.constant 80 : index
        %get3A_234 = tpu.vector_load %arg10[%get3A_232, %get3A_233] {strides = array<i32>} : memref<64x128xf32, #tpu.memory_space<vmem>>, vector<16xf32>,
        %mul3A_235 = vector.broadcast %squeeze3A_223 : f32 to vector<16xf32>
        %mul3A_236 = arith.mulf %get3A_234, %mul3A_235 : vector<16xf32>
        %swap3A_237 = arith.index_cast %add3A_182 : i32 to index
        %swap3A_238 = arith.constant 80 : index
        %swap3A_239 = tpu.vector_load %arg10[%swap3A_237, %swap3A_238] {strides = array<i32>} : memref<64x128xf32, #tpu.memory_space<vmem>>, vector<16xf32>,
        tpu.vector_store %arg10[%swap3A_237, %swap3A_238], %mul3A_236 {strides = array<i32>} : memref<64x128xf32, #tpu.memory_space<vmem>>, vector<16xf32>,
        %slice3A_240 = vector.extract_strided_slice %get3A_185 {offsets = [3], sizes = [1], strides = [1]} : vector<16xf32> to vector<1xf32>
        %squeeze3A_241 = vector.extract %slice3A_240[0] : f32 from vector<1xf32>
        %get3A_242 = arith.index_cast %add3A_182 : i32 to index
        %get3A_243 = arith.constant 96 : index
        %get3A_244 = tpu.vector_load %arg10[%get3A_242, %get3A_243] {strides = array<i32>} : memref<64x128xf32, #tpu.memory_space<vmem>>, vector<16xf32>,
        %mul3A_245 = vector.broadcast %squeeze3A_241 : f32 to vector<16xf32>
        %mul3A_246 = arith.mulf %get3A_244, %mul3A_245 : vector<16xf32>
        %swap3A_247 = arith.index_cast %add3A_182 : i32 to index
        %swap3A_248 = arith.constant 96 : index
        %swap3A_249 = tpu.vector_load %arg10[%swap3A_247, %swap3A_248] {strides = array<i32>} : memref<64x128xf32, #tpu.memory_space<vmem>>, vector<16xf32>,
        tpu.vector_store %arg10[%swap3A_247, %swap3A_248], %mul3A_246 {strides = array<i32>} : memref<64x128xf32, #tpu.memory_space<vmem>>, vector<16xf32>,
        %get3A_250 = arith.index_cast %add3A_182 : i32 to index
        %get3A_251 = arith.constant 112 : index
        %get3A_252 = tpu.vector_load %arg10[%get3A_250, %get3A_251] {strides = array<i32>} : memref<64x128xf32, #tpu.memory_space<vmem>>, vector<16xf32>,
        %mul3A_253 = vector.broadcast %squeeze3A_241 : f32 to vector<16xf32>
        %mul3A_254 = arith.mulf %get3A_252, %mul3A_253 : vector<16xf32>
        %swap3A_255 = arith.index_cast %add3A_182 : i32 to index
        %swap3A_256 = arith.constant 112 : index
        %swap3A_257 = tpu.vector_load %arg10[%swap3A_255, %swap3A_256] {strides = array<i32>} : memref<64x128xf32, #tpu.memory_space<vmem>>, vector<16xf32>,
        tpu.vector_store %arg10[%swap3A_255, %swap3A_256], %mul3A_254 {strides = array<i32>} : memref<64x128xf32, #tpu.memory_space<vmem>>, vector<16xf32>,
        %mul3A_258 = arith.constant 4 : i32
        %mul3A_259 = arith.muli %scan3A_103, %mul3A_258 : i32
        %add3A_260 = arith.constant 2 : i32
        %add3A_261 = arith.addi %mul3A_259, %add3A_260 : i32
        %get3A_262 = arith.index_cast %add3A_261 : i32 to index
        %get3A_263 = arith.constant 0 : index
        %get3A_264 = tpu.vector_load %arg12[%get3A_262, %get3A_263] {strides = array<i32>} : memref<64x128xf32, #tpu.memory_space<vmem>>, vector<16xf32>,
        %slice3A_265 = vector.extract_strided_slice %get3A_264 {offsets = [0], sizes = [1], strides = [1]} : vector<16xf32> to vector<1xf32>
        %squeeze3A_266 = vector.extract %slice3A_265[0] : f32 from vector<1xf32>
        %get3A_267 = arith.index_cast %add3A_261 : i32 to index
        %get3A_268 = arith.constant 0 : index
        %get3A_269 = tpu.vector_load %arg10[%get3A_267, %get3A_268] {strides = array<i32>} : memref<64x128xf32, #tpu.memory_space<vmem>>, vector<16xf32>,
        %mul3A_270 = vector.broadcast %squeeze3A_266 : f32 to vector<16xf32>
        %mul3A_271 = arith.mulf %get3A_269, %mul3A_270 : vector<16xf32>
        %swap3A_272 = arith.index_cast %add3A_261 : i32 to index
        %swap3A_273 = arith.constant 0 : index
        %swap3A_274 = tpu.vector_load %arg10[%swap3A_272, %swap3A_273] {strides = array<i32>} : memref<64x128xf32, #tpu.memory_space<vmem>>, vector<16xf32>,
        tpu.vector_store %arg10[%swap3A_272, %swap3A_273], %mul3A_271 {strides = array<i32>} : memref<64x128xf32, #tpu.memory_space<vmem>>, vector<16xf32>,
        %get3A_275 = arith.index_cast %add3A_261 : i32 to index
        %get3A_276 = arith.constant 16 : index
        %get3A_277 = tpu.vector_load %arg10[%get3A_275, %get3A_276] {strides = array<i32>} : memref<64x128xf32, #tpu.memory_space<vmem>>, vector<16xf32>,
        %mul3A_278 = vector.broadcast %squeeze3A_266 : f32 to vector<16xf32>
        %mul3A_279 = arith.mulf %get3A_277, %mul3A_278 : vector<16xf32>
        %swap3A_280 = arith.index_cast %add3A_261 : i32 to index
        %swap3A_281 = arith.constant 16 : index
        %swap3A_282 = tpu.vector_load %arg10[%swap3A_280, %swap3A_281] {strides = array<i32>} : memref<64x128xf32, #tpu.memory_space<vmem>>, vector<16xf32>,
        tpu.vector_store %arg10[%swap3A_280, %swap3A_281], %mul3A_279 {strides = array<i32>} : memref<64x128xf32, #tpu.memory_space<vmem>>, vector<16xf32>,
        %slice3A_283 = vector.extract_strided_slice %get3A_264 {offsets = [1], sizes = [1], strides = [1]} : vector<16xf32> to vector<1xf32>
        %squeeze3A_284 = vector.extract %slice3A_283[0] : f32 from vector<1xf32>
        %get3A_285 = arith.index_cast %add3A_261 : i32 to index
        %get3A_286 = arith.constant 32 : index
        %get3A_287 = tpu.vector_load %arg10[%get3A_285, %get3A_286] {strides = array<i32>} : memref<64x128xf32, #tpu.memory_space<vmem>>, vector<16xf32>,
        %mul3A_288 = vector.broadcast %squeeze3A_284 : f32 to vector<16xf32>
        %mul3A_289 = arith.mulf %get3A_287, %mul3A_288 : vector<16xf32>
        %swap3A_290 = arith.index_cast %add3A_261 : i32 to index
        %swap3A_291 = arith.constant 32 : index
        %swap3A_292 = tpu.vector_load %arg10[%swap3A_290, %swap3A_291] {strides = array<i32>} : memref<64x128xf32, #tpu.memory_space<vmem>>, vector<16xf32>,
        tpu.vector_store %arg10[%swap3A_290, %swap3A_291], %mul3A_289 {strides = array<i32>} : memref<64x128xf32, #tpu.memory_space<vmem>>, vector<16xf32>,
        %get3A_293 = arith.index_cast %add3A_261 : i32 to index
        %get3A_294 = arith.constant 48 : index
        %get3A_295 = tpu.vector_load %arg10[%get3A_293, %get3A_294] {strides = array<i32>} : memref<64x128xf32, #tpu.memory_space<vmem>>, vector<16xf32>,
        %mul3A_296 = vector.broadcast %squeeze3A_284 : f32 to vector<16xf32>
        %mul3A_297 = arith.mulf %get3A_295, %mul3A_296 : vector<16xf32>
        %swap3A_298 = arith.index_cast %add3A_261 : i32 to index
        %swap3A_299 = arith.constant 48 : index
        %swap3A_300 = tpu.vector_load %arg10[%swap3A_298, %swap3A_299] {strides = array<i32>} : memref<64x128xf32, #tpu.memory_space<vmem>>, vector<16xf32>,
        tpu.vector_store %arg10[%swap3A_298, %swap3A_299], %mul3A_297 {strides = array<i32>} : memref<64x128xf32, #tpu.memory_space<vmem>>, vector<16xf32>,
        %slice3A_301 = vector.extract_strided_slice %get3A_264 {offsets = [2], sizes = [1], strides = [1]} : vector<16xf32> to vector<1xf32>
        %squeeze3A_302 = vector.extract %slice3A_301[0] : f32 from vector<1xf32>
        %get3A_303 = arith.index_cast %add3A_261 : i32 to index
        %get3A_304 = arith.constant 64 : index
        %get3A_305 = tpu.vector_load %arg10[%get3A_303, %get3A_304] {strides = array<i32>} : memref<64x128xf32, #tpu.memory_space<vmem>>, vector<16xf32>,
        %mul3A_306 = vector.broadcast %squeeze3A_302 : f32 to vector<16xf32>
        %mul3A_307 = arith.mulf %get3A_305, %mul3A_306 : vector<16xf32>
        %swap3A_308 = arith.index_cast %add3A_261 : i32 to index
        %swap3A_309 = arith.constant 64 : index
        %swap3A_310 = tpu.vector_load %arg10[%swap3A_308, %swap3A_309] {strides = array<i32>} : memref<64x128xf32, #tpu.memory_space<vmem>>, vector<16xf32>,
        tpu.vector_store %arg10[%swap3A_308, %swap3A_309], %mul3A_307 {strides = array<i32>} : memref<64x128xf32, #tpu.memory_space<vmem>>, vector<16xf32>,
        %get3A_311 = arith.index_cast %add3A_261 : i32 to index
        %get3A_312 = arith.constant 80 : index
        %get3A_313 = tpu.vector_load %arg10[%get3A_311, %get3A_312] {strides = array<i32>} : memref<64x128xf32, #tpu.memory_space<vmem>>, vector<16xf32>,
        %mul3A_314 = vector.broadcast %squeeze3A_302 : f32 to vector<16xf32>
        %mul3A_315 = arith.mulf %get3A_313, %mul3A_314 : vector<16xf32>
        %swap3A_316 = arith.index_cast %add3A_261 : i32 to index
        %swap3A_317 = arith.constant 80 : index
        %swap3A_318 = tpu.vector_load %arg10[%swap3A_316, %swap3A_317] {strides = array<i32>} : memref<64x128xf32, #tpu.memory_space<vmem>>, vector<16xf32>,
        tpu.vector_store %arg10[%swap3A_316, %swap3A_317], %mul3A_315 {strides = array<i32>} : memref<64x128xf32, #tpu.memory_space<vmem>>, vector<16xf32>,
        %slice3A_319 = vector.extract_strided_slice %get3A_264 {offsets = [3], sizes = [1], strides = [1]} : vector<16xf32> to vector<1xf32>
        %squeeze3A_320 = vector.extract %slice3A_319[0] : f32 from vector<1xf32>
        %get3A_321 = arith.index_cast %add3A_261 : i32 to index
        %get3A_322 = arith.constant 96 : index
        %get3A_323 = tpu.vector_load %arg10[%get3A_321, %get3A_322] {strides = array<i32>} : memref<64x128xf32, #tpu.memory_space<vmem>>, vector<16xf32>,
        %mul3A_324 = vector.broadcast %squeeze3A_320 : f32 to vector<16xf32>
        %mul3A_325 = arith.mulf %get3A_323, %mul3A_324 : vector<16xf32>
        %swap3A_326 = arith.index_cast %add3A_261 : i32 to index
        %swap3A_327 = arith.constant 96 : index
        %swap3A_328 = tpu.vector_load %arg10[%swap3A_326, %swap3A_327] {strides = array<i32>} : memref<64x128xf32, #tpu.memory_space<vmem>>, vector<16xf32>,
        tpu.vector_store %arg10[%swap3A_326, %swap3A_327], %mul3A_325 {strides = array<i32>} : memref<64x128xf32, #tpu.memory_space<vmem>>, vector<16xf32>,
        %get3A_329 = arith.index_cast %add3A_261 : i32 to index
        %get3A_330 = arith.constant 112 : index
        %get3A_331 = tpu.vector_load %arg10[%get3A_329, %get3A_330] {strides = array<i32>} : memref<64x128xf32, #tpu.memory_space<vmem>>, vector<16xf32>,
        %mul3A_332 = vector.broadcast %squeeze3A_320 : f32 to vector<16xf32>
        %mul3A_333 = arith.mulf %get3A_331, %mul3A_332 : vector<16xf32>
        %swap3A_334 = arith.index_cast %add3A_261 : i32 to index
        %swap3A_335 = arith.constant 112 : index
        %swap3A_336 = tpu.vector_load %arg10[%swap3A_334, %swap3A_335] {strides = array<i32>} : memref<64x128xf32, #tpu.memory_space<vmem>>, vector<16xf32>,
        tpu.vector_store %arg10[%swap3A_334, %swap3A_335], %mul3A_333 {strides = array<i32>} : memref<64x128xf32, #tpu.memory_space<vmem>>, vector<16xf32>,
        %mul3A_337 = arith.constant 4 : i32
        %mul3A_338 = arith.muli %scan3A_103, %mul3A_337 : i32
        %add3A_339 = arith.constant 3 : i32
        %add3A_340 = arith.addi %mul3A_338, %add3A_339 : i32
        %get3A_341 = arith.index_cast %add3A_340 : i32 to index
        %get3A_342 = arith.constant 0 : index
        %get3A_343 = tpu.vector_load %arg12[%get3A_341, %get3A_342] {strides = array<i32>} : memref<64x128xf32, #tpu.memory_space<vmem>>, vector<16xf32>,
        %slice3A_344 = vector.extract_strided_slice %get3A_343 {offsets = [0], sizes = [1], strides = [1]} : vector<16xf32> to vector<1xf32>
        %squeeze3A_345 = vector.extract %slice3A_344[0] : f32 from vector<1xf32>
        %get3A_346 = arith.index_cast %add3A_340 : i32 to index
        %get3A_347 = arith.constant 0 : index
        %get3A_348 = tpu.vector_load %arg10[%get3A_346, %get3A_347] {strides = array<i32>} : memref<64x128xf32, #tpu.memory_space<vmem>>, vector<16xf32>,
        %mul3A_349 = vector.broadcast %squeeze3A_345 : f32 to vector<16xf32>
        %mul3A_350 = arith.mulf %get3A_348, %mul3A_349 : vector<16xf32>
        %swap3A_351 = arith.index_cast %add3A_340 : i32 to index
        %swap3A_352 = arith.constant 0 : index
        %swap3A_353 = tpu.vector_load %arg10[%swap3A_351, %swap3A_352] {strides = array<i32>} : memref<64x128xf32, #tpu.memory_space<vmem>>, vector<16xf32>,
        tpu.vector_store %arg10[%swap3A_351, %swap3A_352], %mul3A_350 {strides = array<i32>} : memref<64x128xf32, #tpu.memory_space<vmem>>, vector<16xf32>,
        %get3A_354 = arith.index_cast %add3A_340 : i32 to index
        %get3A_355 = arith.constant 16 : index
        %get3A_356 = tpu.vector_load %arg10[%get3A_354, %get3A_355] {strides = array<i32>} : memref<64x128xf32, #tpu.memory_space<vmem>>, vector<16xf32>,
        %mul3A_357 = vector.broadcast %squeeze3A_345 : f32 to vector<16xf32>
        %mul3A_358 = arith.mulf %get3A_356, %mul3A_357 : vector<16xf32>
        %swap3A_359 = arith.index_cast %add3A_340 : i32 to index
        %swap3A_360 = arith.constant 16 : index
        %swap3A_361 = tpu.vector_load %arg10[%swap3A_359, %swap3A_360] {strides = array<i32>} : memref<64x128xf32, #tpu.memory_space<vmem>>, vector<16xf32>,
        tpu.vector_store %arg10[%swap3A_359, %swap3A_360], %mul3A_358 {strides = array<i32>} : memref<64x128xf32, #tpu.memory_space<vmem>>, vector<16xf32>,
        %slice3A_362 = vector.extract_strided_slice %get3A_343 {offsets = [1], sizes = [1], strides = [1]} : vector<16xf32> to vector<1xf32>
        %squeeze3A_363 = vector.extract %slice3A_362[0] : f32 from vector<1xf32>
        %get3A_364 = arith.index_cast %add3A_340 : i32 to index
        %get3A_365 = arith.constant 32 : index
        %get3A_366 = tpu.vector_load %arg10[%get3A_364, %get3A_365] {strides = array<i32>} : memref<64x128xf32, #tpu.memory_space<vmem>>, vector<16xf32>,
        %mul3A_367 = vector.broadcast %squeeze3A_363 : f32 to vector<16xf32>
        %mul3A_368 = arith.mulf %get3A_366, %mul3A_367 : vector<16xf32>
        %swap3A_369 = arith.index_cast %add3A_340 : i32 to index
        %swap3A_370 = arith.constant 32 : index
        %swap3A_371 = tpu.vector_load %arg10[%swap3A_369, %swap3A_370] {strides = array<i32>} : memref<64x128xf32, #tpu.memory_space<vmem>>, vector<16xf32>,
        tpu.vector_store %arg10[%swap3A_369, %swap3A_370], %mul3A_368 {strides = array<i32>} : memref<64x128xf32, #tpu.memory_space<vmem>>, vector<16xf32>,
        %get3A_372 = arith.index_cast %add3A_340 : i32 to index
        %get3A_373 = arith.constant 48 : index
        %get3A_374 = tpu.vector_load %arg10[%get3A_372, %get3A_373] {strides = array<i32>} : memref<64x128xf32, #tpu.memory_space<vmem>>, vector<16xf32>,
        %mul3A_375 = vector.broadcast %squeeze3A_363 : f32 to vector<16xf32>
        %mul3A_376 = arith.mulf %get3A_374, %mul3A_375 : vector<16xf32>
        %swap3A_377 = arith.index_cast %add3A_340 : i32 to index
        %swap3A_378 = arith.constant 48 : index
        %swap3A_379 = tpu.vector_load %arg10[%swap3A_377, %swap3A_378] {strides = array<i32>} : memref<64x128xf32, #tpu.memory_space<vmem>>, vector<16xf32>,
        tpu.vector_store %arg10[%swap3A_377, %swap3A_378], %mul3A_376 {strides = array<i32>} : memref<64x128xf32, #tpu.memory_space<vmem>>, vector<16xf32>,
        %slice3A_380 = vector.extract_strided_slice %get3A_343 {offsets = [2], sizes = [1], strides = [1]} : vector<16xf32> to vector<1xf32>
        %squeeze3A_381 = vector.extract %slice3A_380[0] : f32 from vector<1xf32>
        %get3A_382 = arith.index_cast %add3A_340 : i32 to index
        %get3A_383 = arith.constant 64 : index
        %get3A_384 = tpu.vector_load %arg10[%get3A_382, %get3A_383] {strides = array<i32>} : memref<64x128xf32, #tpu.memory_space<vmem>>, vector<16xf32>,
        %mul3A_385 = vector.broadcast %squeeze3A_381 : f32 to vector<16xf32>
        %mul3A_386 = arith.mulf %get3A_384, %mul3A_385 : vector<16xf32>
        %swap3A_387 = arith.index_cast %add3A_340 : i32 to index
        %swap3A_388 = arith.constant 64 : index
        %swap3A_389 = tpu.vector_load %arg10[%swap3A_387, %swap3A_388] {strides = array<i32>} : memref<64x128xf32, #tpu.memory_space<vmem>>, vector<16xf32>,
        tpu.vector_store %arg10[%swap3A_387, %swap3A_388], %mul3A_386 {strides = array<i32>} : memref<64x128xf32, #tpu.memory_space<vmem>>, vector<16xf32>,
        %get3A_390 = arith.index_cast %add3A_340 : i32 to index
        %get3A_391 = arith.constant 80 : index
        %get3A_392 = tpu.vector_load %arg10[%get3A_390, %get3A_391] {strides = array<i32>} : memref<64x128xf32, #tpu.memory_space<vmem>>, vector<16xf32>,
        %mul3A_393 = vector.broadcast %squeeze3A_381 : f32 to vector<16xf32>
        %mul3A_394 = arith.mulf %get3A_392, %mul3A_393 : vector<16xf32>
        %swap3A_395 = arith.index_cast %add3A_340 : i32 to index
        %swap3A_396 = arith.constant 80 : index
        %swap3A_397 = tpu.vector_load %arg10[%swap3A_395, %swap3A_396] {strides = array<i32>} : memref<64x128xf32, #tpu.memory_space<vmem>>, vector<16xf32>,
        tpu.vector_store %arg10[%swap3A_395, %swap3A_396], %mul3A_394 {strides = array<i32>} : memref<64x128xf32, #tpu.memory_space<vmem>>, vector<16xf32>,
        %slice3A_398 = vector.extract_strided_slice %get3A_343 {offsets = [3], sizes = [1], strides = [1]} : vector<16xf32> to vector<1xf32>
        %squeeze3A_399 = vector.extract %slice3A_398[0] : f32 from vector<1xf32>
        %get3A_400 = arith.index_cast %add3A_340 : i32 to index
        %get3A_401 = arith.constant 96 : index
        %get3A_402 = tpu.vector_load %arg10[%get3A_400, %get3A_401] {strides = array<i32>} : memref<64x128xf32, #tpu.memory_space<vmem>>, vector<16xf32>,
        %mul3A_403 = vector.broadcast %squeeze3A_399 : f32 to vector<16xf32>
        %mul3A_404 = arith.mulf %get3A_402, %mul3A_403 : vector<16xf32>
        %swap3A_405 = arith.index_cast %add3A_340 : i32 to index
        %swap3A_406 = arith.constant 96 : index
        %swap3A_407 = tpu.vector_load %arg10[%swap3A_405, %swap3A_406] {strides = array<i32>} : memref<64x128xf32, #tpu.memory_space<vmem>>, vector<16xf32>,
        tpu.vector_store %arg10[%swap3A_405, %swap3A_406], %mul3A_404 {strides = array<i32>} : memref<64x128xf32, #tpu.memory_space<vmem>>, vector<16xf32>,
        %get3A_408 = arith.index_cast %add3A_340 : i32 to index
        %get3A_409 = arith.constant 112 : index
        %get3A_410 = tpu.vector_load %arg10[%get3A_408, %get3A_409] {strides = array<i32>} : memref<64x128xf32, #tpu.memory_space<vmem>>, vector<16xf32>,
        %mul3A_411 = vector.broadcast %squeeze3A_399 : f32 to vector<16xf32>
        %mul3A_412 = arith.mulf %get3A_410, %mul3A_411 : vector<16xf32>
        %swap3A_413 = arith.index_cast %add3A_340 : i32 to index
        %swap3A_414 = arith.constant 112 : index
        %swap3A_415 = tpu.vector_load %arg10[%swap3A_413, %swap3A_414] {strides = array<i32>} : memref<64x128xf32, #tpu.memory_space<vmem>>, vector<16xf32>,
        tpu.vector_store %arg10[%swap3A_413, %swap3A_414], %mul3A_412 {strides = array<i32>} : memref<64x128xf32, #tpu.memory_space<vmem>>, vector<16xf32>,
      }
      %scan3A_66 = arith.constant 16 : i32
      "tpu.region"() ({
        %run_scoped3A = tpu.sem_alloc : memref<!tpu.dma_semaphore, #tpu.memory_space<semaphore_mem>>
        %dma_start3A_103 = arith.constant 0 : i32
        %dma_start3A_104 = tpu.memref_slice %arg9[%rem3A_44, %dma_start3A_103] : memref<8x64xi32, #tpu.memory_space<vmem>> -> memref<1x64xi32, #tpu.memory_space<vmem>>
        %dma_start3A_105 = tpu.memref_squeeze %dma_start3A_104 : memref<1x64xi32, #tpu.memory_space<vmem>> -> memref<64xi32, #tpu.memory_space<vmem>>
        %dma_start3A_106 = arith.constant 0 : i32
        %dma_start3A_107 = arith.constant 0 : i32
        %dma_start3A_108 = tpu.memref_slice %arg14[%dma_start3A_106, %dma_start3A_107] : memref<10240x128xf32, #tpu.memory_space<vmem_shared>> -> memref<10240x128xf32, #tpu.memory_space<vmem_shared>>
        tpu.enqueue_indirect_dma source(%arg10 : memref<64x128xf32, #tpu.memory_space<vmem>>) target(%dma_start3A_108 : memref<10240x128xf32, #tpu.memory_space<vmem_shared>>) offsets(%dma_start3A_105 : memref<64xi32, #tpu.memory_space<vmem>>) semaphore(%run_scoped3A : memref<!tpu.dma_semaphore, #tpu.memory_space<semaphore_mem>>) {add = true}
        %dma_wait3A_109 = arith.constant 0 : i32
        %dma_wait3A_110 = tpu.memref_slice %arg9[%rem3A_44, %dma_wait3A_109] : memref<8x64xi32, #tpu.memory_space<vmem>> -> memref<1x64xi32, #tpu.memory_space<vmem>>
        %dma_wait3A_111 = tpu.memref_squeeze %dma_wait3A_110 : memref<1x64xi32, #tpu.memory_space<vmem>> -> memref<64xi32, #tpu.memory_space<vmem>>
        %dma_wait3A_112 = arith.constant 0 : i32
        %dma_wait3A_113 = arith.constant 0 : i32
        %dma_wait3A_114 = tpu.memref_slice %arg14[%dma_wait3A_112, %dma_wait3A_113] : memref<10240x128xf32, #tpu.memory_space<vmem_shared>> -> memref<10240x128xf32, #tpu.memory_space<vmem_shared>>
        tpu.wait_indirect_dma semaphore(%run_scoped3A : memref<!tpu.dma_semaphore, #tpu.memory_space<semaphore_mem>>) src(%arg10 : memref<64x128xf32, #tpu.memory_space<vmem>>) dst(%dma_wait3A_114 : memref<10240x128xf32, #tpu.memory_space<vmem_shared>>)
        tpu.yield
      }) : () -> ()
      %dma_wait3A_67 = arith.constant 0 : i32
      %dma_wait3A_68 = arith.constant 0 : i32
      %dma_wait3A_69 = tpu.memref_slice %arg8[%dma_wait3A_67, %dma_wait3A_68] : memref<8x64xi32, #tpu.memory_space<vmem>> -> memref<1x64xi32, #tpu.memory_space<vmem>>
      %dma_wait3A_70 = tpu.memref_squeeze %dma_wait3A_69 : memref<1x64xi32, #tpu.memory_space<vmem>> -> memref<64xi32, #tpu.memory_space<vmem>>
      %dma_wait3A_71 = arith.constant 0 : i32
      %dma_wait3A_72 = arith.constant 0 : i32
      %dma_wait3A_73 = tpu.memref_slice %arg2[%dma_wait3A_71, %dma_wait3A_72] : memref<10240x128xf32, #tpu.memory_space<hbm>> -> memref<10240x128xf32, #tpu.memory_space<hbm>>
      tpu.wait_indirect_dma semaphore(%arg16 : memref<!tpu.dma_semaphore, #tpu.memory_space<semaphore_mem>>) src(%dma_wait3A_73 : memref<10240x128xf32, #tpu.memory_space<hbm>>) dst(%arg11 : memref<64x128xf32, #tpu.memory_space<vmem>>)
      %dma_wait3A_74 = arith.constant 0 : i32
      %dma_wait3A_75 = arith.constant 0 : i32
      %dma_wait3A_76 = arith.constant 0 : i32
      %dma_wait3A_77 = arith.constant 0 : i32
      %dma_wait3A_78 = tpu.memref_slice %arg3[%dma_wait3A_74, %dma_wait3A_75, %dma_wait3A_76, %dma_wait3A_77] : memref<32x160x64x128xf32, #tpu.memory_space<hbm>> -> memref<1x1x64x128xf32, #tpu.memory_space<hbm>>
      %dma_wait3A_79 = tpu.memref_squeeze %dma_wait3A_78 : memref<1x1x64x128xf32, #tpu.memory_space<hbm>> -> memref<64x128xf32, #tpu.memory_space<hbm>>
      %dma_wait3A_80 = arith.constant 0 : i32
      %dma_wait3A_81 = arith.constant 0 : i32
      %dma_wait3A_82 = tpu.memref_slice %arg3[%dma_wait3A_74, %dma_wait3A_75, %dma_wait3A_80, %dma_wait3A_81] : memref<32x160x64x128xf32, #tpu.memory_space<hbm>> -> memref<1x1x64x128xf32, #tpu.memory_space<hbm>>
      %dma_wait3A_83 = tpu.memref_squeeze %dma_wait3A_82 : memref<1x1x64x128xf32, #tpu.memory_space<hbm>> -> memref<64x128xf32, #tpu.memory_space<hbm>>
      tpu.wait_dma2 semaphore(%arg16 : memref<!tpu.dma_semaphore, #tpu.memory_space<semaphore_mem>>) src(%dma_wait3A_83 : memref<64x128xf32, #tpu.memory_space<hbm>>) dst(%arg13 : memref<64x128xf32, #tpu.memory_space<vmem>>)
      %add3A_84 = arith.constant 1 : i32
      %add3A_85 = arith.addi %rem3A_44, %add3A_84 : i32
      %scan3A_86 = arith.constant 0 : i32
      %scan3A_87 = arith.constant 0 : i32
      %scan3A_88 = arith.constant 16 : i32
      %scan3A_89 = arith.addi %scan3A_87, %scan3A_88 : i32
      %scan3A_90 = arith.constant 1 : i32
      scf.for %scan3A_103 = %scan3A_87 to %scan3A_89 step %scan3A_90  : i32 {
        %mul3A_104 = arith.constant 4 : i32
        %mul3A_105 = arith.muli %scan3A_103, %mul3A_104 : i32
        %add3A_106 = arith.constant 0 : i32
        %add3A_107 = arith.addi %mul3A_105, %add3A_106 : i32
        %get3A = arith.index_cast %add3A_107 : i32 to index
        %get3A_108 = arith.constant 0 : index
        %get3A_109 = tpu.vector_load %arg13[%get3A, %get3A_108] {strides = array<i32>} : memref<64x128xf32, #tpu.memory_space<vmem>>, vector<16xf32>,
        %slice3A = vector.extract_strided_slice %get3A_109 {offsets = [0], sizes = [1], strides = [1]} : vector<16xf32> to vector<1xf32>
        %squeeze3A = vector.extract %slice3A[0] : f32 from vector<1xf32>
        %get3A_110 = arith.index_cast %add3A_107 : i32 to index
        %get3A_111 = arith.constant 0 : index
        %get3A_112 = tpu.vector_load %arg11[%get3A_110, %get3A_111] {strides = array<i32>} : memref<64x128xf32, #tpu.memory_space<vmem>>, vector<16xf32>,
        %mul3A_113 = vector.broadcast %squeeze3A : f32 to vector<16xf32>
        %mul3A_114 = arith.mulf %get3A_112, %mul3A_113 : vector<16xf32>
        %swap3A = arith.index_cast %add3A_107 : i32 to index
        %swap3A_115 = arith.constant 0 : index
        %swap3A_116 = tpu.vector_load %arg11[%swap3A, %swap3A_115] {strides = array<i32>} : memref<64x128xf32, #tpu.memory_space<vmem>>, vector<16xf32>,
        tpu.vector_store %arg11[%swap3A, %swap3A_115], %mul3A_114 {strides = array<i32>} : memref<64x128xf32, #tpu.memory_space<vmem>>, vector<16xf32>,
        %get3A_117 = arith.index_cast %add3A_107 : i32 to index
        %get3A_118 = arith.constant 16 : index
        %get3A_119 = tpu.vector_load %arg11[%get3A_117, %get3A_118] {strides = array<i32>} : memref<64x128xf32, #tpu.memory_space<vmem>>, vector<16xf32>,
        %mul3A_120 = vector.broadcast %squeeze3A : f32 to vector<16xf32>
        %mul3A_121 = arith.mulf %get3A_119, %mul3A_120 : vector<16xf32>
        %swap3A_122 = arith.index_cast %add3A_107 : i32 to index
        %swap3A_123 = arith.constant 16 : index
        %swap3A_124 = tpu.vector_load %arg11[%swap3A_122, %swap3A_123] {strides = array<i32>} : memref<64x128xf32, #tpu.memory_space<vmem>>, vector<16xf32>,
        tpu.vector_store %arg11[%swap3A_122, %swap3A_123], %mul3A_121 {strides = array<i32>} : memref<64x128xf32, #tpu.memory_space<vmem>>, vector<16xf32>,
        %slice3A_125 = vector.extract_strided_slice %get3A_109 {offsets = [1], sizes = [1], strides = [1]} : vector<16xf32> to vector<1xf32>
        %squeeze3A_126 = vector.extract %slice3A_125[0] : f32 from vector<1xf32>
        %get3A_127 = arith.index_cast %add3A_107 : i32 to index
        %get3A_128 = arith.constant 32 : index
        %get3A_129 = tpu.vector_load %arg11[%get3A_127, %get3A_128] {strides = array<i32>} : memref<64x128xf32, #tpu.memory_space<vmem>>, vector<16xf32>,
        %mul3A_130 = vector.broadcast %squeeze3A_126 : f32 to vector<16xf32>
        %mul3A_131 = arith.mulf %get3A_129, %mul3A_130 : vector<16xf32>
        %swap3A_132 = arith.index_cast %add3A_107 : i32 to index
        %swap3A_133 = arith.constant 32 : index
        %swap3A_134 = tpu.vector_load %arg11[%swap3A_132, %swap3A_133] {strides = array<i32>} : memref<64x128xf32, #tpu.memory_space<vmem>>, vector<16xf32>,
        tpu.vector_store %arg11[%swap3A_132, %swap3A_133], %mul3A_131 {strides = array<i32>} : memref<64x128xf32, #tpu.memory_space<vmem>>, vector<16xf32>,
        %get3A_135 = arith.index_cast %add3A_107 : i32 to index
        %get3A_136 = arith.constant 48 : index
        %get3A_137 = tpu.vector_load %arg11[%get3A_135, %get3A_136] {strides = array<i32>} : memref<64x128xf32, #tpu.memory_space<vmem>>, vector<16xf32>,
        %mul3A_138 = vector.broadcast %squeeze3A_126 : f32 to vector<16xf32>
        %mul3A_139 = arith.mulf %get3A_137, %mul3A_138 : vector<16xf32>
        %swap3A_140 = arith.index_cast %add3A_107 : i32 to index
        %swap3A_141 = arith.constant 48 : index
        %swap3A_142 = tpu.vector_load %arg11[%swap3A_140, %swap3A_141] {strides = array<i32>} : memref<64x128xf32, #tpu.memory_space<vmem>>, vector<16xf32>,
        tpu.vector_store %arg11[%swap3A_140, %swap3A_141], %mul3A_139 {strides = array<i32>} : memref<64x128xf32, #tpu.memory_space<vmem>>, vector<16xf32>,
        %slice3A_143 = vector.extract_strided_slice %get3A_109 {offsets = [2], sizes = [1], strides = [1]} : vector<16xf32> to vector<1xf32>
        %squeeze3A_144 = vector.extract %slice3A_143[0] : f32 from vector<1xf32>
        %get3A_145 = arith.index_cast %add3A_107 : i32 to index
        %get3A_146 = arith.constant 64 : index
        %get3A_147 = tpu.vector_load %arg11[%get3A_145, %get3A_146] {strides = array<i32>} : memref<64x128xf32, #tpu.memory_space<vmem>>, vector<16xf32>,
        %mul3A_148 = vector.broadcast %squeeze3A_144 : f32 to vector<16xf32>
        %mul3A_149 = arith.mulf %get3A_147, %mul3A_148 : vector<16xf32>
        %swap3A_150 = arith.index_cast %add3A_107 : i32 to index
        %swap3A_151 = arith.constant 64 : index
        %swap3A_152 = tpu.vector_load %arg11[%swap3A_150, %swap3A_151] {strides = array<i32>} : memref<64x128xf32, #tpu.memory_space<vmem>>, vector<16xf32>,
        tpu.vector_store %arg11[%swap3A_150, %swap3A_151], %mul3A_149 {strides = array<i32>} : memref<64x128xf32, #tpu.memory_space<vmem>>, vector<16xf32>,
        %get3A_153 = arith.index_cast %add3A_107 : i32 to index
        %get3A_154 = arith.constant 80 : index
        %get3A_155 = tpu.vector_load %arg11[%get3A_153, %get3A_154] {strides = array<i32>} : memref<64x128xf32, #tpu.memory_space<vmem>>, vector<16xf32>,
        %mul3A_156 = vector.broadcast %squeeze3A_144 : f32 to vector<16xf32>
        %mul3A_157 = arith.mulf %get3A_155, %mul3A_156 : vector<16xf32>
        %swap3A_158 = arith.index_cast %add3A_107 : i32 to index
        %swap3A_159 = arith.constant 80 : index
        %swap3A_160 = tpu.vector_load %arg11[%swap3A_158, %swap3A_159] {strides = array<i32>} : memref<64x128xf32, #tpu.memory_space<vmem>>, vector<16xf32>,
        tpu.vector_store %arg11[%swap3A_158, %swap3A_159], %mul3A_157 {strides = array<i32>} : memref<64x128xf32, #tpu.memory_space<vmem>>, vector<16xf32>,
        %slice3A_161 = vector.extract_strided_slice %get3A_109 {offsets = [3], sizes = [1], strides = [1]} : vector<16xf32> to vector<1xf32>
        %squeeze3A_162 = vector.extract %slice3A_161[0] : f32 from vector<1xf32>
        %get3A_163 = arith.index_cast %add3A_107 : i32 to index
        %get3A_164 = arith.constant 96 : index
        %get3A_165 = tpu.vector_load %arg11[%get3A_163, %get3A_164] {strides = array<i32>} : memref<64x128xf32, #tpu.memory_space<vmem>>, vector<16xf32>,
        %mul3A_166 = vector.broadcast %squeeze3A_162 : f32 to vector<16xf32>
        %mul3A_167 = arith.mulf %get3A_165, %mul3A_166 : vector<16xf32>
        %swap3A_168 = arith.index_cast %add3A_107 : i32 to index
        %swap3A_169 = arith.constant 96 : index
        %swap3A_170 = tpu.vector_load %arg11[%swap3A_168, %swap3A_169] {strides = array<i32>} : memref<64x128xf32, #tpu.memory_space<vmem>>, vector<16xf32>,
        tpu.vector_store %arg11[%swap3A_168, %swap3A_169], %mul3A_167 {strides = array<i32>} : memref<64x128xf32, #tpu.memory_space<vmem>>, vector<16xf32>,
        %get3A_171 = arith.index_cast %add3A_107 : i32 to index
        %get3A_172 = arith.constant 112 : index
        %get3A_173 = tpu.vector_load %arg11[%get3A_171, %get3A_172] {strides = array<i32>} : memref<64x128xf32, #tpu.memory_space<vmem>>, vector<16xf32>,
        %mul3A_174 = vector.broadcast %squeeze3A_162 : f32 to vector<16xf32>
        %mul3A_175 = arith.mulf %get3A_173, %mul3A_174 : vector<16xf32>
        %swap3A_176 = arith.index_cast %add3A_107 : i32 to index
        %swap3A_177 = arith.constant 112 : index
        %swap3A_178 = tpu.vector_load %arg11[%swap3A_176, %swap3A_177] {strides = array<i32>} : memref<64x128xf32, #tpu.memory_space<vmem>>, vector<16xf32>,
        tpu.vector_store %arg11[%swap3A_176, %swap3A_177], %mul3A_175 {strides = array<i32>} : memref<64x128xf32, #tpu.memory_space<vmem>>, vector<16xf32>,
        %mul3A_179 = arith.constant 4 : i32
        %mul3A_180 = arith.muli %scan3A_103, %mul3A_179 : i32
        %add3A_181 = arith.constant 1 : i32
        %add3A_182 = arith.addi %mul3A_180, %add3A_181 : i32
        %get3A_183 = arith.index_cast %add3A_182 : i32 to index
        %get3A_184 = arith.constant 0 : index
        %get3A_185 = tpu.vector_load %arg13[%get3A_183, %get3A_184] {strides = array<i32>} : memref<64x128xf32, #tpu.memory_space<vmem>>, vector<16xf32>,
        %slice3A_186 = vector.extract_strided_slice %get3A_185 {offsets = [0], sizes = [1], strides = [1]} : vector<16xf32> to vector<1xf32>
        %squeeze3A_187 = vector.extract %slice3A_186[0] : f32 from vector<1xf32>
        %get3A_188 = arith.index_cast %add3A_182 : i32 to index
        %get3A_189 = arith.constant 0 : index
        %get3A_190 = tpu.vector_load %arg11[%get3A_188, %get3A_189] {strides = array<i32>} : memref<64x128xf32, #tpu.memory_space<vmem>>, vector<16xf32>,
        %mul3A_191 = vector.broadcast %squeeze3A_187 : f32 to vector<16xf32>
        %mul3A_192 = arith.mulf %get3A_190, %mul3A_191 : vector<16xf32>
        %swap3A_193 = arith.index_cast %add3A_182 : i32 to index
        %swap3A_194 = arith.constant 0 : index
        %swap3A_195 = tpu.vector_load %arg11[%swap3A_193, %swap3A_194] {strides = array<i32>} : memref<64x128xf32, #tpu.memory_space<vmem>>, vector<16xf32>,
        tpu.vector_store %arg11[%swap3A_193, %swap3A_194], %mul3A_192 {strides = array<i32>} : memref<64x128xf32, #tpu.memory_space<vmem>>, vector<16xf32>,
        %get3A_196 = arith.index_cast %add3A_182 : i32 to index
        %get3A_197 = arith.constant 16 : index
        %get3A_198 = tpu.vector_load %arg11[%get3A_196, %get3A_197] {strides = array<i32>} : memref<64x128xf32, #tpu.memory_space<vmem>>, vector<16xf32>,
        %mul3A_199 = vector.broadcast %squeeze3A_187 : f32 to vector<16xf32>
        %mul3A_200 = arith.mulf %get3A_198, %mul3A_199 : vector<16xf32>
        %swap3A_201 = arith.index_cast %add3A_182 : i32 to index
        %swap3A_202 = arith.constant 16 : index
        %swap3A_203 = tpu.vector_load %arg11[%swap3A_201, %swap3A_202] {strides = array<i32>} : memref<64x128xf32, #tpu.memory_space<vmem>>, vector<16xf32>,
        tpu.vector_store %arg11[%swap3A_201, %swap3A_202], %mul3A_200 {strides = array<i32>} : memref<64x128xf32, #tpu.memory_space<vmem>>, vector<16xf32>,
        %slice3A_204 = vector.extract_strided_slice %get3A_185 {offsets = [1], sizes = [1], strides = [1]} : vector<16xf32> to vector<1xf32>
        %squeeze3A_205 = vector.extract %slice3A_204[0] : f32 from vector<1xf32>
        %get3A_206 = arith.index_cast %add3A_182 : i32 to index
        %get3A_207 = arith.constant 32 : index
        %get3A_208 = tpu.vector_load %arg11[%get3A_206, %get3A_207] {strides = array<i32>} : memref<64x128xf32, #tpu.memory_space<vmem>>, vector<16xf32>,
        %mul3A_209 = vector.broadcast %squeeze3A_205 : f32 to vector<16xf32>
        %mul3A_210 = arith.mulf %get3A_208, %mul3A_209 : vector<16xf32>
        %swap3A_211 = arith.index_cast %add3A_182 : i32 to index
        %swap3A_212 = arith.constant 32 : index
        %swap3A_213 = tpu.vector_load %arg11[%swap3A_211, %swap3A_212] {strides = array<i32>} : memref<64x128xf32, #tpu.memory_space<vmem>>, vector<16xf32>,
        tpu.vector_store %arg11[%swap3A_211, %swap3A_212], %mul3A_210 {strides = array<i32>} : memref<64x128xf32, #tpu.memory_space<vmem>>, vector<16xf32>,
        %get3A_214 = arith.index_cast %add3A_182 : i32 to index
        %get3A_215 = arith.constant 48 : index
        %get3A_216 = tpu.vector_load %arg11[%get3A_214, %get3A_215] {strides = array<i32>} : memref<64x128xf32, #tpu.memory_space<vmem>>, vector<16xf32>,
        %mul3A_217 = vector.broadcast %squeeze3A_205 : f32 to vector<16xf32>
        %mul3A_218 = arith.mulf %get3A_216, %mul3A_217 : vector<16xf32>
        %swap3A_219 = arith.index_cast %add3A_182 : i32 to index
        %swap3A_220 = arith.constant 48 : index
        %swap3A_221 = tpu.vector_load %arg11[%swap3A_219, %swap3A_220] {strides = array<i32>} : memref<64x128xf32, #tpu.memory_space<vmem>>, vector<16xf32>,
        tpu.vector_store %arg11[%swap3A_219, %swap3A_220], %mul3A_218 {strides = array<i32>} : memref<64x128xf32, #tpu.memory_space<vmem>>, vector<16xf32>,
        %slice3A_222 = vector.extract_strided_slice %get3A_185 {offsets = [2], sizes = [1], strides = [1]} : vector<16xf32> to vector<1xf32>
        %squeeze3A_223 = vector.extract %slice3A_222[0] : f32 from vector<1xf32>
        %get3A_224 = arith.index_cast %add3A_182 : i32 to index
        %get3A_225 = arith.constant 64 : index
        %get3A_226 = tpu.vector_load %arg11[%get3A_224, %get3A_225] {strides = array<i32>} : memref<64x128xf32, #tpu.memory_space<vmem>>, vector<16xf32>,
        %mul3A_227 = vector.broadcast %squeeze3A_223 : f32 to vector<16xf32>
        %mul3A_228 = arith.mulf %get3A_226, %mul3A_227 : vector<16xf32>
        %swap3A_229 = arith.index_cast %add3A_182 : i32 to index
        %swap3A_230 = arith.constant 64 : index
        %swap3A_231 = tpu.vector_load %arg11[%swap3A_229, %swap3A_230] {strides = array<i32>} : memref<64x128xf32, #tpu.memory_space<vmem>>, vector<16xf32>,
        tpu.vector_store %arg11[%swap3A_229, %swap3A_230], %mul3A_228 {strides = array<i32>} : memref<64x128xf32, #tpu.memory_space<vmem>>, vector<16xf32>,
        %get3A_232 = arith.index_cast %add3A_182 : i32 to index
        %get3A_233 = arith.constant 80 : index
        %get3A_234 = tpu.vector_load %arg11[%get3A_232, %get3A_233] {strides = array<i32>} : memref<64x128xf32, #tpu.memory_space<vmem>>, vector<16xf32>,
        %mul3A_235 = vector.broadcast %squeeze3A_223 : f32 to vector<16xf32>
        %mul3A_236 = arith.mulf %get3A_234, %mul3A_235 : vector<16xf32>
        %swap3A_237 = arith.index_cast %add3A_182 : i32 to index
        %swap3A_238 = arith.constant 80 : index
        %swap3A_239 = tpu.vector_load %arg11[%swap3A_237, %swap3A_238] {strides = array<i32>} : memref<64x128xf32, #tpu.memory_space<vmem>>, vector<16xf32>,
        tpu.vector_store %arg11[%swap3A_237, %swap3A_238], %mul3A_236 {strides = array<i32>} : memref<64x128xf32, #tpu.memory_space<vmem>>, vector<16xf32>,
        %slice3A_240 = vector.extract_strided_slice %get3A_185 {offsets = [3], sizes = [1], strides = [1]} : vector<16xf32> to vector<1xf32>
        %squeeze3A_241 = vector.extract %slice3A_240[0] : f32 from vector<1xf32>
        %get3A_242 = arith.index_cast %add3A_182 : i32 to index
        %get3A_243 = arith.constant 96 : index
        %get3A_244 = tpu.vector_load %arg11[%get3A_242, %get3A_243] {strides = array<i32>} : memref<64x128xf32, #tpu.memory_space<vmem>>, vector<16xf32>,
        %mul3A_245 = vector.broadcast %squeeze3A_241 : f32 to vector<16xf32>
        %mul3A_246 = arith.mulf %get3A_244, %mul3A_245 : vector<16xf32>
        %swap3A_247 = arith.index_cast %add3A_182 : i32 to index
        %swap3A_248 = arith.constant 96 : index
        %swap3A_249 = tpu.vector_load %arg11[%swap3A_247, %swap3A_248] {strides = array<i32>} : memref<64x128xf32, #tpu.memory_space<vmem>>, vector<16xf32>,
        tpu.vector_store %arg11[%swap3A_247, %swap3A_248], %mul3A_246 {strides = array<i32>} : memref<64x128xf32, #tpu.memory_space<vmem>>, vector<16xf32>,
        %get3A_250 = arith.index_cast %add3A_182 : i32 to index
        %get3A_251 = arith.constant 112 : index
        %get3A_252 = tpu.vector_load %arg11[%get3A_250, %get3A_251] {strides = array<i32>} : memref<64x128xf32, #tpu.memory_space<vmem>>, vector<16xf32>,
        %mul3A_253 = vector.broadcast %squeeze3A_241 : f32 to vector<16xf32>
        %mul3A_254 = arith.mulf %get3A_252, %mul3A_253 : vector<16xf32>
        %swap3A_255 = arith.index_cast %add3A_182 : i32 to index
        %swap3A_256 = arith.constant 112 : index
        %swap3A_257 = tpu.vector_load %arg11[%swap3A_255, %swap3A_256] {strides = array<i32>} : memref<64x128xf32, #tpu.memory_space<vmem>>, vector<16xf32>,
        tpu.vector_store %arg11[%swap3A_255, %swap3A_256], %mul3A_254 {strides = array<i32>} : memref<64x128xf32, #tpu.memory_space<vmem>>, vector<16xf32>,
        %mul3A_258 = arith.constant 4 : i32
        %mul3A_259 = arith.muli %scan3A_103, %mul3A_258 : i32
        %add3A_260 = arith.constant 2 : i32
        %add3A_261 = arith.addi %mul3A_259, %add3A_260 : i32
        %get3A_262 = arith.index_cast %add3A_261 : i32 to index
        %get3A_263 = arith.constant 0 : index
        %get3A_264 = tpu.vector_load %arg13[%get3A_262, %get3A_263] {strides = array<i32>} : memref<64x128xf32, #tpu.memory_space<vmem>>, vector<16xf32>,
        %slice3A_265 = vector.extract_strided_slice %get3A_264 {offsets = [0], sizes = [1], strides = [1]} : vector<16xf32> to vector<1xf32>
        %squeeze3A_266 = vector.extract %slice3A_265[0] : f32 from vector<1xf32>
        %get3A_267 = arith.index_cast %add3A_261 : i32 to index
        %get3A_268 = arith.constant 0 : index
        %get3A_269 = tpu.vector_load %arg11[%get3A_267, %get3A_268] {strides = array<i32>} : memref<64x128xf32, #tpu.memory_space<vmem>>, vector<16xf32>,
        %mul3A_270 = vector.broadcast %squeeze3A_266 : f32 to vector<16xf32>
        %mul3A_271 = arith.mulf %get3A_269, %mul3A_270 : vector<16xf32>
        %swap3A_272 = arith.index_cast %add3A_261 : i32 to index
        %swap3A_273 = arith.constant 0 : index
        %swap3A_274 = tpu.vector_load %arg11[%swap3A_272, %swap3A_273] {strides = array<i32>} : memref<64x128xf32, #tpu.memory_space<vmem>>, vector<16xf32>,
        tpu.vector_store %arg11[%swap3A_272, %swap3A_273], %mul3A_271 {strides = array<i32>} : memref<64x128xf32, #tpu.memory_space<vmem>>, vector<16xf32>,
        %get3A_275 = arith.index_cast %add3A_261 : i32 to index
        %get3A_276 = arith.constant 16 : index
        %get3A_277 = tpu.vector_load %arg11[%get3A_275, %get3A_276] {strides = array<i32>} : memref<64x128xf32, #tpu.memory_space<vmem>>, vector<16xf32>,
        %mul3A_278 = vector.broadcast %squeeze3A_266 : f32 to vector<16xf32>
        %mul3A_279 = arith.mulf %get3A_277, %mul3A_278 : vector<16xf32>
        %swap3A_280 = arith.index_cast %add3A_261 : i32 to index
        %swap3A_281 = arith.constant 16 : index
        %swap3A_282 = tpu.vector_load %arg11[%swap3A_280, %swap3A_281] {strides = array<i32>} : memref<64x128xf32, #tpu.memory_space<vmem>>, vector<16xf32>,
        tpu.vector_store %arg11[%swap3A_280, %swap3A_281], %mul3A_279 {strides = array<i32>} : memref<64x128xf32, #tpu.memory_space<vmem>>, vector<16xf32>,
        %slice3A_283 = vector.extract_strided_slice %get3A_264 {offsets = [1], sizes = [1], strides = [1]} : vector<16xf32> to vector<1xf32>
        %squeeze3A_284 = vector.extract %slice3A_283[0] : f32 from vector<1xf32>
        %get3A_285 = arith.index_cast %add3A_261 : i32 to index
        %get3A_286 = arith.constant 32 : index
        %get3A_287 = tpu.vector_load %arg11[%get3A_285, %get3A_286] {strides = array<i32>} : memref<64x128xf32, #tpu.memory_space<vmem>>, vector<16xf32>,
        %mul3A_288 = vector.broadcast %squeeze3A_284 : f32 to vector<16xf32>
        %mul3A_289 = arith.mulf %get3A_287, %mul3A_288 : vector<16xf32>
        %swap3A_290 = arith.index_cast %add3A_261 : i32 to index
        %swap3A_291 = arith.constant 32 : index
        %swap3A_292 = tpu.vector_load %arg11[%swap3A_290, %swap3A_291] {strides = array<i32>} : memref<64x128xf32, #tpu.memory_space<vmem>>, vector<16xf32>,
        tpu.vector_store %arg11[%swap3A_290, %swap3A_291], %mul3A_289 {strides = array<i32>} : memref<64x128xf32, #tpu.memory_space<vmem>>, vector<16xf32>,
        %get3A_293 = arith.index_cast %add3A_261 : i32 to index
        %get3A_294 = arith.constant 48 : index
        %get3A_295 = tpu.vector_load %arg11[%get3A_293, %get3A_294] {strides = array<i32>} : memref<64x128xf32, #tpu.memory_space<vmem>>, vector<16xf32>,
        %mul3A_296 = vector.broadcast %squeeze3A_284 : f32 to vector<16xf32>
        %mul3A_297 = arith.mulf %get3A_295, %mul3A_296 : vector<16xf32>
        %swap3A_298 = arith.index_cast %add3A_261 : i32 to index
        %swap3A_299 = arith.constant 48 : index
        %swap3A_300 = tpu.vector_load %arg11[%swap3A_298, %swap3A_299] {strides = array<i32>} : memref<64x128xf32, #tpu.memory_space<vmem>>, vector<16xf32>,
        tpu.vector_store %arg11[%swap3A_298, %swap3A_299], %mul3A_297 {strides = array<i32>} : memref<64x128xf32, #tpu.memory_space<vmem>>, vector<16xf32>,
        %slice3A_301 = vector.extract_strided_slice %get3A_264 {offsets = [2], sizes = [1], strides = [1]} : vector<16xf32> to vector<1xf32>
        %squeeze3A_302 = vector.extract %slice3A_301[0] : f32 from vector<1xf32>
        %get3A_303 = arith.index_cast %add3A_261 : i32 to index
        %get3A_304 = arith.constant 64 : index
        %get3A_305 = tpu.vector_load %arg11[%get3A_303, %get3A_304] {strides = array<i32>} : memref<64x128xf32, #tpu.memory_space<vmem>>, vector<16xf32>,
        %mul3A_306 = vector.broadcast %squeeze3A_302 : f32 to vector<16xf32>
        %mul3A_307 = arith.mulf %get3A_305, %mul3A_306 : vector<16xf32>
        %swap3A_308 = arith.index_cast %add3A_261 : i32 to index
        %swap3A_309 = arith.constant 64 : index
        %swap3A_310 = tpu.vector_load %arg11[%swap3A_308, %swap3A_309] {strides = array<i32>} : memref<64x128xf32, #tpu.memory_space<vmem>>, vector<16xf32>,
        tpu.vector_store %arg11[%swap3A_308, %swap3A_309], %mul3A_307 {strides = array<i32>} : memref<64x128xf32, #tpu.memory_space<vmem>>, vector<16xf32>,
        %get3A_311 = arith.index_cast %add3A_261 : i32 to index
        %get3A_312 = arith.constant 80 : index
        %get3A_313 = tpu.vector_load %arg11[%get3A_311, %get3A_312] {strides = array<i32>} : memref<64x128xf32, #tpu.memory_space<vmem>>, vector<16xf32>,
        %mul3A_314 = vector.broadcast %squeeze3A_302 : f32 to vector<16xf32>
        %mul3A_315 = arith.mulf %get3A_313, %mul3A_314 : vector<16xf32>
        %swap3A_316 = arith.index_cast %add3A_261 : i32 to index
        %swap3A_317 = arith.constant 80 : index
        %swap3A_318 = tpu.vector_load %arg11[%swap3A_316, %swap3A_317] {strides = array<i32>} : memref<64x128xf32, #tpu.memory_space<vmem>>, vector<16xf32>,
        tpu.vector_store %arg11[%swap3A_316, %swap3A_317], %mul3A_315 {strides = array<i32>} : memref<64x128xf32, #tpu.memory_space<vmem>>, vector<16xf32>,
        %slice3A_319 = vector.extract_strided_slice %get3A_264 {offsets = [3], sizes = [1], strides = [1]} : vector<16xf32> to vector<1xf32>
        %squeeze3A_320 = vector.extract %slice3A_319[0] : f32 from vector<1xf32>
        %get3A_321 = arith.index_cast %add3A_261 : i32 to index
        %get3A_322 = arith.constant 96 : index
        %get3A_323 = tpu.vector_load %arg11[%get3A_321, %get3A_322] {strides = array<i32>} : memref<64x128xf32, #tpu.memory_space<vmem>>, vector<16xf32>,
        %mul3A_324 = vector.broadcast %squeeze3A_320 : f32 to vector<16xf32>
        %mul3A_325 = arith.mulf %get3A_323, %mul3A_324 : vector<16xf32>
        %swap3A_326 = arith.index_cast %add3A_261 : i32 to index
        %swap3A_327 = arith.constant 96 : index
        %swap3A_328 = tpu.vector_load %arg11[%swap3A_326, %swap3A_327] {strides = array<i32>} : memref<64x128xf32, #tpu.memory_space<vmem>>, vector<16xf32>,
        tpu.vector_store %arg11[%swap3A_326, %swap3A_327], %mul3A_325 {strides = array<i32>} : memref<64x128xf32, #tpu.memory_space<vmem>>, vector<16xf32>,
        %get3A_329 = arith.index_cast %add3A_261 : i32 to index
        %get3A_330 = arith.constant 112 : index
        %get3A_331 = tpu.vector_load %arg11[%get3A_329, %get3A_330] {strides = array<i32>} : memref<64x128xf32, #tpu.memory_space<vmem>>, vector<16xf32>,
        %mul3A_332 = vector.broadcast %squeeze3A_320 : f32 to vector<16xf32>
        %mul3A_333 = arith.mulf %get3A_331, %mul3A_332 : vector<16xf32>
        %swap3A_334 = arith.index_cast %add3A_261 : i32 to index
        %swap3A_335 = arith.constant 112 : index
        %swap3A_336 = tpu.vector_load %arg11[%swap3A_334, %swap3A_335] {strides = array<i32>} : memref<64x128xf32, #tpu.memory_space<vmem>>, vector<16xf32>,
        tpu.vector_store %arg11[%swap3A_334, %swap3A_335], %mul3A_333 {strides = array<i32>} : memref<64x128xf32, #tpu.memory_space<vmem>>, vector<16xf32>,
        %mul3A_337 = arith.constant 4 : i32
        %mul3A_338 = arith.muli %scan3A_103, %mul3A_337 : i32
        %add3A_339 = arith.constant 3 : i32
        %add3A_340 = arith.addi %mul3A_338, %add3A_339 : i32
        %get3A_341 = arith.index_cast %add3A_340 : i32 to index
        %get3A_342 = arith.constant 0 : index
        %get3A_343 = tpu.vector_load %arg13[%get3A_341, %get3A_342] {strides = array<i32>} : memref<64x128xf32, #tpu.memory_space<vmem>>, vector<16xf32>,
        %slice3A_344 = vector.extract_strided_slice %get3A_343 {offsets = [0], sizes = [1], strides = [1]} : vector<16xf32> to vector<1xf32>
        %squeeze3A_345 = vector.extract %slice3A_344[0] : f32 from vector<1xf32>
        %get3A_346 = arith.index_cast %add3A_340 : i32 to index
        %get3A_347 = arith.constant 0 : index
        %get3A_348 = tpu.vector_load %arg11[%get3A_346, %get3A_347] {strides = array<i32>} : memref<64x128xf32, #tpu.memory_space<vmem>>, vector<16xf32>,
        %mul3A_349 = vector.broadcast %squeeze3A_345 : f32 to vector<16xf32>
        %mul3A_350 = arith.mulf %get3A_348, %mul3A_349 : vector<16xf32>
        %swap3A_351 = arith.index_cast %add3A_340 : i32 to index
        %swap3A_352 = arith.constant 0 : index
        %swap3A_353 = tpu.vector_load %arg11[%swap3A_351, %swap3A_352] {strides = array<i32>} : memref<64x128xf32, #tpu.memory_space<vmem>>, vector<16xf32>,
        tpu.vector_store %arg11[%swap3A_351, %swap3A_352], %mul3A_350 {strides = array<i32>} : memref<64x128xf32, #tpu.memory_space<vmem>>, vector<16xf32>,
        %get3A_354 = arith.index_cast %add3A_340 : i32 to index
        %get3A_355 = arith.constant 16 : index
        %get3A_356 = tpu.vector_load %arg11[%get3A_354, %get3A_355] {strides = array<i32>} : memref<64x128xf32, #tpu.memory_space<vmem>>, vector<16xf32>,
        %mul3A_357 = vector.broadcast %squeeze3A_345 : f32 to vector<16xf32>
        %mul3A_358 = arith.mulf %get3A_356, %mul3A_357 : vector<16xf32>
        %swap3A_359 = arith.index_cast %add3A_340 : i32 to index
        %swap3A_360 = arith.constant 16 : index
        %swap3A_361 = tpu.vector_load %arg11[%swap3A_359, %swap3A_360] {strides = array<i32>} : memref<64x128xf32, #tpu.memory_space<vmem>>, vector<16xf32>,
        tpu.vector_store %arg11[%swap3A_359, %swap3A_360], %mul3A_358 {strides = array<i32>} : memref<64x128xf32, #tpu.memory_space<vmem>>, vector<16xf32>,
        %slice3A_362 = vector.extract_strided_slice %get3A_343 {offsets = [1], sizes = [1], strides = [1]} : vector<16xf32> to vector<1xf32>
        %squeeze3A_363 = vector.extract %slice3A_362[0] : f32 from vector<1xf32>
        %get3A_364 = arith.index_cast %add3A_340 : i32 to index
        %get3A_365 = arith.constant 32 : index
        %get3A_366 = tpu.vector_load %arg11[%get3A_364, %get3A_365] {strides = array<i32>} : memref<64x128xf32, #tpu.memory_space<vmem>>, vector<16xf32>,
        %mul3A_367 = vector.broadcast %squeeze3A_363 : f32 to vector<16xf32>
        %mul3A_368 = arith.mulf %get3A_366, %mul3A_367 : vector<16xf32>
        %swap3A_369 = arith.index_cast %add3A_340 : i32 to index
        %swap3A_370 = arith.constant 32 : index
        %swap3A_371 = tpu.vector_load %arg11[%swap3A_369, %swap3A_370] {strides = array<i32>} : memref<64x128xf32, #tpu.memory_space<vmem>>, vector<16xf32>,
        tpu.vector_store %arg11[%swap3A_369, %swap3A_370], %mul3A_368 {strides = array<i32>} : memref<64x128xf32, #tpu.memory_space<vmem>>, vector<16xf32>,
        %get3A_372 = arith.index_cast %add3A_340 : i32 to index
        %get3A_373 = arith.constant 48 : index
        %get3A_374 = tpu.vector_load %arg11[%get3A_372, %get3A_373] {strides = array<i32>} : memref<64x128xf32, #tpu.memory_space<vmem>>, vector<16xf32>,
        %mul3A_375 = vector.broadcast %squeeze3A_363 : f32 to vector<16xf32>
        %mul3A_376 = arith.mulf %get3A_374, %mul3A_375 : vector<16xf32>
        %swap3A_377 = arith.index_cast %add3A_340 : i32 to index
        %swap3A_378 = arith.constant 48 : index
        %swap3A_379 = tpu.vector_load %arg11[%swap3A_377, %swap3A_378] {strides = array<i32>} : memref<64x128xf32, #tpu.memory_space<vmem>>, vector<16xf32>,
        tpu.vector_store %arg11[%swap3A_377, %swap3A_378], %mul3A_376 {strides = array<i32>} : memref<64x128xf32, #tpu.memory_space<vmem>>, vector<16xf32>,
        %slice3A_380 = vector.extract_strided_slice %get3A_343 {offsets = [2], sizes = [1], strides = [1]} : vector<16xf32> to vector<1xf32>
        %squeeze3A_381 = vector.extract %slice3A_380[0] : f32 from vector<1xf32>
        %get3A_382 = arith.index_cast %add3A_340 : i32 to index
        %get3A_383 = arith.constant 64 : index
        %get3A_384 = tpu.vector_load %arg11[%get3A_382, %get3A_383] {strides = array<i32>} : memref<64x128xf32, #tpu.memory_space<vmem>>, vector<16xf32>,
        %mul3A_385 = vector.broadcast %squeeze3A_381 : f32 to vector<16xf32>
        %mul3A_386 = arith.mulf %get3A_384, %mul3A_385 : vector<16xf32>
        %swap3A_387 = arith.index_cast %add3A_340 : i32 to index
        %swap3A_388 = arith.constant 64 : index
        %swap3A_389 = tpu.vector_load %arg11[%swap3A_387, %swap3A_388] {strides = array<i32>} : memref<64x128xf32, #tpu.memory_space<vmem>>, vector<16xf32>,
        tpu.vector_store %arg11[%swap3A_387, %swap3A_388], %mul3A_386 {strides = array<i32>} : memref<64x128xf32, #tpu.memory_space<vmem>>, vector<16xf32>,
        %get3A_390 = arith.index_cast %add3A_340 : i32 to index
        %get3A_391 = arith.constant 80 : index
        %get3A_392 = tpu.vector_load %arg11[%get3A_390, %get3A_391] {strides = array<i32>} : memref<64x128xf32, #tpu.memory_space<vmem>>, vector<16xf32>,
        %mul3A_393 = vector.broadcast %squeeze3A_381 : f32 to vector<16xf32>
        %mul3A_394 = arith.mulf %get3A_392, %mul3A_393 : vector<16xf32>
        %swap3A_395 = arith.index_cast %add3A_340 : i32 to index
        %swap3A_396 = arith.constant 80 : index
        %swap3A_397 = tpu.vector_load %arg11[%swap3A_395, %swap3A_396] {strides = array<i32>} : memref<64x128xf32, #tpu.memory_space<vmem>>, vector<16xf32>,
        tpu.vector_store %arg11[%swap3A_395, %swap3A_396], %mul3A_394 {strides = array<i32>} : memref<64x128xf32, #tpu.memory_space<vmem>>, vector<16xf32>,
        %slice3A_398 = vector.extract_strided_slice %get3A_343 {offsets = [3], sizes = [1], strides = [1]} : vector<16xf32> to vector<1xf32>
        %squeeze3A_399 = vector.extract %slice3A_398[0] : f32 from vector<1xf32>
        %get3A_400 = arith.index_cast %add3A_340 : i32 to index
        %get3A_401 = arith.constant 96 : index
        %get3A_402 = tpu.vector_load %arg11[%get3A_400, %get3A_401] {strides = array<i32>} : memref<64x128xf32, #tpu.memory_space<vmem>>, vector<16xf32>,
        %mul3A_403 = vector.broadcast %squeeze3A_399 : f32 to vector<16xf32>
        %mul3A_404 = arith.mulf %get3A_402, %mul3A_403 : vector<16xf32>
        %swap3A_405 = arith.index_cast %add3A_340 : i32 to index
        %swap3A_406 = arith.constant 96 : index
        %swap3A_407 = tpu.vector_load %arg11[%swap3A_405, %swap3A_406] {strides = array<i32>} : memref<64x128xf32, #tpu.memory_space<vmem>>, vector<16xf32>,
        tpu.vector_store %arg11[%swap3A_405, %swap3A_406], %mul3A_404 {strides = array<i32>} : memref<64x128xf32, #tpu.memory_space<vmem>>, vector<16xf32>,
        %get3A_408 = arith.index_cast %add3A_340 : i32 to index
        %get3A_409 = arith.constant 112 : index
        %get3A_410 = tpu.vector_load %arg11[%get3A_408, %get3A_409] {strides = array<i32>} : memref<64x128xf32, #tpu.memory_space<vmem>>, vector<16xf32>,
        %mul3A_411 = vector.broadcast %squeeze3A_399 : f32 to vector<16xf32>
        %mul3A_412 = arith.mulf %get3A_410, %mul3A_411 : vector<16xf32>
        %swap3A_413 = arith.index_cast %add3A_340 : i32 to index
        %swap3A_414 = arith.constant 112 : index
        %swap3A_415 = tpu.vector_load %arg11[%swap3A_413, %swap3A_414] {strides = array<i32>} : memref<64x128xf32, #tpu.memory_space<vmem>>, vector<16xf32>,
        tpu.vector_store %arg11[%swap3A_413, %swap3A_414], %mul3A_412 {strides = array<i32>} : memref<64x128xf32, #tpu.memory_space<vmem>>, vector<16xf32>,
      }
      %scan3A_91 = arith.constant 16 : i32
      "tpu.region"() ({
        %run_scoped3A = tpu.sem_alloc : memref<!tpu.dma_semaphore, #tpu.memory_space<semaphore_mem>>
        %dma_start3A_103 = arith.constant 0 : i32
        %dma_start3A_104 = tpu.memref_slice %arg9[%add3A_85, %dma_start3A_103] : memref<8x64xi32, #tpu.memory_space<vmem>> -> memref<1x64xi32, #tpu.memory_space<vmem>>
        %dma_start3A_105 = tpu.memref_squeeze %dma_start3A_104 : memref<1x64xi32, #tpu.memory_space<vmem>> -> memref<64xi32, #tpu.memory_space<vmem>>
        %dma_start3A_106 = arith.constant 0 : i32
        %dma_start3A_107 = arith.constant 0 : i32
        %dma_start3A_108 = tpu.memref_slice %arg14[%dma_start3A_106, %dma_start3A_107] : memref<10240x128xf32, #tpu.memory_space<vmem_shared>> -> memref<10240x128xf32, #tpu.memory_space<vmem_shared>>
        tpu.enqueue_indirect_dma source(%arg11 : memref<64x128xf32, #tpu.memory_space<vmem>>) target(%dma_start3A_108 : memref<10240x128xf32, #tpu.memory_space<vmem_shared>>) offsets(%dma_start3A_105 : memref<64xi32, #tpu.memory_space<vmem>>) semaphore(%run_scoped3A : memref<!tpu.dma_semaphore, #tpu.memory_space<semaphore_mem>>) {add = true}
        %dma_wait3A_109 = arith.constant 0 : i32
        %dma_wait3A_110 = tpu.memref_slice %arg9[%add3A_85, %dma_wait3A_109] : memref<8x64xi32, #tpu.memory_space<vmem>> -> memref<1x64xi32, #tpu.memory_space<vmem>>
        %dma_wait3A_111 = tpu.memref_squeeze %dma_wait3A_110 : memref<1x64xi32, #tpu.memory_space<vmem>> -> memref<64xi32, #tpu.memory_space<vmem>>
        %dma_wait3A_112 = arith.constant 0 : i32
        %dma_wait3A_113 = arith.constant 0 : i32
        %dma_wait3A_114 = tpu.memref_slice %arg14[%dma_wait3A_112, %dma_wait3A_113] : memref<10240x128xf32, #tpu.memory_space<vmem_shared>> -> memref<10240x128xf32, #tpu.memory_space<vmem_shared>>
        tpu.wait_indirect_dma semaphore(%run_scoped3A : memref<!tpu.dma_semaphore, #tpu.memory_space<semaphore_mem>>) src(%arg11 : memref<64x128xf32, #tpu.memory_space<vmem>>) dst(%dma_wait3A_114 : memref<10240x128xf32, #tpu.memory_space<vmem_shared>>)
        tpu.yield
      }) : () -> ()
      %add3A_92 = arith.constant 2 : i32
      %add3A_93 = arith.addi %mul3A_43, %add3A_92 : i32
      %lt3A = arith.constant 160 : i32
      %lt3A_94 = arith.cmpi slt, %add3A_93, %lt3A : i32
      %convert_element_type3A = arith.extui %lt3A_94 : i1 to i32
      %cond3A = arith.constant 0 : i32
      %cond3A_95 = arith.cmpi ne, %convert_element_type3A, %cond3A : i32
      scf.if %cond3A_95 {
        %add3A_103 = arith.constant 2 : i32
        %add3A_104 = arith.addi %mul3A_43, %add3A_103 : i32
        %rem3A_105 = arith.constant 8 : i32
        %rem3A_106 = arith.remsi %add3A_104, %rem3A_105 : i32
        %eq3A = arith.constant 0 : i32
        %eq3A_107 = arith.cmpi eq, %rem3A_106, %eq3A : i32
        %convert_element_type3A_108 = arith.extui %eq3A_107 : i1 to i32
        %cond3A_109 = arith.constant 0 : i32
        %cond3A_110 = arith.cmpi ne, %convert_element_type3A_108, %cond3A_109 : i32
        scf.if %cond3A_110 {
          %add3A_131 = arith.constant 2 : i32
          %add3A_132 = arith.addi %mul3A_43, %add3A_131 : i32
          %multiple_of3A_133 = tpu.assume_multiple %add3A_132, 8 : i32
          "tpu.region"() ({
            %run_scoped3A = tpu.sem_alloc : memref<!tpu.dma_semaphore, #tpu.memory_space<semaphore_mem>>
            %dma_start3A_134 = arith.constant 0 : i32
            %dma_start3A_135 = tpu.memref_slice %arg4[%add3A, %multiple_of3A_133, %dma_start3A_134] : memref<32x160x64xi32, #tpu.memory_space<hbm>> -> memref<1x8x64xi32, #tpu.memory_space<hbm>>
            %dma_start3A_136 = tpu.memref_squeeze %dma_start3A_135 : memref<1x8x64xi32, #tpu.memory_space<hbm>> -> memref<8x64xi32, #tpu.memory_space<hbm>>
            %dma_start3A_137 = arith.constant 0 : i32
            %dma_start3A_138 = tpu.memref_slice %arg4[%add3A, %multiple_of3A_133, %dma_start3A_137] : memref<32x160x64xi32, #tpu.memory_space<hbm>> -> memref<1x8x64xi32, #tpu.memory_space<hbm>>
            %dma_start3A_139 = tpu.memref_squeeze %dma_start3A_138 : memref<1x8x64xi32, #tpu.memory_space<hbm>> -> memref<8x64xi32, #tpu.memory_space<hbm>>
            tpu.enqueue_dma source(%dma_start3A_139 : memref<8x64xi32, #tpu.memory_space<hbm>>) target(%arg8 : memref<8x64xi32, #tpu.memory_space<vmem>>) target_semaphore(%run_scoped3A : memref<!tpu.dma_semaphore, #tpu.memory_space<semaphore_mem>>)
            %dma_wait3A_140 = arith.constant 0 : i32
            %dma_wait3A_141 = tpu.memref_slice %arg4[%add3A, %multiple_of3A_133, %dma_wait3A_140] : memref<32x160x64xi32, #tpu.memory_space<hbm>> -> memref<1x8x64xi32, #tpu.memory_space<hbm>>
            %dma_wait3A_142 = tpu.memref_squeeze %dma_wait3A_141 : memref<1x8x64xi32, #tpu.memory_space<hbm>> -> memref<8x64xi32, #tpu.memory_space<hbm>>
            %dma_wait3A_143 = arith.constant 0 : i32
            %dma_wait3A_144 = tpu.memref_slice %arg4[%add3A, %multiple_of3A_133, %dma_wait3A_143] : memref<32x160x64xi32, #tpu.memory_space<hbm>> -> memref<1x8x64xi32, #tpu.memory_space<hbm>>
            %dma_wait3A_145 = tpu.memref_squeeze %dma_wait3A_144 : memref<1x8x64xi32, #tpu.memory_space<hbm>> -> memref<8x64xi32, #tpu.memory_space<hbm>>
            tpu.wait_dma2 semaphore(%run_scoped3A : memref<!tpu.dma_semaphore, #tpu.memory_space<semaphore_mem>>) src(%dma_wait3A_145 : memref<8x64xi32, #tpu.memory_space<hbm>>) dst(%arg8 : memref<8x64xi32, #tpu.memory_space<vmem>>)
            tpu.yield
          }) : () -> ()
          "tpu.region"() ({
            %run_scoped3A = tpu.sem_alloc : memref<!tpu.dma_semaphore, #tpu.memory_space<semaphore_mem>>
            %dma_start3A_134 = arith.constant 0 : i32
            %dma_start3A_135 = tpu.memref_slice %arg5[%add3A, %multiple_of3A_133, %dma_start3A_134] : memref<32x160x64xi32, #tpu.memory_space<hbm>> -> memref<1x8x64xi32, #tpu.memory_space<hbm>>
            %dma_start3A_136 = tpu.memref_squeeze %dma_start3A_135 : memref<1x8x64xi32, #tpu.memory_space<hbm>> -> memref<8x64xi32, #tpu.memory_space<hbm>>
            %dma_start3A_137 = arith.constant 0 : i32
            %dma_start3A_138 = tpu.memref_slice %arg5[%add3A, %multiple_of3A_133, %dma_start3A_137] : memref<32x160x64xi32, #tpu.memory_space<hbm>> -> memref<1x8x64xi32, #tpu.memory_space<hbm>>
            %dma_start3A_139 = tpu.memref_squeeze %dma_start3A_138 : memref<1x8x64xi32, #tpu.memory_space<hbm>> -> memref<8x64xi32, #tpu.memory_space<hbm>>
            tpu.enqueue_dma source(%dma_start3A_139 : memref<8x64xi32, #tpu.memory_space<hbm>>) target(%arg9 : memref<8x64xi32, #tpu.memory_space<vmem>>) target_semaphore(%run_scoped3A : memref<!tpu.dma_semaphore, #tpu.memory_space<semaphore_mem>>)
            %dma_wait3A_140 = arith.constant 0 : i32
            %dma_wait3A_141 = tpu.memref_slice %arg5[%add3A, %multiple_of3A_133, %dma_wait3A_140] : memref<32x160x64xi32, #tpu.memory_space<hbm>> -> memref<1x8x64xi32, #tpu.memory_space<hbm>>
            %dma_wait3A_142 = tpu.memref_squeeze %dma_wait3A_141 : memref<1x8x64xi32, #tpu.memory_space<hbm>> -> memref<8x64xi32, #tpu.memory_space<hbm>>
            %dma_wait3A_143 = arith.constant 0 : i32
            %dma_wait3A_144 = tpu.memref_slice %arg5[%add3A, %multiple_of3A_133, %dma_wait3A_143] : memref<32x160x64xi32, #tpu.memory_space<hbm>> -> memref<1x8x64xi32, #tpu.memory_space<hbm>>
            %dma_wait3A_145 = tpu.memref_squeeze %dma_wait3A_144 : memref<1x8x64xi32, #tpu.memory_space<hbm>> -> memref<8x64xi32, #tpu.memory_space<hbm>>
            tpu.wait_dma2 semaphore(%run_scoped3A : memref<!tpu.dma_semaphore, #tpu.memory_space<semaphore_mem>>) src(%dma_wait3A_145 : memref<8x64xi32, #tpu.memory_space<hbm>>) dst(%arg9 : memref<8x64xi32, #tpu.memory_space<vmem>>)
            tpu.yield
          }) : () -> ()
        } else {
        }
        %add3A_111 = arith.constant 2 : i32
        %add3A_112 = arith.addi %mul3A_43, %add3A_111 : i32
        %rem3A_113 = arith.constant 8 : i32
        %rem3A_114 = arith.remsi %add3A_112, %rem3A_113 : i32
        %add3A_115 = arith.constant 2 : i32
        %add3A_116 = arith.addi %mul3A_43, %add3A_115 : i32
        %dma_start3A_117 = arith.constant 0 : i32
        %dma_start3A_118 = tpu.memref_slice %arg8[%rem3A_114, %dma_start3A_117] : memref<8x64xi32, #tpu.memory_space<vmem>> -> memref<1x64xi32, #tpu.memory_space<vmem>>
        %dma_start3A_119 = tpu.memref_squeeze %dma_start3A_118 : memref<1x64xi32, #tpu.memory_space<vmem>> -> memref<64xi32, #tpu.memory_space<vmem>>
        %dma_start3A_120 = arith.constant 0 : i32
        %dma_start3A_121 = arith.constant 0 : i32
        %dma_start3A_122 = tpu.memref_slice %arg2[%dma_start3A_120, %dma_start3A_121] : memref<10240x128xf32, #tpu.memory_space<hbm>> -> memref<10240x128xf32, #tpu.memory_space<hbm>>
        tpu.enqueue_indirect_dma source(%dma_start3A_122 : memref<10240x128xf32, #tpu.memory_space<hbm>>) target(%arg10 : memref<64x128xf32, #tpu.memory_space<vmem>>) offsets(%dma_start3A_119 : memref<64xi32, #tpu.memory_space<vmem>>) semaphore(%arg15 : memref<!tpu.dma_semaphore, #tpu.memory_space<semaphore_mem>>)
        %dma_start3A_123 = arith.constant 0 : i32
        %dma_start3A_124 = arith.constant 0 : i32
        %dma_start3A_125 = tpu.memref_slice %arg3[%add3A, %add3A_116, %dma_start3A_123, %dma_start3A_124] : memref<32x160x64x128xf32, #tpu.memory_space<hbm>> -> memref<1x1x64x128xf32, #tpu.memory_space<hbm>>
        %dma_start3A_126 = tpu.memref_squeeze %dma_start3A_125 : memref<1x1x64x128xf32, #tpu.memory_space<hbm>> -> memref<64x128xf32, #tpu.memory_space<hbm>>
        %dma_start3A_127 = arith.constant 0 : i32
        %dma_start3A_128 = arith.constant 0 : i32
        %dma_start3A_129 = tpu.memref_slice %arg3[%add3A, %add3A_116, %dma_start3A_127, %dma_start3A_128] : memref<32x160x64x128xf32, #tpu.memory_space<hbm>> -> memref<1x1x64x128xf32, #tpu.memory_space<hbm>>
        %dma_start3A_130 = tpu.memref_squeeze %dma_start3A_129 : memref<1x1x64x128xf32, #tpu.memory_space<hbm>> -> memref<64x128xf32, #tpu.memory_space<hbm>>
        tpu.enqueue_dma source(%dma_start3A_130 : memref<64x128xf32, #tpu.memory_space<hbm>>) target(%arg12 : memref<64x128xf32, #tpu.memory_space<vmem>>) target_semaphore(%arg15 : memref<!tpu.dma_semaphore, #tpu.memory_space<semaphore_mem>>)
      } else {
      }
      %add3A_96 = arith.constant 3 : i32
      %add3A_97 = arith.addi %mul3A_43, %add3A_96 : i32
      %lt3A_98 = arith.constant 160 : i32
      %lt3A_99 = arith.cmpi slt, %add3A_97, %lt3A_98 : i32
      %convert_element_type3A_100 = arith.extui %lt3A_99 : i1 to i32
      %cond3A_101 = arith.constant 0 : i32
      %cond3A_102 = arith.cmpi ne, %convert_element_type3A_100, %cond3A_101 : i32
      scf.if %cond3A_102 {
        %add3A_103 = arith.constant 3 : i32
        %add3A_104 = arith.addi %mul3A_43, %add3A_103 : i32
        %rem3A_105 = arith.constant 8 : i32
        %rem3A_106 = arith.remsi %add3A_104, %rem3A_105 : i32
        %add3A_107 = arith.constant 3 : i32
        %add3A_108 = arith.addi %mul3A_43, %add3A_107 : i32
        %dma_start3A_109 = arith.constant 0 : i32
        %dma_start3A_110 = tpu.memref_slice %arg8[%rem3A_106, %dma_start3A_109] : memref<8x64xi32, #tpu.memory_space<vmem>> -> memref<1x64xi32, #tpu.memory_space<vmem>>
        %dma_start3A_111 = tpu.memref_squeeze %dma_start3A_110 : memref<1x64xi32, #tpu.memory_space<vmem>> -> memref<64xi32, #tpu.memory_space<vmem>>
        %dma_start3A_112 = arith.constant 0 : i32
        %dma_start3A_113 = arith.constant 0 : i32
        %dma_start3A_114 = tpu.memref_slice %arg2[%dma_start3A_112, %dma_start3A_113] : memref<10240x128xf32, #tpu.memory_space<hbm>> -> memref<10240x128xf32, #tpu.memory_space<hbm>>
        tpu.enqueue_indirect_dma source(%dma_start3A_114 : memref<10240x128xf32, #tpu.memory_space<hbm>>) target(%arg11 : memref<64x128xf32, #tpu.memory_space<vmem>>) offsets(%dma_start3A_111 : memref<64xi32, #tpu.memory_space<vmem>>) semaphore(%arg16 : memref<!tpu.dma_semaphore, #tpu.memory_space<semaphore_mem>>)
        %dma_start3A_115 = arith.constant 0 : i32
        %dma_start3A_116 = arith.constant 0 : i32
        %dma_start3A_117 = tpu.memref_slice %arg3[%add3A, %add3A_108, %dma_start3A_115, %dma_start3A_116] : memref<32x160x64x128xf32, #tpu.memory_space<hbm>> -> memref<1x1x64x128xf32, #tpu.memory_space<hbm>>
        %dma_start3A_118 = tpu.memref_squeeze %dma_start3A_117 : memref<1x1x64x128xf32, #tpu.memory_space<hbm>> -> memref<64x128xf32, #tpu.memory_space<hbm>>
        %dma_start3A_119 = arith.constant 0 : i32
        %dma_start3A_120 = arith.constant 0 : i32
        %dma_start3A_121 = tpu.memref_slice %arg3[%add3A, %add3A_108, %dma_start3A_119, %dma_start3A_120] : memref<32x160x64x128xf32, #tpu.memory_space<hbm>> -> memref<1x1x64x128xf32, #tpu.memory_space<hbm>>
        %dma_start3A_122 = tpu.memref_squeeze %dma_start3A_121 : memref<1x1x64x128xf32, #tpu.memory_space<hbm>> -> memref<64x128xf32, #tpu.memory_space<hbm>>
        tpu.enqueue_dma source(%dma_start3A_122 : memref<64x128xf32, #tpu.memory_space<hbm>>) target(%arg13 : memref<64x128xf32, #tpu.memory_space<vmem>>) target_semaphore(%arg16 : memref<!tpu.dma_semaphore, #tpu.memory_space<semaphore_mem>>)
      } else {
      }
    }
    %scan3A_39 = arith.constant 80 : i32
    %barrier3A_40 = arith.constant 0 : index
    tpu.barrier barrier_id(%barrier3A_40)
    "tpu.region"() ({
      %run_scoped3A = tpu.sem_alloc : memref<!tpu.dma_semaphore, #tpu.memory_space<semaphore_mem>>
      %dma_start3A_41 = arith.constant 0 : i32
      %dma_start3A_42 = tpu.memref_slice %arg7[%arg0, %mul3A_2, %dma_start3A_41] : memref<2x10240x128xf32, #tpu.memory_space<hbm>> -> memref<1x640x128xf32, #tpu.memory_space<hbm>>
      %dma_start3A_43 = tpu.memref_squeeze %dma_start3A_42 : memref<1x640x128xf32, #tpu.memory_space<hbm>> -> memref<640x128xf32, #tpu.memory_space<hbm>>
      %dma_start3A_44 = arith.constant 0 : i32
      %dma_start3A_45 = tpu.memref_slice %arg14[%mul3A_2, %dma_start3A_44] : memref<10240x128xf32, #tpu.memory_space<vmem_shared>> -> memref<640x128xf32, #tpu.memory_space<vmem_shared>>
      tpu.enqueue_dma source(%dma_start3A_45 : memref<640x128xf32, #tpu.memory_space<vmem_shared>>) target(%dma_start3A_43 : memref<640x128xf32, #tpu.memory_space<hbm>>) target_semaphore(%run_scoped3A : memref<!tpu.dma_semaphore, #tpu.memory_space<semaphore_mem>>)
      %dma_wait3A = arith.constant 0 : i32
      %dma_wait3A_46 = tpu.memref_slice %arg7[%arg0, %mul3A_2, %dma_wait3A] : memref<2x10240x128xf32, #tpu.memory_space<hbm>> -> memref<1x640x128xf32, #tpu.memory_space<hbm>>
      %dma_wait3A_47 = tpu.memref_squeeze %dma_wait3A_46 : memref<1x640x128xf32, #tpu.memory_space<hbm>> -> memref<640x128xf32, #tpu.memory_space<hbm>>
      %dma_wait3A_48 = arith.constant 0 : i32
      %dma_wait3A_49 = tpu.memref_slice %arg14[%mul3A_2, %dma_wait3A_48] : memref<10240x128xf32, #tpu.memory_space<vmem_shared>> -> memref<640x128xf32, #tpu.memory_space<vmem_shared>>
      tpu.wait_dma2 semaphore(%run_scoped3A : memref<!tpu.dma_semaphore, #tpu.memory_space<semaphore_mem>>) src(%dma_wait3A_49 : memref<640x128xf32, #tpu.memory_space<vmem_shared>>) dst(%dma_wait3A_47 : memref<640x128xf32, #tpu.memory_space<hbm>>)
      tpu.yield
    }) : () -> ()
    return
  }
}

#map = affine_map<(d0, d1) -> (0, 0, 0, 0)>
#map1 = affine_map<(d0, d1) -> (0, 0, 0)>
#map2 = affine_map<(d0, d1) -> (0, 0)>
module attributes {stable_mosaic.version = 14 : i64} {
  func.func @_den_kernel(%arg0: i32, %arg1: i32, %arg2: memref<32x160x64x128xf32, #tpu.memory_space<hbm>>, %arg3: memref<32x160x64xi32, #tpu.memory_space<hbm>>, %arg4: memref<10240x128xf32, #tpu.memory_space<hbm>>, %arg5: memref<2x10240x128xf32, #tpu.memory_space<hbm>>, %arg6: memref<8x64xi32, #tpu.memory_space<vmem>>, %arg7: memref<64x128xf32, #tpu.memory_space<vmem>>, %arg8: memref<64x128xf32, #tpu.memory_space<vmem>>, %arg9: memref<10240x128xf32, #tpu.memory_space<vmem_shared>>, %arg10: memref<!tpu.dma_semaphore, #tpu.memory_space<semaphore_mem>>, %arg11: memref<!tpu.dma_semaphore, #tpu.memory_space<semaphore_mem>>) attributes {dimension_semantics = [#tpu.dimension_semantics<core_parallel>, #tpu.dimension_semantics<subcore_parallel>], iteration_bounds = array<i64: 2, 16>, scalar_prefetch = 0 : i64, scratch_operands = 6 : i64, tpu.core_type = #tpu.core_type<sc_vector_subcore>, window_params = [{transform_indices = #map}, {transform_indices = #map1}, {transform_indices = #map2}, {transform_indices = #map1}]} {
    %mul3A = arith.constant 16 : i32
    %mul3A_0 = arith.muli %arg0, %mul3A : i32
    %add3A = arith.addi %mul3A_0, %arg1 : i32
    %mul3A_1 = arith.constant 640 : i32
    %mul3A_2 = arith.muli %arg1, %mul3A_1 : i32
    "tpu.region"() ({
      %run_scoped3A = tpu.sem_alloc : memref<!tpu.dma_semaphore, #tpu.memory_space<semaphore_mem>>
      %dma_start3A_27 = arith.constant 0 : i32
      %dma_start3A_28 = tpu.memref_slice %arg9[%mul3A_2, %dma_start3A_27] : memref<10240x128xf32, #tpu.memory_space<vmem_shared>> -> memref<640x128xf32, #tpu.memory_space<vmem_shared>>
      %dma_start3A_29 = arith.constant 0 : i32
      %dma_start3A_30 = tpu.memref_slice %arg4[%mul3A_2, %dma_start3A_29] : memref<10240x128xf32, #tpu.memory_space<hbm>> -> memref<640x128xf32, #tpu.memory_space<hbm>>
      tpu.enqueue_dma source(%dma_start3A_30 : memref<640x128xf32, #tpu.memory_space<hbm>>) target(%dma_start3A_28 : memref<640x128xf32, #tpu.memory_space<vmem_shared>>) target_semaphore(%run_scoped3A : memref<!tpu.dma_semaphore, #tpu.memory_space<semaphore_mem>>)
      %dma_wait3A = arith.constant 0 : i32
      %dma_wait3A_31 = tpu.memref_slice %arg9[%mul3A_2, %dma_wait3A] : memref<10240x128xf32, #tpu.memory_space<vmem_shared>> -> memref<640x128xf32, #tpu.memory_space<vmem_shared>>
      %dma_wait3A_32 = arith.constant 0 : i32
      %dma_wait3A_33 = tpu.memref_slice %arg4[%mul3A_2, %dma_wait3A_32] : memref<10240x128xf32, #tpu.memory_space<hbm>> -> memref<640x128xf32, #tpu.memory_space<hbm>>
      tpu.wait_dma2 semaphore(%run_scoped3A : memref<!tpu.dma_semaphore, #tpu.memory_space<semaphore_mem>>) src(%dma_wait3A_33 : memref<640x128xf32, #tpu.memory_space<hbm>>) dst(%dma_wait3A_31 : memref<640x128xf32, #tpu.memory_space<vmem_shared>>)
      tpu.yield
    }) : () -> ()
    %barrier3A = arith.constant 0 : index
    tpu.barrier barrier_id(%barrier3A)
    %multiple_of3A = arith.constant 0 : i32
    %multiple_of3A_3 = tpu.assume_multiple %multiple_of3A, 8 : i32
    "tpu.region"() ({
      %run_scoped3A = tpu.sem_alloc : memref<!tpu.dma_semaphore, #tpu.memory_space<semaphore_mem>>
      %dma_start3A_27 = arith.constant 0 : i32
      %dma_start3A_28 = tpu.memref_slice %arg3[%add3A, %multiple_of3A_3, %dma_start3A_27] : memref<32x160x64xi32, #tpu.memory_space<hbm>> -> memref<1x8x64xi32, #tpu.memory_space<hbm>>
      %dma_start3A_29 = tpu.memref_squeeze %dma_start3A_28 : memref<1x8x64xi32, #tpu.memory_space<hbm>> -> memref<8x64xi32, #tpu.memory_space<hbm>>
      %dma_start3A_30 = arith.constant 0 : i32
      %dma_start3A_31 = tpu.memref_slice %arg3[%add3A, %multiple_of3A_3, %dma_start3A_30] : memref<32x160x64xi32, #tpu.memory_space<hbm>> -> memref<1x8x64xi32, #tpu.memory_space<hbm>>
      %dma_start3A_32 = tpu.memref_squeeze %dma_start3A_31 : memref<1x8x64xi32, #tpu.memory_space<hbm>> -> memref<8x64xi32, #tpu.memory_space<hbm>>
      tpu.enqueue_dma source(%dma_start3A_32 : memref<8x64xi32, #tpu.memory_space<hbm>>) target(%arg6 : memref<8x64xi32, #tpu.memory_space<vmem>>) target_semaphore(%run_scoped3A : memref<!tpu.dma_semaphore, #tpu.memory_space<semaphore_mem>>)
      %dma_wait3A = arith.constant 0 : i32
      %dma_wait3A_33 = tpu.memref_slice %arg3[%add3A, %multiple_of3A_3, %dma_wait3A] : memref<32x160x64xi32, #tpu.memory_space<hbm>> -> memref<1x8x64xi32, #tpu.memory_space<hbm>>
      %dma_wait3A_34 = tpu.memref_squeeze %dma_wait3A_33 : memref<1x8x64xi32, #tpu.memory_space<hbm>> -> memref<8x64xi32, #tpu.memory_space<hbm>>
      %dma_wait3A_35 = arith.constant 0 : i32
      %dma_wait3A_36 = tpu.memref_slice %arg3[%add3A, %multiple_of3A_3, %dma_wait3A_35] : memref<32x160x64xi32, #tpu.memory_space<hbm>> -> memref<1x8x64xi32, #tpu.memory_space<hbm>>
      %dma_wait3A_37 = tpu.memref_squeeze %dma_wait3A_36 : memref<1x8x64xi32, #tpu.memory_space<hbm>> -> memref<8x64xi32, #tpu.memory_space<hbm>>
      tpu.wait_dma2 semaphore(%run_scoped3A : memref<!tpu.dma_semaphore, #tpu.memory_space<semaphore_mem>>) src(%dma_wait3A_37 : memref<8x64xi32, #tpu.memory_space<hbm>>) dst(%arg6 : memref<8x64xi32, #tpu.memory_space<vmem>>)
      tpu.yield
    }) : () -> ()
    %dma_start3A = arith.constant 0 : i32
    %dma_start3A_4 = arith.constant 0 : i32
    %dma_start3A_5 = arith.constant 0 : i32
    %dma_start3A_6 = tpu.memref_slice %arg2[%add3A, %dma_start3A, %dma_start3A_4, %dma_start3A_5] : memref<32x160x64x128xf32, #tpu.memory_space<hbm>> -> memref<1x1x64x128xf32, #tpu.memory_space<hbm>>
    %dma_start3A_7 = tpu.memref_squeeze %dma_start3A_6 : memref<1x1x64x128xf32, #tpu.memory_space<hbm>> -> memref<64x128xf32, #tpu.memory_space<hbm>>
    %dma_start3A_8 = arith.constant 0 : i32
    %dma_start3A_9 = arith.constant 0 : i32
    %dma_start3A_10 = tpu.memref_slice %arg2[%add3A, %dma_start3A, %dma_start3A_8, %dma_start3A_9] : memref<32x160x64x128xf32, #tpu.memory_space<hbm>> -> memref<1x1x64x128xf32, #tpu.memory_space<hbm>>
    %dma_start3A_11 = tpu.memref_squeeze %dma_start3A_10 : memref<1x1x64x128xf32, #tpu.memory_space<hbm>> -> memref<64x128xf32, #tpu.memory_space<hbm>>
    tpu.enqueue_dma source(%dma_start3A_11 : memref<64x128xf32, #tpu.memory_space<hbm>>) target(%arg7 : memref<64x128xf32, #tpu.memory_space<vmem>>) target_semaphore(%arg10 : memref<!tpu.dma_semaphore, #tpu.memory_space<semaphore_mem>>)
    %dma_start3A_12 = arith.constant 1 : i32
    %dma_start3A_13 = arith.constant 0 : i32
    %dma_start3A_14 = arith.constant 0 : i32
    %dma_start3A_15 = tpu.memref_slice %arg2[%add3A, %dma_start3A_12, %dma_start3A_13, %dma_start3A_14] : memref<32x160x64x128xf32, #tpu.memory_space<hbm>> -> memref<1x1x64x128xf32, #tpu.memory_space<hbm>>
    %dma_start3A_16 = tpu.memref_squeeze %dma_start3A_15 : memref<1x1x64x128xf32, #tpu.memory_space<hbm>> -> memref<64x128xf32, #tpu.memory_space<hbm>>
    %dma_start3A_17 = arith.constant 0 : i32
    %dma_start3A_18 = arith.constant 0 : i32
    %dma_start3A_19 = tpu.memref_slice %arg2[%add3A, %dma_start3A_12, %dma_start3A_17, %dma_start3A_18] : memref<32x160x64x128xf32, #tpu.memory_space<hbm>> -> memref<1x1x64x128xf32, #tpu.memory_space<hbm>>
    %dma_start3A_20 = tpu.memref_squeeze %dma_start3A_19 : memref<1x1x64x128xf32, #tpu.memory_space<hbm>> -> memref<64x128xf32, #tpu.memory_space<hbm>>
    tpu.enqueue_dma source(%dma_start3A_20 : memref<64x128xf32, #tpu.memory_space<hbm>>) target(%arg8 : memref<64x128xf32, #tpu.memory_space<vmem>>) target_semaphore(%arg11 : memref<!tpu.dma_semaphore, #tpu.memory_space<semaphore_mem>>)
    %scan3A = arith.constant 0 : i32
    %scan3A_21 = arith.constant 0 : i32
    %scan3A_22 = arith.constant 80 : i32
    %scan3A_23 = arith.addi %scan3A_21, %scan3A_22 : i32
    %scan3A_24 = arith.constant 1 : i32
    scf.for %scan3A_27 = %scan3A_21 to %scan3A_23 step %scan3A_24  : i32 {
      %mul3A_28 = arith.constant 2 : i32
      %mul3A_29 = arith.muli %mul3A_28, %scan3A_27 : i32
      %rem3A = arith.constant 8 : i32
      %rem3A_30 = arith.remsi %mul3A_29, %rem3A : i32
      %dma_wait3A = arith.constant 0 : i32
      %dma_wait3A_31 = arith.constant 0 : i32
      %dma_wait3A_32 = arith.constant 0 : i32
      %dma_wait3A_33 = arith.constant 0 : i32
      %dma_wait3A_34 = tpu.memref_slice %arg2[%dma_wait3A, %dma_wait3A_31, %dma_wait3A_32, %dma_wait3A_33] : memref<32x160x64x128xf32, #tpu.memory_space<hbm>> -> memref<1x1x64x128xf32, #tpu.memory_space<hbm>>
      %dma_wait3A_35 = tpu.memref_squeeze %dma_wait3A_34 : memref<1x1x64x128xf32, #tpu.memory_space<hbm>> -> memref<64x128xf32, #tpu.memory_space<hbm>>
      %dma_wait3A_36 = arith.constant 0 : i32
      %dma_wait3A_37 = arith.constant 0 : i32
      %dma_wait3A_38 = tpu.memref_slice %arg2[%dma_wait3A, %dma_wait3A_31, %dma_wait3A_36, %dma_wait3A_37] : memref<32x160x64x128xf32, #tpu.memory_space<hbm>> -> memref<1x1x64x128xf32, #tpu.memory_space<hbm>>
      %dma_wait3A_39 = tpu.memref_squeeze %dma_wait3A_38 : memref<1x1x64x128xf32, #tpu.memory_space<hbm>> -> memref<64x128xf32, #tpu.memory_space<hbm>>
      tpu.wait_dma2 semaphore(%arg10 : memref<!tpu.dma_semaphore, #tpu.memory_space<semaphore_mem>>) src(%dma_wait3A_39 : memref<64x128xf32, #tpu.memory_space<hbm>>) dst(%arg7 : memref<64x128xf32, #tpu.memory_space<vmem>>)
      "tpu.region"() ({
        %run_scoped3A = tpu.sem_alloc : memref<!tpu.dma_semaphore, #tpu.memory_space<semaphore_mem>>
        %dma_start3A_63 = arith.constant 0 : i32
        %dma_start3A_64 = tpu.memref_slice %arg6[%rem3A_30, %dma_start3A_63] : memref<8x64xi32, #tpu.memory_space<vmem>> -> memref<1x64xi32, #tpu.memory_space<vmem>>
        %dma_start3A_65 = tpu.memref_squeeze %dma_start3A_64 : memref<1x64xi32, #tpu.memory_space<vmem>> -> memref<64xi32, #tpu.memory_space<vmem>>
        %dma_start3A_66 = arith.constant 0 : i32
        %dma_start3A_67 = arith.constant 0 : i32
        %dma_start3A_68 = tpu.memref_slice %arg9[%dma_start3A_66, %dma_start3A_67] : memref<10240x128xf32, #tpu.memory_space<vmem_shared>> -> memref<10240x128xf32, #tpu.memory_space<vmem_shared>>
        tpu.enqueue_indirect_dma source(%arg7 : memref<64x128xf32, #tpu.memory_space<vmem>>) target(%dma_start3A_68 : memref<10240x128xf32, #tpu.memory_space<vmem_shared>>) offsets(%dma_start3A_65 : memref<64xi32, #tpu.memory_space<vmem>>) semaphore(%run_scoped3A : memref<!tpu.dma_semaphore, #tpu.memory_space<semaphore_mem>>) {add = true}
        %dma_wait3A_69 = arith.constant 0 : i32
        %dma_wait3A_70 = tpu.memref_slice %arg6[%rem3A_30, %dma_wait3A_69] : memref<8x64xi32, #tpu.memory_space<vmem>> -> memref<1x64xi32, #tpu.memory_space<vmem>>
        %dma_wait3A_71 = tpu.memref_squeeze %dma_wait3A_70 : memref<1x64xi32, #tpu.memory_space<vmem>> -> memref<64xi32, #tpu.memory_space<vmem>>
        %dma_wait3A_72 = arith.constant 0 : i32
        %dma_wait3A_73 = arith.constant 0 : i32
        %dma_wait3A_74 = tpu.memref_slice %arg9[%dma_wait3A_72, %dma_wait3A_73] : memref<10240x128xf32, #tpu.memory_space<vmem_shared>> -> memref<10240x128xf32, #tpu.memory_space<vmem_shared>>
        tpu.wait_indirect_dma semaphore(%run_scoped3A : memref<!tpu.dma_semaphore, #tpu.memory_space<semaphore_mem>>) src(%arg7 : memref<64x128xf32, #tpu.memory_space<vmem>>) dst(%dma_wait3A_74 : memref<10240x128xf32, #tpu.memory_space<vmem_shared>>)
        tpu.yield
      }) : () -> ()
      %dma_wait3A_40 = arith.constant 0 : i32
      %dma_wait3A_41 = arith.constant 0 : i32
      %dma_wait3A_42 = arith.constant 0 : i32
      %dma_wait3A_43 = arith.constant 0 : i32
      %dma_wait3A_44 = tpu.memref_slice %arg2[%dma_wait3A_40, %dma_wait3A_41, %dma_wait3A_42, %dma_wait3A_43] : memref<32x160x64x128xf32, #tpu.memory_space<hbm>> -> memref<1x1x64x128xf32, #tpu.memory_space<hbm>>
      %dma_wait3A_45 = tpu.memref_squeeze %dma_wait3A_44 : memref<1x1x64x128xf32, #tpu.memory_space<hbm>> -> memref<64x128xf32, #tpu.memory_space<hbm>>
      %dma_wait3A_46 = arith.constant 0 : i32
      %dma_wait3A_47 = arith.constant 0 : i32
      %dma_wait3A_48 = tpu.memref_slice %arg2[%dma_wait3A_40, %dma_wait3A_41, %dma_wait3A_46, %dma_wait3A_47] : memref<32x160x64x128xf32, #tpu.memory_space<hbm>> -> memref<1x1x64x128xf32, #tpu.memory_space<hbm>>
      %dma_wait3A_49 = tpu.memref_squeeze %dma_wait3A_48 : memref<1x1x64x128xf32, #tpu.memory_space<hbm>> -> memref<64x128xf32, #tpu.memory_space<hbm>>
      tpu.wait_dma2 semaphore(%arg11 : memref<!tpu.dma_semaphore, #tpu.memory_space<semaphore_mem>>) src(%dma_wait3A_49 : memref<64x128xf32, #tpu.memory_space<hbm>>) dst(%arg8 : memref<64x128xf32, #tpu.memory_space<vmem>>)
      %add3A_50 = arith.constant 1 : i32
      %add3A_51 = arith.addi %rem3A_30, %add3A_50 : i32
      "tpu.region"() ({
        %run_scoped3A = tpu.sem_alloc : memref<!tpu.dma_semaphore, #tpu.memory_space<semaphore_mem>>
        %dma_start3A_63 = arith.constant 0 : i32
        %dma_start3A_64 = tpu.memref_slice %arg6[%add3A_51, %dma_start3A_63] : memref<8x64xi32, #tpu.memory_space<vmem>> -> memref<1x64xi32, #tpu.memory_space<vmem>>
        %dma_start3A_65 = tpu.memref_squeeze %dma_start3A_64 : memref<1x64xi32, #tpu.memory_space<vmem>> -> memref<64xi32, #tpu.memory_space<vmem>>
        %dma_start3A_66 = arith.constant 0 : i32
        %dma_start3A_67 = arith.constant 0 : i32
        %dma_start3A_68 = tpu.memref_slice %arg9[%dma_start3A_66, %dma_start3A_67] : memref<10240x128xf32, #tpu.memory_space<vmem_shared>> -> memref<10240x128xf32, #tpu.memory_space<vmem_shared>>
        tpu.enqueue_indirect_dma source(%arg8 : memref<64x128xf32, #tpu.memory_space<vmem>>) target(%dma_start3A_68 : memref<10240x128xf32, #tpu.memory_space<vmem_shared>>) offsets(%dma_start3A_65 : memref<64xi32, #tpu.memory_space<vmem>>) semaphore(%run_scoped3A : memref<!tpu.dma_semaphore, #tpu.memory_space<semaphore_mem>>) {add = true}
        %dma_wait3A_69 = arith.constant 0 : i32
        %dma_wait3A_70 = tpu.memref_slice %arg6[%add3A_51, %dma_wait3A_69] : memref<8x64xi32, #tpu.memory_space<vmem>> -> memref<1x64xi32, #tpu.memory_space<vmem>>
        %dma_wait3A_71 = tpu.memref_squeeze %dma_wait3A_70 : memref<1x64xi32, #tpu.memory_space<vmem>> -> memref<64xi32, #tpu.memory_space<vmem>>
        %dma_wait3A_72 = arith.constant 0 : i32
        %dma_wait3A_73 = arith.constant 0 : i32
        %dma_wait3A_74 = tpu.memref_slice %arg9[%dma_wait3A_72, %dma_wait3A_73] : memref<10240x128xf32, #tpu.memory_space<vmem_shared>> -> memref<10240x128xf32, #tpu.memory_space<vmem_shared>>
        tpu.wait_indirect_dma semaphore(%run_scoped3A : memref<!tpu.dma_semaphore, #tpu.memory_space<semaphore_mem>>) src(%arg8 : memref<64x128xf32, #tpu.memory_space<vmem>>) dst(%dma_wait3A_74 : memref<10240x128xf32, #tpu.memory_space<vmem_shared>>)
        tpu.yield
      }) : () -> ()
      %add3A_52 = arith.constant 2 : i32
      %add3A_53 = arith.addi %mul3A_29, %add3A_52 : i32
      %lt3A = arith.constant 160 : i32
      %lt3A_54 = arith.cmpi slt, %add3A_53, %lt3A : i32
      %convert_element_type3A = arith.extui %lt3A_54 : i1 to i32
      %cond3A = arith.constant 0 : i32
      %cond3A_55 = arith.cmpi ne, %convert_element_type3A, %cond3A : i32
      scf.if %cond3A_55 {
        %add3A_63 = arith.constant 2 : i32
        %add3A_64 = arith.addi %mul3A_29, %add3A_63 : i32
        %rem3A_65 = arith.constant 8 : i32
        %rem3A_66 = arith.remsi %add3A_64, %rem3A_65 : i32
        %eq3A = arith.constant 0 : i32
        %eq3A_67 = arith.cmpi eq, %rem3A_66, %eq3A : i32
        %convert_element_type3A_68 = arith.extui %eq3A_67 : i1 to i32
        %cond3A_69 = arith.constant 0 : i32
        %cond3A_70 = arith.cmpi ne, %convert_element_type3A_68, %cond3A_69 : i32
        scf.if %cond3A_70 {
          %add3A_81 = arith.constant 2 : i32
          %add3A_82 = arith.addi %mul3A_29, %add3A_81 : i32
          %multiple_of3A_83 = tpu.assume_multiple %add3A_82, 8 : i32
          "tpu.region"() ({
            %run_scoped3A = tpu.sem_alloc : memref<!tpu.dma_semaphore, #tpu.memory_space<semaphore_mem>>
            %dma_start3A_84 = arith.constant 0 : i32
            %dma_start3A_85 = tpu.memref_slice %arg3[%add3A, %multiple_of3A_83, %dma_start3A_84] : memref<32x160x64xi32, #tpu.memory_space<hbm>> -> memref<1x8x64xi32, #tpu.memory_space<hbm>>
            %dma_start3A_86 = tpu.memref_squeeze %dma_start3A_85 : memref<1x8x64xi32, #tpu.memory_space<hbm>> -> memref<8x64xi32, #tpu.memory_space<hbm>>
            %dma_start3A_87 = arith.constant 0 : i32
            %dma_start3A_88 = tpu.memref_slice %arg3[%add3A, %multiple_of3A_83, %dma_start3A_87] : memref<32x160x64xi32, #tpu.memory_space<hbm>> -> memref<1x8x64xi32, #tpu.memory_space<hbm>>
            %dma_start3A_89 = tpu.memref_squeeze %dma_start3A_88 : memref<1x8x64xi32, #tpu.memory_space<hbm>> -> memref<8x64xi32, #tpu.memory_space<hbm>>
            tpu.enqueue_dma source(%dma_start3A_89 : memref<8x64xi32, #tpu.memory_space<hbm>>) target(%arg6 : memref<8x64xi32, #tpu.memory_space<vmem>>) target_semaphore(%run_scoped3A : memref<!tpu.dma_semaphore, #tpu.memory_space<semaphore_mem>>)
            %dma_wait3A_90 = arith.constant 0 : i32
            %dma_wait3A_91 = tpu.memref_slice %arg3[%add3A, %multiple_of3A_83, %dma_wait3A_90] : memref<32x160x64xi32, #tpu.memory_space<hbm>> -> memref<1x8x64xi32, #tpu.memory_space<hbm>>
            %dma_wait3A_92 = tpu.memref_squeeze %dma_wait3A_91 : memref<1x8x64xi32, #tpu.memory_space<hbm>> -> memref<8x64xi32, #tpu.memory_space<hbm>>
            %dma_wait3A_93 = arith.constant 0 : i32
            %dma_wait3A_94 = tpu.memref_slice %arg3[%add3A, %multiple_of3A_83, %dma_wait3A_93] : memref<32x160x64xi32, #tpu.memory_space<hbm>> -> memref<1x8x64xi32, #tpu.memory_space<hbm>>
            %dma_wait3A_95 = tpu.memref_squeeze %dma_wait3A_94 : memref<1x8x64xi32, #tpu.memory_space<hbm>> -> memref<8x64xi32, #tpu.memory_space<hbm>>
            tpu.wait_dma2 semaphore(%run_scoped3A : memref<!tpu.dma_semaphore, #tpu.memory_space<semaphore_mem>>) src(%dma_wait3A_95 : memref<8x64xi32, #tpu.memory_space<hbm>>) dst(%arg6 : memref<8x64xi32, #tpu.memory_space<vmem>>)
            tpu.yield
          }) : () -> ()
        } else {
        }
        %add3A_71 = arith.constant 2 : i32
        %add3A_72 = arith.addi %mul3A_29, %add3A_71 : i32
        %dma_start3A_73 = arith.constant 0 : i32
        %dma_start3A_74 = arith.constant 0 : i32
        %dma_start3A_75 = tpu.memref_slice %arg2[%add3A, %add3A_72, %dma_start3A_73, %dma_start3A_74] : memref<32x160x64x128xf32, #tpu.memory_space<hbm>> -> memref<1x1x64x128xf32, #tpu.memory_space<hbm>>
        %dma_start3A_76 = tpu.memref_squeeze %dma_start3A_75 : memref<1x1x64x128xf32, #tpu.memory_space<hbm>> -> memref<64x128xf32, #tpu.memory_space<hbm>>
        %dma_start3A_77 = arith.constant 0 : i32
        %dma_start3A_78 = arith.constant 0 : i32
        %dma_start3A_79 = tpu.memref_slice %arg2[%add3A, %add3A_72, %dma_start3A_77, %dma_start3A_78] : memref<32x160x64x128xf32, #tpu.memory_space<hbm>> -> memref<1x1x64x128xf32, #tpu.memory_space<hbm>>
        %dma_start3A_80 = tpu.memref_squeeze %dma_start3A_79 : memref<1x1x64x128xf32, #tpu.memory_space<hbm>> -> memref<64x128xf32, #tpu.memory_space<hbm>>
        tpu.enqueue_dma source(%dma_start3A_80 : memref<64x128xf32, #tpu.memory_space<hbm>>) target(%arg7 : memref<64x128xf32, #tpu.memory_space<vmem>>) target_semaphore(%arg10 : memref<!tpu.dma_semaphore, #tpu.memory_space<semaphore_mem>>)
      } else {
      }
      %add3A_56 = arith.constant 3 : i32
      %add3A_57 = arith.addi %mul3A_29, %add3A_56 : i32
      %lt3A_58 = arith.constant 160 : i32
      %lt3A_59 = arith.cmpi slt, %add3A_57, %lt3A_58 : i32
      %convert_element_type3A_60 = arith.extui %lt3A_59 : i1 to i32
      %cond3A_61 = arith.constant 0 : i32
      %cond3A_62 = arith.cmpi ne, %convert_element_type3A_60, %cond3A_61 : i32
      scf.if %cond3A_62 {
        %add3A_63 = arith.constant 3 : i32
        %add3A_64 = arith.addi %mul3A_29, %add3A_63 : i32
        %dma_start3A_65 = arith.constant 0 : i32
        %dma_start3A_66 = arith.constant 0 : i32
        %dma_start3A_67 = tpu.memref_slice %arg2[%add3A, %add3A_64, %dma_start3A_65, %dma_start3A_66] : memref<32x160x64x128xf32, #tpu.memory_space<hbm>> -> memref<1x1x64x128xf32, #tpu.memory_space<hbm>>
        %dma_start3A_68 = tpu.memref_squeeze %dma_start3A_67 : memref<1x1x64x128xf32, #tpu.memory_space<hbm>> -> memref<64x128xf32, #tpu.memory_space<hbm>>
        %dma_start3A_69 = arith.constant 0 : i32
        %dma_start3A_70 = arith.constant 0 : i32
        %dma_start3A_71 = tpu.memref_slice %arg2[%add3A, %add3A_64, %dma_start3A_69, %dma_start3A_70] : memref<32x160x64x128xf32, #tpu.memory_space<hbm>> -> memref<1x1x64x128xf32, #tpu.memory_space<hbm>>
        %dma_start3A_72 = tpu.memref_squeeze %dma_start3A_71 : memref<1x1x64x128xf32, #tpu.memory_space<hbm>> -> memref<64x128xf32, #tpu.memory_space<hbm>>
        tpu.enqueue_dma source(%dma_start3A_72 : memref<64x128xf32, #tpu.memory_space<hbm>>) target(%arg8 : memref<64x128xf32, #tpu.memory_space<vmem>>) target_semaphore(%arg11 : memref<!tpu.dma_semaphore, #tpu.memory_space<semaphore_mem>>)
      } else {
      }
    }
    %scan3A_25 = arith.constant 80 : i32
    %barrier3A_26 = arith.constant 0 : index
    tpu.barrier barrier_id(%barrier3A_26)
    "tpu.region"() ({
      %run_scoped3A = tpu.sem_alloc : memref<!tpu.dma_semaphore, #tpu.memory_space<semaphore_mem>>
      %dma_start3A_27 = arith.constant 0 : i32
      %dma_start3A_28 = tpu.memref_slice %arg5[%arg0, %mul3A_2, %dma_start3A_27] : memref<2x10240x128xf32, #tpu.memory_space<hbm>> -> memref<1x640x128xf32, #tpu.memory_space<hbm>>
      %dma_start3A_29 = tpu.memref_squeeze %dma_start3A_28 : memref<1x640x128xf32, #tpu.memory_space<hbm>> -> memref<640x128xf32, #tpu.memory_space<hbm>>
      %dma_start3A_30 = arith.constant 0 : i32
      %dma_start3A_31 = tpu.memref_slice %arg9[%mul3A_2, %dma_start3A_30] : memref<10240x128xf32, #tpu.memory_space<vmem_shared>> -> memref<640x128xf32, #tpu.memory_space<vmem_shared>>
      tpu.enqueue_dma source(%dma_start3A_31 : memref<640x128xf32, #tpu.memory_space<vmem_shared>>) target(%dma_start3A_29 : memref<640x128xf32, #tpu.memory_space<hbm>>) target_semaphore(%run_scoped3A : memref<!tpu.dma_semaphore, #tpu.memory_space<semaphore_mem>>)
      %dma_wait3A = arith.constant 0 : i32
      %dma_wait3A_32 = tpu.memref_slice %arg5[%arg0, %mul3A_2, %dma_wait3A] : memref<2x10240x128xf32, #tpu.memory_space<hbm>> -> memref<1x640x128xf32, #tpu.memory_space<hbm>>
      %dma_wait3A_33 = tpu.memref_squeeze %dma_wait3A_32 : memref<1x640x128xf32, #tpu.memory_space<hbm>> -> memref<640x128xf32, #tpu.memory_space<hbm>>
      %dma_wait3A_34 = arith.constant 0 : i32
      %dma_wait3A_35 = tpu.memref_slice %arg9[%mul3A_2, %dma_wait3A_34] : memref<10240x128xf32, #tpu.memory_space<vmem_shared>> -> memref<640x128xf32, #tpu.memory_space<vmem_shared>>
      tpu.wait_dma2 semaphore(%run_scoped3A : memref<!tpu.dma_semaphore, #tpu.memory_space<semaphore_mem>>) src(%dma_wait3A_35 : memref<640x128xf32, #tpu.memory_space<vmem_shared>>) dst(%dma_wait3A_33 : memref<640x128xf32, #tpu.memory_space<hbm>>)
      tpu.yield
    }) : () -> ()
    return
  }
}

#map = affine_map<(d0, d1) -> (0, 0)>
#map1 = affine_map<(d0, d1) -> (0, 0, 0)>
module attributes {stable_mosaic.version = 14 : i64} {
  func.func @_gcn_kernel(%arg0: i32, %arg1: i32, %arg2: memref<10240x128xf32, #tpu.memory_space<hbm>>, %arg3: memref<32x80x128xi32, #tpu.memory_space<hbm>>, %arg4: memref<32x80x128xi32, #tpu.memory_space<hbm>>, %arg5: memref<10240x128xf32, #tpu.memory_space<hbm>>, %arg6: memref<2x10240x128xf32, #tpu.memory_space<hbm>>, %arg7: memref<8x128xi32, #tpu.memory_space<vmem>>, %arg8: memref<8x128xi32, #tpu.memory_space<vmem>>, %arg9: memref<128x128xf32, #tpu.memory_space<vmem>>, %arg10: memref<128x128xf32, #tpu.memory_space<vmem>>, %arg11: memref<10240x128xf32, #tpu.memory_space<vmem_shared>>, %arg12: memref<!tpu.dma_semaphore, #tpu.memory_space<semaphore_mem>>, %arg13: memref<!tpu.dma_semaphore, #tpu.memory_space<semaphore_mem>>) attributes {dimension_semantics = [#tpu.dimension_semantics<core_parallel>, #tpu.dimension_semantics<subcore_parallel>], iteration_bounds = array<i64: 2, 16>, scalar_prefetch = 0 : i64, scratch_operands = 7 : i64, tpu.core_type = #tpu.core_type<sc_vector_subcore>, window_params = [{transform_indices = #map}, {transform_indices = #map1}, {transform_indices = #map1}, {transform_indices = #map}, {transform_indices = #map1}]} {
    %mul3A = arith.constant 16 : i32
    %mul3A_0 = arith.muli %arg0, %mul3A : i32
    %add3A = arith.addi %mul3A_0, %arg1 : i32
    %mul3A_1 = arith.constant 640 : i32
    %mul3A_2 = arith.muli %arg1, %mul3A_1 : i32
    "tpu.region"() ({
      %run_scoped3A = tpu.sem_alloc : memref<!tpu.dma_semaphore, #tpu.memory_space<semaphore_mem>>
      %dma_start3A_23 = arith.constant 0 : i32
      %dma_start3A_24 = tpu.memref_slice %arg11[%mul3A_2, %dma_start3A_23] : memref<10240x128xf32, #tpu.memory_space<vmem_shared>> -> memref<640x128xf32, #tpu.memory_space<vmem_shared>>
      %dma_start3A_25 = arith.constant 0 : i32
      %dma_start3A_26 = tpu.memref_slice %arg5[%mul3A_2, %dma_start3A_25] : memref<10240x128xf32, #tpu.memory_space<hbm>> -> memref<640x128xf32, #tpu.memory_space<hbm>>
      tpu.enqueue_dma source(%dma_start3A_26 : memref<640x128xf32, #tpu.memory_space<hbm>>) target(%dma_start3A_24 : memref<640x128xf32, #tpu.memory_space<vmem_shared>>) target_semaphore(%run_scoped3A : memref<!tpu.dma_semaphore, #tpu.memory_space<semaphore_mem>>)
      %dma_wait3A = arith.constant 0 : i32
      %dma_wait3A_27 = tpu.memref_slice %arg11[%mul3A_2, %dma_wait3A] : memref<10240x128xf32, #tpu.memory_space<vmem_shared>> -> memref<640x128xf32, #tpu.memory_space<vmem_shared>>
      %dma_wait3A_28 = arith.constant 0 : i32
      %dma_wait3A_29 = tpu.memref_slice %arg5[%mul3A_2, %dma_wait3A_28] : memref<10240x128xf32, #tpu.memory_space<hbm>> -> memref<640x128xf32, #tpu.memory_space<hbm>>
      tpu.wait_dma2 semaphore(%run_scoped3A : memref<!tpu.dma_semaphore, #tpu.memory_space<semaphore_mem>>) src(%dma_wait3A_29 : memref<640x128xf32, #tpu.memory_space<hbm>>) dst(%dma_wait3A_27 : memref<640x128xf32, #tpu.memory_space<vmem_shared>>)
      tpu.yield
    }) : () -> ()
    %barrier3A = arith.constant 0 : index
    tpu.barrier barrier_id(%barrier3A)
    %multiple_of3A = arith.constant 0 : i32
    %multiple_of3A_3 = tpu.assume_multiple %multiple_of3A, 8 : i32
    "tpu.region"() ({
      %run_scoped3A = tpu.sem_alloc : memref<!tpu.dma_semaphore, #tpu.memory_space<semaphore_mem>>
      %dma_start3A_23 = arith.constant 0 : i32
      %dma_start3A_24 = tpu.memref_slice %arg3[%add3A, %multiple_of3A_3, %dma_start3A_23] : memref<32x80x128xi32, #tpu.memory_space<hbm>> -> memref<1x8x128xi32, #tpu.memory_space<hbm>>
      %dma_start3A_25 = tpu.memref_squeeze %dma_start3A_24 : memref<1x8x128xi32, #tpu.memory_space<hbm>> -> memref<8x128xi32, #tpu.memory_space<hbm>>
      %dma_start3A_26 = arith.constant 0 : i32
      %dma_start3A_27 = tpu.memref_slice %arg3[%add3A, %multiple_of3A_3, %dma_start3A_26] : memref<32x80x128xi32, #tpu.memory_space<hbm>> -> memref<1x8x128xi32, #tpu.memory_space<hbm>>
      %dma_start3A_28 = tpu.memref_squeeze %dma_start3A_27 : memref<1x8x128xi32, #tpu.memory_space<hbm>> -> memref<8x128xi32, #tpu.memory_space<hbm>>
      tpu.enqueue_dma source(%dma_start3A_28 : memref<8x128xi32, #tpu.memory_space<hbm>>) target(%arg7 : memref<8x128xi32, #tpu.memory_space<vmem>>) target_semaphore(%run_scoped3A : memref<!tpu.dma_semaphore, #tpu.memory_space<semaphore_mem>>)
      %dma_wait3A = arith.constant 0 : i32
      %dma_wait3A_29 = tpu.memref_slice %arg3[%add3A, %multiple_of3A_3, %dma_wait3A] : memref<32x80x128xi32, #tpu.memory_space<hbm>> -> memref<1x8x128xi32, #tpu.memory_space<hbm>>
      %dma_wait3A_30 = tpu.memref_squeeze %dma_wait3A_29 : memref<1x8x128xi32, #tpu.memory_space<hbm>> -> memref<8x128xi32, #tpu.memory_space<hbm>>
      %dma_wait3A_31 = arith.constant 0 : i32
      %dma_wait3A_32 = tpu.memref_slice %arg3[%add3A, %multiple_of3A_3, %dma_wait3A_31] : memref<32x80x128xi32, #tpu.memory_space<hbm>> -> memref<1x8x128xi32, #tpu.memory_space<hbm>>
      %dma_wait3A_33 = tpu.memref_squeeze %dma_wait3A_32 : memref<1x8x128xi32, #tpu.memory_space<hbm>> -> memref<8x128xi32, #tpu.memory_space<hbm>>
      tpu.wait_dma2 semaphore(%run_scoped3A : memref<!tpu.dma_semaphore, #tpu.memory_space<semaphore_mem>>) src(%dma_wait3A_33 : memref<8x128xi32, #tpu.memory_space<hbm>>) dst(%arg7 : memref<8x128xi32, #tpu.memory_space<vmem>>)
      tpu.yield
    }) : () -> ()
    "tpu.region"() ({
      %run_scoped3A = tpu.sem_alloc : memref<!tpu.dma_semaphore, #tpu.memory_space<semaphore_mem>>
      %dma_start3A_23 = arith.constant 0 : i32
      %dma_start3A_24 = tpu.memref_slice %arg4[%add3A, %multiple_of3A_3, %dma_start3A_23] : memref<32x80x128xi32, #tpu.memory_space<hbm>> -> memref<1x8x128xi32, #tpu.memory_space<hbm>>
      %dma_start3A_25 = tpu.memref_squeeze %dma_start3A_24 : memref<1x8x128xi32, #tpu.memory_space<hbm>> -> memref<8x128xi32, #tpu.memory_space<hbm>>
      %dma_start3A_26 = arith.constant 0 : i32
      %dma_start3A_27 = tpu.memref_slice %arg4[%add3A, %multiple_of3A_3, %dma_start3A_26] : memref<32x80x128xi32, #tpu.memory_space<hbm>> -> memref<1x8x128xi32, #tpu.memory_space<hbm>>
      %dma_start3A_28 = tpu.memref_squeeze %dma_start3A_27 : memref<1x8x128xi32, #tpu.memory_space<hbm>> -> memref<8x128xi32, #tpu.memory_space<hbm>>
      tpu.enqueue_dma source(%dma_start3A_28 : memref<8x128xi32, #tpu.memory_space<hbm>>) target(%arg8 : memref<8x128xi32, #tpu.memory_space<vmem>>) target_semaphore(%run_scoped3A : memref<!tpu.dma_semaphore, #tpu.memory_space<semaphore_mem>>)
      %dma_wait3A = arith.constant 0 : i32
      %dma_wait3A_29 = tpu.memref_slice %arg4[%add3A, %multiple_of3A_3, %dma_wait3A] : memref<32x80x128xi32, #tpu.memory_space<hbm>> -> memref<1x8x128xi32, #tpu.memory_space<hbm>>
      %dma_wait3A_30 = tpu.memref_squeeze %dma_wait3A_29 : memref<1x8x128xi32, #tpu.memory_space<hbm>> -> memref<8x128xi32, #tpu.memory_space<hbm>>
      %dma_wait3A_31 = arith.constant 0 : i32
      %dma_wait3A_32 = tpu.memref_slice %arg4[%add3A, %multiple_of3A_3, %dma_wait3A_31] : memref<32x80x128xi32, #tpu.memory_space<hbm>> -> memref<1x8x128xi32, #tpu.memory_space<hbm>>
      %dma_wait3A_33 = tpu.memref_squeeze %dma_wait3A_32 : memref<1x8x128xi32, #tpu.memory_space<hbm>> -> memref<8x128xi32, #tpu.memory_space<hbm>>
      tpu.wait_dma2 semaphore(%run_scoped3A : memref<!tpu.dma_semaphore, #tpu.memory_space<semaphore_mem>>) src(%dma_wait3A_33 : memref<8x128xi32, #tpu.memory_space<hbm>>) dst(%arg8 : memref<8x128xi32, #tpu.memory_space<vmem>>)
      tpu.yield
    }) : () -> ()
    %dma_start3A = arith.constant 0 : i32
    %dma_start3A_4 = arith.constant 0 : i32
    %dma_start3A_5 = tpu.memref_slice %arg7[%dma_start3A, %dma_start3A_4] : memref<8x128xi32, #tpu.memory_space<vmem>> -> memref<1x128xi32, #tpu.memory_space<vmem>>
    %dma_start3A_6 = tpu.memref_squeeze %dma_start3A_5 : memref<1x128xi32, #tpu.memory_space<vmem>> -> memref<128xi32, #tpu.memory_space<vmem>>
    %dma_start3A_7 = arith.constant 0 : i32
    %dma_start3A_8 = arith.constant 0 : i32
    %dma_start3A_9 = tpu.memref_slice %arg2[%dma_start3A_7, %dma_start3A_8] : memref<10240x128xf32, #tpu.memory_space<hbm>> -> memref<10240x128xf32, #tpu.memory_space<hbm>>
    tpu.enqueue_indirect_dma source(%dma_start3A_9 : memref<10240x128xf32, #tpu.memory_space<hbm>>) target(%arg9 : memref<128x128xf32, #tpu.memory_space<vmem>>) offsets(%dma_start3A_6 : memref<128xi32, #tpu.memory_space<vmem>>) semaphore(%arg12 : memref<!tpu.dma_semaphore, #tpu.memory_space<semaphore_mem>>)
    %dma_start3A_10 = arith.constant 1 : i32
    %dma_start3A_11 = arith.constant 0 : i32
    %dma_start3A_12 = tpu.memref_slice %arg7[%dma_start3A_10, %dma_start3A_11] : memref<8x128xi32, #tpu.memory_space<vmem>> -> memref<1x128xi32, #tpu.memory_space<vmem>>
    %dma_start3A_13 = tpu.memref_squeeze %dma_start3A_12 : memref<1x128xi32, #tpu.memory_space<vmem>> -> memref<128xi32, #tpu.memory_space<vmem>>
    %dma_start3A_14 = arith.constant 0 : i32
    %dma_start3A_15 = arith.constant 0 : i32
    %dma_start3A_16 = tpu.memref_slice %arg2[%dma_start3A_14, %dma_start3A_15] : memref<10240x128xf32, #tpu.memory_space<hbm>> -> memref<10240x128xf32, #tpu.memory_space<hbm>>
    tpu.enqueue_indirect_dma source(%dma_start3A_16 : memref<10240x128xf32, #tpu.memory_space<hbm>>) target(%arg10 : memref<128x128xf32, #tpu.memory_space<vmem>>) offsets(%dma_start3A_13 : memref<128xi32, #tpu.memory_space<vmem>>) semaphore(%arg13 : memref<!tpu.dma_semaphore, #tpu.memory_space<semaphore_mem>>)
    %scan3A = arith.constant 0 : i32
    %scan3A_17 = arith.constant 0 : i32
    %scan3A_18 = arith.constant 40 : i32
    %scan3A_19 = arith.addi %scan3A_17, %scan3A_18 : i32
    %scan3A_20 = arith.constant 1 : i32
    scf.for %scan3A_23 = %scan3A_17 to %scan3A_19 step %scan3A_20  : i32 {
      %mul3A_24 = arith.constant 2 : i32
      %mul3A_25 = arith.muli %mul3A_24, %scan3A_23 : i32
      %rem3A = arith.constant 8 : i32
      %rem3A_26 = arith.remsi %mul3A_25, %rem3A : i32
      %dma_wait3A = arith.constant 0 : i32
      %dma_wait3A_27 = arith.constant 0 : i32
      %dma_wait3A_28 = tpu.memref_slice %arg7[%dma_wait3A, %dma_wait3A_27] : memref<8x128xi32, #tpu.memory_space<vmem>> -> memref<1x128xi32, #tpu.memory_space<vmem>>
      %dma_wait3A_29 = tpu.memref_squeeze %dma_wait3A_28 : memref<1x128xi32, #tpu.memory_space<vmem>> -> memref<128xi32, #tpu.memory_space<vmem>>
      %dma_wait3A_30 = arith.constant 0 : i32
      %dma_wait3A_31 = arith.constant 0 : i32
      %dma_wait3A_32 = tpu.memref_slice %arg2[%dma_wait3A_30, %dma_wait3A_31] : memref<10240x128xf32, #tpu.memory_space<hbm>> -> memref<10240x128xf32, #tpu.memory_space<hbm>>
      tpu.wait_indirect_dma semaphore(%arg12 : memref<!tpu.dma_semaphore, #tpu.memory_space<semaphore_mem>>) src(%dma_wait3A_32 : memref<10240x128xf32, #tpu.memory_space<hbm>>) dst(%arg9 : memref<128x128xf32, #tpu.memory_space<vmem>>)
      "tpu.region"() ({
        %run_scoped3A = tpu.sem_alloc : memref<!tpu.dma_semaphore, #tpu.memory_space<semaphore_mem>>
        %dma_start3A_53 = arith.constant 0 : i32
        %dma_start3A_54 = tpu.memref_slice %arg8[%rem3A_26, %dma_start3A_53] : memref<8x128xi32, #tpu.memory_space<vmem>> -> memref<1x128xi32, #tpu.memory_space<vmem>>
        %dma_start3A_55 = tpu.memref_squeeze %dma_start3A_54 : memref<1x128xi32, #tpu.memory_space<vmem>> -> memref<128xi32, #tpu.memory_space<vmem>>
        %dma_start3A_56 = arith.constant 0 : i32
        %dma_start3A_57 = arith.constant 0 : i32
        %dma_start3A_58 = tpu.memref_slice %arg11[%dma_start3A_56, %dma_start3A_57] : memref<10240x128xf32, #tpu.memory_space<vmem_shared>> -> memref<10240x128xf32, #tpu.memory_space<vmem_shared>>
        tpu.enqueue_indirect_dma source(%arg9 : memref<128x128xf32, #tpu.memory_space<vmem>>) target(%dma_start3A_58 : memref<10240x128xf32, #tpu.memory_space<vmem_shared>>) offsets(%dma_start3A_55 : memref<128xi32, #tpu.memory_space<vmem>>) semaphore(%run_scoped3A : memref<!tpu.dma_semaphore, #tpu.memory_space<semaphore_mem>>) {add = true}
        %dma_wait3A_59 = arith.constant 0 : i32
        %dma_wait3A_60 = tpu.memref_slice %arg8[%rem3A_26, %dma_wait3A_59] : memref<8x128xi32, #tpu.memory_space<vmem>> -> memref<1x128xi32, #tpu.memory_space<vmem>>
        %dma_wait3A_61 = tpu.memref_squeeze %dma_wait3A_60 : memref<1x128xi32, #tpu.memory_space<vmem>> -> memref<128xi32, #tpu.memory_space<vmem>>
        %dma_wait3A_62 = arith.constant 0 : i32
        %dma_wait3A_63 = arith.constant 0 : i32
        %dma_wait3A_64 = tpu.memref_slice %arg11[%dma_wait3A_62, %dma_wait3A_63] : memref<10240x128xf32, #tpu.memory_space<vmem_shared>> -> memref<10240x128xf32, #tpu.memory_space<vmem_shared>>
        tpu.wait_indirect_dma semaphore(%run_scoped3A : memref<!tpu.dma_semaphore, #tpu.memory_space<semaphore_mem>>) src(%arg9 : memref<128x128xf32, #tpu.memory_space<vmem>>) dst(%dma_wait3A_64 : memref<10240x128xf32, #tpu.memory_space<vmem_shared>>)
        tpu.yield
      }) : () -> ()
      %dma_wait3A_33 = arith.constant 0 : i32
      %dma_wait3A_34 = arith.constant 0 : i32
      %dma_wait3A_35 = tpu.memref_slice %arg7[%dma_wait3A_33, %dma_wait3A_34] : memref<8x128xi32, #tpu.memory_space<vmem>> -> memref<1x128xi32, #tpu.memory_space<vmem>>
      %dma_wait3A_36 = tpu.memref_squeeze %dma_wait3A_35 : memref<1x128xi32, #tpu.memory_space<vmem>> -> memref<128xi32, #tpu.memory_space<vmem>>
      %dma_wait3A_37 = arith.constant 0 : i32
      %dma_wait3A_38 = arith.constant 0 : i32
      %dma_wait3A_39 = tpu.memref_slice %arg2[%dma_wait3A_37, %dma_wait3A_38] : memref<10240x128xf32, #tpu.memory_space<hbm>> -> memref<10240x128xf32, #tpu.memory_space<hbm>>
      tpu.wait_indirect_dma semaphore(%arg13 : memref<!tpu.dma_semaphore, #tpu.memory_space<semaphore_mem>>) src(%dma_wait3A_39 : memref<10240x128xf32, #tpu.memory_space<hbm>>) dst(%arg10 : memref<128x128xf32, #tpu.memory_space<vmem>>)
      %add3A_40 = arith.constant 1 : i32
      %add3A_41 = arith.addi %rem3A_26, %add3A_40 : i32
      "tpu.region"() ({
        %run_scoped3A = tpu.sem_alloc : memref<!tpu.dma_semaphore, #tpu.memory_space<semaphore_mem>>
        %dma_start3A_53 = arith.constant 0 : i32
        %dma_start3A_54 = tpu.memref_slice %arg8[%add3A_41, %dma_start3A_53] : memref<8x128xi32, #tpu.memory_space<vmem>> -> memref<1x128xi32, #tpu.memory_space<vmem>>
        %dma_start3A_55 = tpu.memref_squeeze %dma_start3A_54 : memref<1x128xi32, #tpu.memory_space<vmem>> -> memref<128xi32, #tpu.memory_space<vmem>>
        %dma_start3A_56 = arith.constant 0 : i32
        %dma_start3A_57 = arith.constant 0 : i32
        %dma_start3A_58 = tpu.memref_slice %arg11[%dma_start3A_56, %dma_start3A_57] : memref<10240x128xf32, #tpu.memory_space<vmem_shared>> -> memref<10240x128xf32, #tpu.memory_space<vmem_shared>>
        tpu.enqueue_indirect_dma source(%arg10 : memref<128x128xf32, #tpu.memory_space<vmem>>) target(%dma_start3A_58 : memref<10240x128xf32, #tpu.memory_space<vmem_shared>>) offsets(%dma_start3A_55 : memref<128xi32, #tpu.memory_space<vmem>>) semaphore(%run_scoped3A : memref<!tpu.dma_semaphore, #tpu.memory_space<semaphore_mem>>) {add = true}
        %dma_wait3A_59 = arith.constant 0 : i32
        %dma_wait3A_60 = tpu.memref_slice %arg8[%add3A_41, %dma_wait3A_59] : memref<8x128xi32, #tpu.memory_space<vmem>> -> memref<1x128xi32, #tpu.memory_space<vmem>>
        %dma_wait3A_61 = tpu.memref_squeeze %dma_wait3A_60 : memref<1x128xi32, #tpu.memory_space<vmem>> -> memref<128xi32, #tpu.memory_space<vmem>>
        %dma_wait3A_62 = arith.constant 0 : i32
        %dma_wait3A_63 = arith.constant 0 : i32
        %dma_wait3A_64 = tpu.memref_slice %arg11[%dma_wait3A_62, %dma_wait3A_63] : memref<10240x128xf32, #tpu.memory_space<vmem_shared>> -> memref<10240x128xf32, #tpu.memory_space<vmem_shared>>
        tpu.wait_indirect_dma semaphore(%run_scoped3A : memref<!tpu.dma_semaphore, #tpu.memory_space<semaphore_mem>>) src(%arg10 : memref<128x128xf32, #tpu.memory_space<vmem>>) dst(%dma_wait3A_64 : memref<10240x128xf32, #tpu.memory_space<vmem_shared>>)
        tpu.yield
      }) : () -> ()
      %add3A_42 = arith.constant 2 : i32
      %add3A_43 = arith.addi %mul3A_25, %add3A_42 : i32
      %lt3A = arith.constant 80 : i32
      %lt3A_44 = arith.cmpi slt, %add3A_43, %lt3A : i32
      %convert_element_type3A = arith.extui %lt3A_44 : i1 to i32
      %cond3A = arith.constant 0 : i32
      %cond3A_45 = arith.cmpi ne, %convert_element_type3A, %cond3A : i32
      scf.if %cond3A_45 {
        %add3A_53 = arith.constant 2 : i32
        %add3A_54 = arith.addi %mul3A_25, %add3A_53 : i32
        %rem3A_55 = arith.constant 8 : i32
        %rem3A_56 = arith.remsi %add3A_54, %rem3A_55 : i32
        %eq3A = arith.constant 0 : i32
        %eq3A_57 = arith.cmpi eq, %rem3A_56, %eq3A : i32
        %convert_element_type3A_58 = arith.extui %eq3A_57 : i1 to i32
        %cond3A_59 = arith.constant 0 : i32
        %cond3A_60 = arith.cmpi ne, %convert_element_type3A_58, %cond3A_59 : i32
        scf.if %cond3A_60 {
          %add3A_71 = arith.constant 2 : i32
          %add3A_72 = arith.addi %mul3A_25, %add3A_71 : i32
          %multiple_of3A_73 = tpu.assume_multiple %add3A_72, 8 : i32
          "tpu.region"() ({
            %run_scoped3A = tpu.sem_alloc : memref<!tpu.dma_semaphore, #tpu.memory_space<semaphore_mem>>
            %dma_start3A_74 = arith.constant 0 : i32
            %dma_start3A_75 = tpu.memref_slice %arg3[%add3A, %multiple_of3A_73, %dma_start3A_74] : memref<32x80x128xi32, #tpu.memory_space<hbm>> -> memref<1x8x128xi32, #tpu.memory_space<hbm>>
            %dma_start3A_76 = tpu.memref_squeeze %dma_start3A_75 : memref<1x8x128xi32, #tpu.memory_space<hbm>> -> memref<8x128xi32, #tpu.memory_space<hbm>>
            %dma_start3A_77 = arith.constant 0 : i32
            %dma_start3A_78 = tpu.memref_slice %arg3[%add3A, %multiple_of3A_73, %dma_start3A_77] : memref<32x80x128xi32, #tpu.memory_space<hbm>> -> memref<1x8x128xi32, #tpu.memory_space<hbm>>
            %dma_start3A_79 = tpu.memref_squeeze %dma_start3A_78 : memref<1x8x128xi32, #tpu.memory_space<hbm>> -> memref<8x128xi32, #tpu.memory_space<hbm>>
            tpu.enqueue_dma source(%dma_start3A_79 : memref<8x128xi32, #tpu.memory_space<hbm>>) target(%arg7 : memref<8x128xi32, #tpu.memory_space<vmem>>) target_semaphore(%run_scoped3A : memref<!tpu.dma_semaphore, #tpu.memory_space<semaphore_mem>>)
            %dma_wait3A_80 = arith.constant 0 : i32
            %dma_wait3A_81 = tpu.memref_slice %arg3[%add3A, %multiple_of3A_73, %dma_wait3A_80] : memref<32x80x128xi32, #tpu.memory_space<hbm>> -> memref<1x8x128xi32, #tpu.memory_space<hbm>>
            %dma_wait3A_82 = tpu.memref_squeeze %dma_wait3A_81 : memref<1x8x128xi32, #tpu.memory_space<hbm>> -> memref<8x128xi32, #tpu.memory_space<hbm>>
            %dma_wait3A_83 = arith.constant 0 : i32
            %dma_wait3A_84 = tpu.memref_slice %arg3[%add3A, %multiple_of3A_73, %dma_wait3A_83] : memref<32x80x128xi32, #tpu.memory_space<hbm>> -> memref<1x8x128xi32, #tpu.memory_space<hbm>>
            %dma_wait3A_85 = tpu.memref_squeeze %dma_wait3A_84 : memref<1x8x128xi32, #tpu.memory_space<hbm>> -> memref<8x128xi32, #tpu.memory_space<hbm>>
            tpu.wait_dma2 semaphore(%run_scoped3A : memref<!tpu.dma_semaphore, #tpu.memory_space<semaphore_mem>>) src(%dma_wait3A_85 : memref<8x128xi32, #tpu.memory_space<hbm>>) dst(%arg7 : memref<8x128xi32, #tpu.memory_space<vmem>>)
            tpu.yield
          }) : () -> ()
          "tpu.region"() ({
            %run_scoped3A = tpu.sem_alloc : memref<!tpu.dma_semaphore, #tpu.memory_space<semaphore_mem>>
            %dma_start3A_74 = arith.constant 0 : i32
            %dma_start3A_75 = tpu.memref_slice %arg4[%add3A, %multiple_of3A_73, %dma_start3A_74] : memref<32x80x128xi32, #tpu.memory_space<hbm>> -> memref<1x8x128xi32, #tpu.memory_space<hbm>>
            %dma_start3A_76 = tpu.memref_squeeze %dma_start3A_75 : memref<1x8x128xi32, #tpu.memory_space<hbm>> -> memref<8x128xi32, #tpu.memory_space<hbm>>
            %dma_start3A_77 = arith.constant 0 : i32
            %dma_start3A_78 = tpu.memref_slice %arg4[%add3A, %multiple_of3A_73, %dma_start3A_77] : memref<32x80x128xi32, #tpu.memory_space<hbm>> -> memref<1x8x128xi32, #tpu.memory_space<hbm>>
            %dma_start3A_79 = tpu.memref_squeeze %dma_start3A_78 : memref<1x8x128xi32, #tpu.memory_space<hbm>> -> memref<8x128xi32, #tpu.memory_space<hbm>>
            tpu.enqueue_dma source(%dma_start3A_79 : memref<8x128xi32, #tpu.memory_space<hbm>>) target(%arg8 : memref<8x128xi32, #tpu.memory_space<vmem>>) target_semaphore(%run_scoped3A : memref<!tpu.dma_semaphore, #tpu.memory_space<semaphore_mem>>)
            %dma_wait3A_80 = arith.constant 0 : i32
            %dma_wait3A_81 = tpu.memref_slice %arg4[%add3A, %multiple_of3A_73, %dma_wait3A_80] : memref<32x80x128xi32, #tpu.memory_space<hbm>> -> memref<1x8x128xi32, #tpu.memory_space<hbm>>
            %dma_wait3A_82 = tpu.memref_squeeze %dma_wait3A_81 : memref<1x8x128xi32, #tpu.memory_space<hbm>> -> memref<8x128xi32, #tpu.memory_space<hbm>>
            %dma_wait3A_83 = arith.constant 0 : i32
            %dma_wait3A_84 = tpu.memref_slice %arg4[%add3A, %multiple_of3A_73, %dma_wait3A_83] : memref<32x80x128xi32, #tpu.memory_space<hbm>> -> memref<1x8x128xi32, #tpu.memory_space<hbm>>
            %dma_wait3A_85 = tpu.memref_squeeze %dma_wait3A_84 : memref<1x8x128xi32, #tpu.memory_space<hbm>> -> memref<8x128xi32, #tpu.memory_space<hbm>>
            tpu.wait_dma2 semaphore(%run_scoped3A : memref<!tpu.dma_semaphore, #tpu.memory_space<semaphore_mem>>) src(%dma_wait3A_85 : memref<8x128xi32, #tpu.memory_space<hbm>>) dst(%arg8 : memref<8x128xi32, #tpu.memory_space<vmem>>)
            tpu.yield
          }) : () -> ()
        } else {
        }
        %add3A_61 = arith.constant 2 : i32
        %add3A_62 = arith.addi %mul3A_25, %add3A_61 : i32
        %rem3A_63 = arith.constant 8 : i32
        %rem3A_64 = arith.remsi %add3A_62, %rem3A_63 : i32
        %dma_start3A_65 = arith.constant 0 : i32
        %dma_start3A_66 = tpu.memref_slice %arg7[%rem3A_64, %dma_start3A_65] : memref<8x128xi32, #tpu.memory_space<vmem>> -> memref<1x128xi32, #tpu.memory_space<vmem>>
        %dma_start3A_67 = tpu.memref_squeeze %dma_start3A_66 : memref<1x128xi32, #tpu.memory_space<vmem>> -> memref<128xi32, #tpu.memory_space<vmem>>
        %dma_start3A_68 = arith.constant 0 : i32
        %dma_start3A_69 = arith.constant 0 : i32
        %dma_start3A_70 = tpu.memref_slice %arg2[%dma_start3A_68, %dma_start3A_69] : memref<10240x128xf32, #tpu.memory_space<hbm>> -> memref<10240x128xf32, #tpu.memory_space<hbm>>
        tpu.enqueue_indirect_dma source(%dma_start3A_70 : memref<10240x128xf32, #tpu.memory_space<hbm>>) target(%arg9 : memref<128x128xf32, #tpu.memory_space<vmem>>) offsets(%dma_start3A_67 : memref<128xi32, #tpu.memory_space<vmem>>) semaphore(%arg12 : memref<!tpu.dma_semaphore, #tpu.memory_space<semaphore_mem>>)
      } else {
      }
      %add3A_46 = arith.constant 3 : i32
      %add3A_47 = arith.addi %mul3A_25, %add3A_46 : i32
      %lt3A_48 = arith.constant 80 : i32
      %lt3A_49 = arith.cmpi slt, %add3A_47, %lt3A_48 : i32
      %convert_element_type3A_50 = arith.extui %lt3A_49 : i1 to i32
      %cond3A_51 = arith.constant 0 : i32
      %cond3A_52 = arith.cmpi ne, %convert_element_type3A_50, %cond3A_51 : i32
      scf.if %cond3A_52 {
        %add3A_53 = arith.constant 3 : i32
        %add3A_54 = arith.addi %mul3A_25, %add3A_53 : i32
        %rem3A_55 = arith.constant 8 : i32
        %rem3A_56 = arith.remsi %add3A_54, %rem3A_55 : i32
        %dma_start3A_57 = arith.constant 0 : i32
        %dma_start3A_58 = tpu.memref_slice %arg7[%rem3A_56, %dma_start3A_57] : memref<8x128xi32, #tpu.memory_space<vmem>> -> memref<1x128xi32, #tpu.memory_space<vmem>>
        %dma_start3A_59 = tpu.memref_squeeze %dma_start3A_58 : memref<1x128xi32, #tpu.memory_space<vmem>> -> memref<128xi32, #tpu.memory_space<vmem>>
        %dma_start3A_60 = arith.constant 0 : i32
        %dma_start3A_61 = arith.constant 0 : i32
        %dma_start3A_62 = tpu.memref_slice %arg2[%dma_start3A_60, %dma_start3A_61] : memref<10240x128xf32, #tpu.memory_space<hbm>> -> memref<10240x128xf32, #tpu.memory_space<hbm>>
        tpu.enqueue_indirect_dma source(%dma_start3A_62 : memref<10240x128xf32, #tpu.memory_space<hbm>>) target(%arg10 : memref<128x128xf32, #tpu.memory_space<vmem>>) offsets(%dma_start3A_59 : memref<128xi32, #tpu.memory_space<vmem>>) semaphore(%arg13 : memref<!tpu.dma_semaphore, #tpu.memory_space<semaphore_mem>>)
      } else {
      }
    }
    %scan3A_21 = arith.constant 40 : i32
    %barrier3A_22 = arith.constant 0 : index
    tpu.barrier barrier_id(%barrier3A_22)
    "tpu.region"() ({
      %run_scoped3A = tpu.sem_alloc : memref<!tpu.dma_semaphore, #tpu.memory_space<semaphore_mem>>
      %dma_start3A_23 = arith.constant 0 : i32
      %dma_start3A_24 = tpu.memref_slice %arg6[%arg0, %mul3A_2, %dma_start3A_23] : memref<2x10240x128xf32, #tpu.memory_space<hbm>> -> memref<1x640x128xf32, #tpu.memory_space<hbm>>
      %dma_start3A_25 = tpu.memref_squeeze %dma_start3A_24 : memref<1x640x128xf32, #tpu.memory_space<hbm>> -> memref<640x128xf32, #tpu.memory_space<hbm>>
      %dma_start3A_26 = arith.constant 0 : i32
      %dma_start3A_27 = tpu.memref_slice %arg11[%mul3A_2, %dma_start3A_26] : memref<10240x128xf32, #tpu.memory_space<vmem_shared>> -> memref<640x128xf32, #tpu.memory_space<vmem_shared>>
      tpu.enqueue_dma source(%dma_start3A_27 : memref<640x128xf32, #tpu.memory_space<vmem_shared>>) target(%dma_start3A_25 : memref<640x128xf32, #tpu.memory_space<hbm>>) target_semaphore(%run_scoped3A : memref<!tpu.dma_semaphore, #tpu.memory_space<semaphore_mem>>)
      %dma_wait3A = arith.constant 0 : i32
      %dma_wait3A_28 = tpu.memref_slice %arg6[%arg0, %mul3A_2, %dma_wait3A] : memref<2x10240x128xf32, #tpu.memory_space<hbm>> -> memref<1x640x128xf32, #tpu.memory_space<hbm>>
      %dma_wait3A_29 = tpu.memref_squeeze %dma_wait3A_28 : memref<1x640x128xf32, #tpu.memory_space<hbm>> -> memref<640x128xf32, #tpu.memory_space<hbm>>
      %dma_wait3A_30 = arith.constant 0 : i32
      %dma_wait3A_31 = tpu.memref_slice %arg11[%mul3A_2, %dma_wait3A_30] : memref<10240x128xf32, #tpu.memory_space<vmem_shared>> -> memref<640x128xf32, #tpu.memory_space<vmem_shared>>
      tpu.wait_dma2 semaphore(%run_scoped3A : memref<!tpu.dma_semaphore, #tpu.memory_space<semaphore_mem>>) src(%dma_wait3A_31 : memref<640x128xf32, #tpu.memory_space<vmem_shared>>) dst(%dma_wait3A_29 : memref<640x128xf32, #tpu.memory_space<hbm>>)
      tpu.yield
    }) : () -> ()
    return
  }
}

module attributes {stable_mosaic.version = 14 : i64} {
  func.func @_k2_body(%arg0: i32, %arg1: memref<512x128xf32, #tpu.memory_space<vmem>>, %arg2: memref<128x128xf32, #tpu.memory_space<vmem>>, %arg3: memref<2x512x128xf32, #tpu.memory_space<vmem>>, %arg4: memref<512x128xf32, #tpu.memory_space<vmem>>, %arg5: memref<512x8xf32, #tpu.memory_space<vmem>>) attributes {dimension_semantics = [#tpu.dimension_semantics<arbitrary>], iteration_bounds = array<i64: 20>, scalar_prefetch = 0 : i64, scratch_operands = 0 : i64, tpu.core_type = #tpu.core_type<tc>, window_params = [{transform_indices = @transform_0, window_bounds = array<i64: 512, 128>}, {pipeline_mode = #tpu.pipeline_mode<synchronous>, transform_indices = @transform_1, window_bounds = array<i64: 128, 128>}, {transform_indices = @transform_2, window_bounds = array<i64: 2, 512, 128>}, {transform_indices = @transform_3, window_bounds = array<i64: 512, 128>}, {transform_indices = @transform_4, window_bounds = array<i64: 512, 8>}]} {
    %get3A = arith.constant 0 : index
    %get3A_0 = arith.constant 0 : index
    %get3A_1 = arith.constant 0 : index
    %get3A_2 = vector.load %arg3[%get3A, %get3A_0, %get3A_1] : memref<2x512x128xf32, #tpu.memory_space<vmem>>, vector<1x512x128xf32>
    %get3A_3 = vector.shape_cast %get3A_2 : vector<1x512x128xf32> to vector<512x128xf32>
    %add3A = arith.constant 1.000000e+00 : f32
    %add3A_4 = vector.broadcast %add3A : f32 to vector<512x128xf32>
    %add3A_5 = arith.addf %add3A_4, %get3A_3 : vector<512x128xf32>
    %get3A_6 = arith.constant 1 : index
    %get3A_7 = arith.constant 0 : index
    %get3A_8 = arith.constant 0 : index
    %get3A_9 = vector.load %arg3[%get3A_6, %get3A_7, %get3A_8] : memref<2x512x128xf32, #tpu.memory_space<vmem>>, vector<1x512x128xf32>
    %get3A_10 = vector.shape_cast %get3A_9 : vector<1x512x128xf32> to vector<512x128xf32>
    %add3A_11 = arith.addf %add3A_5, %get3A_10 : vector<512x128xf32>
    %rsqrt3A = math.rsqrt %add3A_11 : vector<512x128xf32>
    %get3A_12 = arith.constant 0 : index
    %get3A_13 = arith.constant 0 : index
    %get3A_14 = vector.load %arg1[%get3A_12, %get3A_13] : memref<512x128xf32, #tpu.memory_space<vmem>>, vector<512x128xf32>
    %get3A_15 = arith.constant 0 : index
    %get3A_16 = arith.constant 0 : index
    %get3A_17 = vector.load %arg2[%get3A_15, %get3A_16] : memref<128x128xf32, #tpu.memory_space<vmem>>, vector<128x128xf32>
    %dot_general3A = arith.constant dense<0.000000e+00> : vector<512x128xf32>
    %dot_general3A_18 = tpu.matmul %get3A_14, %get3A_17, %dot_general3A {dimension_numbers = #tpu.dot_dimension_numbers<[1], [0], [0], [1], [0, 0, 1, 1], [], []>, transpose_lhs_hint = false} : vector<512x128xf32>, vector<128x128xf32>, vector<512x128xf32> -> vector<512x128xf32>
    %slice3A = vector.extract_strided_slice %rsqrt3A {offsets = [0, 0], sizes = [512, 1], strides = [1, 1]} : vector<512x128xf32> to vector<512x1xf32>
    %mul3A = vector.broadcast %slice3A : vector<512x1xf32> to vector<512x128xf32>
    %mul3A_19 = arith.mulf %dot_general3A_18, %mul3A : vector<512x128xf32>
    %swap3A = arith.constant 0 : index
    %swap3A_20 = arith.constant 0 : index
    %swap3A_21 = vector.load %arg4[%swap3A, %swap3A_20] : memref<512x128xf32, #tpu.memory_space<vmem>>, vector<512x128xf32>
    tpu.vector_store %arg4[%swap3A, %swap3A_20], %mul3A_19 {strides = array<i32>} : memref<512x128xf32, #tpu.memory_space<vmem>>, vector<512x128xf32>,
    %slice3A_22 = vector.extract_strided_slice %rsqrt3A {offsets = [0, 0], sizes = [512, 8], strides = [1, 1]} : vector<512x128xf32> to vector<512x8xf32>
    %swap3A_23 = arith.constant 0 : index
    %swap3A_24 = arith.constant 0 : index
    %swap3A_25 = vector.load %arg5[%swap3A_23, %swap3A_24] : memref<512x8xf32, #tpu.memory_space<vmem>>, vector<512x8xf32>
    tpu.vector_store %arg5[%swap3A_23, %swap3A_24], %slice3A_22 {strides = array<i32>} : memref<512x8xf32, #tpu.memory_space<vmem>>, vector<512x8xf32>,
    return
  }
  func.func @transform_0(%arg0: i32) -> (i32, i32) {
    %c0_i32 = arith.constant 0 : i32
    %c0_i32_0 = arith.constant 0 : i32
    return %arg0, %c0_i32 : i32, i32
  }
  func.func @transform_1(%arg0: i32) -> (i32, i32) {
    %c0_i32 = arith.constant 0 : i32
    %c0_i32_0 = arith.constant 0 : i32
    %c0_i32_1 = arith.constant 0 : i32
    return %c0_i32, %c0_i32_0 : i32, i32
  }
  func.func @transform_2(%arg0: i32) -> (i32, i32, i32) {
    %c0_i32 = arith.constant 0 : i32
    %c0_i32_0 = arith.constant 0 : i32
    %c0_i32_1 = arith.constant 0 : i32
    return %c0_i32, %arg0, %c0_i32_0 : i32, i32, i32
  }
  func.func @transform_3(%arg0: i32) -> (i32, i32) {
    %c0_i32 = arith.constant 0 : i32
    %c0_i32_0 = arith.constant 0 : i32
    return %arg0, %c0_i32 : i32, i32
  }
  func.func @transform_4(%arg0: i32) -> (i32, i32) {
    %c0_i32 = arith.constant 0 : i32
    %c0_i32_0 = arith.constant 0 : i32
    return %arg0, %c0_i32 : i32, i32
  }
}

module attributes {stable_mosaic.version = 14 : i64} {
  func.func @_k4_body(%arg0: i32, %arg1: memref<2x512x128xf32, #tpu.memory_space<vmem>>, %arg2: memref<512x128xf32, #tpu.memory_space<vmem>>, %arg3: memref<512x8xf32, #tpu.memory_space<vmem>>, %arg4: memref<1x128xf32, #tpu.memory_space<vmem>>, %arg5: memref<128x128xf32, #tpu.memory_space<vmem>>, %arg6: memref<128x8xf32, #tpu.memory_space<vmem>>, %arg7: memref<512x128xf32, #tpu.memory_space<vmem>>, %arg8: memref<512x8xf32, #tpu.memory_space<vmem>>) attributes {dimension_semantics = [#tpu.dimension_semantics<arbitrary>], iteration_bounds = array<i64: 20>, scalar_prefetch = 0 : i64, scratch_operands = 0 : i64, tpu.core_type = #tpu.core_type<tc>, window_params = [{transform_indices = @transform_0, window_bounds = array<i64: 2, 512, 128>}, {transform_indices = @transform_1, window_bounds = array<i64: 512, 128>}, {transform_indices = @transform_2, window_bounds = array<i64: 512, 8>}, {pipeline_mode = #tpu.pipeline_mode<synchronous>, transform_indices = @transform_3, window_bounds = array<i64: 1, 128>}, {pipeline_mode = #tpu.pipeline_mode<synchronous>, transform_indices = @transform_4, window_bounds = array<i64: 128, 128>}, {pipeline_mode = #tpu.pipeline_mode<synchronous>, transform_indices = @transform_5, window_bounds = array<i64: 128, 8>}, {transform_indices = @transform_6, window_bounds = array<i64: 512, 128>}, {transform_indices = @transform_7, window_bounds = array<i64: 512, 8>}]} {
    %get3A = arith.constant 0 : index
    %get3A_0 = arith.constant 0 : index
    %get3A_1 = vector.load %arg3[%get3A, %get3A_0] : memref<512x8xf32, #tpu.memory_space<vmem>>, vector<512x8xf32>
    %slice3A = vector.extract_strided_slice %get3A_1 {offsets = [0, 0], sizes = [512, 1], strides = [1, 1]} : vector<512x8xf32> to vector<512x1xf32>
    %get3A_2 = arith.constant 0 : index
    %get3A_3 = arith.constant 0 : index
    %get3A_4 = arith.constant 0 : index
    %get3A_5 = vector.load %arg1[%get3A_2, %get3A_3, %get3A_4] : memref<2x512x128xf32, #tpu.memory_space<vmem>>, vector<1x512x128xf32>
    %get3A_6 = vector.shape_cast %get3A_5 : vector<1x512x128xf32> to vector<512x128xf32>
    %get3A_7 = arith.constant 1 : index
    %get3A_8 = arith.constant 0 : index
    %get3A_9 = arith.constant 0 : index
    %get3A_10 = vector.load %arg1[%get3A_7, %get3A_8, %get3A_9] : memref<2x512x128xf32, #tpu.memory_space<vmem>>, vector<1x512x128xf32>
    %get3A_11 = vector.shape_cast %get3A_10 : vector<1x512x128xf32> to vector<512x128xf32>
    %add3A = arith.addf %get3A_6, %get3A_11 : vector<512x128xf32>
    %get3A_12 = arith.constant 0 : index
    %get3A_13 = arith.constant 0 : index
    %get3A_14 = vector.load %arg2[%get3A_12, %get3A_13] : memref<512x128xf32, #tpu.memory_space<vmem>>, vector<512x128xf32>
    %add3A_15 = arith.addf %add3A, %get3A_14 : vector<512x128xf32>
    %mul3A = vector.broadcast %slice3A : vector<512x1xf32> to vector<512x128xf32>
    %mul3A_16 = arith.mulf %mul3A, %add3A_15 : vector<512x128xf32>
    %get3A_17 = arith.constant 0 : index
    %get3A_18 = arith.constant 0 : index
    %get3A_19 = vector.load %arg4[%get3A_17, %get3A_18] : memref<1x128xf32, #tpu.memory_space<vmem>>, vector<1x128xf32>
    %add3A_20 = vector.broadcast %get3A_19 : vector<1x128xf32> to vector<512x128xf32>
    %add3A_21 = arith.addf %mul3A_16, %add3A_20 : vector<512x128xf32>
    %max3A = arith.constant 0.000000e+00 : f32
    %max3A_22 = vector.broadcast %max3A : f32 to vector<512x128xf32>
    %max3A_23 = arith.maximumf %add3A_21, %max3A_22 : vector<512x128xf32>
    %get3A_24 = arith.constant 0 : index
    %get3A_25 = arith.constant 0 : index
    %get3A_26 = vector.load %arg5[%get3A_24, %get3A_25] : memref<128x128xf32, #tpu.memory_space<vmem>>, vector<128x128xf32>
    %dot_general3A = arith.constant dense<0.000000e+00> : vector<512x128xf32>
    %dot_general3A_27 = tpu.matmul %max3A_23, %get3A_26, %dot_general3A {dimension_numbers = #tpu.dot_dimension_numbers<[1], [0], [0], [1], [0, 0, 1, 1], [], []>, transpose_lhs_hint = false} : vector<512x128xf32>, vector<128x128xf32>, vector<512x128xf32> -> vector<512x128xf32>
    %swap3A = arith.constant 0 : index
    %swap3A_28 = arith.constant 0 : index
    %swap3A_29 = vector.load %arg7[%swap3A, %swap3A_28] : memref<512x128xf32, #tpu.memory_space<vmem>>, vector<512x128xf32>
    tpu.vector_store %arg7[%swap3A, %swap3A_28], %dot_general3A_27 {strides = array<i32>} : memref<512x128xf32, #tpu.memory_space<vmem>>, vector<512x128xf32>,
    %get3A_30 = arith.constant 0 : index
    %get3A_31 = arith.constant 0 : index
    %get3A_32 = vector.load %arg6[%get3A_30, %get3A_31] : memref<128x8xf32, #tpu.memory_space<vmem>>, vector<128x8xf32>
    %dot_general3A_33 = arith.constant dense<0.000000e+00> : vector<512x8xf32>
    %dot_general3A_34 = tpu.matmul %dot_general3A_27, %get3A_32, %dot_general3A_33 {dimension_numbers = #tpu.dot_dimension_numbers<[1], [0], [0], [1], [0, 0, 1, 1], [], []>, transpose_lhs_hint = false} : vector<512x128xf32>, vector<128x8xf32>, vector<512x8xf32> -> vector<512x8xf32>
    %swap3A_35 = arith.constant 0 : index
    %swap3A_36 = arith.constant 0 : index
    %swap3A_37 = vector.load %arg8[%swap3A_35, %swap3A_36] : memref<512x8xf32, #tpu.memory_space<vmem>>, vector<512x8xf32>
    tpu.vector_store %arg8[%swap3A_35, %swap3A_36], %dot_general3A_34 {strides = array<i32>} : memref<512x8xf32, #tpu.memory_space<vmem>>, vector<512x8xf32>,
    return
  }
  func.func @transform_0(%arg0: i32) -> (i32, i32, i32) {
    %c0_i32 = arith.constant 0 : i32
    %c0_i32_0 = arith.constant 0 : i32
    %c0_i32_1 = arith.constant 0 : i32
    return %c0_i32, %arg0, %c0_i32_0 : i32, i32, i32
  }
  func.func @transform_1(%arg0: i32) -> (i32, i32) {
    %c0_i32 = arith.constant 0 : i32
    %c0_i32_0 = arith.constant 0 : i32
    return %arg0, %c0_i32 : i32, i32
  }
  func.func @transform_2(%arg0: i32) -> (i32, i32) {
    %c0_i32 = arith.constant 0 : i32
    %c0_i32_0 = arith.constant 0 : i32
    return %arg0, %c0_i32 : i32, i32
  }
  func.func @transform_3(%arg0: i32) -> (i32, i32) {
    %c0_i32 = arith.constant 0 : i32
    %c0_i32_0 = arith.constant 0 : i32
    %c0_i32_1 = arith.constant 0 : i32
    return %c0_i32, %c0_i32_0 : i32, i32
  }
  func.func @transform_4(%arg0: i32) -> (i32, i32) {
    %c0_i32 = arith.constant 0 : i32
    %c0_i32_0 = arith.constant 0 : i32
    %c0_i32_1 = arith.constant 0 : i32
    return %c0_i32, %c0_i32_0 : i32, i32
  }
  func.func @transform_5(%arg0: i32) -> (i32, i32) {
    %c0_i32 = arith.constant 0 : i32
    %c0_i32_0 = arith.constant 0 : i32
    %c0_i32_1 = arith.constant 0 : i32
    return %c0_i32, %c0_i32_0 : i32, i32
  }
  func.func @transform_6(%arg0: i32) -> (i32, i32) {
    %c0_i32 = arith.constant 0 : i32
    %c0_i32_0 = arith.constant 0 : i32
    return %arg0, %c0_i32 : i32, i32
  }
  func.func @transform_7(%arg0: i32) -> (i32, i32) {
    %c0_i32 = arith.constant 0 : i32
    %c0_i32_0 = arith.constant 0 : i32
    return %arg0, %c0_i32 : i32, i32
  }
}

module attributes {stable_mosaic.version = 14 : i64} {
  func.func @_k6_body(%arg0: i32, %arg1: memref<2x512x128xf32, #tpu.memory_space<vmem>>, %arg2: memref<2x512x128xf32, #tpu.memory_space<vmem>>, %arg3: memref<512x8xf32, #tpu.memory_space<vmem>>, %arg4: memref<512x128xf32, #tpu.memory_space<vmem>>, %arg5: memref<1x128xf32, #tpu.memory_space<vmem>>, %arg6: memref<128x128xf32, #tpu.memory_space<vmem>>, %arg7: memref<512x8xf32, #tpu.memory_space<vmem>>, %arg8: memref<512x128xf32, #tpu.memory_space<vmem>>) attributes {dimension_semantics = [#tpu.dimension_semantics<arbitrary>], iteration_bounds = array<i64: 20>, scalar_prefetch = 0 : i64, scratch_operands = 0 : i64, tpu.core_type = #tpu.core_type<tc>, window_params = [{transform_indices = @transform_0, window_bounds = array<i64: 2, 512, 128>}, {transform_indices = @transform_1, window_bounds = array<i64: 2, 512, 128>}, {transform_indices = @transform_2, window_bounds = array<i64: 512, 8>}, {transform_indices = @transform_3, window_bounds = array<i64: 512, 128>}, {pipeline_mode = #tpu.pipeline_mode<synchronous>, transform_indices = @transform_4, window_bounds = array<i64: 1, 128>}, {pipeline_mode = #tpu.pipeline_mode<synchronous>, transform_indices = @transform_5, window_bounds = array<i64: 128, 128>}, {transform_indices = @transform_6, window_bounds = array<i64: 512, 8>}, {transform_indices = @transform_7, window_bounds = array<i64: 512, 128>}]} {
    %get3A = arith.constant 0 : index
    %get3A_0 = arith.constant 0 : index
    %get3A_1 = vector.load %arg3[%get3A, %get3A_0] : memref<512x8xf32, #tpu.memory_space<vmem>>, vector<512x8xf32>
    %slice3A = vector.extract_strided_slice %get3A_1 {offsets = [0, 0], sizes = [512, 4], strides = [1, 1]} : vector<512x8xf32> to vector<512x4xf32>
    %slice3A_2 = vector.extract_strided_slice %get3A_1 {offsets = [0, 4], sizes = [512, 4], strides = [1, 1]} : vector<512x8xf32> to vector<512x4xf32>
    %add3A = arith.addf %slice3A, %slice3A_2 : vector<512x4xf32>
    %ge3A = arith.constant 0.000000e+00 : f32
    %ge3A_3 = vector.broadcast %ge3A : f32 to vector<512x4xf32>
    %ge3A_4 = arith.cmpf oge, %add3A, %ge3A_3 : vector<512x4xf32>
    %mul3A = arith.constant 2.000000e-01 : f32
    %mul3A_5 = vector.broadcast %mul3A : f32 to vector<512x4xf32>
    %mul3A_6 = arith.mulf %mul3A_5, %add3A : vector<512x4xf32>
    %select_n3A = arith.select %ge3A_4, %add3A, %mul3A_6 : vector<512x4xi1>, vector<512x4xf32>
    %exp3A = math.exp %select_n3A : vector<512x4xf32>
    %get3A_7 = arith.constant 0 : index
    %get3A_8 = arith.constant 0 : index
    %get3A_9 = arith.constant 0 : index
    %get3A_10 = vector.load %arg2[%get3A_7, %get3A_8, %get3A_9] : memref<2x512x128xf32, #tpu.memory_space<vmem>>, vector<1x512x128xf32>
    %get3A_11 = vector.shape_cast %get3A_10 : vector<1x512x128xf32> to vector<512x128xf32>
    %slice3A_12 = vector.extract_strided_slice %get3A_11 {offsets = [0, 0], sizes = [512, 4], strides = [1, 1]} : vector<512x128xf32> to vector<512x4xf32>
    %get3A_13 = arith.constant 1 : index
    %get3A_14 = arith.constant 0 : index
    %get3A_15 = arith.constant 0 : index
    %get3A_16 = vector.load %arg2[%get3A_13, %get3A_14, %get3A_15] : memref<2x512x128xf32, #tpu.memory_space<vmem>>, vector<1x512x128xf32>
    %get3A_17 = vector.shape_cast %get3A_16 : vector<1x512x128xf32> to vector<512x128xf32>
    %slice3A_18 = vector.extract_strided_slice %get3A_17 {offsets = [0, 0], sizes = [512, 4], strides = [1, 1]} : vector<512x128xf32> to vector<512x4xf32>
    %add3A_19 = arith.addf %slice3A_12, %slice3A_18 : vector<512x4xf32>
    %add3A_20 = arith.addf %add3A_19, %exp3A : vector<512x4xf32>
    %add3A_21 = arith.constant 1.000000e-16 : f32
    %add3A_22 = vector.broadcast %add3A_21 : f32 to vector<512x4xf32>
    %add3A_23 = arith.addf %add3A_20, %add3A_22 : vector<512x4xf32>
    %iota3A = tpu.iota {dimensions = array<i32: 0>} : vector<4x128xi32>
    %iota3A_24 = tpu.iota {dimensions = array<i32: 1>} : vector<4x128xi32>
    %jit3A = arith.constant 32 : i32
    %div3A = vector.broadcast %jit3A : i32 to vector<4x128xi32>
    %div3A_25 = arith.divsi %iota3A_24, %div3A : vector<4x128xi32>
    %sign3A = arith.constant 0 : i32
    %sign3A_26 = vector.broadcast %sign3A : i32 to vector<4x128xi32>
    %sign3A_27 = arith.cmpi sgt, %iota3A_24, %sign3A_26 : vector<4x128xi32>
    %sign3A_28 = arith.extui %sign3A_27 : vector<4x128xi1> to vector<4x128xi32>
    %sign3A_29 = arith.constant 0 : i32
    %sign3A_30 = vector.broadcast %sign3A_29 : i32 to vector<4x128xi32>
    %sign3A_31 = arith.cmpi slt, %iota3A_24, %sign3A_30 : vector<4x128xi32>
    %sign3A_32 = arith.extui %sign3A_31 : vector<4x128xi1> to vector<4x128xi32>
    %sign3A_33 = arith.subi %sign3A_28, %sign3A_32 : vector<4x128xi32>
    %sign3A_34 = arith.constant 0 : i32
    %sign3A_35 = arith.cmpi sgt, %jit3A, %sign3A_34 : i32
    %sign3A_36 = arith.extui %sign3A_35 : i1 to i32
    %sign3A_37 = arith.constant 0 : i32
    %sign3A_38 = arith.cmpi slt, %jit3A, %sign3A_37 : i32
    %sign3A_39 = arith.extui %sign3A_38 : i1 to i32
    %sign3A_40 = arith.subi %sign3A_36, %sign3A_39 : i32
    %ne3A = vector.broadcast %sign3A_40 : i32 to vector<4x128xi32>
    %ne3A_41 = arith.cmpi ne, %sign3A_33, %ne3A : vector<4x128xi32>
    %rem3A = vector.broadcast %jit3A : i32 to vector<4x128xi32>
    %rem3A_42 = arith.remsi %iota3A_24, %rem3A : vector<4x128xi32>
    %ne3A_43 = arith.constant 0 : i32
    %ne3A_44 = vector.broadcast %ne3A_43 : i32 to vector<4x128xi32>
    %ne3A_45 = arith.cmpi ne, %rem3A_42, %ne3A_44 : vector<4x128xi32>
    %and3A = arith.andi %ne3A_41, %ne3A_45 : vector<4x128xi1>
    %sub3A = arith.constant 1 : i32
    %sub3A_46 = vector.broadcast %sub3A : i32 to vector<4x128xi32>
    %sub3A_47 = arith.subi %div3A_25, %sub3A_46 : vector<4x128xi32>
    %select_n3A_48 = arith.select %and3A, %sub3A_47, %div3A_25 : vector<4x128xi1>, vector<4x128xi32>
    %eq3A = arith.cmpi eq, %select_n3A_48, %iota3A : vector<4x128xi32>
    %convert_element_type3A = arith.extui %eq3A : vector<4x128xi1> to vector<4x128xi32>
    %convert_element_type3A_49 = arith.sitofp %convert_element_type3A : vector<4x128xi32> to vector<4x128xf32>
    %dot_general3A = arith.constant dense<0.000000e+00> : vector<512x128xf32>
    %dot_general3A_50 = tpu.matmul %exp3A, %convert_element_type3A_49, %dot_general3A {dimension_numbers = #tpu.dot_dimension_numbers<[1], [0], [0], [1], [0, 0, 1, 1], [], []>, transpose_lhs_hint = false} : vector<512x4xf32>, vector<4x128xf32>, vector<512x128xf32> -> vector<512x128xf32>
    %dot_general3A_51 = arith.constant dense<0.000000e+00> : vector<512x128xf32>
    %dot_general3A_52 = tpu.matmul %add3A_23, %convert_element_type3A_49, %dot_general3A_51 {dimension_numbers = #tpu.dot_dimension_numbers<[1], [0], [0], [1], [0, 0, 1, 1], [], []>, transpose_lhs_hint = false} : vector<512x4xf32>, vector<4x128xf32>, vector<512x128xf32> -> vector<512x128xf32>
    %get3A_53 = arith.constant 0 : index
    %get3A_54 = arith.constant 0 : index
    %get3A_55 = arith.constant 0 : index
    %get3A_56 = vector.load %arg1[%get3A_53, %get3A_54, %get3A_55] : memref<2x512x128xf32, #tpu.memory_space<vmem>>, vector<1x512x128xf32>
    %get3A_57 = vector.shape_cast %get3A_56 : vector<1x512x128xf32> to vector<512x128xf32>
    %get3A_58 = arith.constant 1 : index
    %get3A_59 = arith.constant 0 : index
    %get3A_60 = arith.constant 0 : index
    %get3A_61 = vector.load %arg1[%get3A_58, %get3A_59, %get3A_60] : memref<2x512x128xf32, #tpu.memory_space<vmem>>, vector<1x512x128xf32>
    %get3A_62 = vector.shape_cast %get3A_61 : vector<1x512x128xf32> to vector<512x128xf32>
    %add3A_63 = arith.addf %get3A_57, %get3A_62 : vector<512x128xf32>
    %get3A_64 = arith.constant 0 : index
    %get3A_65 = arith.constant 0 : index
    %get3A_66 = vector.load %arg4[%get3A_64, %get3A_65] : memref<512x128xf32, #tpu.memory_space<vmem>>, vector<512x128xf32>
    %mul3A_67 = arith.mulf %dot_general3A_50, %get3A_66 : vector<512x128xf32>
    %add3A_68 = arith.addf %add3A_63, %mul3A_67 : vector<512x128xf32>
    %div3A_69 = arith.divf %add3A_68, %dot_general3A_52 : vector<512x128xf32>
    %get3A_70 = arith.constant 0 : index
    %get3A_71 = arith.constant 0 : index
    %get3A_72 = vector.load %arg5[%get3A_70, %get3A_71] : memref<1x128xf32, #tpu.memory_space<vmem>>, vector<1x128xf32>
    %add3A_73 = vector.broadcast %get3A_72 : vector<1x128xf32> to vector<512x128xf32>
    %add3A_74 = arith.addf %div3A_69, %add3A_73 : vector<512x128xf32>
    %max3A = arith.constant 0.000000e+00 : f32
    %max3A_75 = vector.broadcast %max3A : f32 to vector<512x128xf32>
    %max3A_76 = arith.maximumf %add3A_74, %max3A_75 : vector<512x128xf32>
    %get3A_77 = arith.constant 0 : index
    %get3A_78 = arith.constant 0 : index
    %get3A_79 = vector.load %arg6[%get3A_77, %get3A_78] : memref<128x128xf32, #tpu.memory_space<vmem>>, vector<128x128xf32>
    %dot_general3A_80 = arith.constant dense<0.000000e+00> : vector<512x128xf32>
    %dot_general3A_81 = tpu.matmul %max3A_76, %get3A_79, %dot_general3A_80 {dimension_numbers = #tpu.dot_dimension_numbers<[1], [0], [0], [1], [0, 0, 1, 1], [], []>, transpose_lhs_hint = false} : vector<512x128xf32>, vector<128x128xf32>, vector<512x128xf32> -> vector<512x128xf32>
    %get3A_82 = arith.constant 0 : index
    %get3A_83 = arith.constant 0 : index
    %get3A_84 = vector.load %arg7[%get3A_82, %get3A_83] : memref<512x8xf32, #tpu.memory_space<vmem>>, vector<512x8xf32>
    %slice3A_85 = vector.extract_strided_slice %get3A_84 {offsets = [0, 0], sizes = [512, 1], strides = [1, 1]} : vector<512x8xf32> to vector<512x1xf32>
    %mul3A_86 = vector.broadcast %slice3A_85 : vector<512x1xf32> to vector<512x128xf32>
    %mul3A_87 = arith.mulf %dot_general3A_81, %mul3A_86 : vector<512x128xf32>
    %swap3A = arith.constant 0 : index
    %swap3A_88 = arith.constant 0 : index
    %swap3A_89 = vector.load %arg8[%swap3A, %swap3A_88] : memref<512x128xf32, #tpu.memory_space<vmem>>, vector<512x128xf32>
    tpu.vector_store %arg8[%swap3A, %swap3A_88], %mul3A_87 {strides = array<i32>} : memref<512x128xf32, #tpu.memory_space<vmem>>, vector<512x128xf32>,
    return
  }
  func.func @transform_0(%arg0: i32) -> (i32, i32, i32) {
    %c0_i32 = arith.constant 0 : i32
    %c0_i32_0 = arith.constant 0 : i32
    %c0_i32_1 = arith.constant 0 : i32
    return %c0_i32, %arg0, %c0_i32_0 : i32, i32, i32
  }
  func.func @transform_1(%arg0: i32) -> (i32, i32, i32) {
    %c0_i32 = arith.constant 0 : i32
    %c0_i32_0 = arith.constant 0 : i32
    %c0_i32_1 = arith.constant 0 : i32
    return %c0_i32, %arg0, %c0_i32_0 : i32, i32, i32
  }
  func.func @transform_2(%arg0: i32) -> (i32, i32) {
    %c0_i32 = arith.constant 0 : i32
    %c0_i32_0 = arith.constant 0 : i32
    return %arg0, %c0_i32 : i32, i32
  }
  func.func @transform_3(%arg0: i32) -> (i32, i32) {
    %c0_i32 = arith.constant 0 : i32
    %c0_i32_0 = arith.constant 0 : i32
    return %arg0, %c0_i32 : i32, i32
  }
  func.func @transform_4(%arg0: i32) -> (i32, i32) {
    %c0_i32 = arith.constant 0 : i32
    %c0_i32_0 = arith.constant 0 : i32
    %c0_i32_1 = arith.constant 0 : i32
    return %c0_i32, %c0_i32_0 : i32, i32
  }
  func.func @transform_5(%arg0: i32) -> (i32, i32) {
    %c0_i32 = arith.constant 0 : i32
    %c0_i32_0 = arith.constant 0 : i32
    %c0_i32_1 = arith.constant 0 : i32
    return %c0_i32, %c0_i32_0 : i32, i32
  }
  func.func @transform_6(%arg0: i32) -> (i32, i32) {
    %c0_i32 = arith.constant 0 : i32
    %c0_i32_0 = arith.constant 0 : i32
    return %arg0, %c0_i32 : i32, i32
  }
  func.func @transform_7(%arg0: i32) -> (i32, i32) {
    %c0_i32 = arith.constant 0 : i32
    %c0_i32_0 = arith.constant 0 : i32
    return %arg0, %c0_i32 : i32, i32
  }
}

module attributes {stable_mosaic.version = 14 : i64} {
  func.func @_k8_body(%arg0: i32, %arg1: memref<2x512x128xf32, #tpu.memory_space<vmem>>, %arg2: memref<512x128xf32, #tpu.memory_space<vmem>>, %arg3: memref<512x8xf32, #tpu.memory_space<vmem>>, %arg4: memref<1x128xf32, #tpu.memory_space<vmem>>, %arg5: memref<128x128xf32, #tpu.memory_space<vmem>>, %arg6: memref<1x128xf32, #tpu.memory_space<vmem>>, %arg7: memref<1x128xf32, #tpu.memory_space<vmem>>, %arg8: memref<1x128xf32, #tpu.memory_space<vmem>>, %arg9: memref<128x128xf32, #tpu.memory_space<vmem>>, %arg10: memref<1x128xf32, #tpu.memory_space<vmem>>, %arg11: memref<128x128xf32, #tpu.memory_space<vmem>>, %arg12: memref<1x128xf32, #tpu.memory_space<vmem>>, %arg13: memref<1x128xf32, #tpu.memory_space<vmem>>, %arg14: memref<512x10xf32, #tpu.memory_space<vmem>>, %arg15: memref<512x1xf32, #tpu.memory_space<vmem>>) attributes {dimension_semantics = [#tpu.dimension_semantics<arbitrary>], iteration_bounds = array<i64: 20>, scalar_prefetch = 0 : i64, scratch_operands = 0 : i64, tpu.core_type = #tpu.core_type<tc>, window_params = [{transform_indices = @transform_0, window_bounds = array<i64: 2, 512, 128>}, {transform_indices = @transform_1, window_bounds = array<i64: 512, 128>}, {transform_indices = @transform_2, window_bounds = array<i64: 512, 8>}, {pipeline_mode = #tpu.pipeline_mode<synchronous>, transform_indices = @transform_3, window_bounds = array<i64: 1, 128>}, {pipeline_mode = #tpu.pipeline_mode<synchronous>, transform_indices = @transform_4, window_bounds = array<i64: 128, 128>}, {pipeline_mode = #tpu.pipeline_mode<synchronous>, transform_indices = @transform_5, window_bounds = array<i64: 1, 128>}, {pipeline_mode = #tpu.pipeline_mode<synchronous>, transform_indices = @transform_6, window_bounds = array<i64: 1, 128>}, {pipeline_mode = #tpu.pipeline_mode<synchronous>, transform_indices = @transform_7, window_bounds = array<i64: 1, 128>}, {pipeline_mode = #tpu.pipeline_mode<synchronous>, transform_indices = @transform_8, window_bounds = array<i64: 128, 128>}, {pipeline_mode = #tpu.pipeline_mode<synchronous>, transform_indices = @transform_9, window_bounds = array<i64: 1, 128>}, {pipeline_mode = #tpu.pipeline_mode<synchronous>, transform_indices = @transform_10, window_bounds = array<i64: 128, 128>}, {pipeline_mode = #tpu.pipeline_mode<synchronous>, transform_indices = @transform_11, window_bounds = array<i64: 1, 128>}, {pipeline_mode = #tpu.pipeline_mode<synchronous>, transform_indices = @transform_12, window_bounds = array<i64: 1, 128>}, {transform_indices = @transform_13, window_bounds = array<i64: 512, 10>}, {transform_indices = @transform_14, window_bounds = array<i64: 512, 1>}]} {
    %get3A = arith.constant 0 : index
    %get3A_0 = arith.constant 0 : index
    %get3A_1 = vector.load %arg3[%get3A, %get3A_0] : memref<512x8xf32, #tpu.memory_space<vmem>>, vector<512x8xf32>
    %slice3A = vector.extract_strided_slice %get3A_1 {offsets = [0, 0], sizes = [512, 1], strides = [1, 1]} : vector<512x8xf32> to vector<512x1xf32>
    %get3A_2 = arith.constant 0 : index
    %get3A_3 = arith.constant 0 : index
    %get3A_4 = arith.constant 0 : index
    %get3A_5 = vector.load %arg1[%get3A_2, %get3A_3, %get3A_4] : memref<2x512x128xf32, #tpu.memory_space<vmem>>, vector<1x512x128xf32>
    %get3A_6 = vector.shape_cast %get3A_5 : vector<1x512x128xf32> to vector<512x128xf32>
    %get3A_7 = arith.constant 1 : index
    %get3A_8 = arith.constant 0 : index
    %get3A_9 = arith.constant 0 : index
    %get3A_10 = vector.load %arg1[%get3A_7, %get3A_8, %get3A_9] : memref<2x512x128xf32, #tpu.memory_space<vmem>>, vector<1x512x128xf32>
    %get3A_11 = vector.shape_cast %get3A_10 : vector<1x512x128xf32> to vector<512x128xf32>
    %add3A = arith.addf %get3A_6, %get3A_11 : vector<512x128xf32>
    %get3A_12 = arith.constant 0 : index
    %get3A_13 = arith.constant 0 : index
    %get3A_14 = vector.load %arg2[%get3A_12, %get3A_13] : memref<512x128xf32, #tpu.memory_space<vmem>>, vector<512x128xf32>
    %add3A_15 = arith.addf %add3A, %get3A_14 : vector<512x128xf32>
    %mul3A = vector.broadcast %slice3A : vector<512x1xf32> to vector<512x128xf32>
    %mul3A_16 = arith.mulf %mul3A, %add3A_15 : vector<512x128xf32>
    %get3A_17 = arith.constant 0 : index
    %get3A_18 = arith.constant 0 : index
    %get3A_19 = vector.load %arg4[%get3A_17, %get3A_18] : memref<1x128xf32, #tpu.memory_space<vmem>>, vector<1x128xf32>
    %add3A_20 = vector.broadcast %get3A_19 : vector<1x128xf32> to vector<512x128xf32>
    %add3A_21 = arith.addf %mul3A_16, %add3A_20 : vector<512x128xf32>
    %max3A = arith.constant 0.000000e+00 : f32
    %max3A_22 = vector.broadcast %max3A : f32 to vector<512x128xf32>
    %max3A_23 = arith.maximumf %add3A_21, %max3A_22 : vector<512x128xf32>
    %get3A_24 = arith.constant 0 : index
    %get3A_25 = arith.constant 0 : index
    %get3A_26 = vector.load %arg13[%get3A_24, %get3A_25] : memref<1x128xf32, #tpu.memory_space<vmem>>, vector<1x128xf32>
    %get3A_27 = arith.constant 0 : index
    %get3A_28 = arith.constant 0 : index
    %get3A_29 = vector.load %arg5[%get3A_27, %get3A_28] : memref<128x128xf32, #tpu.memory_space<vmem>>, vector<128x128xf32>
    %dot_general3A = arith.constant dense<0.000000e+00> : vector<512x128xf32>
    %dot_general3A_30 = tpu.matmul %max3A_23, %get3A_29, %dot_general3A {dimension_numbers = #tpu.dot_dimension_numbers<[1], [0], [0], [1], [0, 0, 1, 1], [], []>, transpose_lhs_hint = false} : vector<512x128xf32>, vector<128x128xf32>, vector<512x128xf32> -> vector<512x128xf32>
    %get3A_31 = arith.constant 0 : index
    %get3A_32 = arith.constant 0 : index
    %get3A_33 = vector.load %arg6[%get3A_31, %get3A_32] : memref<1x128xf32, #tpu.memory_space<vmem>>, vector<1x128xf32>
    %add3A_34 = vector.broadcast %get3A_33 : vector<1x128xf32> to vector<512x128xf32>
    %add3A_35 = arith.addf %dot_general3A_30, %add3A_34 : vector<512x128xf32>
    %mul3A_36 = arith.constant 0.999994993 : f32
    %mul3A_37 = vector.broadcast %mul3A_36 : f32 to vector<512x128xf32>
    %mul3A_38 = arith.mulf %add3A_35, %mul3A_37 : vector<512x128xf32>
    %get3A_39 = arith.constant 0 : index
    %get3A_40 = arith.constant 0 : index
    %get3A_41 = vector.load %arg7[%get3A_39, %get3A_40] : memref<1x128xf32, #tpu.memory_space<vmem>>, vector<1x128xf32>
    %mul3A_42 = vector.broadcast %get3A_41 : vector<1x128xf32> to vector<512x128xf32>
    %mul3A_43 = arith.mulf %mul3A_38, %mul3A_42 : vector<512x128xf32>
    %get3A_44 = arith.constant 0 : index
    %get3A_45 = arith.constant 0 : index
    %get3A_46 = vector.load %arg8[%get3A_44, %get3A_45] : memref<1x128xf32, #tpu.memory_space<vmem>>, vector<1x128xf32>
    %add3A_47 = vector.broadcast %get3A_46 : vector<1x128xf32> to vector<512x128xf32>
    %add3A_48 = arith.addf %mul3A_43, %add3A_47 : vector<512x128xf32>
    %max3A_49 = arith.constant 0.000000e+00 : f32
    %max3A_50 = vector.broadcast %max3A_49 : f32 to vector<512x128xf32>
    %max3A_51 = arith.maximumf %add3A_48, %max3A_50 : vector<512x128xf32>
    %get3A_52 = arith.constant 0 : index
    %get3A_53 = arith.constant 0 : index
    %get3A_54 = vector.load %arg9[%get3A_52, %get3A_53] : memref<128x128xf32, #tpu.memory_space<vmem>>, vector<128x128xf32>
    %dot_general3A_55 = arith.constant dense<0.000000e+00> : vector<512x128xf32>
    %dot_general3A_56 = tpu.matmul %max3A_51, %get3A_54, %dot_general3A_55 {dimension_numbers = #tpu.dot_dimension_numbers<[1], [0], [0], [1], [0, 0, 1, 1], [], []>, transpose_lhs_hint = false} : vector<512x128xf32>, vector<128x128xf32>, vector<512x128xf32> -> vector<512x128xf32>
    %get3A_57 = arith.constant 0 : index
    %get3A_58 = arith.constant 0 : index
    %get3A_59 = vector.load %arg10[%get3A_57, %get3A_58] : memref<1x128xf32, #tpu.memory_space<vmem>>, vector<1x128xf32>
    %add3A_60 = vector.broadcast %get3A_59 : vector<1x128xf32> to vector<512x128xf32>
    %add3A_61 = arith.addf %dot_general3A_56, %add3A_60 : vector<512x128xf32>
    %div3A = arith.constant 0.699999988 : f32
    %div3A_62 = vector.broadcast %div3A : f32 to vector<512x128xf32>
    %div3A_63 = arith.divf %add3A_61, %div3A_62 : vector<512x128xf32>
    %reduce_max3A = arith.constant dense<0xFF800000> : vector<512xf32>
    %reduce_max3A_64 = vector.multi_reduction <maximumf>, %div3A_63, %reduce_max3A [1] : vector<512x128xf32> to vector<512xf32>
    %broadcast_in_dim3A = vector.shape_cast %reduce_max3A_64 : vector<512xf32> to vector<512x1xf32>
    %sub3A = vector.broadcast %broadcast_in_dim3A : vector<512x1xf32> to vector<512x128xf32>
    %sub3A_65 = arith.subf %div3A_63, %sub3A : vector<512x128xf32>
    %exp3A = math.exp %sub3A_65 : vector<512x128xf32>
    %reduce_sum3A = arith.constant dense<0.000000e+00> : vector<512xf32>
    %reduce_sum3A_66 = vector.multi_reduction <add>, %exp3A, %reduce_sum3A [1] : vector<512x128xf32> to vector<512xf32>
    %broadcast_in_dim3A_67 = vector.shape_cast %reduce_sum3A_66 : vector<512xf32> to vector<512x1xf32>
    %div3A_68 = vector.broadcast %broadcast_in_dim3A_67 : vector<512x1xf32> to vector<512x128xf32>
    %div3A_69 = arith.divf %exp3A, %div3A_68 : vector<512x128xf32>
    %mul3A_70 = vector.broadcast %get3A_26 : vector<1x128xf32> to vector<512x128xf32>
    %mul3A_71 = arith.mulf %div3A_69, %mul3A_70 : vector<512x128xf32>
    %get3A_72 = arith.constant 0 : index
    %get3A_73 = arith.constant 0 : index
    %get3A_74 = vector.load %arg11[%get3A_72, %get3A_73] : memref<128x128xf32, #tpu.memory_space<vmem>>, vector<128x128xf32>
    %dot_general3A_75 = arith.constant dense<0.000000e+00> : vector<512x128xf32>
    %dot_general3A_76 = tpu.matmul %mul3A_71, %get3A_74, %dot_general3A_75 {dimension_numbers = #tpu.dot_dimension_numbers<[1], [0], [0], [1], [0, 0, 1, 1], [], []>, transpose_lhs_hint = false} : vector<512x128xf32>, vector<128x128xf32>, vector<512x128xf32> -> vector<512x128xf32>
    %get3A_77 = arith.constant 0 : index
    %get3A_78 = arith.constant 0 : index
    %get3A_79 = vector.load %arg12[%get3A_77, %get3A_78] : memref<1x128xf32, #tpu.memory_space<vmem>>, vector<1x128xf32>
    %add3A_80 = vector.broadcast %get3A_79 : vector<1x128xf32> to vector<512x128xf32>
    %add3A_81 = arith.addf %dot_general3A_76, %add3A_80 : vector<512x128xf32>
    %add3A_82 = arith.addf %max3A_23, %add3A_81 : vector<512x128xf32>
    %get3A_83 = arith.constant 0 : index
    %get3A_84 = arith.constant 0 : index
    %get3A_85 = vector.load %arg5[%get3A_83, %get3A_84] : memref<128x128xf32, #tpu.memory_space<vmem>>, vector<128x128xf32>
    %dot_general3A_86 = arith.constant dense<0.000000e+00> : vector<512x128xf32>
    %dot_general3A_87 = tpu.matmul %add3A_82, %get3A_85, %dot_general3A_86 {dimension_numbers = #tpu.dot_dimension_numbers<[1], [0], [0], [1], [0, 0, 1, 1], [], []>, transpose_lhs_hint = false} : vector<512x128xf32>, vector<128x128xf32>, vector<512x128xf32> -> vector<512x128xf32>
    %get3A_88 = arith.constant 0 : index
    %get3A_89 = arith.constant 0 : index
    %get3A_90 = vector.load %arg6[%get3A_88, %get3A_89] : memref<1x128xf32, #tpu.memory_space<vmem>>, vector<1x128xf32>
    %add3A_91 = vector.broadcast %get3A_90 : vector<1x128xf32> to vector<512x128xf32>
    %add3A_92 = arith.addf %dot_general3A_87, %add3A_91 : vector<512x128xf32>
    %mul3A_93 = arith.constant 0.999994993 : f32
    %mul3A_94 = vector.broadcast %mul3A_93 : f32 to vector<512x128xf32>
    %mul3A_95 = arith.mulf %add3A_92, %mul3A_94 : vector<512x128xf32>
    %get3A_96 = arith.constant 0 : index
    %get3A_97 = arith.constant 0 : index
    %get3A_98 = vector.load %arg7[%get3A_96, %get3A_97] : memref<1x128xf32, #tpu.memory_space<vmem>>, vector<1x128xf32>
    %mul3A_99 = vector.broadcast %get3A_98 : vector<1x128xf32> to vector<512x128xf32>
    %mul3A_100 = arith.mulf %mul3A_95, %mul3A_99 : vector<512x128xf32>
    %get3A_101 = arith.constant 0 : index
    %get3A_102 = arith.constant 0 : index
    %get3A_103 = vector.load %arg8[%get3A_101, %get3A_102] : memref<1x128xf32, #tpu.memory_space<vmem>>, vector<1x128xf32>
    %add3A_104 = vector.broadcast %get3A_103 : vector<1x128xf32> to vector<512x128xf32>
    %add3A_105 = arith.addf %mul3A_100, %add3A_104 : vector<512x128xf32>
    %max3A_106 = arith.constant 0.000000e+00 : f32
    %max3A_107 = vector.broadcast %max3A_106 : f32 to vector<512x128xf32>
    %max3A_108 = arith.maximumf %add3A_105, %max3A_107 : vector<512x128xf32>
    %get3A_109 = arith.constant 0 : index
    %get3A_110 = arith.constant 0 : index
    %get3A_111 = vector.load %arg9[%get3A_109, %get3A_110] : memref<128x128xf32, #tpu.memory_space<vmem>>, vector<128x128xf32>
    %dot_general3A_112 = arith.constant dense<0.000000e+00> : vector<512x128xf32>
    %dot_general3A_113 = tpu.matmul %max3A_108, %get3A_111, %dot_general3A_112 {dimension_numbers = #tpu.dot_dimension_numbers<[1], [0], [0], [1], [0, 0, 1, 1], [], []>, transpose_lhs_hint = false} : vector<512x128xf32>, vector<128x128xf32>, vector<512x128xf32> -> vector<512x128xf32>
    %get3A_114 = arith.constant 0 : index
    %get3A_115 = arith.constant 0 : index
    %get3A_116 = vector.load %arg10[%get3A_114, %get3A_115] : memref<1x128xf32, #tpu.memory_space<vmem>>, vector<1x128xf32>
    %add3A_117 = vector.broadcast %get3A_116 : vector<1x128xf32> to vector<512x128xf32>
    %add3A_118 = arith.addf %dot_general3A_113, %add3A_117 : vector<512x128xf32>
    %div3A_119 = arith.constant 0.699999988 : f32
    %div3A_120 = vector.broadcast %div3A_119 : f32 to vector<512x128xf32>
    %div3A_121 = arith.divf %add3A_118, %div3A_120 : vector<512x128xf32>
    %reduce_max3A_122 = arith.constant dense<0xFF800000> : vector<512xf32>
    %reduce_max3A_123 = vector.multi_reduction <maximumf>, %div3A_121, %reduce_max3A_122 [1] : vector<512x128xf32> to vector<512xf32>
    %broadcast_in_dim3A_124 = vector.shape_cast %reduce_max3A_123 : vector<512xf32> to vector<512x1xf32>
    %sub3A_125 = vector.broadcast %broadcast_in_dim3A_124 : vector<512x1xf32> to vector<512x128xf32>
    %sub3A_126 = arith.subf %div3A_121, %sub3A_125 : vector<512x128xf32>
    %exp3A_127 = math.exp %sub3A_126 : vector<512x128xf32>
    %reduce_sum3A_128 = arith.constant dense<0.000000e+00> : vector<512xf32>
    %reduce_sum3A_129 = vector.multi_reduction <add>, %exp3A_127, %reduce_sum3A_128 [1] : vector<512x128xf32> to vector<512xf32>
    %broadcast_in_dim3A_130 = vector.shape_cast %reduce_sum3A_129 : vector<512xf32> to vector<512x1xf32>
    %div3A_131 = vector.broadcast %broadcast_in_dim3A_130 : vector<512x1xf32> to vector<512x128xf32>
    %div3A_132 = arith.divf %exp3A_127, %div3A_131 : vector<512x128xf32>
    %slice3A_133 = vector.extract_strided_slice %div3A_132 {offsets = [0, 0], sizes = [512, 10], strides = [1, 1]} : vector<512x128xf32> to vector<512x10xf32>
    %swap3A = arith.constant 0 : index
    %swap3A_134 = arith.constant 0 : index
    %swap3A_135 = vector.load %arg14[%swap3A, %swap3A_134] : memref<512x10xf32, #tpu.memory_space<vmem>>, vector<512x10xf32>
    tpu.vector_store %arg14[%swap3A, %swap3A_134], %slice3A_133 {strides = array<i32>} : memref<512x10xf32, #tpu.memory_space<vmem>>, vector<512x10xf32>,
    %mul3A_136 = vector.broadcast %get3A_26 : vector<1x128xf32> to vector<512x128xf32>
    %mul3A_137 = arith.mulf %div3A_132, %mul3A_136 : vector<512x128xf32>
    %reduce_sum3A_138 = arith.constant dense<0.000000e+00> : vector<512xf32>
    %reduce_sum3A_139 = vector.multi_reduction <add>, %mul3A_137, %reduce_sum3A_138 [1] : vector<512x128xf32> to vector<512xf32>
    %broadcast_in_dim3A_140 = vector.shape_cast %reduce_sum3A_139 : vector<512xf32> to vector<512x1xf32>
    %swap3A_141 = arith.constant 0 : index
    %swap3A_142 = arith.constant 0 : index
    %swap3A_143 = vector.load %arg15[%swap3A_141, %swap3A_142] : memref<512x1xf32, #tpu.memory_space<vmem>>, vector<512x1xf32>
    tpu.vector_store %arg15[%swap3A_141, %swap3A_142], %broadcast_in_dim3A_140 {strides = array<i32>} : memref<512x1xf32, #tpu.memory_space<vmem>>, vector<512x1xf32>,
    return
  }
  func.func @transform_0(%arg0: i32) -> (i32, i32, i32) {
    %c0_i32 = arith.constant 0 : i32
    %c0_i32_0 = arith.constant 0 : i32
    %c0_i32_1 = arith.constant 0 : i32
    return %c0_i32, %arg0, %c0_i32_0 : i32, i32, i32
  }
  func.func @transform_1(%arg0: i32) -> (i32, i32) {
    %c0_i32 = arith.constant 0 : i32
    %c0_i32_0 = arith.constant 0 : i32
    return %arg0, %c0_i32 : i32, i32
  }
  func.func @transform_2(%arg0: i32) -> (i32, i32) {
    %c0_i32 = arith.constant 0 : i32
    %c0_i32_0 = arith.constant 0 : i32
    return %arg0, %c0_i32 : i32, i32
  }
  func.func @transform_3(%arg0: i32) -> (i32, i32) {
    %c0_i32 = arith.constant 0 : i32
    %c0_i32_0 = arith.constant 0 : i32
    %c0_i32_1 = arith.constant 0 : i32
    return %c0_i32, %c0_i32_0 : i32, i32
  }
  func.func @transform_4(%arg0: i32) -> (i32, i32) {
    %c0_i32 = arith.constant 0 : i32
    %c0_i32_0 = arith.constant 0 : i32
    %c0_i32_1 = arith.constant 0 : i32
    return %c0_i32, %c0_i32_0 : i32, i32
  }
  func.func @transform_5(%arg0: i32) -> (i32, i32) {
    %c0_i32 = arith.constant 0 : i32
    %c0_i32_0 = arith.constant 0 : i32
    %c0_i32_1 = arith.constant 0 : i32
    return %c0_i32, %c0_i32_0 : i32, i32
  }
  func.func @transform_6(%arg0: i32) -> (i32, i32) {
    %c0_i32 = arith.constant 0 : i32
    %c0_i32_0 = arith.constant 0 : i32
    %c0_i32_1 = arith.constant 0 : i32
    return %c0_i32, %c0_i32_0 : i32, i32
  }
  func.func @transform_7(%arg0: i32) -> (i32, i32) {
    %c0_i32 = arith.constant 0 : i32
    %c0_i32_0 = arith.constant 0 : i32
    %c0_i32_1 = arith.constant 0 : i32
    return %c0_i32, %c0_i32_0 : i32, i32
  }
  func.func @transform_8(%arg0: i32) -> (i32, i32) {
    %c0_i32 = arith.constant 0 : i32
    %c0_i32_0 = arith.constant 0 : i32
    %c0_i32_1 = arith.constant 0 : i32
    return %c0_i32, %c0_i32_0 : i32, i32
  }
  func.func @transform_9(%arg0: i32) -> (i32, i32) {
    %c0_i32 = arith.constant 0 : i32
    %c0_i32_0 = arith.constant 0 : i32
    %c0_i32_1 = arith.constant 0 : i32
    return %c0_i32, %c0_i32_0 : i32, i32
  }
  func.func @transform_10(%arg0: i32) -> (i32, i32) {
    %c0_i32 = arith.constant 0 : i32
    %c0_i32_0 = arith.constant 0 : i32
    %c0_i32_1 = arith.constant 0 : i32
    return %c0_i32, %c0_i32_0 : i32, i32
  }
  func.func @transform_11(%arg0: i32) -> (i32, i32) {
    %c0_i32 = arith.constant 0 : i32
    %c0_i32_0 = arith.constant 0 : i32
    %c0_i32_1 = arith.constant 0 : i32
    return %c0_i32, %c0_i32_0 : i32, i32
  }
  func.func @transform_12(%arg0: i32) -> (i32, i32) {
    %c0_i32 = arith.constant 0 : i32
    %c0_i32_0 = arith.constant 0 : i32
    %c0_i32_1 = arith.constant 0 : i32
    return %c0_i32, %c0_i32_0 : i32, i32
  }
  func.func @transform_13(%arg0: i32) -> (i32, i32) {
    %c0_i32 = arith.constant 0 : i32
    %c0_i32_0 = arith.constant 0 : i32
    return %arg0, %c0_i32 : i32, i32
  }
  func.func @transform_14(%arg0: i32) -> (i32, i32) {
    %c0_i32 = arith.constant 0 : i32
    %c0_i32_0 = arith.constant 0 : i32
    return %arg0, %c0_i32 : i32, i32
  }
}

</mosaic_0001>

<sc_bundles>
// kernel: kernel.12.cloned.1.call-start
scs
__scs_entry_jumppad:
0x0: {  	(pc) =	sbr.rel $0x88, $3  }
0x1: {  	(tag) =	ssettag $0x0;
	lr =	simm.s32 $0x1  }
0x2: {  	[smem:$0x3F8E] =	sst lr;
	_ =	strace $0xD0000000  }
0x3: {  	_ = 	snop  }
0x4: {  	_ = 	snop  }
0x5: {  	_ = 	snop  }
0x6: {  	_ = 	snop  }
0x7: {  	_ = 	snop  }
__scs_overlays_trampoline_lowered:
0x8: {  	[smem:$0x3F9D] =	sst s0  }
0x9: {  	[smem:$0x3F9E] =	sst s1  }
0xa: {  	[smem:$0x3F9F] =	sst s2  }
0xb: {  	[smem:$0x3FA0] =	sst s3  }
0xc: {  	[smem:$0x3FA1] =	sst s4  }
0xd: {  	[smem:$0x3FA2] =	sst s5  }
0xe: {  	[smem:$0x3FA3] =	sst s6  }
0xf: {  	[smem:$0x3FA4] =	sst s7  }
0x10: {  	[smem:$0x3FA5] =	sst s8  }
0x11: {  	[smem:$0x3FA6] =	sst s9;
	s0 =	simm.s32 @!p0 $0x0  }
0x12: {  	s1 =	sld [smem:$0x3F8C];
	s0 =	simm.s32 @p0 $0x1  }
0x13: {  	[smem:$0x3FA7] =	sst s0;
	s0 =	simm.s32 @!p1 $0x0  }
0x14: {  	s2 =	sld [smem:$0x3F8B];
	s0 =	simm.s32 @p1 $0x1  }
0x15: {  	[smem:$0x3FA8] =	sst s0;
	s0 =	simm.s32 @!p2 $0x0  }
0x16: {  	s3 =	sld [smem:$0x3FDB];
	s0 =	simm.s32 @p2 $0x1  }
0x17: {  	s4 =	simm.s32 $0x1BF5;
	[smem:$0x3FAA] =	sst s0  }
0x18: {  	s0 =	sld [smem:$0x3F8D];
	_ =	swait.ge [sflag:s4], $0x0  }
0x19: {  	s7 =	sld [smem:$0x3F8E]  }
0x1a: {  	s8 =	sadd.s32 $0xFFFFE003, lr  }
0x1b: {  	s9 =	sadd.s32 $0xFFFFFEF7, lr;
	s5 =	simm.s32 $0xFFFFFFFF;
	p2 =	slt.u32 s8, $0xFFFFF086  }
0x1c: {  	p1 =	slt.u32 s9, $0xF7A;
	s5 =	simm.s32 @!p2 $0x0  }
0x1d: {  	s5 =	simm.s32 @p1 $0x1;
	p0 =	seq.s32 s7, s2  }
0x1e: {  	s7 =	smul.u32 @!p0 $0xF7A, s2;
	p2 =	seq.s32 @!p0 s5, $0x0  }
0x1f: {  	s9 =	smul.u32 $0xF7A, s1;
	s8 =	simm.s32 @!p0 $0x1BF5;
	p2 =	por !p2, p0  }
0x20: {  	[sflag:s8] =	ssyncset.s32 @!p0 $0xFFFFF086;
	s6 =	sadd.s32 @!p0 s3, s7;
	s7 =	simm.s32 @!p0 $0x108  }
0x21: {  	s3 =	sadd.s32 s3, s9;
	s6 =	sadd.s32 @!p0 $0x88, s6;
	s7 =	simm.s32 @p2 $0x1082  }
0x22: {  	[simem:s7], [sflag:s8] =	dma.local @!p0 [hbm:s6], $0xF7A  }
0x23: {  	s9 =	sor.u32 $0xD0000000, s2;
	s6 =	simm.s32 $0x108;
	_ =	swait.ge @!p0 [sflag:s8], $0x0  }
0x24: {  	s3 =	sadd.s32 $0x88, s3;
	s6 =	simm.s32 @!p1 $0x1082;
	[sflag:s4] =	ssyncset.s32 $0xFFFFF086  }
0x25: {  	[simem:s6], [sflag:s4] =	dma.local [hbm:s3], $0xF7A  }
0x26: {  	[smem:$0x3F8E] =	sst s1;
	(tag) =	ssettag s2;
	_ =	strace s9  }
0x27: {  	s1 =	sld [smem:$0x3F9E]  }
0x28: {  	s2 =	sld [smem:$0x3F9F]  }
0x29: {  	s4 =	sld [smem:$0x3FA1]  }
0x2a: {  	p0 =	seq.s32 s5, $0x0;
	s5 =	sld [smem:$0x3FA2]  }
0x2b: {  	s6 =	sld [smem:$0x3FA3]  }
0x2c: {  	s7 =	sld [smem:$0x3FA4]  }
0x2d: {  	s3 =	simm.s32 $0x108;
	s8 =	sld [smem:$0x3FA5]  }
0x2e: {  	s3 =	simm.s32 @!p0 $0x1082;
	s9 =	sld [smem:$0x3FA6]  }
0x2f: {  	lr =	sadd.s32 s0, s3;
	s0 =	sld [smem:$0x3F9D]  }
0x30: {  	s3 =	sld [smem:$0x3FA0]  }
0x31: {  	[smem:$0x3FA9] =	sst s10  }
0x32: {  	s10 =	sld [smem:$0x3FA7];
	_ =	sdelay $0x3  }
0x33: {  	p0 =	seq.s32 s10, $0x1;
	s10 =	sld [smem:$0x3FA9];
	_ =	sdelay $0x3  }
0x34: {  	[smem:$0x3FA9] =	sst s10  }
0x35: {  	s10 =	sld [smem:$0x3FA8];
	_ =	sdelay $0x3  }
0x36: {  	p1 =	seq.s32 s10, $0x1;
	s10 =	sld [smem:$0x3FA9];
	_ =	sdelay $0x3  }
0x37: {  	[smem:$0x3FA9] =	sst s10  }
0x38: {  	s10 =	sld [smem:$0x3FAA]  }
0x39: {  	_ = 	snop;
	(pc) =	sbr.ind lr, $3  }
0x3a: {  	_ = 	snop  }
0x3b: {  	_ = 	snop  }
0x3c: {  	p2 =	seq.s32 s10, $0x1;
	s10 =	sld [smem:$0x3FA9]  }
0x3d: {  	_ =	shalt  }
0x3e: {  	_ =	shalt  }
0x3f: {  	_ =	shalt  }
0x40: {  	_ =	shalt  }
0x41: {  	_ =	shalt  }
0x42: {  	_ =	shalt  }
0x43: {  	_ =	shalt  }
0x44: {  	_ =	shalt  }
0x45: {  	_ =	shalt  }
0x46: {  	_ =	shalt  }
0x47: {  	_ =	shalt  }
0x48: {  	_ =	shalt  }
0x49: {  	_ =	shalt  }
0x4a: {  	_ =	shalt  }
0x4b: {  	_ =	shalt  }
0x4c: {  	_ =	shalt  }
0x4d: {  	_ =	shalt  }
0x4e: {  	_ =	shalt  }
0x4f: {  	_ =	shalt  }
0x50: {  	_ =	shalt  }
0x51: {  	_ =	shalt  }
0x52: {  	_ =	shalt  }
0x53: {  	_ =	shalt  }
0x54: {  	_ =	shalt  }
0x55: {  	_ =	shalt  }
0x56: {  	_ =	shalt  }
0x57: {  	_ =	shalt  }
0x58: {  	_ =	shalt  }
0x59: {  	_ =	shalt  }
0x5a: {  	_ =	shalt  }
0x5b: {  	_ =	shalt  }
0x5c: {  	_ =	shalt  }
0x5d: {  	_ =	shalt  }
0x5e: {  	_ =	shalt  }
0x5f: {  	_ =	shalt  }
0x60: {  	_ =	shalt  }
0x61: {  	_ =	shalt  }
0x62: {  	_ =	shalt  }
0x63: {  	_ =	shalt  }
0x64: {  	_ =	shalt  }
0x65: {  	_ =	shalt  }
0x66: {  	_ =	shalt  }
0x67: {  	_ =	shalt  }
0x68: {  	_ =	shalt  }
0x69: {  	_ =	shalt  }
0x6a: {  	_ =	shalt  }
0x6b: {  	_ =	shalt  }
0x6c: {  	_ =	shalt  }
0x6d: {  	_ =	shalt  }
0x6e: {  	_ =	shalt  }
0x6f: {  	_ =	shalt  }
0x70: {  	_ =	shalt  }
0x71: {  	_ =	shalt  }
0x72: {  	_ =	shalt  }
0x73: {  	_ =	shalt  }
0x74: {  	_ =	shalt  }
0x75: {  	_ =	shalt  }
0x76: {  	_ =	shalt  }
0x77: {  	_ =	shalt  }
0x78: {  	_ =	shalt  }
0x79: {  	_ =	shalt  }
0x7a: {  	_ =	shalt  }
0x7b: {  	_ =	shalt  }
0x7c: {  	_ =	shalt  }
0x7d: {  	_ =	shalt  }
0x7e: {  	_ =	shalt  }
0x7f: {  	_ =	shalt  }
0x80: {  	_ =	shalt  }
0x81: {  	_ =	shalt  }
0x82: {  	_ =	shalt  }
0x83: {  	_ =	shalt  }
0x84: {  	_ =	shalt  }
0x85: {  	_ =	shalt  }
0x86: {  	_ =	shalt  }
0x87: {  	_ =	shalt  }
.Lfunc_end0:
.L_simem_size_0:
called_computation_lowered:
.L_overlay_start_0:
0x88: {  	s2 =	sld [smem:$0x3FD9]  }
0x89: {  	s3 =	sld [smem:$0x3FFE];
	_ =	sdelay $0x1  }
0x8a: {  	s1 =	srdreg.scid  }
0x8b: {  	s0 =	sand.u32 $0x1, s1  }
0x8c: {  	s14 =	sshll.u32 s0, $0xA;
	s2 =	sadd.s32 s3, s2  }
0x8d: {  	s2 =	sadd.s32 s2, s14  }
0x8e: {  	[smem:$0x3FB5] =	sst s2  }
0x8f: {  	_ = 	snop  }
0x90: {  	s2 =	sld [smem:$0x3FD0];
	_ =	sdelay $0x2  }
0x91: {  	s15 =	simm.s32 $0xB;
	s4 =	simm.s32 $0x10  }
0x92: {  	[smem:s4], [sflag:s15] =	dma.local [hbm:s2], $0x1  }
0x93: {  	_ =	swait.eq [sflag:s15], $0x1  }
0x94: {  	[sflag:s15] =	ssyncset.done $0x0  }
0x95: {  	[sflag:s15] =	ssyncadd.s32 $0xFFFFFFFF  }
0x96: {  	s16 =	sld [smem:$0x10];
	(tm) =	ssettm $0x1  }
0x97: {  	s17 =	sld [smem:$0x3FFB];
	_ =	sdelay $0x3  }
0x98: {  	_ =	strace s17  }
0x99: {  	s3 =	sld [smem:$0x3FFC];
	_ =	sdelay $0x3  }
0x9a: {  	_ =	strace s3  }
0x9b: {  	s3 =	sld [smem:$0x3FFD];
	_ =	sdelay $0x3  }
0x9c: {  	_ =	strace s3  }
0x9d: {  	_ =	strace $0x8FFFFFFF  }
0x9e: {  	s18 =	sld [smem:$0x3FDB];
	_ =	sdelay $0x1  }
0x9f: {  	s19 =	simm.s32 $_scs_section_size  }
0xa0: {  	s5 =	simm.s32 $_size__tile_overlayer_lowered;
	s6 =	simm.s32 $_tile_overlayer_lowered  }
0xa1: {  	s22 =	simm.s32 $0x1BFF;
	s21 =	sshll.u32 s6, $0x1;
	s3 =	sadd.s32 s19, s18  }
0xa2: {  	s7 =	simm.s32 $0x0;
	s20 =	sshll.u32 s5, $0x1;
	s5 =	sadd.s32 s21, s3  }
0xa3: {  	[timem:s7], [sflag:s22] =	dma.local [hbm:s5], s20  }
0xa4: {  	_ =	swait.ge [sflag:s22], s20  }
0xa5: {  	s4 =	ssub.s32 $0x0, s20;
	[sflag:s22] =	ssyncset.done $0x0  }
0xa6: {  	[sflag:s22] =	ssyncadd.s32 s4;
	_ =	sdelay $0x1  }
0xa7: {  	s23 =	simm.s32 $0x1B8B  }
0xa8: {  	_ =	swait.ge [sflag:s23], $0x1  }
0xa9: {  	[sflag:s23] =	ssyncset.done $0x0  }
0xaa: {  	s25 =	simm.s32 $0x1B8E;
	s24 =	sld [smem:$0x3FFE];
	[sflag:s23] =	ssyncadd.s32 $0xFFFFFFFF  }
0xab: {  	s26 =	simm.s32 $execute0_lowered;
	[smem:$0x3FD2] =	sst s25  }
0xac: {  	s5 =	sshll.u32 s26, $0x1;
	_ =	strace $0x80000046;
	[dreg:$0x1] =	wrdreg $0xFFFFFFFF  }
0xad: {  	s28 =	simm.s32 $_size_execute0_lowered;
	s3 =	sadd.s32 s3, s5;
	[dreg:$0x0] =	wrdreg $0x0  }
0xae: {  	s5 =	sshll.u32 s28, $0x1;
	[dreg:$0x2] =	wrdreg s3  }
0xaf: {  	[dreg:$0x3] =	wrdreg s5  }
0xb0: {  	[dreg:$0x4] =	wrdreg $0xC0  }
0xb1: {  	_ =	task [dreg:s7], $0x5FFFF  }
0xb2: {  	[dreg:$0x1] =	wrdreg $0xFFFFFFFF  }
0xb3: {  	[dreg:$0x0] =	wrdreg $0x60  }
0xb4: {  	[dreg:$0x2] =	wrdreg s24  }
0xb5: {  	[dreg:$0x3] =	wrdreg s16  }
0xb6: {  	[dreg:$0x4] =	wrdreg $0x68000  }
0xb7: {  	[dreg:$0x5] =	wrdreg $0x9  }
0xb8: {  	_ =	task.clear_ibuf [dreg:s7], $0x6FFFF;
	_ =	strace $0x90000046  }
0xb9: {  	s29 =	simm.s32 $0x9;
	_ =	strace $0x80000048  }
0xba: {  	_ =	swait.ge [sflag:s29], $0x1  }
0xbb: {  	[sflag:s29] =	ssyncadd.s32 $0xFFFFFFFF  }
0xbc: {  	_ =	strace $0x90000048  }
0xbd: {  	_ =	sfence  }
0xbe: {  	s30 =	sld [smem:$0x0];
	_ =	sdelay $0x2  }
0xbf: {  	s31 =	sshll.u32 s1, $0xD;
	s1 =	sshrl.u32 s1, $0x2  }
0xc0: {  	s3 =	sand.u32 $0x4000, s31;
	s1 =	sadd.s32 s1, s30  }
0xc1: {  	s0 =	sor.u32 s3, s0;
	s1 =	sshll.u32 s1, $0x11  }
0xc2: {  	s0 =	sor.u32 s1, s0  }
0xc3: {  	s0 =	sadd.s32 $0x8F2B, s0  }
0xc4: {  	[sflag:s0] =	ssyncadd.remote.s32 $0x1  }
0xc5: {  	_ =	sfence.sel $0xFFFF  }
0xc6: {  	[dreg:$0x0] =	wrdreg $0xFFFFFFFF;
	(pc) =	sbr.abs _section_cstart, $3  }
0xc7: {  	[dreg:$0x1] =	wrdreg $0xFFFFFFFF  }
0xc8: {  	_ =	task.clear_ibuf [dreg:s7], $0x2FFFF;
	_ =	strace $0x9FFFFFFF  }
0xc9: {  	(tm) =	ssettm $0x7FFFFFFF  }
tec
execute0_lowered:
.L_overlay_start_1:
0x0: {  	(tag) =	ssettag $0x1  }
0x1: {  	s6 =	rddreg [dreg:$0x0]  }
0x2: {  	s0 =	srdreg.scid;
	s2 =	rddreg [dreg:$0x1]  }
0x3: {  	s3 =	rddreg [dreg:$0x2];
	s4 =	simm.s32 $0x0;
	s13 =	simm.s32 $0x80  }
0x4: {  	s14 =	simm.s32 $0x1;
	s5 =	sand.u32 $0x1, s0;
	s0 =	stileid.u32  }
0x5: {  	s15 =	simm.s32 $0x0;
	[smem:$0x7FF] =	sst s4;
	s8 =	smul.u32 $0x14000, s0  }
0x6: {  	s1 =	sshll.u32 s5, $0x4;
	s9 =	smul.u32 $0x140000, s5;
	s5 =	ssub.s32 $0x2, s5  }
0x7: {  	s28 =	smul.u32 $0x50000, s0;
	s31 =	sshll.u32 s0, $0x6;
	s1 =	sor.u32 s0, s1  }
0x8: {  	s29 =	sshrl.u32 s5, $0x1;
	s7 =	smul.u32 $0x500, s1;
	s1 =	rddreg [dreg:$0x3]  }
0x9: {  	_ =	strace $0x80000047;
	s10 =	sshrl.u32 s8, $0x3;
	s8 =	sadd.s32 s8, s9  }
0xa: {  	s11 =	ssub.s32 s5, s29;
	s30 =	sshrl.u32 s28, $0x2;
	s9 =	simm.s32 $0x2  }
0xb: {  	s8 =	sshrl.u32 s8, $0x3;
	s10 =	sadd.s32 s10, s6;
	s12 =	sadd.s32 s30, s3  }
0xc: {  	s7 =	sadd.s32 s7, s6;
	s8 =	sadd.s32 s8, s6;
	s6 =	sadd.s32 $0xF600, s10  }
0xd: {  	s10 =	simm.s32 $0x2800;
	s12 =	sshrl.u32 s12, $0x3;
	s5 =	sadd.s32 $0x5600, s7  }
0xe: {  	s7 =	sadd.s32 $0x37600, s8;
	s8 =	smax.u32 s11, $0x1;
	s11 =	sor.u32 $0x1C02, s31  }
.LBB2_1:
0xf: {  	[tilespmem:s4], [sflag:$0x2] =	stream.linear.gather [hbm4b:s5+s4], $0x2800, $0x38;
	[tilespmem:$0x1A800] =	vst v63  }
0x10: {  	_ =	swait.ge [sflag:s9], $0x2800  }
0x11: {  	[sflag:s9] =	ssyncset.done $0x0  }
0x12: {  	[sflag:s9] =	ssyncadd.s32 $0xFFFFD800  }
0x13: {  	[tilespmem:s10], [sflag:$0x2] =	stream.linear.gather [hbm4b:s2+s4], $0x4000, $0x38;
	[tilespmem:$0x1A800] =	vst v63  }
0x14: {  	_ =	swait.ge [sflag:s9], $0x4000  }
0x15: {  	[sflag:s9] =	ssyncset.done $0x0  }
0x16: {  	[sflag:s9] =	ssyncadd.s32 $0xFFFFC000  }
0x17: {  	[spmem:s12], [sflag:s11] =	dma.local [hbm:s6], $0x2800  }
0x18: {  	_ =	swait.ge [sflag:s9], $0x2800  }
0x19: {  	[sflag:s9] =	ssyncset.done $0x0  }
0x1a: {  	[sflag:s9] =	ssyncadd.s32 $0xFFFFD800  }
0x1b: {  	[bflag:$0x0] =	sbarrier.arrive $0xFFFF  }
0x1c: {  	[spmem:s3] =	stream.indirect.scatter.add.f32 [tilespmem:s10], [sflag:$0x1], $0x80, s4, s13, $0xb8;
	[tilespmem:$0x1A800] =	vst v63  }
0x1d: {  	p0 =	por $0x0, $0x0  }
0x1e: {  	[spmem:s3] =	stream.indirect.scatter.add.f32 [tilespmem:s10], [sflag:$0x1], $0x80, s13, s13, $0xb8;
	[tilespmem:$0x1A800] =	vst v63  }
0x1f: {  	s16 =	simm.s32 $0x100;
	s17 =	simm.s32 @!p0 $0x80;
	s18 =	simm.s32 @!p0 $0x2800  }
0x20: {  	[spmem:s3] =	stream.indirect.scatter.add.f32 @!p0 [tilespmem:s18], [sflag:$0x1], $0x80, s16, s17, $0xb8;
	[tilespmem:$0x1A800] =	vst v63  }
0x21: {  	_ =	swait.ge [sflag:s14], $0x4000  }
0x22: {  	s17 =	simm.s32 $0x1;
	[sflag:s14] =	ssyncset.done $0x0  }
.LBB2_2:
0x23: {  	s18 =	smov.u32 s17;
	s17 =	sadd.s32 $0x1, s17  }
0x24: {  	[sflag:s14] =	ssyncadd.s32 $0xFFFFC000;
	s16 =	sadd.s32 $0x80, s16;
	p1 =	sne.s32 s17, $0x50  }
.Ltmp0:
0x25: {  	p0 =	sgt.u32 s18, $0x4D;
	(pc) =	sbr.rel @p1 .LBB2_2-.Ltmp0, $4  }
0x26: {  	s18 =	simm.s32 @!p0 $0x80;
	s19 =	simm.s32 @!p0 $0x2800  }
0x27: {  	[spmem:s3] =	stream.indirect.scatter.add.f32 @!p0 [tilespmem:s19], [sflag:$0x1], $0x80, s16, s18, $0xb8;
	[tilespmem:$0x1A800] =	vst v63  }
0x28: {  	_ =	swait.ge [sflag:s14], $0x4000  }
0x29: {  	[sflag:s14] =	ssyncset.done $0x0  }
0x2a: {  	s15 =	sadd.s32 $0x1, s15  }
0x2b: {  	[sflag:s14] =	ssyncadd.s32 $0xFFFFC000;
	p0 =	sne.s32 s15, s8  }
.Ltmp1:
0x2c: {  	[bflag:$0x0] =	sbarrier.arrive $0xFFFF;
	(pc) =	sbr.rel @p0 .LBB2_1-.Ltmp1, $4  }
0x2d: {  	[hbm:s7], [sflag:s11] =	dma.local [spmem:s12], $0x2800  }
0x2e: {  	_ =	swait.ge [sflag:s9], $0x2800  }
0x2f: {  	[sflag:s9] =	ssyncset.done $0x0  }
0x30: {  	[sflag:s9] =	ssyncadd.s32 $0xFFFFD800  }
0x31: {  	_ =	sfence.sel $0x180000  }
0x32: {  	[bflag:$0x0] =	sbarrier.arrive $0xFFFF  }
0x33: {  	p0 =	sne.s32 s0, $0x0;
	_ =	strace $0x90000047  }
0x34: {  	s0 =	sadd.s32 @!p0 $0x100000, s1;
	[bflag:$0x2] =	sbarrier.arrive $0xFFFF  }
0x35: {  	[sflag:s0] =	ssyncadd.tile.s32 @!p0 $0x1;
	_ =	shalt  }
.Lfunc_end2:
_tile_overlayer_lowered:
.L_overlay_start_2:
0x36: {  	(tag) =	ssettag $0x2  }
0x37: {  	s0 =	rddreg [dreg:$0x0];
	s2 =	stileid.u32  }
0x38: {  	s1 =	rddreg [dreg:$0x1];
	p0 =	sne.s32 s2, $0x0  }
0x39: {  	s3 =	rddreg [dreg:$0x2];
	[bflag:$0x3] =	sbarrier.arrive $0xFFFF;
	s2 =	simm.s32 @!p0 $0x1C02  }
0x3a: {  	[timem:s3], [sflag:s2] =	dma.local @!p0 [hbm:s0], s1  }
0x3b: {  	s0 =	simm.s32 @!p0 $0x2  }
0x3c: {  	_ =	swait.ge @!p0 [sflag:s0], s1  }
0x3d: {  	s1 =	ssub.s32 @!p0 $0x0, s1;
	[sflag:s0] =	ssyncset.done @!p0 $0x0  }
0x3e: {  	[sflag:s0] =	ssyncadd.s32 @!p0 s1  }
0x3f: {  	[bflag:$0x3] =	sbarrier.arrive $0xFFFF  }
0x40: {  	_ =	shalt  }

// kernel: kernel.15.cloned.1.call-start
scs
__scs_entry_jumppad:
0x0: {  	(pc) =	sbr.rel $0x88, $3  }
0x1: {  	(tag) =	ssettag $0x0;
	lr =	simm.s32 $0x1  }
0x2: {  	[smem:$0x3F8E] =	sst lr;
	_ =	strace $0xD0000000  }
0x3: {  	_ = 	snop  }
0x4: {  	_ = 	snop  }
0x5: {  	_ = 	snop  }
0x6: {  	_ = 	snop  }
0x7: {  	_ = 	snop  }
__scs_overlays_trampoline_lowered:
0x8: {  	[smem:$0x3F9D] =	sst s0  }
0x9: {  	[smem:$0x3F9E] =	sst s1  }
0xa: {  	[smem:$0x3F9F] =	sst s2  }
0xb: {  	[smem:$0x3FA0] =	sst s3  }
0xc: {  	[smem:$0x3FA1] =	sst s4  }
0xd: {  	[smem:$0x3FA2] =	sst s5  }
0xe: {  	[smem:$0x3FA3] =	sst s6  }
0xf: {  	[smem:$0x3FA4] =	sst s7  }
0x10: {  	[smem:$0x3FA5] =	sst s8  }
0x11: {  	[smem:$0x3FA6] =	sst s9;
	s0 =	simm.s32 @!p0 $0x0  }
0x12: {  	s1 =	sld [smem:$0x3F8C];
	s0 =	simm.s32 @p0 $0x1  }
0x13: {  	[smem:$0x3FA7] =	sst s0;
	s0 =	simm.s32 @!p1 $0x0  }
0x14: {  	s2 =	sld [smem:$0x3F8B];
	s0 =	simm.s32 @p1 $0x1  }
0x15: {  	[smem:$0x3FA8] =	sst s0;
	s0 =	simm.s32 @!p2 $0x0  }
0x16: {  	s3 =	sld [smem:$0x3FDB];
	s0 =	simm.s32 @p2 $0x1  }
0x17: {  	s4 =	simm.s32 $0x1BF5;
	[smem:$0x3FAA] =	sst s0  }
0x18: {  	s0 =	sld [smem:$0x3F8D];
	_ =	swait.ge [sflag:s4], $0x0  }
0x19: {  	s7 =	sld [smem:$0x3F8E]  }
0x1a: {  	s8 =	sadd.s32 $0xFFFFE003, lr  }
0x1b: {  	s9 =	sadd.s32 $0xFFFFFEF7, lr;
	s5 =	simm.s32 $0xFFFFFFFF;
	p2 =	slt.u32 s8, $0xFFFFF086  }
0x1c: {  	p1 =	slt.u32 s9, $0xF7A;
	s5 =	simm.s32 @!p2 $0x0  }
0x1d: {  	s5 =	simm.s32 @p1 $0x1;
	p0 =	seq.s32 s7, s2  }
0x1e: {  	s7 =	smul.u32 @!p0 $0xF7A, s2;
	p2 =	seq.s32 @!p0 s5, $0x0  }
0x1f: {  	s9 =	smul.u32 $0xF7A, s1;
	s8 =	simm.s32 @!p0 $0x1BF5;
	p2 =	por !p2, p0  }
0x20: {  	[sflag:s8] =	ssyncset.s32 @!p0 $0xFFFFF086;
	s6 =	sadd.s32 @!p0 s3, s7;
	s7 =	simm.s32 @!p0 $0x108  }
0x21: {  	s3 =	sadd.s32 s3, s9;
	s6 =	sadd.s32 @!p0 $0x88, s6;
	s7 =	simm.s32 @p2 $0x1082  }
0x22: {  	[simem:s7], [sflag:s8] =	dma.local @!p0 [hbm:s6], $0xF7A  }
0x23: {  	s9 =	sor.u32 $0xD0000000, s2;
	s6 =	simm.s32 $0x108;
	_ =	swait.ge @!p0 [sflag:s8], $0x0  }
0x24: {  	s3 =	sadd.s32 $0x88, s3;
	s6 =	simm.s32 @!p1 $0x1082;
	[sflag:s4] =	ssyncset.s32 $0xFFFFF086  }
0x25: {  	[simem:s6], [sflag:s4] =	dma.local [hbm:s3], $0xF7A  }
0x26: {  	[smem:$0x3F8E] =	sst s1;
	(tag) =	ssettag s2;
	_ =	strace s9  }
0x27: {  	s1 =	sld [smem:$0x3F9E]  }
0x28: {  	s2 =	sld [smem:$0x3F9F]  }
0x29: {  	s4 =	sld [smem:$0x3FA1]  }
0x2a: {  	p0 =	seq.s32 s5, $0x0;
	s5 =	sld [smem:$0x3FA2]  }
0x2b: {  	s6 =	sld [smem:$0x3FA3]  }
0x2c: {  	s7 =	sld [smem:$0x3FA4]  }
0x2d: {  	s3 =	simm.s32 $0x108;
	s8 =	sld [smem:$0x3FA5]  }
0x2e: {  	s3 =	simm.s32 @!p0 $0x1082;
	s9 =	sld [smem:$0x3FA6]  }
0x2f: {  	lr =	sadd.s32 s0, s3;
	s0 =	sld [smem:$0x3F9D]  }
0x30: {  	s3 =	sld [smem:$0x3FA0]  }
0x31: {  	[smem:$0x3FA9] =	sst s10  }
0x32: {  	s10 =	sld [smem:$0x3FA7];
	_ =	sdelay $0x3  }
0x33: {  	p0 =	seq.s32 s10, $0x1;
	s10 =	sld [smem:$0x3FA9];
	_ =	sdelay $0x3  }
0x34: {  	[smem:$0x3FA9] =	sst s10  }
0x35: {  	s10 =	sld [smem:$0x3FA8];
	_ =	sdelay $0x3  }
0x36: {  	p1 =	seq.s32 s10, $0x1;
	s10 =	sld [smem:$0x3FA9];
	_ =	sdelay $0x3  }
0x37: {  	[smem:$0x3FA9] =	sst s10  }
0x38: {  	s10 =	sld [smem:$0x3FAA]  }
0x39: {  	_ = 	snop;
	(pc) =	sbr.ind lr, $3  }
0x3a: {  	_ = 	snop  }
0x3b: {  	_ = 	snop  }
0x3c: {  	p2 =	seq.s32 s10, $0x1;
	s10 =	sld [smem:$0x3FA9]  }
0x3d: {  	_ =	shalt  }
0x3e: {  	_ =	shalt  }
0x3f: {  	_ =	shalt  }
0x40: {  	_ =	shalt  }
0x41: {  	_ =	shalt  }
0x42: {  	_ =	shalt  }
0x43: {  	_ =	shalt  }
0x44: {  	_ =	shalt  }
0x45: {  	_ =	shalt  }
0x46: {  	_ =	shalt  }
0x47: {  	_ =	shalt  }
0x48: {  	_ =	shalt  }
0x49: {  	_ =	shalt  }
0x4a: {  	_ =	shalt  }
0x4b: {  	_ =	shalt  }
0x4c: {  	_ =	shalt  }
0x4d: {  	_ =	shalt  }
0x4e: {  	_ =	shalt  }
0x4f: {  	_ =	shalt  }
0x50: {  	_ =	shalt  }
0x51: {  	_ =	shalt  }
0x52: {  	_ =	shalt  }
0x53: {  	_ =	shalt  }
0x54: {  	_ =	shalt  }
0x55: {  	_ =	shalt  }
0x56: {  	_ =	shalt  }
0x57: {  	_ =	shalt  }
0x58: {  	_ =	shalt  }
0x59: {  	_ =	shalt  }
0x5a: {  	_ =	shalt  }
0x5b: {  	_ =	shalt  }
0x5c: {  	_ =	shalt  }
0x5d: {  	_ =	shalt  }
0x5e: {  	_ =	shalt  }
0x5f: {  	_ =	shalt  }
0x60: {  	_ =	shalt  }
0x61: {  	_ =	shalt  }
0x62: {  	_ =	shalt  }
0x63: {  	_ =	shalt  }
0x64: {  	_ =	shalt  }
0x65: {  	_ =	shalt  }
0x66: {  	_ =	shalt  }
0x67: {  	_ =	shalt  }
0x68: {  	_ =	shalt  }
0x69: {  	_ =	shalt  }
0x6a: {  	_ =	shalt  }
0x6b: {  	_ =	shalt  }
0x6c: {  	_ =	shalt  }
0x6d: {  	_ =	shalt  }
0x6e: {  	_ =	shalt  }
0x6f: {  	_ =	shalt  }
0x70: {  	_ =	shalt  }
0x71: {  	_ =	shalt  }
0x72: {  	_ =	shalt  }
0x73: {  	_ =	shalt  }
0x74: {  	_ =	shalt  }
0x75: {  	_ =	shalt  }
0x76: {  	_ =	shalt  }
0x77: {  	_ =	shalt  }
0x78: {  	_ =	shalt  }
0x79: {  	_ =	shalt  }
0x7a: {  	_ =	shalt  }
0x7b: {  	_ =	shalt  }
0x7c: {  	_ =	shalt  }
0x7d: {  	_ =	shalt  }
0x7e: {  	_ =	shalt  }
0x7f: {  	_ =	shalt  }
0x80: {  	_ =	shalt  }
0x81: {  	_ =	shalt  }
0x82: {  	_ =	shalt  }
0x83: {  	_ =	shalt  }
0x84: {  	_ =	shalt  }
0x85: {  	_ =	shalt  }
0x86: {  	_ =	shalt  }
0x87: {  	_ =	shalt  }
.Lfunc_end0:
.L_simem_size_0:
called_computation.1_lowered:
.L_overlay_start_0:
0x88: {  	s2 =	sld [smem:$0x3FD9]  }
0x89: {  	s3 =	sld [smem:$0x3FFE];
	_ =	sdelay $0x1  }
0x8a: {  	s1 =	srdreg.scid  }
0x8b: {  	s0 =	sand.u32 $0x1, s1  }
0x8c: {  	s16 =	sshll.u32 s0, $0xA;
	s2 =	sadd.s32 s3, s2  }
0x8d: {  	s2 =	sadd.s32 s2, s16  }
0x8e: {  	[smem:$0x3FB5] =	sst s2  }
0x8f: {  	_ = 	snop  }
0x90: {  	(tm) =	ssettm $0x1  }
0x91: {  	s17 =	sld [smem:$0x3FFB];
	_ =	sdelay $0x3  }
0x92: {  	_ =	strace s17  }
0x93: {  	s2 =	sld [smem:$0x3FFC];
	_ =	sdelay $0x3  }
0x94: {  	_ =	strace s2  }
0x95: {  	s2 =	sld [smem:$0x3FFD];
	_ =	sdelay $0x3  }
0x96: {  	_ =	strace s2  }
0x97: {  	_ =	strace $0x8FFFFFFF  }
0x98: {  	s18 =	sld [smem:$0x3FDB];
	_ =	sdelay $0x1  }
0x99: {  	s19 =	simm.s32 $_scs_section_size  }
0x9a: {  	s4 =	simm.s32 $_size__tile_overlayer_lowered;
	s5 =	simm.s32 $_tile_overlayer_lowered  }
0x9b: {  	s22 =	simm.s32 $0x1BFF;
	s21 =	sshll.u32 s5, $0x1;
	s2 =	sadd.s32 s19, s18  }
0x9c: {  	s6 =	simm.s32 $0x0;
	s20 =	sshll.u32 s4, $0x1;
	s4 =	sadd.s32 s21, s2  }
0x9d: {  	[timem:s6], [sflag:s22] =	dma.local [hbm:s4], s20  }
0x9e: {  	_ =	swait.ge [sflag:s22], s20  }
0x9f: {  	s3 =	ssub.s32 $0x0, s20;
	[sflag:s22] =	ssyncset.done $0x0  }
0xa0: {  	[sflag:s22] =	ssyncadd.s32 s3;
	_ =	sdelay $0x1  }
0xa1: {  	s23 =	simm.s32 $0x1B8B  }
0xa2: {  	_ =	swait.ge [sflag:s23], $0x1  }
0xa3: {  	[sflag:s23] =	ssyncset.done $0x0  }
0xa4: {  	s25 =	simm.s32 $0x1B8E;
	s24 =	sld [smem:$0x3FFE];
	[sflag:s23] =	ssyncadd.s32 $0xFFFFFFFF  }
0xa5: {  	s26 =	simm.s32 $execute0_lowered;
	[smem:$0x3FD2] =	sst s25  }
0xa6: {  	s4 =	sshll.u32 s26, $0x1;
	_ =	strace $0x80000049;
	[dreg:$0x1] =	wrdreg $0xFFFFFFFF  }
0xa7: {  	s28 =	simm.s32 $_size_execute0_lowered;
	s2 =	sadd.s32 s2, s4;
	[dreg:$0x0] =	wrdreg $0x0  }
0xa8: {  	s4 =	sshll.u32 s28, $0x1;
	[dreg:$0x2] =	wrdreg s2  }
0xa9: {  	[dreg:$0x3] =	wrdreg s4  }
0xaa: {  	[dreg:$0x4] =	wrdreg $0xC0  }
0xab: {  	_ =	task [dreg:s6], $0x5FFFF  }
0xac: {  	[dreg:$0x1] =	wrdreg $0xFFFFFFFF  }
0xad: {  	[dreg:$0x0] =	wrdreg $0x60  }
0xae: {  	[dreg:$0x2] =	wrdreg s24  }
0xaf: {  	[dreg:$0x3] =	wrdreg $0x88000  }
0xb0: {  	[dreg:$0x4] =	wrdreg $0x9  }
0xb1: {  	_ =	task.clear_ibuf [dreg:s6], $0x5FFFF;
	_ =	strace $0x90000049  }
0xb2: {  	s29 =	simm.s32 $0x9;
	_ =	strace $0x8000004B  }
0xb3: {  	_ =	swait.ge [sflag:s29], $0x1  }
0xb4: {  	[sflag:s29] =	ssyncadd.s32 $0xFFFFFFFF  }
0xb5: {  	_ =	strace $0x9000004B  }
0xb6: {  	_ =	sfence  }
0xb7: {  	s30 =	sld [smem:$0x0];
	_ =	sdelay $0x2  }
0xb8: {  	s31 =	sshll.u32 s1, $0xD;
	s1 =	sshrl.u32 s1, $0x2  }
0xb9: {  	s3 =	sand.u32 $0x4000, s31;
	s1 =	sadd.s32 s1, s30  }
0xba: {  	s0 =	sor.u32 s3, s0;
	s1 =	sshll.u32 s1, $0x11  }
0xbb: {  	s0 =	sor.u32 s1, s0  }
0xbc: {  	s0 =	sadd.s32 $0x8F2B, s0  }
0xbd: {  	[sflag:s0] =	ssyncadd.remote.s32 $0x1  }
0xbe: {  	_ =	sfence.sel $0xFFFF  }
0xbf: {  	[dreg:$0x0] =	wrdreg $0xFFFFFFFF;
	(pc) =	sbr.abs _section_cstart, $3  }
0xc0: {  	[dreg:$0x1] =	wrdreg $0xFFFFFFFF  }
0xc1: {  	_ =	task.clear_ibuf [dreg:s6], $0x2FFFF;
	_ =	strace $0x9FFFFFFF  }
0xc2: {  	(tm) =	ssettm $0x7FFFFFFF  }
0xc3: {  	_ =	shalt  }
tec
execute0_lowered:
.L_overlay_start_1:
0x0: {  	(tag) =	ssettag $0x1  }
0x1: {  	s5 =	rddreg [dreg:$0x0]  }
0x2: {  	s2 =	rddreg [dreg:$0x1]  }
0x3: {  	s1 =	stileid.u32;
	s4 =	srdreg.scid;
	s3 =	simm.s32 $0x0  }
0x4: {  	s16 =	simm.s32 $0x80;
	s17 =	simm.s32 $0x800;
	s18 =	simm.s32 $0x4800  }
0x5: {  	s19 =	simm.s32 $0x1;
	s20 =	simm.s32 $0x2;
	s21 =	simm.s32 $0x700  }
0x6: {  	s22 =	simm.s32 $0x780;
	s23 =	simm.s32 $0x0;
	s6 =	smul.u32 $0x14000, s1  }
0x7: {  	s7 =	sand.u32 $0x1, s4;
	[smem:$0x7FF] =	sst s3;
	s28 =	smul.u32 $0x50000, s1  }
0x8: {  	s4 =	sadd.s32 $0x37600, s5;
	s12 =	sadd.s32 $0x87600, s5;
	s14 =	smul.u32 $0x2800, s1  }
0x9: {  	s11 =	sadd.s32 $0x5600, s5;
	s29 =	sshll.u32 s1, $0x6;
	s8 =	smul.u32 $0x140000, s7  }
0xa: {  	_ =	strace $0x8000004A;
	s26 =	ssub.s32 $0x2, s7;
	s13 =	sshll.u32 s7, $0x4  }
0xb: {  	s7 =	smul.u32 $0x28000, s7;
	s9 =	sshrl.u32 s6, $0x3;
	s10 =	sshrl.u32 s26, $0x1  }
0xc: {  	s13 =	sor.u32 s1, s13;
	s6 =	sadd.s32 s6, s8;
	s24 =	sadd.s32 s9, s5  }
0xd: {  	s10 =	ssub.s32 s26, s10;
	s13 =	smul.u32 $0x2800, s13;
	s7 =	sadd.s32 s14, s7  }
0xe: {  	s14 =	simm.s32 $0x3;
	s6 =	sshrl.u32 s6, $0x3;
	s31 =	sor.u32 $0x100, s7  }
0xf: {  	s10 =	smax.u32 s10, $0x1;
	s25 =	sadd.s32 s6, s5;
	s6 =	sshrl.u32 s28, $0x2  }
0x10: {  	s5 =	sadd.s32 $0xF600, s24;
	s30 =	sshrl.u32 s13, $0x3;
	s13 =	sshrl.u32 s31, $0x3  }
0x11: {  	s15 =	sadd.s32 s6, s2;
	s6 =	sor.u32 $0x1C03, s29;
	s7 =	sadd.s32 s12, s30  }
0x12: {  	s8 =	sadd.s32 s11, s30;
	s9 =	sadd.s32 $0x91600, s25;
	s11 =	sadd.s32 s13, s11  }
0x13: {  	s12 =	sadd.s32 s13, s12;
	s13 =	sshrl.u32 s15, $0x3;
	s15 =	simm.s32 $0x400  }
.LBB2_1:
0x14: {  	[spmem:s13], [sflag:s6] =	dma.local [hbm:s5], $0x2800  }
0x15: {  	_ =	swait.ge [sflag:s14], $0x2800  }
0x16: {  	[sflag:s14] =	ssyncset.done $0x0  }
0x17: {  	[sflag:s14] =	ssyncadd.s32 $0xFFFFD800  }
0x18: {  	[bflag:$0x0] =	sbarrier.arrive $0xFFFF  }
0x19: {  	[tilespmem:s3], [sflag:$0x3] =	stream.linear.gather [hbm4b:s7+s3], $0x400, $0x38;
	[tilespmem:$0x1C800] =	vst v63  }
0x1a: {  	_ =	swait.ge [sflag:s14], $0x400  }
0x1b: {  	[sflag:s14] =	ssyncset.done $0x0  }
0x1c: {  	[sflag:s14] =	ssyncadd.s32 $0xFFFFFC00  }
0x1d: {  	[tilespmem:s15], [sflag:$0x3] =	stream.linear.gather [hbm4b:s8+s3], $0x400, $0x38;
	[tilespmem:$0x1C800] =	vst v63  }
0x1e: {  	_ =	swait.ge [sflag:s14], $0x400  }
0x1f: {  	[sflag:s14] =	ssyncset.done $0x0  }
0x20: {  	[sflag:s14] =	ssyncadd.s32 $0xFFFFFC00  }
0x21: {  	[tilespmem:s17], [sflag:$0x1] =	stream.indirect.gather [hbm4b:s4+s16], $0x80, s3, s16, $0xb8;
	[tilespmem:$0x1C800] =	vst v63  }
0x22: {  	_ = 	snop  }
0x23: {  	[tilespmem:s18], [sflag:$0x2] =	stream.indirect.gather [hbm4b:s4+s16], $0x80, s16, s16, $0xb8;
	[tilespmem:$0x1C800] =	vst v63  }
0x24: {  	s24 =	simm.s32 $0x0;
	_ =	swait.ge [sflag:s19], $0x4000  }
0x25: {  	s24 =	sand.u32 $0x300, s24;
	[sflag:s19] =	ssyncset.done $0x0  }
0x26: {  	s25 =	sor.u32 $0x400, s24;
	[sflag:s19] =	ssyncadd.s32 $0xFFFFC000  }
0x27: {  	[spmem:s2] =	stream.indirect.scatter.add.f32 [tilespmem:s17], [sflag:$0x3], $0x80, s25, s16, $0xb8;
	[tilespmem:$0x1C800] =	vst v63  }
0x28: {  	_ =	swait.ge [sflag:s14], $0x4000  }
0x29: {  	[sflag:s14] =	ssyncset.done $0x0  }
0x2a: {  	[sflag:s14] =	ssyncadd.s32 $0xFFFFC000  }
0x2b: {  	_ =	swait.ge [sflag:s20], $0x4000  }
0x2c: {  	[sflag:s20] =	ssyncset.done $0x0  }
0x2d: {  	s24 =	sor.u32 $0x480, s24;
	[sflag:s20] =	ssyncadd.s32 $0xFFFFC000  }
0x2e: {  	[spmem:s2] =	stream.indirect.scatter.add.f32 [tilespmem:s18], [sflag:$0x3], $0x80, s24, s16, $0xb8;
	[tilespmem:$0x1C800] =	vst v63  }
0x2f: {  	s30 =	sand.u32 $0x6, s20;
	_ =	swait.ge [sflag:s14], $0x4000  }
0x30: {  	p0 =	sne.s32 s30, $0x0;
	[sflag:s14] =	ssyncset.done $0x0  }
0x31: {  	s26 =	simm.s32 @!p0 $0x3;
	s25 =	simm.s32 @!p0 $0x0;
	[sflag:s14] =	ssyncadd.s32 $0xFFFFC000  }
0x32: {  	[tilespmem:s25], [sflag:$0x3] =	stream.linear.gather @!p0 [hbm4b:s12+s25], $0x400, $0x38;
	[tilespmem:$0x1C800] =	vst v63  }
0x33: {  	_ =	swait.ge @!p0 [sflag:s26], $0x400  }
0x34: {  	[sflag:s26] =	ssyncset.done @!p0 $0x0  }
0x35: {  	s28 =	simm.s32 @!p0 $0x400;
	[sflag:s26] =	ssyncadd.s32 @!p0 $0xFFFFFC00  }
0x36: {  	[tilespmem:s28], [sflag:$0x3] =	stream.linear.gather @!p0 [hbm4b:s11+s25], $0x400, $0x38;
	[tilespmem:$0x1C800] =	vst v63  }
0x37: {  	s31 =	simm.s32 $0x600;
	_ =	swait.ge @!p0 [sflag:s26], $0x400  }
0x38: {  	s29 =	sand.u32 $0xE00, s31;
	[sflag:s26] =	ssyncset.done @!p0 $0x0  }
0x39: {  	s24 =	sshll.u32 s30, $0x7;
	s25 =	sadd.s32 $0x20, s12;
	[sflag:s26] =	ssyncadd.s32 @!p0 $0xFFFFFC00  }
0x3a: {  	[tilespmem:s17], [sflag:$0x1] =	stream.indirect.gather [hbm4b:s4+s16], $0x80, s24, s16, $0xb8;
	[tilespmem:$0x1C800] =	vst v63  }
0x3b: {  	s28 =	smov.u32 s11;
	s26 =	simm.s32 $0x400;
	s24 =	simm.s32 $0x4  }
.LBB2_2:
0x3c: {  	s29 =	sshrl.u32 s29, $0x2  }
0x3d: {  	s28 =	sadd.s32 $0x20, s28;
	s30 =	smov.u32 s24;
	s24 =	sadd.s32 $0x2, s24  }
0x3e: {  	[tilespmem:s18], [sflag:$0x2] =	stream.indirect.gather [hbm4b:s4+s16], $0x80, s29, s16, $0xb8;
	[tilespmem:$0x1C800] =	vst v63  }
0x3f: {  	s29 =	sshrl.u32 s26, $0x2;
	p0 =	sne.s32 s24, $0x50;
	_ =	swait.ge [sflag:s19], $0x4000  }
0x40: {  	s29 =	sand.u32 $0x300, s29;
	[sflag:s19] =	ssyncset.done $0x0  }
0x41: {  	s31 =	sor.u32 $0x400, s29;
	[sflag:s19] =	ssyncadd.s32 $0xFFFFC000  }
0x42: {  	[spmem:s2] =	stream.indirect.scatter.add.f32 [tilespmem:s17], [sflag:$0x3], $0x80, s31, s16, $0xb8;
	[tilespmem:$0x1C800] =	vst v63  }
0x43: {  	_ =	swait.ge [sflag:s14], $0x4000  }
0x44: {  	[sflag:s14] =	ssyncset.done $0x0  }
0x45: {  	[sflag:s14] =	ssyncadd.s32 $0xFFFFC000  }
0x46: {  	_ =	swait.ge [sflag:s20], $0x4000  }
0x47: {  	[sflag:s20] =	ssyncset.done $0x0  }
0x48: {  	s29 =	sor.u32 $0x480, s29;
	[sflag:s20] =	ssyncadd.s32 $0xFFFFC000  }
0x49: {  	[spmem:s2] =	stream.indirect.scatter.add.f32 [tilespmem:s18], [sflag:$0x3], $0x80, s29, s16, $0xb8;
	[tilespmem:$0x1C800] =	vst v63  }
0x4a: {  	s29 =	sand.u32 $0x6, s30;
	_ =	swait.ge [sflag:s14], $0x4000  }
0x4b: {  	p1 =	sne.s32 s29, $0x0;
	[sflag:s14] =	ssyncset.done $0x0  }
0x4c: {  	s30 =	simm.s32 @!p1 $0x0;
	s31 =	simm.s32 @!p1 $0x3;
	[sflag:s14] =	ssyncadd.s32 $0xFFFFC000  }
0x4d: {  	[tilespmem:s30], [sflag:$0x3] =	stream.linear.gather @!p1 [hbm4b:s25+s30], $0x400, $0x38;
	[tilespmem:$0x1C800] =	vst v63  }
0x4e: {  	_ =	swait.ge @!p1 [sflag:s31], $0x400  }
0x4f: {  	[sflag:s31] =	ssyncset.done @!p1 $0x0  }
0x50: {  	s0 =	simm.s32 @!p1 $0x400;
	[sflag:s31] =	ssyncadd.s32 @!p1 $0xFFFFFC00  }
0x51: {  	[tilespmem:s0], [sflag:$0x3] =	stream.linear.gather @!p1 [hbm4b:s28+s30], $0x400, $0x38;
	[tilespmem:$0x1C800] =	vst v63  }
.Ltmp0:
0x52: {  	_ =	swait.ge @!p1 [sflag:s31], $0x400;
	(pc) =	sbr.rel @p0 .LBB2_2-.Ltmp0, $4  }
0x53: {  	[sflag:s31] =	ssyncset.done @!p1 $0x0  }
0x54: {  	s0 =	sshll.u32 s29, $0x7;
	s29 =	sadd.s32 $0x600, s26;
	[sflag:s31] =	ssyncadd.s32 @!p1 $0xFFFFFC00  }
0x55: {  	[tilespmem:s17], [sflag:$0x1] =	stream.indirect.gather [hbm4b:s4+s16], $0x80, s0, s16, $0xb8;
	[tilespmem:$0x1C800] =	vst v63  }
0x56: {  	s25 =	sadd.s32 $0x20, s25;
	s26 =	sadd.s32 $0x400, s26;
	s29 =	sand.u32 $0xE00, s29  }
0x57: {  	s0 =	sshrl.u32 s29, $0x2  }
0x58: {  	[tilespmem:s18], [sflag:$0x2] =	stream.indirect.gather [hbm4b:s4+s16], $0x80, s0, s16, $0xb8;
	[tilespmem:$0x1C800] =	vst v63  }
0x59: {  	_ =	swait.ge [sflag:s19], $0x4000  }
0x5a: {  	[sflag:s19] =	ssyncset.done $0x0  }
0x5b: {  	[sflag:s19] =	ssyncadd.s32 $0xFFFFC000  }
0x5c: {  	[spmem:s2] =	stream.indirect.scatter.add.f32 [tilespmem:s17], [sflag:$0x3], $0x80, s21, s16, $0xb8;
	[tilespmem:$0x1C800] =	vst v63  }
0x5d: {  	_ =	swait.ge [sflag:s14], $0x4000  }
0x5e: {  	[sflag:s14] =	ssyncset.done $0x0  }
0x5f: {  	[sflag:s14] =	ssyncadd.s32 $0xFFFFC000  }
0x60: {  	_ =	swait.ge [sflag:s20], $0x4000  }
0x61: {  	[sflag:s20] =	ssyncset.done $0x0  }
0x62: {  	[sflag:s20] =	ssyncadd.s32 $0xFFFFC000  }
0x63: {  	[spmem:s2] =	stream.indirect.scatter.add.f32 [tilespmem:s18], [sflag:$0x3], $0x80, s22, s16, $0xb8;
	[tilespmem:$0x1C800] =	vst v63  }
0x64: {  	_ =	swait.ge [sflag:s14], $0x4000  }
0x65: {  	s23 =	sadd.s32 $0x1, s23;
	[sflag:s14] =	ssyncset.done $0x0  }
0x66: {  	p0 =	sne.s32 s23, s10;
	[sflag:s14] =	ssyncadd.s32 $0xFFFFC000  }
.Ltmp1:
0x67: {  	[bflag:$0x0] =	sbarrier.arrive $0xFFFF;
	(pc) =	sbr.rel @p0 .LBB2_1-.Ltmp1, $4  }
0x68: {  	[hbm:s9], [sflag:s6] =	dma.local [spmem:s13], $0x2800  }
0x69: {  	_ =	swait.ge [sflag:s14], $0x2800  }
0x6a: {  	[sflag:s14] =	ssyncset.done $0x0  }
0x6b: {  	[sflag:s14] =	ssyncadd.s32 $0xFFFFD800  }
0x6c: {  	_ =	sfence.sel $0x180000  }
0x6d: {  	[bflag:$0x0] =	sbarrier.arrive $0xFFFF  }
0x6e: {  	_ =	strace $0x9000004A  }
0x6f: {  	[bflag:$0x2] =	sbarrier.arrive $0xFFFF  }
0x70: {  	p0 =	sne.s32 s1, $0x0;
	s0 =	rddreg [dreg:$0x2]  }
0x71: {  	s0 =	sadd.s32 @!p0 $0x100000, s0  }
0x72: {  	[sflag:s0] =	ssyncadd.tile.s32 @!p0 $0x1;
	_ =	shalt  }
.Lfunc_end2:
_tile_overlayer_lowered:
.L_overlay_start_2:
0x73: {  	(tag) =	ssettag $0x2  }
0x74: {  	s0 =	rddreg [dreg:$0x0];
	s2 =	stileid.u32  }
0x75: {  	s1 =	rddreg [dreg:$0x1];
	p0 =	sne.s32 s2, $0x0  }
0x76: {  	s3 =	rddreg [dreg:$0x2];
	[bflag:$0x3] =	sbarrier.arrive $0xFFFF;
	s2 =	simm.s32 @!p0 $0x1C03  }
0x77: {  	[timem:s3], [sflag:s2] =	dma.local @!p0 [hbm:s0], s1  }
0x78: {  	s0 =	simm.s32 @!p0 $0x3  }
0x79: {  	_ =	swait.ge @!p0 [sflag:s0], s1  }
0x7a: {  	s1 =	ssub.s32 @!p0 $0x0, s1;
	[sflag:s0] =	ssyncset.done @!p0 $0x0  }
0x7b: {  	[sflag:s0] =	ssyncadd.s32 @!p0 s1  }
0x7c: {  	[bflag:$0x3] =	sbarrier.arrive $0xFFFF  }
0x7d: {  	_ =	shalt  }

// kernel: kernel.18.cloned.1.call-start
scs
__scs_entry_jumppad:
0x0: {  	(pc) =	sbr.rel $0x88, $3  }
0x1: {  	(tag) =	ssettag $0x0;
	lr =	simm.s32 $0x1  }
0x2: {  	[smem:$0x3F8E] =	sst lr;
	_ =	strace $0xD0000000  }
0x3: {  	_ = 	snop  }
0x4: {  	_ = 	snop  }
0x5: {  	_ = 	snop  }
0x6: {  	_ = 	snop  }
0x7: {  	_ = 	snop  }
__scs_overlays_trampoline_lowered:
0x8: {  	[smem:$0x3F9D] =	sst s0  }
0x9: {  	[smem:$0x3F9E] =	sst s1  }
0xa: {  	[smem:$0x3F9F] =	sst s2  }
0xb: {  	[smem:$0x3FA0] =	sst s3  }
0xc: {  	[smem:$0x3FA1] =	sst s4  }
0xd: {  	[smem:$0x3FA2] =	sst s5  }
0xe: {  	[smem:$0x3FA3] =	sst s6  }
0xf: {  	[smem:$0x3FA4] =	sst s7  }
0x10: {  	[smem:$0x3FA5] =	sst s8  }
0x11: {  	[smem:$0x3FA6] =	sst s9;
	s0 =	simm.s32 @!p0 $0x0  }
0x12: {  	s1 =	sld [smem:$0x3F8C];
	s0 =	simm.s32 @p0 $0x1  }
0x13: {  	[smem:$0x3FA7] =	sst s0;
	s0 =	simm.s32 @!p1 $0x0  }
0x14: {  	s2 =	sld [smem:$0x3F8B];
	s0 =	simm.s32 @p1 $0x1  }
0x15: {  	[smem:$0x3FA8] =	sst s0;
	s0 =	simm.s32 @!p2 $0x0  }
0x16: {  	s3 =	sld [smem:$0x3FDB];
	s0 =	simm.s32 @p2 $0x1  }
0x17: {  	s4 =	simm.s32 $0x1BF5;
	[smem:$0x3FAA] =	sst s0  }
0x18: {  	s0 =	sld [smem:$0x3F8D];
	_ =	swait.ge [sflag:s4], $0x0  }
0x19: {  	s7 =	sld [smem:$0x3F8E]  }
0x1a: {  	s8 =	sadd.s32 $0xFFFFE003, lr  }
0x1b: {  	s9 =	sadd.s32 $0xFFFFFEF7, lr;
	s5 =	simm.s32 $0xFFFFFFFF;
	p2 =	slt.u32 s8, $0xFFFFF086  }
0x1c: {  	p1 =	slt.u32 s9, $0xF7A;
	s5 =	simm.s32 @!p2 $0x0  }
0x1d: {  	s5 =	simm.s32 @p1 $0x1;
	p0 =	seq.s32 s7, s2  }
0x1e: {  	s7 =	smul.u32 @!p0 $0xF7A, s2;
	p2 =	seq.s32 @!p0 s5, $0x0  }
0x1f: {  	s9 =	smul.u32 $0xF7A, s1;
	s8 =	simm.s32 @!p0 $0x1BF5;
	p2 =	por !p2, p0  }
0x20: {  	[sflag:s8] =	ssyncset.s32 @!p0 $0xFFFFF086;
	s6 =	sadd.s32 @!p0 s3, s7;
	s7 =	simm.s32 @!p0 $0x108  }
0x21: {  	s3 =	sadd.s32 s3, s9;
	s6 =	sadd.s32 @!p0 $0x88, s6;
	s7 =	simm.s32 @p2 $0x1082  }
0x22: {  	[simem:s7], [sflag:s8] =	dma.local @!p0 [hbm:s6], $0xF7A  }
0x23: {  	s9 =	sor.u32 $0xD0000000, s2;
	s6 =	simm.s32 $0x108;
	_ =	swait.ge @!p0 [sflag:s8], $0x0  }
0x24: {  	s3 =	sadd.s32 $0x88, s3;
	s6 =	simm.s32 @!p1 $0x1082;
	[sflag:s4] =	ssyncset.s32 $0xFFFFF086  }
0x25: {  	[simem:s6], [sflag:s4] =	dma.local [hbm:s3], $0xF7A  }
0x26: {  	[smem:$0x3F8E] =	sst s1;
	(tag) =	ssettag s2;
	_ =	strace s9  }
0x27: {  	s1 =	sld [smem:$0x3F9E]  }
0x28: {  	s2 =	sld [smem:$0x3F9F]  }
0x29: {  	s4 =	sld [smem:$0x3FA1]  }
0x2a: {  	p0 =	seq.s32 s5, $0x0;
	s5 =	sld [smem:$0x3FA2]  }
0x2b: {  	s6 =	sld [smem:$0x3FA3]  }
0x2c: {  	s7 =	sld [smem:$0x3FA4]  }
0x2d: {  	s3 =	simm.s32 $0x108;
	s8 =	sld [smem:$0x3FA5]  }
0x2e: {  	s3 =	simm.s32 @!p0 $0x1082;
	s9 =	sld [smem:$0x3FA6]  }
0x2f: {  	lr =	sadd.s32 s0, s3;
	s0 =	sld [smem:$0x3F9D]  }
0x30: {  	s3 =	sld [smem:$0x3FA0]  }
0x31: {  	[smem:$0x3FA9] =	sst s10  }
0x32: {  	s10 =	sld [smem:$0x3FA7];
	_ =	sdelay $0x3  }
0x33: {  	p0 =	seq.s32 s10, $0x1;
	s10 =	sld [smem:$0x3FA9];
	_ =	sdelay $0x3  }
0x34: {  	[smem:$0x3FA9] =	sst s10  }
0x35: {  	s10 =	sld [smem:$0x3FA8];
	_ =	sdelay $0x3  }
0x36: {  	p1 =	seq.s32 s10, $0x1;
	s10 =	sld [smem:$0x3FA9];
	_ =	sdelay $0x3  }
0x37: {  	[smem:$0x3FA9] =	sst s10  }
0x38: {  	s10 =	sld [smem:$0x3FAA]  }
0x39: {  	_ = 	snop;
	(pc) =	sbr.ind lr, $3  }
0x3a: {  	_ = 	snop  }
0x3b: {  	_ = 	snop  }
0x3c: {  	p2 =	seq.s32 s10, $0x1;
	s10 =	sld [smem:$0x3FA9]  }
0x3d: {  	_ =	shalt  }
0x3e: {  	_ =	shalt  }
0x3f: {  	_ =	shalt  }
0x40: {  	_ =	shalt  }
0x41: {  	_ =	shalt  }
0x42: {  	_ =	shalt  }
0x43: {  	_ =	shalt  }
0x44: {  	_ =	shalt  }
0x45: {  	_ =	shalt  }
0x46: {  	_ =	shalt  }
0x47: {  	_ =	shalt  }
0x48: {  	_ =	shalt  }
0x49: {  	_ =	shalt  }
0x4a: {  	_ =	shalt  }
0x4b: {  	_ =	shalt  }
0x4c: {  	_ =	shalt  }
0x4d: {  	_ =	shalt  }
0x4e: {  	_ =	shalt  }
0x4f: {  	_ =	shalt  }
0x50: {  	_ =	shalt  }
0x51: {  	_ =	shalt  }
0x52: {  	_ =	shalt  }
0x53: {  	_ =	shalt  }
0x54: {  	_ =	shalt  }
0x55: {  	_ =	shalt  }
0x56: {  	_ =	shalt  }
0x57: {  	_ =	shalt  }
0x58: {  	_ =	shalt  }
0x59: {  	_ =	shalt  }
0x5a: {  	_ =	shalt  }
0x5b: {  	_ =	shalt  }
0x5c: {  	_ =	shalt  }
0x5d: {  	_ =	shalt  }
0x5e: {  	_ =	shalt  }
0x5f: {  	_ =	shalt  }
0x60: {  	_ =	shalt  }
0x61: {  	_ =	shalt  }
0x62: {  	_ =	shalt  }
0x63: {  	_ =	shalt  }
0x64: {  	_ =	shalt  }
0x65: {  	_ =	shalt  }
0x66: {  	_ =	shalt  }
0x67: {  	_ =	shalt  }
0x68: {  	_ =	shalt  }
0x69: {  	_ =	shalt  }
0x6a: {  	_ =	shalt  }
0x6b: {  	_ =	shalt  }
0x6c: {  	_ =	shalt  }
0x6d: {  	_ =	shalt  }
0x6e: {  	_ =	shalt  }
0x6f: {  	_ =	shalt  }
0x70: {  	_ =	shalt  }
0x71: {  	_ =	shalt  }
0x72: {  	_ =	shalt  }
0x73: {  	_ =	shalt  }
0x74: {  	_ =	shalt  }
0x75: {  	_ =	shalt  }
0x76: {  	_ =	shalt  }
0x77: {  	_ =	shalt  }
0x78: {  	_ =	shalt  }
0x79: {  	_ =	shalt  }
0x7a: {  	_ =	shalt  }
0x7b: {  	_ =	shalt  }
0x7c: {  	_ =	shalt  }
0x7d: {  	_ =	shalt  }
0x7e: {  	_ =	shalt  }
0x7f: {  	_ =	shalt  }
0x80: {  	_ =	shalt  }
0x81: {  	_ =	shalt  }
0x82: {  	_ =	shalt  }
0x83: {  	_ =	shalt  }
0x84: {  	_ =	shalt  }
0x85: {  	_ =	shalt  }
0x86: {  	_ =	shalt  }
0x87: {  	_ =	shalt  }
.Lfunc_end0:
.L_simem_size_0:
called_computation.2_lowered:
.L_overlay_start_0:
0x88: {  	s2 =	sld [smem:$0x3FD9]  }
0x89: {  	s3 =	sld [smem:$0x3FFE];
	_ =	sdelay $0x1  }
0x8a: {  	s1 =	srdreg.scid  }
0x8b: {  	s0 =	sand.u32 $0x1, s1  }
0x8c: {  	s14 =	sshll.u32 s0, $0xA;
	s2 =	sadd.s32 s3, s2  }
0x8d: {  	s2 =	sadd.s32 s2, s14  }
0x8e: {  	[smem:$0x3FB5] =	sst s2  }
0x8f: {  	_ = 	snop  }
0x90: {  	s2 =	sld [smem:$0x3FD0];
	_ =	sdelay $0x2  }
0x91: {  	s15 =	simm.s32 $0xB;
	s4 =	simm.s32 $0x10  }
0x92: {  	[smem:s4], [sflag:s15] =	dma.local [hbm:s2], $0x1  }
0x93: {  	_ =	swait.eq [sflag:s15], $0x1  }
0x94: {  	[sflag:s15] =	ssyncset.done $0x0  }
0x95: {  	s16 =	sld [smem:$0x10];
	[sflag:s15] =	ssyncadd.s32 $0xFFFFFFFF  }
0x96: {  	s17 =	sld [smem:$0x11];
	(tm) =	ssettm $0x1  }
0x97: {  	s18 =	sld [smem:$0x3FFB];
	_ =	sdelay $0x3  }
0x98: {  	_ =	strace s18  }
0x99: {  	s4 =	sld [smem:$0x3FFC];
	_ =	sdelay $0x3  }
0x9a: {  	_ =	strace s4  }
0x9b: {  	s4 =	sld [smem:$0x3FFD];
	_ =	sdelay $0x3  }
0x9c: {  	_ =	strace s4  }
0x9d: {  	_ =	strace $0x8FFFFFFF  }
0x9e: {  	s19 =	sld [smem:$0x3FDB];
	_ =	sdelay $0x1  }
0x9f: {  	s5 =	simm.s32 $_scs_section_size  }
0xa0: {  	s6 =	simm.s32 $_size__tile_overlayer_lowered;
	s7 =	simm.s32 $_tile_overlayer_lowered  }
0xa1: {  	s22 =	simm.s32 $0x1BFF;
	s21 =	sshll.u32 s7, $0x1;
	s4 =	sadd.s32 s5, s19  }
0xa2: {  	s8 =	simm.s32 $0x0;
	s20 =	sshll.u32 s6, $0x1;
	s6 =	sadd.s32 s21, s4  }
0xa3: {  	[timem:s8], [sflag:s22] =	dma.local [hbm:s6], s20  }
0xa4: {  	_ =	swait.ge [sflag:s22], s20  }
0xa5: {  	s5 =	ssub.s32 $0x0, s20;
	[sflag:s22] =	ssyncset.done $0x0  }
0xa6: {  	[sflag:s22] =	ssyncadd.s32 s5;
	_ =	sdelay $0x1  }
0xa7: {  	s23 =	simm.s32 $0x1B8B  }
0xa8: {  	_ =	swait.ge [sflag:s23], $0x1  }
0xa9: {  	[sflag:s23] =	ssyncset.done $0x0  }
0xaa: {  	s25 =	simm.s32 $0x1B8E;
	s24 =	sld [smem:$0x3FFE];
	[sflag:s23] =	ssyncadd.s32 $0xFFFFFFFF  }
0xab: {  	s26 =	simm.s32 $execute0_lowered;
	[smem:$0x3FD2] =	sst s25  }
0xac: {  	s6 =	sshll.u32 s26, $0x1;
	_ =	strace $0x8000004C;
	[dreg:$0x1] =	wrdreg $0xFFFFFFFF  }
0xad: {  	s28 =	simm.s32 $_size_execute0_lowered;
	s4 =	sadd.s32 s4, s6;
	[dreg:$0x0] =	wrdreg $0x0  }
0xae: {  	s6 =	sshll.u32 s28, $0x1;
	[dreg:$0x2] =	wrdreg s4  }
0xaf: {  	[dreg:$0x3] =	wrdreg s6  }
0xb0: {  	[dreg:$0x4] =	wrdreg $0xC0  }
0xb1: {  	_ =	task [dreg:s8], $0x5FFFF  }
0xb2: {  	[dreg:$0x1] =	wrdreg $0xFFFFFFFF  }
0xb3: {  	[dreg:$0x0] =	wrdreg $0x60  }
0xb4: {  	[dreg:$0x2] =	wrdreg s16  }
0xb5: {  	[dreg:$0x3] =	wrdreg s24  }
0xb6: {  	[dreg:$0x4] =	wrdreg s17  }
0xb7: {  	[dreg:$0x5] =	wrdreg $0x9  }
0xb8: {  	_ =	task.clear_ibuf [dreg:s8], $0x6FFFF;
	_ =	strace $0x9000004C  }
0xb9: {  	s29 =	simm.s32 $0x9;
	_ =	strace $0x8000004E  }
0xba: {  	_ =	swait.ge [sflag:s29], $0x1  }
0xbb: {  	[sflag:s29] =	ssyncadd.s32 $0xFFFFFFFF  }
0xbc: {  	_ =	strace $0x9000004E  }
0xbd: {  	_ =	sfence  }
0xbe: {  	s30 =	sld [smem:$0x0];
	_ =	sdelay $0x2  }
0xbf: {  	s31 =	sshll.u32 s1, $0xD;
	s1 =	sshrl.u32 s1, $0x2  }
0xc0: {  	s3 =	sand.u32 $0x4000, s31;
	s1 =	sadd.s32 s1, s30  }
0xc1: {  	s0 =	sor.u32 s3, s0;
	s1 =	sshll.u32 s1, $0x11  }
0xc2: {  	s0 =	sor.u32 s1, s0  }
0xc3: {  	s0 =	sadd.s32 $0x8F2B, s0  }
0xc4: {  	[sflag:s0] =	ssyncadd.remote.s32 $0x1  }
0xc5: {  	_ =	sfence.sel $0xFFFF  }
0xc6: {  	[dreg:$0x0] =	wrdreg $0xFFFFFFFF;
	(pc) =	sbr.abs _section_cstart, $3  }
0xc7: {  	[dreg:$0x1] =	wrdreg $0xFFFFFFFF  }
0xc8: {  	_ =	task.clear_ibuf [dreg:s8], $0x2FFFF;
	_ =	strace $0x9FFFFFFF  }
0xc9: {  	(tm) =	ssettm $0x7FFFFFFF  }
tec
execute0_lowered:
.L_overlay_start_1:
0x0: {  	(tag) =	ssettag $0x1  }
0x1: {  	s1 =	rddreg [dreg:$0x0]  }
0x2: {  	s6 =	rddreg [dreg:$0x1]  }
0x3: {  	s0 =	srdreg.scid;
	s3 =	rddreg [dreg:$0x2]  }
0x4: {  	s4 =	simm.s32 $0x0;
	s16 =	simm.s32 $0x400;
	s17 =	simm.s32 $0x1  }
0x5: {  	s18 =	simm.s32 $0x2;
	s5 =	sand.u32 $0x1, s0;
	s0 =	stileid.u32  }
0x6: {  	s19 =	simm.s32 $0x0;
	[smem:$0x7FF] =	sst s4;
	s8 =	smul.u32 $0x1400000, s5  }
0x7: {  	s11 =	sadd.s32 $0xF5600, s6;
	s10 =	sadd.s32 $0xE1600, s6;
	s9 =	smul.u32 $0x140000, s0  }
0x8: {  	s15 =	sadd.s32 $0x109600, s6;
	s2 =	sshll.u32 s5, $0x4;
	s13 =	smul.u32 $0x50000, s5  }
0x9: {  	s12 =	ssub.s32 $0x2, s5;
	s14 =	smul.u32 $0x5000, s0;
	s7 =	sor.u32 s0, s2  }
0xa: {  	v0 =	vlaneseq.u32;
	s2 =	rddreg [dreg:$0x3];
	_ =	strace $0x8000004D;
	s26 =	sshrl.u32 s12, $0x1  }
0xb: {  	v0 =	vmul.u32 $0x80, v0;
	s7 =	smul.u32 $0x5000, s7;
	s12 =	ssub.s32 s12, s26;
	s8 =	sadd.s32 s9, s8  }
0xc: {  	s28 =	sadd.s32 s14, s13;
	s13 =	simm.s32 $0x3;
	s14 =	simm.s32 $0x14800  }
0xd: {  	v1 =	vor.u32 $0x1, v0;
	v2 =	vor.u32 $0x2, v0;
	v3 =	vor.u32 $0x3, v0;
	s29 =	sor.u32 $0x2000, s8;
	s9 =	sor.u32 $0x100, s28;
	s30 =	sshrl.u32 s8, $0x3  }
0xe: {  	v4 =	vor.u32 $0x800, v0;
	v5 =	vor.u32 $0x801, v0;
	v6 =	vor.u32 $0x802, v0;
	s7 =	sshrl.u32 s7, $0x3;
	s31 =	sshrl.u32 s9, $0x3;
	s9 =	sadd.s32 s30, s15  }
0xf: {  	v7 =	vor.u32 $0x803, v0;
	v8 =	vor.u32 $0x1000, v0;
	v9 =	vor.u32 $0x1001, v0;
	s5 =	sadd.s32 s11, s7;
	s6 =	sadd.s32 s10, s7;
	s7 =	smax.u32 s12, $0x1  }
0x10: {  	v10 =	vor.u32 $0x1002, v0;
	v11 =	vor.u32 $0x1003, v0;
	v12 =	vor.u32 $0x1800, v0;
	s12 =	sshrl.u32 s29, $0x3;
	s10 =	sadd.s32 s31, s10;
	s11 =	sadd.s32 s31, s11  }
0x11: {  	v13 =	vor.u32 $0x1801, v0;
	v14 =	vor.u32 $0x1802, v0;
	v15 =	vor.u32 $0x1803, v0;
	s8 =	sadd.s32 s12, s15;
	s12 =	simm.s32 $0x800;
	s15 =	simm.s32 $0x16800  }
.LBB2_1:
0x12: {  	[tilespmem:s12], [sflag:$0x3] =	stream.linear.gather [hbm4b:s1+s4], $0x14000, $0x38;
	[tilespmem:$0x18800] =	vst v63  }
0x13: {  	_ =	swait.ge [sflag:s13], $0x14000  }
0x14: {  	[sflag:s13] =	ssyncset.done $0x0  }
0x15: {  	[sflag:s13] =	ssyncadd.s32 $0xFFFEC000  }
0x16: {  	[tilespmem:s14], [sflag:$0x3] =	stream.linear.gather [hbm4b:s3+s4], $0x2000, $0x38;
	[tilespmem:$0x18800] =	vst v63  }
0x17: {  	_ =	swait.ge [sflag:s13], $0x2000  }
0x18: {  	[sflag:s13] =	ssyncset.done $0x0  }
0x19: {  	[sflag:s13] =	ssyncadd.s32 $0xFFFFE000  }
0x1a: {  	[tilespmem:s15], [sflag:$0x3] =	stream.linear.gather [hbm4b:s3+s4], $0x2000, $0x38;
	[tilespmem:$0x18800] =	vst v63  }
0x1b: {  	_ =	swait.ge [sflag:s13], $0x2000  }
0x1c: {  	[sflag:s13] =	ssyncset.done $0x0  }
0x1d: {  	[sflag:s13] =	ssyncadd.s32 $0xFFFFE000  }
0x1e: {  	[tilespmem:s4], [sflag:$0x3] =	stream.linear.gather [hbm4b:s5+s4], $0x400, $0x38;
	[tilespmem:$0x18800] =	vst v63  }
0x1f: {  	_ =	swait.ge [sflag:s13], $0x400  }
0x20: {  	[sflag:s13] =	ssyncset.done $0x0  }
0x21: {  	[sflag:s13] =	ssyncadd.s32 $0xFFFFFC00  }
0x22: {  	[tilespmem:s16], [sflag:$0x3] =	stream.linear.gather [hbm4b:s6+s4], $0x400, $0x38;
	[tilespmem:$0x18800] =	vst v63  }
0x23: {  	s20 =	simm.s32 $0x0;
	_ =	swait.ge [sflag:s13], $0x400  }
0x24: {  	s21 =	simm.s32 $0x2;
	s22 =	smov.u32 s11;
	[sflag:s13] =	ssyncset.done $0x0  }
0x25: {  	s23 =	smov.u32 s10;
	s24 =	simm.s32 $0x0;
	[sflag:s13] =	ssyncadd.s32 $0xFFFFFC00  }
.LBB2_2:
0x26: {  	p0 =	seq.s32 s24, $0x0  }
0x27: {  	s25 =	simm.s32 @!p0 $0x1  }
0x28: {  	_ =	swait.ge @!p0 [sflag:s25], $0x2000  }
0x29: {  	[sflag:s25] =	ssyncset.done @!p0 $0x0  }
0x2a: {  	[sflag:s25] =	ssyncadd.s32 @!p0 $0xFFFFE000;
	s25 =	sand.u32 $0x300, s20  }
0x2b: {  	v16 =	vld [tilespmem:s25+$0x0]  }
0x2c: {  	v17 =	vld [tilespmem:s25+$0x400];
	_ =	sdelay $0x4  }
0x2d: {  	v16 =	vshll.u32 v16, $0x3;
	v17 =	vshll.u32 v17, $0x3  }
0x2e: {  	v18 =	vor.u32 $0x4, v17;
	_ =	sdelay $0x3  }
0x2f: {  	v19 =	vld.idx.msk [tilespmem:v16+s12+$0x0], $0xffff  }
0x30: {  	v18 =	vld.idx.msk [tilespmem:v18+s12+$0x0], $0xffff;
	_ =	sdelay $0x4  }
0x31: {  	v18 =	vadd.f32 v18, v19;
	_ =	sdelay $0x1  }
0x32: {  	v19 =	vmul.f32 $2.000000030e-01, v18  }
0x33: {  	vm0 =	vge.f32 v18, $0.0e+00  }
0x34: {  	v18 =	vsel vm0, v18, v19  }
0x35: {  	v18 =	vmul.f32 $1.442695020e+00, v18;
	_ =	sdelay $0x1  }
0x36: {  	(erf) = vpow2.f32 v18;
	_ =	sdelay $0x5  }
0x37: {  	v43 =	vor.u32 $0x1, v16  }
0x38: {  	v44 =	vor.u32 $0x5, v17;
	_ =	sdelay $0x1  }
0x39: {  	v20 =	vpop (erf)  }
0x3a: {  	[tilespmem:v0+s14+$0x0] =	vst.idx.msk $0xffff, v20  }
0x3b: {  	v18 =	vld.idx.msk [tilespmem:v43+s12+$0x0], $0xffff  }
0x3c: {  	v19 =	vld.idx.msk [tilespmem:v44+s12+$0x0], $0xffff;
	_ =	sdelay $0x4  }
0x3d: {  	v18 =	vadd.f32 v19, v18;
	_ =	sdelay $0x1  }
0x3e: {  	v19 =	vmul.f32 $2.000000030e-01, v18  }
0x3f: {  	vm9 =	vge.f32 v18, $0.0e+00  }
0x40: {  	v18 =	vsel vm9, v18, v19  }
0x41: {  	v18 =	vmul.f32 $1.442695020e+00, v18;
	_ =	sdelay $0x1  }
0x42: {  	(erf) = vpow2.f32 v18;
	_ =	sdelay $0x5  }
0x43: {  	v45 =	vor.u32 $0x2, v16  }
0x44: {  	v46 =	vor.u32 $0x6, v17;
	_ =	sdelay $0x1  }
0x45: {  	v47 =	vpop (erf)  }
0x46: {  	[tilespmem:v1+s14+$0x0] =	vst.idx.msk $0xffff, v47  }
0x47: {  	v18 =	vld.idx.msk [tilespmem:v45+s12+$0x0], $0xffff  }
0x48: {  	v19 =	vld.idx.msk [tilespmem:v46+s12+$0x0], $0xffff;
	_ =	sdelay $0x4  }
0x49: {  	v18 =	vadd.f32 v19, v18;
	_ =	sdelay $0x1  }
0x4a: {  	v19 =	vmul.f32 $2.000000030e-01, v18  }
0x4b: {  	vm10 =	vge.f32 v18, $0.0e+00  }
0x4c: {  	v18 =	vsel vm10, v18, v19  }
0x4d: {  	v18 =	vmul.f32 $1.442695020e+00, v18;
	_ =	sdelay $0x1  }
0x4e: {  	(erf) = vpow2.f32 v18;
	_ =	sdelay $0x5  }
0x4f: {  	v16 =	vor.u32 $0x3, v16  }
0x50: {  	v17 =	vor.u32 $0x7, v17;
	_ =	sdelay $0x1  }
0x51: {  	v18 =	vpop (erf)  }
0x52: {  	[tilespmem:v2+s14+$0x0] =	vst.idx.msk $0xffff, v18  }
0x53: {  	v16 =	vld.idx.msk [tilespmem:v16+s12+$0x0], $0xffff  }
0x54: {  	v17 =	vld.idx.msk [tilespmem:v17+s12+$0x0], $0xffff;
	_ =	sdelay $0x4  }
0x55: {  	v16 =	vadd.f32 v17, v16;
	_ =	sdelay $0x1  }
0x56: {  	v17 =	vmul.f32 $2.000000030e-01, v16  }
0x57: {  	vm11 =	vge.f32 v16, $0.0e+00  }
0x58: {  	v16 =	vsel vm11, v16, v17  }
0x59: {  	v16 =	vmul.f32 $1.442695020e+00, v16;
	_ =	sdelay $0x1  }
0x5a: {  	(erf) = vpow2.f32 v16;
	_ =	sdelay $0x8  }
0x5b: {  	v16 =	vpop (erf)  }
0x5c: {  	[tilespmem:v3+s14+$0x0] =	vst.idx.msk $0xffff, v16  }
0x5d: {  	v16 =	vld [tilespmem:s25+$0x10]  }
0x5e: {  	v17 =	vld [tilespmem:s25+$0x410];
	_ =	sdelay $0x4  }
0x5f: {  	v16 =	vshll.u32 v16, $0x3;
	v17 =	vshll.u32 v17, $0x3  }
0x60: {  	v48 =	vor.u32 $0x4, v17;
	_ =	sdelay $0x3  }
0x61: {  	v49 =	vld.idx.msk [tilespmem:v16+s12+$0x0], $0xffff  }
0x62: {  	v18 =	vld.idx.msk [tilespmem:v48+s12+$0x0], $0xffff;
	_ =	sdelay $0x4  }
0x63: {  	v18 =	vadd.f32 v18, v49;
	_ =	sdelay $0x1  }
0x64: {  	v19 =	vmul.f32 $2.000000030e-01, v18  }
0x65: {  	vm12 =	vge.f32 v18, $0.0e+00  }
0x66: {  	v18 =	vsel vm12, v18, v19  }
0x67: {  	v18 =	vmul.f32 $1.442695020e+00, v18;
	_ =	sdelay $0x1  }
0x68: {  	(erf) = vpow2.f32 v18;
	_ =	sdelay $0x5  }
0x69: {  	v50 =	vor.u32 $0x1, v16  }
0x6a: {  	v51 =	vor.u32 $0x5, v17;
	_ =	sdelay $0x1  }
0x6b: {  	v52 =	vpop (erf)  }
0x6c: {  	[tilespmem:v4+s14+$0x0] =	vst.idx.msk $0xffff, v52  }
0x6d: {  	v18 =	vld.idx.msk [tilespmem:v50+s12+$0x0], $0xffff  }
0x6e: {  	v19 =	vld.idx.msk [tilespmem:v51+s12+$0x0], $0xffff;
	_ =	sdelay $0x4  }
0x6f: {  	v18 =	vadd.f32 v19, v18;
	_ =	sdelay $0x1  }
0x70: {  	v19 =	vmul.f32 $2.000000030e-01, v18  }
0x71: {  	vm13 =	vge.f32 v18, $0.0e+00  }
0x72: {  	v18 =	vsel vm13, v18, v19  }
0x73: {  	v18 =	vmul.f32 $1.442695020e+00, v18;
	_ =	sdelay $0x1  }
0x74: {  	(erf) = vpow2.f32 v18;
	_ =	sdelay $0x5  }
0x75: {  	v53 =	vor.u32 $0x2, v16  }
0x76: {  	v54 =	vor.u32 $0x6, v17;
	_ =	sdelay $0x1  }
0x77: {  	v55 =	vpop (erf)  }
0x78: {  	[tilespmem:v5+s14+$0x0] =	vst.idx.msk $0xffff, v55  }
0x79: {  	v18 =	vld.idx.msk [tilespmem:v53+s12+$0x0], $0xffff  }
0x7a: {  	v19 =	vld.idx.msk [tilespmem:v54+s12+$0x0], $0xffff;
	_ =	sdelay $0x4  }
0x7b: {  	v18 =	vadd.f32 v19, v18;
	_ =	sdelay $0x1  }
0x7c: {  	v19 =	vmul.f32 $2.000000030e-01, v18  }
0x7d: {  	vm14 =	vge.f32 v18, $0.0e+00  }
0x7e: {  	v18 =	vsel vm14, v18, v19  }
0x7f: {  	v18 =	vmul.f32 $1.442695020e+00, v18;
	_ =	sdelay $0x1  }
0x80: {  	(erf) = vpow2.f32 v18;
	_ =	sdelay $0x5  }
0x81: {  	v16 =	vor.u32 $0x3, v16  }
0x82: {  	v17 =	vor.u32 $0x7, v17;
	_ =	sdelay $0x1  }
0x83: {  	v18 =	vpop (erf)  }
0x84: {  	[tilespmem:v6+s14+$0x0] =	vst.idx.msk $0xffff, v18  }
0x85: {  	v16 =	vld.idx.msk [tilespmem:v16+s12+$0x0], $0xffff  }
0x86: {  	v17 =	vld.idx.msk [tilespmem:v17+s12+$0x0], $0xffff;
	_ =	sdelay $0x4  }
0x87: {  	v16 =	vadd.f32 v17, v16;
	_ =	sdelay $0x1  }
0x88: {  	v17 =	vmul.f32 $2.000000030e-01, v16  }
0x89: {  	vm15 =	vge.f32 v16, $0.0e+00  }
0x8a: {  	v16 =	vsel vm15, v16, v17  }
0x8b: {  	v16 =	vmul.f32 $1.442695020e+00, v16;
	_ =	sdelay $0x1  }
0x8c: {  	(erf) = vpow2.f32 v16;
	_ =	sdelay $0x8  }
0x8d: {  	v16 =	vpop (erf)  }
0x8e: {  	[tilespmem:v7+s14+$0x0] =	vst.idx.msk $0xffff, v16  }
0x8f: {  	v16 =	vld [tilespmem:s25+$0x20]  }
0x90: {  	v17 =	vld [tilespmem:s25+$0x420];
	_ =	sdelay $0x4  }
0x91: {  	v16 =	vshll.u32 v16, $0x3;
	v17 =	vshll.u32 v17, $0x3  }
0x92: {  	v56 =	vor.u32 $0x4, v17;
	_ =	sdelay $0x3  }
0x93: {  	v57 =	vld.idx.msk [tilespmem:v16+s12+$0x0], $0xffff  }
0x94: {  	v18 =	vld.idx.msk [tilespmem:v56+s12+$0x0], $0xffff;
	_ =	sdelay $0x4  }
0x95: {  	v18 =	vadd.f32 v18, v57;
	_ =	sdelay $0x1  }
0x96: {  	v19 =	vmul.f32 $2.000000030e-01, v18  }
0x97: {  	vm4 =	vge.f32 v18, $0.0e+00  }
0x98: {  	v18 =	vsel vm4, v18, v19  }
0x99: {  	v18 =	vmul.f32 $1.442695020e+00, v18;
	_ =	sdelay $0x1  }
0x9a: {  	(erf) = vpow2.f32 v18;
	_ =	sdelay $0x5  }
0x9b: {  	v58 =	vor.u32 $0x1, v16  }
0x9c: {  	v59 =	vor.u32 $0x5, v17;
	_ =	sdelay $0x1  }
0x9d: {  	v60 =	vpop (erf)  }
0x9e: {  	[tilespmem:v8+s14+$0x0] =	vst.idx.msk $0xffff, v60  }
0x9f: {  	v18 =	vld.idx.msk [tilespmem:v58+s12+$0x0], $0xffff  }
0xa0: {  	v19 =	vld.idx.msk [tilespmem:v59+s12+$0x0], $0xffff;
	_ =	sdelay $0x4  }
0xa1: {  	v18 =	vadd.f32 v19, v18;
	_ =	sdelay $0x1  }
0xa2: {  	v19 =	vmul.f32 $2.000000030e-01, v18  }
0xa3: {  	vm5 =	vge.f32 v18, $0.0e+00  }
0xa4: {  	v18 =	vsel vm5, v18, v19  }
0xa5: {  	v18 =	vmul.f32 $1.442695020e+00, v18;
	_ =	sdelay $0x1  }
0xa6: {  	(erf) = vpow2.f32 v18;
	_ =	sdelay $0x5  }
0xa7: {  	v61 =	vor.u32 $0x2, v16  }
0xa8: {  	v62 =	vor.u32 $0x6, v17;
	_ =	sdelay $0x1  }
0xa9: {  	v63 =	vpop (erf)  }
0xaa: {  	[tilespmem:v9+s14+$0x0] =	vst.idx.msk $0xffff, v63  }
0xab: {  	v18 =	vld.idx.msk [tilespmem:v61+s12+$0x0], $0xffff  }
0xac: {  	v19 =	vld.idx.msk [tilespmem:v62+s12+$0x0], $0xffff;
	_ =	sdelay $0x4  }
0xad: {  	v18 =	vadd.f32 v19, v18;
	_ =	sdelay $0x1  }
0xae: {  	v19 =	vmul.f32 $2.000000030e-01, v18  }
0xaf: {  	vm6 =	vge.f32 v18, $0.0e+00  }
0xb0: {  	v18 =	vsel vm6, v18, v19  }
0xb1: {  	v18 =	vmul.f32 $1.442695020e+00, v18;
	_ =	sdelay $0x1  }
0xb2: {  	(erf) = vpow2.f32 v18;
	_ =	sdelay $0x5  }
0xb3: {  	v16 =	vor.u32 $0x3, v16  }
0xb4: {  	v17 =	vor.u32 $0x7, v17;
	_ =	sdelay $0x1  }
0xb5: {  	v18 =	vpop (erf)  }
0xb6: {  	[tilespmem:v10+s14+$0x0] =	vst.idx.msk $0xffff, v18  }
0xb7: {  	v16 =	vld.idx.msk [tilespmem:v16+s12+$0x0], $0xffff  }
0xb8: {  	v17 =	vld.idx.msk [tilespmem:v17+s12+$0x0], $0xffff;
	_ =	sdelay $0x4  }
0xb9: {  	v16 =	vadd.f32 v17, v16;
	_ =	sdelay $0x1  }
0xba: {  	v17 =	vmul.f32 $2.000000030e-01, v16  }
0xbb: {  	vm7 =	vge.f32 v16, $0.0e+00  }
0xbc: {  	v16 =	vsel vm7, v16, v17  }
0xbd: {  	v16 =	vmul.f32 $1.442695020e+00, v16;
	_ =	sdelay $0x1  }
0xbe: {  	(erf) = vpow2.f32 v16;
	_ =	sdelay $0x8  }
0xbf: {  	v16 =	vpop (erf)  }
0xc0: {  	[tilespmem:v11+s14+$0x0] =	vst.idx.msk $0xffff, v16  }
0xc1: {  	v16 =	vld [tilespmem:s25+$0x30]  }
0xc2: {  	v17 =	vld [tilespmem:s25+$0x430];
	_ =	sdelay $0x4  }
0xc3: {  	v16 =	vshll.u32 v16, $0x3;
	v17 =	vshll.u32 v17, $0x3  }
0xc4: {  	v24 =	vor.u32 $0x4, v17;
	_ =	sdelay $0x3  }
0xc5: {  	v25 =	vld.idx.msk [tilespmem:v16+s12+$0x0], $0xffff  }
0xc6: {  	v18 =	vld.idx.msk [tilespmem:v24+s12+$0x0], $0xffff;
	_ =	sdelay $0x4  }
0xc7: {  	v18 =	vadd.f32 v18, v25;
	_ =	sdelay $0x1  }
0xc8: {  	v19 =	vmul.f32 $2.000000030e-01, v18  }
0xc9: {  	vm8 =	vge.f32 v18, $0.0e+00  }
0xca: {  	v18 =	vsel vm8, v18, v19  }
0xcb: {  	v18 =	vmul.f32 $1.442695020e+00, v18;
	_ =	sdelay $0x1  }
0xcc: {  	(erf) = vpow2.f32 v18;
	_ =	sdelay $0x5  }
0xcd: {  	v26 =	vor.u32 $0x1, v16  }
0xce: {  	v27 =	vor.u32 $0x5, v17;
	_ =	sdelay $0x1  }
0xcf: {  	v28 =	vpop (erf)  }
0xd0: {  	[tilespmem:v12+s14+$0x0] =	vst.idx.msk $0xffff, v28  }
0xd1: {  	v18 =	vld.idx.msk [tilespmem:v26+s12+$0x0], $0xffff  }
0xd2: {  	v19 =	vld.idx.msk [tilespmem:v27+s12+$0x0], $0xffff;
	_ =	sdelay $0x4  }
0xd3: {  	v18 =	vadd.f32 v19, v18;
	_ =	sdelay $0x1  }
0xd4: {  	v19 =	vmul.f32 $2.000000030e-01, v18  }
0xd5: {  	vm9 =	vge.f32 v18, $0.0e+00  }
0xd6: {  	v18 =	vsel vm9, v18, v19  }
0xd7: {  	v18 =	vmul.f32 $1.442695020e+00, v18;
	_ =	sdelay $0x1  }
0xd8: {  	(erf) = vpow2.f32 v18;
	_ =	sdelay $0x5  }
0xd9: {  	v29 =	vor.u32 $0x2, v16  }
0xda: {  	v30 =	vor.u32 $0x6, v17;
	_ =	sdelay $0x1  }
0xdb: {  	v31 =	vpop (erf)  }
0xdc: {  	[tilespmem:v13+s14+$0x0] =	vst.idx.msk $0xffff, v31  }
0xdd: {  	v18 =	vld.idx.msk [tilespmem:v29+s12+$0x0], $0xffff  }
0xde: {  	v19 =	vld.idx.msk [tilespmem:v30+s12+$0x0], $0xffff;
	_ =	sdelay $0x4  }
0xdf: {  	v18 =	vadd.f32 v19, v18;
	_ =	sdelay $0x1  }
0xe0: {  	v19 =	vmul.f32 $2.000000030e-01, v18  }
0xe1: {  	vm10 =	vge.f32 v18, $0.0e+00  }
0xe2: {  	v18 =	vsel vm10, v18, v19  }
0xe3: {  	v18 =	vmul.f32 $1.442695020e+00, v18;
	_ =	sdelay $0x1  }
0xe4: {  	(erf) = vpow2.f32 v18;
	_ =	sdelay $0x5  }
0xe5: {  	v16 =	vor.u32 $0x3, v16  }
0xe6: {  	v17 =	vor.u32 $0x7, v17;
	_ =	sdelay $0x1  }
0xe7: {  	v18 =	vpop (erf)  }
0xe8: {  	[tilespmem:v14+s14+$0x0] =	vst.idx.msk $0xffff, v18  }
0xe9: {  	v16 =	vld.idx.msk [tilespmem:v16+s12+$0x0], $0xffff  }
0xea: {  	v17 =	vld.idx.msk [tilespmem:v17+s12+$0x0], $0xffff;
	_ =	sdelay $0x4  }
0xeb: {  	v16 =	vadd.f32 v17, v16;
	_ =	sdelay $0x1  }
0xec: {  	v17 =	vmul.f32 $2.000000030e-01, v16  }
0xed: {  	vm11 =	vge.f32 v16, $0.0e+00  }
0xee: {  	v16 =	vsel vm11, v16, v17  }
0xef: {  	v16 =	vmul.f32 $1.442695020e+00, v16;
	_ =	sdelay $0x1  }
0xf0: {  	(erf) = vpow2.f32 v16;
	_ =	sdelay $0x8  }
0xf1: {  	v16 =	vpop (erf)  }
0xf2: {  	s26 =	sadd.s32 s24, s9;
	[tilespmem:v15+s14+$0x0] =	vst.idx.msk $0xffff, v16  }
0xf3: {  	[hbm4b:s26+s4] =	stream.linear.scatter [tilespmem:s14], [sflag:$0x1], $0x2000, $0x38;
	[tilespmem:$0x18800] =	vst v63  }
0xf4: {  	s26 =	simm.s32 @!p0 $0x2  }
0xf5: {  	_ =	swait.ge @!p0 [sflag:s26], $0x2000  }
0xf6: {  	[sflag:s26] =	ssyncset.done @!p0 $0x0  }
0xf7: {  	s28 =	sor.u32 $0x80, s25;
	[sflag:s26] =	ssyncadd.s32 @!p0 $0xFFFFE000  }
0xf8: {  	s29 =	sor.u32 $0x480, s25;
	v16 =	vld [tilespmem:s28+$0x0]  }
0xf9: {  	v17 =	vld [tilespmem:s29+$0x0];
	_ =	sdelay $0x4  }
0xfa: {  	v16 =	vshll.u32 v16, $0x3;
	v17 =	vshll.u32 v17, $0x3  }
0xfb: {  	v32 =	vor.u32 $0x4, v17;
	_ =	sdelay $0x3  }
0xfc: {  	v33 =	vld.idx.msk [tilespmem:v16+s12+$0x0], $0xffff  }
0xfd: {  	v18 =	vld.idx.msk [tilespmem:v32+s12+$0x0], $0xffff;
	_ =	sdelay $0x4  }
0xfe: {  	v18 =	vadd.f32 v18, v33;
	_ =	sdelay $0x1  }
0xff: {  	v19 =	vmul.f32 $2.000000030e-01, v18  }
0x100: {  	vm12 =	vge.f32 v18, $0.0e+00  }
0x101: {  	v18 =	vsel vm12, v18, v19  }
0x102: {  	v18 =	vmul.f32 $1.442695020e+00, v18;
	_ =	sdelay $0x1  }
0x103: {  	(erf) = vpow2.f32 v18;
	_ =	sdelay $0x5  }
0x104: {  	v34 =	vor.u32 $0x1, v16  }
0x105: {  	v35 =	vor.u32 $0x5, v17;
	_ =	sdelay $0x1  }
0x106: {  	v36 =	vpop (erf)  }
0x107: {  	[tilespmem:v0+s15+$0x0] =	vst.idx.msk $0xffff, v36  }
0x108: {  	v18 =	vld.idx.msk [tilespmem:v34+s12+$0x0], $0xffff  }
0x109: {  	v19 =	vld.idx.msk [tilespmem:v35+s12+$0x0], $0xffff;
	_ =	sdelay $0x4  }
0x10a: {  	v18 =	vadd.f32 v19, v18;
	_ =	sdelay $0x1  }
0x10b: {  	v19 =	vmul.f32 $2.000000030e-01, v18  }
0x10c: {  	vm13 =	vge.f32 v18, $0.0e+00  }
0x10d: {  	v18 =	vsel vm13, v18, v19  }
0x10e: {  	v18 =	vmul.f32 $1.442695020e+00, v18;
	_ =	sdelay $0x1  }
0x10f: {  	(erf) = vpow2.f32 v18;
	_ =	sdelay $0x5  }
0x110: {  	v37 =	vor.u32 $0x2, v16  }
0x111: {  	v38 =	vor.u32 $0x6, v17;
	_ =	sdelay $0x1  }
0x112: {  	v39 =	vpop (erf)  }
0x113: {  	[tilespmem:v1+s15+$0x0] =	vst.idx.msk $0xffff, v39  }
0x114: {  	v18 =	vld.idx.msk [tilespmem:v37+s12+$0x0], $0xffff  }
0x115: {  	v19 =	vld.idx.msk [tilespmem:v38+s12+$0x0], $0xffff;
	_ =	sdelay $0x4  }
0x116: {  	v18 =	vadd.f32 v19, v18;
	_ =	sdelay $0x1  }
0x117: {  	v19 =	vmul.f32 $2.000000030e-01, v18  }
0x118: {  	vm14 =	vge.f32 v18, $0.0e+00  }
0x119: {  	v18 =	vsel vm14, v18, v19  }
0x11a: {  	v18 =	vmul.f32 $1.442695020e+00, v18;
	_ =	sdelay $0x1  }
0x11b: {  	(erf) = vpow2.f32 v18;
	_ =	sdelay $0x5  }
0x11c: {  	v16 =	vor.u32 $0x3, v16  }
0x11d: {  	v17 =	vor.u32 $0x7, v17;
	_ =	sdelay $0x1  }
0x11e: {  	v18 =	vpop (erf)  }
0x11f: {  	[tilespmem:v2+s15+$0x0] =	vst.idx.msk $0xffff, v18  }
0x120: {  	v16 =	vld.idx.msk [tilespmem:v16+s12+$0x0], $0xffff  }
0x121: {  	v17 =	vld.idx.msk [tilespmem:v17+s12+$0x0], $0xffff;
	_ =	sdelay $0x4  }
0x122: {  	v16 =	vadd.f32 v17, v16;
	_ =	sdelay $0x1  }
0x123: {  	v17 =	vmul.f32 $2.000000030e-01, v16  }
0x124: {  	vm15 =	vge.f32 v16, $0.0e+00  }
0x125: {  	v16 =	vsel vm15, v16, v17  }
0x126: {  	v16 =	vmul.f32 $1.442695020e+00, v16;
	_ =	sdelay $0x1  }
0x127: {  	(erf) = vpow2.f32 v16;
	_ =	sdelay $0x8  }
0x128: {  	v16 =	vpop (erf)  }
0x129: {  	s30 =	sor.u32 $0x90, s25;
	[tilespmem:v3+s15+$0x0] =	vst.idx.msk $0xffff, v16  }
0x12a: {  	s31 =	sor.u32 $0x490, s25;
	v16 =	vld [tilespmem:s30+$0x0]  }
0x12b: {  	v17 =	vld [tilespmem:s31+$0x0];
	_ =	sdelay $0x4  }
0x12c: {  	v16 =	vshll.u32 v16, $0x3;
	v17 =	vshll.u32 v17, $0x3  }
0x12d: {  	v40 =	vor.u32 $0x4, v17;
	_ =	sdelay $0x3  }
0x12e: {  	v41 =	vld.idx.msk [tilespmem:v16+s12+$0x0], $0xffff  }
0x12f: {  	v18 =	vld.idx.msk [tilespmem:v40+s12+$0x0], $0xffff;
	_ =	sdelay $0x4  }
0x130: {  	v18 =	vadd.f32 v18, v41;
	_ =	sdelay $0x1  }
0x131: {  	v19 =	vmul.f32 $2.000000030e-01, v18  }
0x132: {  	vm4 =	vge.f32 v18, $0.0e+00  }
0x133: {  	v18 =	vsel vm4, v18, v19  }
0x134: {  	v18 =	vmul.f32 $1.442695020e+00, v18;
	_ =	sdelay $0x1  }
0x135: {  	(erf) = vpow2.f32 v18;
	_ =	sdelay $0x5  }
0x136: {  	v42 =	vor.u32 $0x1, v16  }
0x137: {  	v43 =	vor.u32 $0x5, v17;
	_ =	sdelay $0x1  }
0x138: {  	v44 =	vpop (erf)  }
0x139: {  	[tilespmem:v4+s15+$0x0] =	vst.idx.msk $0xffff, v44  }
0x13a: {  	v18 =	vld.idx.msk [tilespmem:v42+s12+$0x0], $0xffff  }
0x13b: {  	v19 =	vld.idx.msk [tilespmem:v43+s12+$0x0], $0xffff;
	_ =	sdelay $0x4  }
0x13c: {  	v18 =	vadd.f32 v19, v18;
	_ =	sdelay $0x1  }
0x13d: {  	v19 =	vmul.f32 $2.000000030e-01, v18  }
0x13e: {  	vm5 =	vge.f32 v18, $0.0e+00  }
0x13f: {  	v18 =	vsel vm5, v18, v19  }
0x140: {  	v18 =	vmul.f32 $1.442695020e+00, v18;
	_ =	sdelay $0x1  }
0x141: {  	(erf) = vpow2.f32 v18;
	_ =	sdelay $0x5  }
0x142: {  	v45 =	vor.u32 $0x2, v16  }
0x143: {  	v46 =	vor.u32 $0x6, v17;
	_ =	sdelay $0x1  }
0x144: {  	v47 =	vpop (erf)  }
0x145: {  	[tilespmem:v5+s15+$0x0] =	vst.idx.msk $0xffff, v47  }
0x146: {  	v18 =	vld.idx.msk [tilespmem:v45+s12+$0x0], $0xffff  }
0x147: {  	v19 =	vld.idx.msk [tilespmem:v46+s12+$0x0], $0xffff;
	_ =	sdelay $0x4  }
0x148: {  	v18 =	vadd.f32 v19, v18;
	_ =	sdelay $0x1  }
0x149: {  	v19 =	vmul.f32 $2.000000030e-01, v18  }
0x14a: {  	vm6 =	vge.f32 v18, $0.0e+00  }
0x14b: {  	v18 =	vsel vm6, v18, v19  }
0x14c: {  	v18 =	vmul.f32 $1.442695020e+00, v18;
	_ =	sdelay $0x1  }
0x14d: {  	(erf) = vpow2.f32 v18;
	_ =	sdelay $0x5  }
0x14e: {  	v16 =	vor.u32 $0x3, v16  }
0x14f: {  	v17 =	vor.u32 $0x7, v17;
	_ =	sdelay $0x1  }
0x150: {  	v18 =	vpop (erf)  }
0x151: {  	[tilespmem:v6+s15+$0x0] =	vst.idx.msk $0xffff, v18  }
0x152: {  	v16 =	vld.idx.msk [tilespmem:v16+s12+$0x0], $0xffff  }
0x153: {  	v17 =	vld.idx.msk [tilespmem:v17+s12+$0x0], $0xffff;
	_ =	sdelay $0x4  }
0x154: {  	v16 =	vadd.f32 v17, v16;
	_ =	sdelay $0x1  }
0x155: {  	v17 =	vmul.f32 $2.000000030e-01, v16  }
0x156: {  	vm7 =	vge.f32 v16, $0.0e+00  }
0x157: {  	v16 =	vsel vm7, v16, v17  }
0x158: {  	v16 =	vmul.f32 $1.442695020e+00, v16;
	_ =	sdelay $0x1  }
0x159: {  	(erf) = vpow2.f32 v16;
	_ =	sdelay $0x8  }
0x15a: {  	v16 =	vpop (erf)  }
0x15b: {  	s28 =	sor.u32 $0xA0, s25;
	[tilespmem:v7+s15+$0x0] =	vst.idx.msk $0xffff, v16  }
0x15c: {  	s29 =	sor.u32 $0x4A0, s25;
	v16 =	vld [tilespmem:s28+$0x0]  }
0x15d: {  	v17 =	vld [tilespmem:s29+$0x0];
	_ =	sdelay $0x4  }
0x15e: {  	v16 =	vshll.u32 v16, $0x3;
	v17 =	vshll.u32 v17, $0x3  }
0x15f: {  	v48 =	vor.u32 $0x4, v17;
	_ =	sdelay $0x3  }
0x160: {  	v49 =	vld.idx.msk [tilespmem:v16+s12+$0x0], $0xffff  }
0x161: {  	v18 =	vld.idx.msk [tilespmem:v48+s12+$0x0], $0xffff;
	_ =	sdelay $0x4  }
0x162: {  	v18 =	vadd.f32 v18, v49;
	_ =	sdelay $0x1  }
0x163: {  	v19 =	vmul.f32 $2.000000030e-01, v18  }
0x164: {  	vm8 =	vge.f32 v18, $0.0e+00  }
0x165: {  	v18 =	vsel vm8, v18, v19  }
0x166: {  	v18 =	vmul.f32 $1.442695020e+00, v18;
	_ =	sdelay $0x1  }
0x167: {  	(erf) = vpow2.f32 v18;
	_ =	sdelay $0x5  }
0x168: {  	v50 =	vor.u32 $0x1, v16  }
0x169: {  	v51 =	vor.u32 $0x5, v17;
	_ =	sdelay $0x1  }
0x16a: {  	v52 =	vpop (erf)  }
0x16b: {  	[tilespmem:v8+s15+$0x0] =	vst.idx.msk $0xffff, v52  }
0x16c: {  	v18 =	vld.idx.msk [tilespmem:v50+s12+$0x0], $0xffff  }
0x16d: {  	v19 =	vld.idx.msk [tilespmem:v51+s12+$0x0], $0xffff;
	_ =	sdelay $0x4  }
0x16e: {  	v18 =	vadd.f32 v19, v18;
	_ =	sdelay $0x1  }
0x16f: {  	v19 =	vmul.f32 $2.000000030e-01, v18  }
0x170: {  	vm9 =	vge.f32 v18, $0.0e+00  }
0x171: {  	v18 =	vsel vm9, v18, v19  }
0x172: {  	v18 =	vmul.f32 $1.442695020e+00, v18;
	_ =	sdelay $0x1  }
0x173: {  	(erf) = vpow2.f32 v18;
	_ =	sdelay $0x5  }
0x174: {  	v53 =	vor.u32 $0x2, v16  }
0x175: {  	v54 =	vor.u32 $0x6, v17;
	_ =	sdelay $0x1  }
0x176: {  	v55 =	vpop (erf)  }
0x177: {  	[tilespmem:v9+s15+$0x0] =	vst.idx.msk $0xffff, v55  }
0x178: {  	v18 =	vld.idx.msk [tilespmem:v53+s12+$0x0], $0xffff  }
0x179: {  	v19 =	vld.idx.msk [tilespmem:v54+s12+$0x0], $0xffff;
	_ =	sdelay $0x4  }
0x17a: {  	v18 =	vadd.f32 v19, v18;
	_ =	sdelay $0x1  }
0x17b: {  	v19 =	vmul.f32 $2.000000030e-01, v18  }
0x17c: {  	vm10 =	vge.f32 v18, $0.0e+00  }
0x17d: {  	v18 =	vsel vm10, v18, v19  }
0x17e: {  	v18 =	vmul.f32 $1.442695020e+00, v18;
	_ =	sdelay $0x1  }
0x17f: {  	(erf) = vpow2.f32 v18;
	_ =	sdelay $0x5  }
0x180: {  	v16 =	vor.u32 $0x3, v16  }
0x181: {  	v17 =	vor.u32 $0x7, v17;
	_ =	sdelay $0x1  }
0x182: {  	v18 =	vpop (erf)  }
0x183: {  	[tilespmem:v10+s15+$0x0] =	vst.idx.msk $0xffff, v18  }
0x184: {  	v16 =	vld.idx.msk [tilespmem:v16+s12+$0x0], $0xffff  }
0x185: {  	v17 =	vld.idx.msk [tilespmem:v17+s12+$0x0], $0xffff;
	_ =	sdelay $0x4  }
0x186: {  	v16 =	vadd.f32 v17, v16;
	_ =	sdelay $0x1  }
0x187: {  	v17 =	vmul.f32 $2.000000030e-01, v16  }
0x188: {  	vm11 =	vge.f32 v16, $0.0e+00  }
0x189: {  	v16 =	vsel vm11, v16, v17  }
0x18a: {  	v16 =	vmul.f32 $1.442695020e+00, v16;
	_ =	sdelay $0x1  }
0x18b: {  	(erf) = vpow2.f32 v16;
	_ =	sdelay $0x8  }
0x18c: {  	v16 =	vpop (erf)  }
0x18d: {  	s30 =	sor.u32 $0xB0, s25;
	[tilespmem:v11+s15+$0x0] =	vst.idx.msk $0xffff, v16  }
0x18e: {  	s25 =	sor.u32 $0x4B0, s25;
	v16 =	vld [tilespmem:s30+$0x0]  }
0x18f: {  	v17 =	vld [tilespmem:s25+$0x0];
	_ =	sdelay $0x4  }
0x190: {  	v16 =	vshll.u32 v16, $0x3;
	v17 =	vshll.u32 v17, $0x3  }
0x191: {  	v56 =	vor.u32 $0x4, v17;
	_ =	sdelay $0x3  }
0x192: {  	v57 =	vld.idx.msk [tilespmem:v16+s12+$0x0], $0xffff  }
0x193: {  	v18 =	vld.idx.msk [tilespmem:v56+s12+$0x0], $0xffff;
	_ =	sdelay $0x4  }
0x194: {  	v18 =	vadd.f32 v18, v57;
	_ =	sdelay $0x1  }
0x195: {  	v19 =	vmul.f32 $2.000000030e-01, v18  }
0x196: {  	vm12 =	vge.f32 v18, $0.0e+00  }
0x197: {  	v18 =	vsel vm12, v18, v19  }
0x198: {  	v18 =	vmul.f32 $1.442695020e+00, v18;
	_ =	sdelay $0x1  }
0x199: {  	(erf) = vpow2.f32 v18;
	_ =	sdelay $0x5  }
0x19a: {  	v58 =	vor.u32 $0x1, v16  }
0x19b: {  	v59 =	vor.u32 $0x5, v17;
	_ =	sdelay $0x1  }
0x19c: {  	v60 =	vpop (erf)  }
0x19d: {  	[tilespmem:v12+s15+$0x0] =	vst.idx.msk $0xffff, v60  }
0x19e: {  	v18 =	vld.idx.msk [tilespmem:v58+s12+$0x0], $0xffff  }
0x19f: {  	v19 =	vld.idx.msk [tilespmem:v59+s12+$0x0], $0xffff;
	_ =	sdelay $0x4  }
0x1a0: {  	v18 =	vadd.f32 v19, v18;
	_ =	sdelay $0x1  }
0x1a1: {  	v19 =	vmul.f32 $2.000000030e-01, v18  }
0x1a2: {  	vm13 =	vge.f32 v18, $0.0e+00  }
0x1a3: {  	v18 =	vsel vm13, v18, v19  }
0x1a4: {  	v18 =	vmul.f32 $1.442695020e+00, v18;
	_ =	sdelay $0x1  }
0x1a5: {  	(erf) = vpow2.f32 v18;
	_ =	sdelay $0x5  }
0x1a6: {  	v61 =	vor.u32 $0x2, v16  }
0x1a7: {  	v62 =	vor.u32 $0x6, v17;
	_ =	sdelay $0x1  }
0x1a8: {  	v63 =	vpop (erf)  }
0x1a9: {  	[tilespmem:v13+s15+$0x0] =	vst.idx.msk $0xffff, v63  }
0x1aa: {  	v18 =	vld.idx.msk [tilespmem:v61+s12+$0x0], $0xffff  }
0x1ab: {  	v19 =	vld.idx.msk [tilespmem:v62+s12+$0x0], $0xffff;
	_ =	sdelay $0x4  }
0x1ac: {  	v18 =	vadd.f32 v19, v18;
	_ =	sdelay $0x1  }
0x1ad: {  	v19 =	vmul.f32 $2.000000030e-01, v18  }
0x1ae: {  	vm14 =	vge.f32 v18, $0.0e+00  }
0x1af: {  	v18 =	vsel vm14, v18, v19  }
0x1b0: {  	v18 =	vmul.f32 $1.442695020e+00, v18;
	_ =	sdelay $0x1  }
0x1b1: {  	(erf) = vpow2.f32 v18;
	_ =	sdelay $0x5  }
0x1b2: {  	v16 =	vor.u32 $0x3, v16  }
0x1b3: {  	v17 =	vor.u32 $0x7, v17;
	_ =	sdelay $0x1  }
0x1b4: {  	v18 =	vpop (erf)  }
0x1b5: {  	[tilespmem:v14+s15+$0x0] =	vst.idx.msk $0xffff, v18  }
0x1b6: {  	v16 =	vld.idx.msk [tilespmem:v16+s12+$0x0], $0xffff  }
0x1b7: {  	v17 =	vld.idx.msk [tilespmem:v17+s12+$0x0], $0xffff;
	_ =	sdelay $0x4  }
0x1b8: {  	v16 =	vadd.f32 v17, v16;
	_ =	sdelay $0x1  }
0x1b9: {  	v17 =	vmul.f32 $2.000000030e-01, v16  }
0x1ba: {  	vm15 =	vge.f32 v16, $0.0e+00  }
0x1bb: {  	v16 =	vsel vm15, v16, v17  }
0x1bc: {  	v16 =	vmul.f32 $1.442695020e+00, v16;
	_ =	sdelay $0x1  }
0x1bd: {  	(erf) = vpow2.f32 v16;
	_ =	sdelay $0x7  }
0x1be: {  	p0 =	seq.s32 s24, $0x27800;
	s25 =	sand.u32 $0x6, s21  }
0x1bf: {  	p1 =	sne.s32 @!p0 s25, $0x0;
	v16 =	vpop (erf)  }
0x1c0: {  	s31 =	sadd.s32 s24, s8;
	p0 =	por p1, p0;
	[tilespmem:v15+s15+$0x0] =	vst.idx.msk $0xffff, v16  }
0x1c1: {  	[hbm4b:s31+s4] =	stream.linear.scatter [tilespmem:s15], [sflag:$0x2], $0x2000, $0x38;
	[tilespmem:$0x18800] =	vst v63  }
0x1c2: {  	s25 =	simm.s32 @!p0 $0x0;
	s26 =	simm.s32 @!p0 $0x4  }
0x1c3: {  	[tilespmem:s25], [sflag:$0x4] =	stream.linear.gather @!p0 [hbm4b:s22+s25], $0x400, $0x38;
	[tilespmem:$0x18800] =	vst v63  }
0x1c4: {  	_ =	swait.ge @!p0 [sflag:s26], $0x400  }
0x1c5: {  	[sflag:s26] =	ssyncset.done @!p0 $0x0  }
0x1c6: {  	[sflag:s26] =	ssyncadd.s32 @!p0 $0xFFFFFC00;
	s26 =	simm.s32 @!p0 $0x400  }
0x1c7: {  	[tilespmem:s26], [sflag:$0x3] =	stream.linear.gather @!p0 [hbm4b:s23+s25], $0x400, $0x38;
	[tilespmem:$0x18800] =	vst v63  }
0x1c8: {  	s25 =	simm.s32 @!p0 $0x3  }
0x1c9: {  	_ =	swait.ge @!p0 [sflag:s25], $0x400  }
0x1ca: {  	s24 =	sadd.s32 $0x800, s24;
	[sflag:s25] =	ssyncset.done @!p0 $0x0  }
0x1cb: {  	[sflag:s25] =	ssyncadd.s32 @!p0 $0xFFFFFC00;
	p0 =	sne.s32 s24, $0x28000  }
.Ltmp0:
0x1cc: {  	_ = 	snop;
	(pc) =	sbr.rel @p0 .LBB2_2-.Ltmp0, $3  }
0x1cd: {  	_ =	sdelay $0x1  }
0x1ce: {  	s20 =	sadd.s32 $0x100, s20  }
0x1cf: {  	s21 =	sadd.s32 $0x2, s21;
	s22 =	sadd.s32 $0x20, s22;
	s23 =	sadd.s32 $0x20, s23  }
0x1d0: {  	s19 =	sadd.s32 $0x1, s19  }
0x1d1: {  	_ =	swait.ge [sflag:s17], $0x2000;
	p0 =	sne.s32 s19, s7  }
.Ltmp1:
0x1d2: {  	[sflag:s17] =	ssyncset.done $0x0;
	(pc) =	sbr.rel @p0 .LBB2_1-.Ltmp1, $4  }
0x1d3: {  	[sflag:s17] =	ssyncadd.s32 $0xFFFFE000  }
0x1d4: {  	_ =	swait.ge [sflag:s18], $0x2000  }
0x1d5: {  	[sflag:s18] =	ssyncset.done $0x0  }
0x1d6: {  	[sflag:s18] =	ssyncadd.s32 $0xFFFFE000  }
0x1d7: {  	_ =	sfence.sel $0x180000  }
0x1d8: {  	[bflag:$0x0] =	sbarrier.arrive $0xFFFF  }
0x1d9: {  	p0 =	sne.s32 s0, $0x0;
	_ =	strace $0x9000004D  }
0x1da: {  	s0 =	sadd.s32 @!p0 $0x100000, s2;
	[bflag:$0x2] =	sbarrier.arrive $0xFFFF  }
0x1db: {  	[sflag:s0] =	ssyncadd.tile.s32 @!p0 $0x1;
	_ =	shalt  }
.Lfunc_end2:
_tile_overlayer_lowered:
.L_overlay_start_2:
0x1dc: {  	(tag) =	ssettag $0x2  }
0x1dd: {  	s0 =	rddreg [dreg:$0x0];
	s2 =	stileid.u32  }
0x1de: {  	s1 =	rddreg [dreg:$0x1];
	p0 =	sne.s32 s2, $0x0  }
0x1df: {  	s3 =	rddreg [dreg:$0x2];
	[bflag:$0x3] =	sbarrier.arrive $0xFFFF;
	s2 =	simm.s32 @!p0 $0x1C03  }
0x1e0: {  	[timem:s3], [sflag:s2] =	dma.local @!p0 [hbm:s0], s1  }
0x1e1: {  	s0 =	simm.s32 @!p0 $0x3  }
0x1e2: {  	_ =	swait.ge @!p0 [sflag:s0], s1  }
0x1e3: {  	s1 =	ssub.s32 @!p0 $0x0, s1;
	[sflag:s0] =	ssyncset.done @!p0 $0x0  }
0x1e4: {  	[sflag:s0] =	ssyncadd.s32 @!p0 s1  }
0x1e5: {  	[bflag:$0x3] =	sbarrier.arrive $0xFFFF  }
0x1e6: {  	_ =	shalt  }

// kernel: kernel.21.cloned.1.call-start
scs
__scs_entry_jumppad:
0x0: {  	(pc) =	sbr.rel $0x88, $3  }
0x1: {  	(tag) =	ssettag $0x0;
	lr =	simm.s32 $0x1  }
0x2: {  	[smem:$0x3F8E] =	sst lr;
	_ =	strace $0xD0000000  }
0x3: {  	_ = 	snop  }
0x4: {  	_ = 	snop  }
0x5: {  	_ = 	snop  }
0x6: {  	_ = 	snop  }
0x7: {  	_ = 	snop  }
__scs_overlays_trampoline_lowered:
0x8: {  	[smem:$0x3F9D] =	sst s0  }
0x9: {  	[smem:$0x3F9E] =	sst s1  }
0xa: {  	[smem:$0x3F9F] =	sst s2  }
0xb: {  	[smem:$0x3FA0] =	sst s3  }
0xc: {  	[smem:$0x3FA1] =	sst s4  }
0xd: {  	[smem:$0x3FA2] =	sst s5  }
0xe: {  	[smem:$0x3FA3] =	sst s6  }
0xf: {  	[smem:$0x3FA4] =	sst s7  }
0x10: {  	[smem:$0x3FA5] =	sst s8  }
0x11: {  	[smem:$0x3FA6] =	sst s9;
	s0 =	simm.s32 @!p0 $0x0  }
0x12: {  	s1 =	sld [smem:$0x3F8C];
	s0 =	simm.s32 @p0 $0x1  }
0x13: {  	[smem:$0x3FA7] =	sst s0;
	s0 =	simm.s32 @!p1 $0x0  }
0x14: {  	s2 =	sld [smem:$0x3F8B];
	s0 =	simm.s32 @p1 $0x1  }
0x15: {  	[smem:$0x3FA8] =	sst s0;
	s0 =	simm.s32 @!p2 $0x0  }
0x16: {  	s3 =	sld [smem:$0x3FDB];
	s0 =	simm.s32 @p2 $0x1  }
0x17: {  	s4 =	simm.s32 $0x1BF5;
	[smem:$0x3FAA] =	sst s0  }
0x18: {  	s0 =	sld [smem:$0x3F8D];
	_ =	swait.ge [sflag:s4], $0x0  }
0x19: {  	s7 =	sld [smem:$0x3F8E]  }
0x1a: {  	s8 =	sadd.s32 $0xFFFFE003, lr  }
0x1b: {  	s9 =	sadd.s32 $0xFFFFFEF7, lr;
	s5 =	simm.s32 $0xFFFFFFFF;
	p2 =	slt.u32 s8, $0xFFFFF086  }
0x1c: {  	p1 =	slt.u32 s9, $0xF7A;
	s5 =	simm.s32 @!p2 $0x0  }
0x1d: {  	s5 =	simm.s32 @p1 $0x1;
	p0 =	seq.s32 s7, s2  }
0x1e: {  	s7 =	smul.u32 @!p0 $0xF7A, s2;
	p2 =	seq.s32 @!p0 s5, $0x0  }
0x1f: {  	s9 =	smul.u32 $0xF7A, s1;
	s8 =	simm.s32 @!p0 $0x1BF5;
	p2 =	por !p2, p0  }
0x20: {  	[sflag:s8] =	ssyncset.s32 @!p0 $0xFFFFF086;
	s6 =	sadd.s32 @!p0 s3, s7;
	s7 =	simm.s32 @!p0 $0x108  }
0x21: {  	s3 =	sadd.s32 s3, s9;
	s6 =	sadd.s32 @!p0 $0x88, s6;
	s7 =	simm.s32 @p2 $0x1082  }
0x22: {  	[simem:s7], [sflag:s8] =	dma.local @!p0 [hbm:s6], $0xF7A  }
0x23: {  	s9 =	sor.u32 $0xD0000000, s2;
	s6 =	simm.s32 $0x108;
	_ =	swait.ge @!p0 [sflag:s8], $0x0  }
0x24: {  	s3 =	sadd.s32 $0x88, s3;
	s6 =	simm.s32 @!p1 $0x1082;
	[sflag:s4] =	ssyncset.s32 $0xFFFFF086  }
0x25: {  	[simem:s6], [sflag:s4] =	dma.local [hbm:s3], $0xF7A  }
0x26: {  	[smem:$0x3F8E] =	sst s1;
	(tag) =	ssettag s2;
	_ =	strace s9  }
0x27: {  	s1 =	sld [smem:$0x3F9E]  }
0x28: {  	s2 =	sld [smem:$0x3F9F]  }
0x29: {  	s4 =	sld [smem:$0x3FA1]  }
0x2a: {  	p0 =	seq.s32 s5, $0x0;
	s5 =	sld [smem:$0x3FA2]  }
0x2b: {  	s6 =	sld [smem:$0x3FA3]  }
0x2c: {  	s7 =	sld [smem:$0x3FA4]  }
0x2d: {  	s3 =	simm.s32 $0x108;
	s8 =	sld [smem:$0x3FA5]  }
0x2e: {  	s3 =	simm.s32 @!p0 $0x1082;
	s9 =	sld [smem:$0x3FA6]  }
0x2f: {  	lr =	sadd.s32 s0, s3;
	s0 =	sld [smem:$0x3F9D]  }
0x30: {  	s3 =	sld [smem:$0x3FA0]  }
0x31: {  	[smem:$0x3FA9] =	sst s10  }
0x32: {  	s10 =	sld [smem:$0x3FA7];
	_ =	sdelay $0x3  }
0x33: {  	p0 =	seq.s32 s10, $0x1;
	s10 =	sld [smem:$0x3FA9];
	_ =	sdelay $0x3  }
0x34: {  	[smem:$0x3FA9] =	sst s10  }
0x35: {  	s10 =	sld [smem:$0x3FA8];
	_ =	sdelay $0x3  }
0x36: {  	p1 =	seq.s32 s10, $0x1;
	s10 =	sld [smem:$0x3FA9];
	_ =	sdelay $0x3  }
0x37: {  	[smem:$0x3FA9] =	sst s10  }
0x38: {  	s10 =	sld [smem:$0x3FAA]  }
0x39: {  	_ = 	snop;
	(pc) =	sbr.ind lr, $3  }
0x3a: {  	_ = 	snop  }
0x3b: {  	_ = 	snop  }
0x3c: {  	p2 =	seq.s32 s10, $0x1;
	s10 =	sld [smem:$0x3FA9]  }
0x3d: {  	_ =	shalt  }
0x3e: {  	_ =	shalt  }
0x3f: {  	_ =	shalt  }
0x40: {  	_ =	shalt  }
0x41: {  	_ =	shalt  }
0x42: {  	_ =	shalt  }
0x43: {  	_ =	shalt  }
0x44: {  	_ =	shalt  }
0x45: {  	_ =	shalt  }
0x46: {  	_ =	shalt  }
0x47: {  	_ =	shalt  }
0x48: {  	_ =	shalt  }
0x49: {  	_ =	shalt  }
0x4a: {  	_ =	shalt  }
0x4b: {  	_ =	shalt  }
0x4c: {  	_ =	shalt  }
0x4d: {  	_ =	shalt  }
0x4e: {  	_ =	shalt  }
0x4f: {  	_ =	shalt  }
0x50: {  	_ =	shalt  }
0x51: {  	_ =	shalt  }
0x52: {  	_ =	shalt  }
0x53: {  	_ =	shalt  }
0x54: {  	_ =	shalt  }
0x55: {  	_ =	shalt  }
0x56: {  	_ =	shalt  }
0x57: {  	_ =	shalt  }
0x58: {  	_ =	shalt  }
0x59: {  	_ =	shalt  }
0x5a: {  	_ =	shalt  }
0x5b: {  	_ =	shalt  }
0x5c: {  	_ =	shalt  }
0x5d: {  	_ =	shalt  }
0x5e: {  	_ =	shalt  }
0x5f: {  	_ =	shalt  }
0x60: {  	_ =	shalt  }
0x61: {  	_ =	shalt  }
0x62: {  	_ =	shalt  }
0x63: {  	_ =	shalt  }
0x64: {  	_ =	shalt  }
0x65: {  	_ =	shalt  }
0x66: {  	_ =	shalt  }
0x67: {  	_ =	shalt  }
0x68: {  	_ =	shalt  }
0x69: {  	_ =	shalt  }
0x6a: {  	_ =	shalt  }
0x6b: {  	_ =	shalt  }
0x6c: {  	_ =	shalt  }
0x6d: {  	_ =	shalt  }
0x6e: {  	_ =	shalt  }
0x6f: {  	_ =	shalt  }
0x70: {  	_ =	shalt  }
0x71: {  	_ =	shalt  }
0x72: {  	_ =	shalt  }
0x73: {  	_ =	shalt  }
0x74: {  	_ =	shalt  }
0x75: {  	_ =	shalt  }
0x76: {  	_ =	shalt  }
0x77: {  	_ =	shalt  }
0x78: {  	_ =	shalt  }
0x79: {  	_ =	shalt  }
0x7a: {  	_ =	shalt  }
0x7b: {  	_ =	shalt  }
0x7c: {  	_ =	shalt  }
0x7d: {  	_ =	shalt  }
0x7e: {  	_ =	shalt  }
0x7f: {  	_ =	shalt  }
0x80: {  	_ =	shalt  }
0x81: {  	_ =	shalt  }
0x82: {  	_ =	shalt  }
0x83: {  	_ =	shalt  }
0x84: {  	_ =	shalt  }
0x85: {  	_ =	shalt  }
0x86: {  	_ =	shalt  }
0x87: {  	_ =	shalt  }
.Lfunc_end0:
.L_simem_size_0:
called_computation.3_lowered:
.L_overlay_start_0:
0x88: {  	s2 =	sld [smem:$0x3FD9]  }
0x89: {  	s3 =	sld [smem:$0x3FFE];
	_ =	sdelay $0x1  }
0x8a: {  	s1 =	srdreg.scid  }
0x8b: {  	s0 =	sand.u32 $0x1, s1  }
0x8c: {  	s17 =	sshll.u32 s0, $0xA;
	s2 =	sadd.s32 s3, s2  }
0x8d: {  	s2 =	sadd.s32 s2, s17  }
0x8e: {  	[smem:$0x3FB5] =	sst s2  }
0x8f: {  	_ = 	snop  }
0x90: {  	(tm) =	ssettm $0x1  }
0x91: {  	s18 =	sld [smem:$0x3FFB];
	_ =	sdelay $0x3  }
0x92: {  	_ =	strace s18  }
0x93: {  	s2 =	sld [smem:$0x3FFC];
	_ =	sdelay $0x3  }
0x94: {  	_ =	strace s2  }
0x95: {  	s2 =	sld [smem:$0x3FFD];
	_ =	sdelay $0x3  }
0x96: {  	_ =	strace s2  }
0x97: {  	_ =	strace $0x8FFFFFFF  }
0x98: {  	s19 =	sld [smem:$0x3FDB];
	_ =	sdelay $0x1  }
0x99: {  	s20 =	simm.s32 $_scs_section_size  }
0x9a: {  	s4 =	simm.s32 $_size__tile_overlayer_lowered;
	s5 =	simm.s32 $_tile_overlayer_lowered  }
0x9b: {  	s6 =	simm.s32 $0x1BFF;
	s21 =	sshll.u32 s5, $0x1;
	s3 =	sadd.s32 s20, s19  }
0x9c: {  	s22 =	simm.s32 $0x0;
	s4 =	sshll.u32 s4, $0x1;
	s5 =	sadd.s32 s21, s3  }
0x9d: {  	[timem:s22], [sflag:s6] =	dma.local [hbm:s5], s4  }
0x9e: {  	_ =	swait.ge [sflag:s6], s4  }
0x9f: {  	s4 =	ssub.s32 $0x0, s4;
	[sflag:s6] =	ssyncset.done $0x0  }
0xa0: {  	[sflag:s6] =	ssyncadd.s32 s4;
	_ =	sdelay $0x1  }
0xa1: {  	s23 =	simm.s32 $0x1B8B  }
0xa2: {  	_ =	swait.ge [sflag:s23], $0x1  }
0xa3: {  	[sflag:s23] =	ssyncset.done $0x0  }
0xa4: {  	[sflag:s23] =	ssyncadd.s32 $0xFFFFFFFF  }
0xa5: {  	s4 =	sld [smem:$0x0]  }
0xa6: {  	s5 =	sand.u32 $0xFFFFFFFE, s1  }
0xa7: {  	p0 =	sne.s32 s1, s5  }
0xa8: {  	s5 =	sshll.u32 @p0 s5, $0xE  }
0xa9: {  	s5 =	sadd.s32 @p0 $0x11B8D, s5;
	s6 =	sshll.u32 @p0 s4, $0x11  }
0xaa: {  	s5 =	sor.u32 @p0 s6, s5  }
0xab: {  	[sflag:s5] =	ssyncadd.remote.s32 @p0 $0x1;
	_ =	sdelay $0x1  }
0xac: {  	s5 =	simm.s32 @p0 $0x1B8D  }
0xad: {  	_ =	swait.eq @p0 [sflag:s5], $0x1  }
0xae: {  	[sflag:s5] =	ssyncadd.s32 @p0 $0xFFFFFFFF  }
0xaf: {  	s6 =	sshll.u32 @!p0 s1, $0xE  }
0xb0: {  	s6 =	sor.u32 @!p0 $0x4000, s6;
	s5 =	simm.s32 @!p0 $0x1B8D  }
0xb1: {  	s4 =	sshll.u32 @!p0 s4, $0x11;
	s6 =	sadd.s32 @!p0 $0x11B8D, s6;
	_ =	swait.eq @!p0 [sflag:s5], $0x1  }
0xb2: {  	s4 =	sor.u32 @!p0 s4, s6;
	[sflag:s5] =	ssyncadd.s32 @!p0 $0xFFFFFFFF  }
0xb3: {  	s25 =	simm.s32 $0x1B8E;
	s24 =	sld [smem:$0x3FFE];
	[sflag:s4] =	ssyncadd.remote.s32 @!p0 $0x1  }
0xb4: {  	s26 =	simm.s32 $execute0_lowered;
	[smem:$0x3FD2] =	sst s25  }
0xb5: {  	s5 =	sshll.u32 s26, $0x1;
	_ =	strace $0x80000052;
	[dreg:$0x1] =	wrdreg $0xFFFFFFFF  }
0xb6: {  	s28 =	simm.s32 $_size_execute0_lowered;
	s3 =	sadd.s32 s3, s5;
	[dreg:$0x0] =	wrdreg $0x0  }
0xb7: {  	s5 =	sshll.u32 s28, $0x1;
	[dreg:$0x2] =	wrdreg s3  }
0xb8: {  	[dreg:$0x3] =	wrdreg s5  }
0xb9: {  	[dreg:$0x4] =	wrdreg $0xC0  }
0xba: {  	_ =	task [dreg:s22], $0x5FFFF  }
0xbb: {  	[dreg:$0x1] =	wrdreg $0xFFFFFFFF  }
0xbc: {  	[dreg:$0x0] =	wrdreg $0x60  }
0xbd: {  	[dreg:$0x2] =	wrdreg s24  }
0xbe: {  	[dreg:$0x3] =	wrdreg $0x44000  }
0xbf: {  	[dreg:$0x4] =	wrdreg $0x9  }
0xc0: {  	_ =	task.clear_ibuf [dreg:s22], $0x5FFFF;
	_ =	strace $0x90000052  }
0xc1: {  	s29 =	simm.s32 $0x9;
	_ =	strace $0x80000054  }
0xc2: {  	_ =	swait.ge [sflag:s29], $0x1  }
0xc3: {  	[sflag:s29] =	ssyncadd.s32 $0xFFFFFFFF  }
0xc4: {  	_ =	strace $0x90000054  }
0xc5: {  	_ =	sfence  }
0xc6: {  	s30 =	sld [smem:$0x0];
	_ =	sdelay $0x2  }
0xc7: {  	s31 =	sshll.u32 s1, $0xD;
	s1 =	sshrl.u32 s1, $0x2  }
0xc8: {  	s4 =	sand.u32 $0x4000, s31;
	s1 =	sadd.s32 s1, s30  }
0xc9: {  	s0 =	sor.u32 s4, s0;
	s1 =	sshll.u32 s1, $0x11  }
0xca: {  	s0 =	sor.u32 s1, s0  }
0xcb: {  	s0 =	sadd.s32 $0x8F2B, s0  }
0xcc: {  	[sflag:s0] =	ssyncadd.remote.s32 $0x1  }
0xcd: {  	_ =	sfence.sel $0xFFFF  }
0xce: {  	[dreg:$0x0] =	wrdreg $0xFFFFFFFF;
	(pc) =	sbr.abs _section_cstart, $3  }
0xcf: {  	[dreg:$0x1] =	wrdreg $0xFFFFFFFF  }
0xd0: {  	_ =	task.clear_ibuf [dreg:s22], $0x2FFFF;
	_ =	strace $0x9FFFFFFF  }
0xd1: {  	(tm) =	ssettm $0x7FFFFFFF  }
tec
execute0_lowered:
.L_overlay_start_1:
0x0: {  	(tag) =	ssettag $0x1  }
0x1: {  	s4 =	rddreg [dreg:$0x0]  }
0x2: {  	s2 =	rddreg [dreg:$0x1];
	s1 =	stileid.u32  }
0x3: {  	s5 =	srdreg.scid;
	s6 =	smul.u32 $0x14000, s1  }
0x4: {  	s3 =	simm.s32 $0x0;
	s19 =	simm.s32 $0x40;
	s10 =	smul.u32 $0x50000, s1  }
0x5: {  	s7 =	sand.u32 $0x1, s5;
	[smem:$0x7FF] =	sst s3;
	s17 =	smul.u32 $0x140000, s1  }
0x6: {  	s12 =	sadd.s32 $0x109600, s4;
	s13 =	sadd.s32 $0xE1600, s4;
	s18 =	smul.u32 $0x5000, s1  }
0x7: {  	s24 =	sshll.u32 s1, $0x6;
	s5 =	smul.u32 $0x140000, s7;
	_ =	strace $0x80000053  }
0x8: {  	s21 =	sshll.u32 s7, $0x4;
	s9 =	ssub.s32 $0x2, s7;
	s25 =	smul.u32 $0x1400000, s7  }
0x9: {  	s28 =	smul.u32 $0x50000, s7;
	s8 =	sshrl.u32 s6, $0x3;
	s22 =	sshrl.u32 s9, $0x1  }
0xa: {  	s23 =	sshrl.u32 s10, $0x2;
	s5 =	sadd.s32 s6, s5;
	s20 =	sadd.s32 s8, s4  }
0xb: {  	s8 =	sor.u32 s1, s21;
	s15 =	ssub.s32 s9, s22;
	s16 =	sadd.s32 s23, s2  }
0xc: {  	s29 =	sadd.s32 s17, s25;
	s21 =	simm.s32 $0x300;
	s22 =	simm.s32 $0x380  }
0xd: {  	s23 =	simm.s32 $0x0;
	s5 =	sshrl.u32 s5, $0x3;
	s14 =	smul.u32 $0x5000, s8  }
0xe: {  	s8 =	smul.u32 $0x140000, s8;
	s10 =	smax.u32 s15, $0x1;
	s30 =	sor.u32 $0x6000, s29  }
0xf: {  	s17 =	sor.u32 $0x4000, s29;
	s11 =	sadd.s32 s5, s4;
	s4 =	sadd.s32 $0xF600, s20  }
0x10: {  	s5 =	sor.u32 $0x1C03, s24;
	s15 =	sshrl.u32 s30, $0x3;
	s31 =	sshrl.u32 s17, $0x3  }
0x11: {  	s17 =	simm.s32 $0x2400;
	s20 =	simm.s32 $0x2;
	s26 =	sshrl.u32 s14, $0x3  }
0x12: {  	s8 =	sshrl.u32 s8, $0x3;
	s9 =	sadd.s32 $0x659600, s11;
	s14 =	sadd.s32 s18, s28  }
0x13: {  	s11 =	sadd.s32 s15, s12;
	s15 =	simm.s32 $0x3;
	s18 =	simm.s32 $0x1  }
0x14: {  	s6 =	sadd.s32 s13, s26;
	s7 =	sadd.s32 s12, s8;
	s14 =	sor.u32 $0x100, s14  }
0x15: {  	s12 =	sadd.s32 s31, s12;
	s8 =	sadd.s32 $0x400, s7;
	s14 =	sshrl.u32 s14, $0x3  }
0x16: {  	s13 =	sadd.s32 s14, s13;
	s14 =	sshrl.u32 s16, $0x3;
	s16 =	simm.s32 $0x400  }
.LBB2_1:
0x17: {  	[spmem:s14], [sflag:s5] =	dma.local [hbm:s4], $0x2800  }
0x18: {  	_ =	swait.ge [sflag:s15], $0x2800  }
0x19: {  	[sflag:s15] =	ssyncset.done $0x0  }
0x1a: {  	[sflag:s15] =	ssyncadd.s32 $0xFFFFD800  }
0x1b: {  	[bflag:$0x0] =	sbarrier.arrive $0xFFFF  }
0x1c: {  	[tilespmem:s3], [sflag:$0x3] =	stream.linear.gather [hbm4b:s6+s3], $0x400, $0x38;
	[tilespmem:$0x18400] =	vst v63  }
0x1d: {  	_ =	swait.ge [sflag:s15], $0x400  }
0x1e: {  	[sflag:s15] =	ssyncset.done $0x0  }
0x1f: {  	[sflag:s15] =	ssyncadd.s32 $0xFFFFFC00  }
0x20: {  	[tilespmem:s16], [sflag:$0x1] =	stream.linear.gather [hbm4b:s7+s3], $0x2000, $0x38;
	[tilespmem:$0x18400] =	vst v63  }
0x21: {  	_ = 	snop  }
0x22: {  	[tilespmem:s17], [sflag:$0x2] =	stream.linear.gather [hbm4b:s8+s3], $0x2000, $0x38;
	[tilespmem:$0x18400] =	vst v63  }
0x23: {  	_ =	swait.ge [sflag:s18], $0x2000  }
0x24: {  	s24 =	simm.s32 $0x0;
	[sflag:s18] =	ssyncset.done $0x0  }
0x25: {  	s24 =	sand.u32 $0x300, s24;
	[sflag:s18] =	ssyncadd.s32 $0xFFFFE000  }
0x26: {  	[spmem:s2] =	stream.indirect.scatter.add.f32 [tilespmem:s16], [sflag:$0x3], $0x80, s24, s19, $0xb8;
	[tilespmem:$0x18400] =	vst v63  }
0x27: {  	_ =	swait.ge [sflag:s15], $0x2000  }
0x28: {  	[sflag:s15] =	ssyncset.done $0x0  }
0x29: {  	[sflag:s15] =	ssyncadd.s32 $0xFFFFE000  }
0x2a: {  	_ =	swait.ge [sflag:s20], $0x2000  }
0x2b: {  	[sflag:s20] =	ssyncset.done $0x0  }
0x2c: {  	s24 =	sor.u32 $0x80, s24;
	[sflag:s20] =	ssyncadd.s32 $0xFFFFE000  }
0x2d: {  	[spmem:s2] =	stream.indirect.scatter.add.f32 [tilespmem:s17], [sflag:$0x3], $0x80, s24, s19, $0xb8;
	[tilespmem:$0x18400] =	vst v63  }
0x2e: {  	s31 =	sand.u32 $0x6, s20;
	_ =	swait.ge [sflag:s15], $0x2000  }
0x2f: {  	p0 =	sne.s32 s31, $0x0;
	[sflag:s15] =	ssyncset.done $0x0  }
0x30: {  	s25 =	simm.s32 @!p0 $0x3;
	s24 =	simm.s32 @!p0 $0x0;
	[sflag:s15] =	ssyncadd.s32 $0xFFFFE000  }
0x31: {  	[tilespmem:s24], [sflag:$0x3] =	stream.linear.gather @!p0 [hbm4b:s13+s24], $0x400, $0x38;
	[tilespmem:$0x18400] =	vst v63  }
0x32: {  	s26 =	sadd.s32 $0x800, s11;
	s28 =	sadd.s32 $0x800, s12;
	_ =	swait.ge @!p0 [sflag:s25], $0x400  }
0x33: {  	s29 =	sadd.s32 $0x20, s13;
	s30 =	smov.u32 s11;
	[sflag:s25] =	ssyncset.done @!p0 $0x0  }
0x34: {  	s24 =	simm.s32 $0x4;
	[sflag:s25] =	ssyncadd.s32 @!p0 $0xFFFFFC00;
	s25 =	simm.s32 $0x400  }
0x35: {  	[tilespmem:s16], [sflag:$0x1] =	stream.linear.gather [hbm4b:s12+s3], $0x2000, $0x38;
	[tilespmem:$0x18400] =	vst v63  }
.LBB2_2:
0x36: {  	[tilespmem:s17], [sflag:$0x2] =	stream.linear.gather [hbm4b:s30+s3], $0x2000, $0x38;
	[tilespmem:$0x18400] =	vst v63  }
0x37: {  	s31 =	smov.u32 s24;
	s24 =	sadd.s32 $0x2, s24;
	_ =	swait.ge [sflag:s18], $0x2000  }
0x38: {  	s30 =	sshrl.u32 s25, $0x2;
	p0 =	sne.s32 s24, $0xA0;
	[sflag:s18] =	ssyncset.done $0x0  }
0x39: {  	s0 =	sand.u32 $0x300, s30;
	s30 =	smov.u32 s26;
	[sflag:s18] =	ssyncadd.s32 $0xFFFFE000  }
0x3a: {  	[spmem:s2] =	stream.indirect.scatter.add.f32 [tilespmem:s16], [sflag:$0x3], $0x80, s0, s19, $0xb8;
	[tilespmem:$0x18400] =	vst v63  }
0x3b: {  	_ =	swait.ge [sflag:s15], $0x2000  }
0x3c: {  	[sflag:s15] =	ssyncset.done $0x0  }
0x3d: {  	[sflag:s15] =	ssyncadd.s32 $0xFFFFE000  }
0x3e: {  	_ =	swait.ge [sflag:s20], $0x2000  }
0x3f: {  	[sflag:s20] =	ssyncset.done $0x0  }
0x40: {  	s0 =	sor.u32 $0x80, s0;
	[sflag:s20] =	ssyncadd.s32 $0xFFFFE000  }
0x41: {  	[spmem:s2] =	stream.indirect.scatter.add.f32 [tilespmem:s17], [sflag:$0x3], $0x80, s0, s19, $0xb8;
	[tilespmem:$0x18400] =	vst v63  }
0x42: {  	s0 =	sand.u32 $0x6, s31;
	_ =	swait.ge [sflag:s15], $0x2000  }
0x43: {  	p1 =	sne.s32 s0, $0x0;
	[sflag:s15] =	ssyncset.done $0x0  }
0x44: {  	s0 =	simm.s32 @!p1 $0x0;
	s31 =	simm.s32 @!p1 $0x3;
	[sflag:s15] =	ssyncadd.s32 $0xFFFFE000  }
0x45: {  	[tilespmem:s0], [sflag:$0x3] =	stream.linear.gather @!p1 [hbm4b:s29+s0], $0x400, $0x38;
	[tilespmem:$0x18400] =	vst v63  }
.Ltmp0:
0x46: {  	_ =	swait.ge @!p1 [sflag:s31], $0x400;
	(pc) =	sbr.rel @p0 .LBB2_2-.Ltmp0, $4  }
0x47: {  	[sflag:s31] =	ssyncset.done @!p1 $0x0  }
0x48: {  	s25 =	sadd.s32 $0x400, s25;
	[sflag:s31] =	ssyncadd.s32 @!p1 $0xFFFFFC00  }
0x49: {  	[tilespmem:s16], [sflag:$0x1] =	stream.linear.gather [hbm4b:s28+s3], $0x2000, $0x38;
	[tilespmem:$0x18400] =	vst v63  }
0x4a: {  	s26 =	sadd.s32 $0x800, s26;
	s29 =	sadd.s32 $0x20, s29;
	s28 =	sadd.s32 $0x800, s28  }
0x4b: {  	[tilespmem:s17], [sflag:$0x2] =	stream.linear.gather [hbm4b:s30+s3], $0x2000, $0x38;
	[tilespmem:$0x18400] =	vst v63  }
0x4c: {  	_ =	swait.ge [sflag:s18], $0x2000  }
0x4d: {  	[sflag:s18] =	ssyncset.done $0x0  }
0x4e: {  	[sflag:s18] =	ssyncadd.s32 $0xFFFFE000  }
0x4f: {  	[spmem:s2] =	stream.indirect.scatter.add.f32 [tilespmem:s16], [sflag:$0x3], $0x80, s21, s19, $0xb8;
	[tilespmem:$0x18400] =	vst v63  }
0x50: {  	_ =	swait.ge [sflag:s15], $0x2000  }
0x51: {  	[sflag:s15] =	ssyncset.done $0x0  }
0x52: {  	[sflag:s15] =	ssyncadd.s32 $0xFFFFE000  }
0x53: {  	_ =	swait.ge [sflag:s20], $0x2000  }
0x54: {  	[sflag:s20] =	ssyncset.done $0x0  }
0x55: {  	[sflag:s20] =	ssyncadd.s32 $0xFFFFE000  }
0x56: {  	[spmem:s2] =	stream.indirect.scatter.add.f32 [tilespmem:s17], [sflag:$0x3], $0x80, s22, s19, $0xb8;
	[tilespmem:$0x18400] =	vst v63  }
0x57: {  	_ =	swait.ge [sflag:s15], $0x2000  }
0x58: {  	s23 =	sadd.s32 $0x1, s23;
	[sflag:s15] =	ssyncset.done $0x0  }
0x59: {  	p0 =	sne.s32 s23, s10;
	[sflag:s15] =	ssyncadd.s32 $0xFFFFE000  }
.Ltmp1:
0x5a: {  	[bflag:$0x0] =	sbarrier.arrive $0xFFFF;
	(pc) =	sbr.rel @p0 .LBB2_1-.Ltmp1, $4  }
0x5b: {  	[hbm:s9], [sflag:s5] =	dma.local [spmem:s14], $0x2800  }
0x5c: {  	_ =	swait.ge [sflag:s15], $0x2800  }
0x5d: {  	[sflag:s15] =	ssyncset.done $0x0  }
0x5e: {  	[sflag:s15] =	ssyncadd.s32 $0xFFFFD800  }
0x5f: {  	_ =	sfence.sel $0x180000  }
0x60: {  	[bflag:$0x0] =	sbarrier.arrive $0xFFFF  }
0x61: {  	_ =	strace $0x90000053  }
0x62: {  	[bflag:$0x2] =	sbarrier.arrive $0xFFFF  }
0x63: {  	p0 =	sne.s32 s1, $0x0;
	s0 =	rddreg [dreg:$0x2]  }
0x64: {  	s0 =	sadd.s32 @!p0 $0x100000, s0  }
0x65: {  	[sflag:s0] =	ssyncadd.tile.s32 @!p0 $0x1;
	_ =	shalt  }
.Lfunc_end2:
_tile_overlayer_lowered:
.L_overlay_start_2:
0x66: {  	(tag) =	ssettag $0x2  }
0x67: {  	s0 =	rddreg [dreg:$0x0];
	s2 =	stileid.u32  }
0x68: {  	s1 =	rddreg [dreg:$0x1];
	p0 =	sne.s32 s2, $0x0  }
0x69: {  	s3 =	rddreg [dreg:$0x2];
	[bflag:$0x3] =	sbarrier.arrive $0xFFFF;
	s2 =	simm.s32 @!p0 $0x1C03  }
0x6a: {  	[timem:s3], [sflag:s2] =	dma.local @!p0 [hbm:s0], s1  }
0x6b: {  	s0 =	simm.s32 @!p0 $0x3  }
0x6c: {  	_ =	swait.ge @!p0 [sflag:s0], s1  }
0x6d: {  	s1 =	ssub.s32 @!p0 $0x0, s1;
	[sflag:s0] =	ssyncset.done @!p0 $0x0  }
0x6e: {  	[sflag:s0] =	ssyncadd.s32 @!p0 s1  }
0x6f: {  	[bflag:$0x3] =	sbarrier.arrive $0xFFFF  }
0x70: {  	_ =	shalt  }

// kernel: kernel.24.cloned.1.call-start
scs
__scs_entry_jumppad:
0x0: {  	(pc) =	sbr.rel $0x88, $3  }
0x1: {  	(tag) =	ssettag $0x0;
	lr =	simm.s32 $0x1  }
0x2: {  	[smem:$0x3F8E] =	sst lr;
	_ =	strace $0xD0000000  }
0x3: {  	_ = 	snop  }
0x4: {  	_ = 	snop  }
0x5: {  	_ = 	snop  }
0x6: {  	_ = 	snop  }
0x7: {  	_ = 	snop  }
__scs_overlays_trampoline_lowered:
0x8: {  	[smem:$0x3F9D] =	sst s0  }
0x9: {  	[smem:$0x3F9E] =	sst s1  }
0xa: {  	[smem:$0x3F9F] =	sst s2  }
0xb: {  	[smem:$0x3FA0] =	sst s3  }
0xc: {  	[smem:$0x3FA1] =	sst s4  }
0xd: {  	[smem:$0x3FA2] =	sst s5  }
0xe: {  	[smem:$0x3FA3] =	sst s6  }
0xf: {  	[smem:$0x3FA4] =	sst s7  }
0x10: {  	[smem:$0x3FA5] =	sst s8  }
0x11: {  	[smem:$0x3FA6] =	sst s9;
	s0 =	simm.s32 @!p0 $0x0  }
0x12: {  	s1 =	sld [smem:$0x3F8C];
	s0 =	simm.s32 @p0 $0x1  }
0x13: {  	[smem:$0x3FA7] =	sst s0;
	s0 =	simm.s32 @!p1 $0x0  }
0x14: {  	s2 =	sld [smem:$0x3F8B];
	s0 =	simm.s32 @p1 $0x1  }
0x15: {  	[smem:$0x3FA8] =	sst s0;
	s0 =	simm.s32 @!p2 $0x0  }
0x16: {  	s3 =	sld [smem:$0x3FDB];
	s0 =	simm.s32 @p2 $0x1  }
0x17: {  	s4 =	simm.s32 $0x1BF5;
	[smem:$0x3FAA] =	sst s0  }
0x18: {  	s0 =	sld [smem:$0x3F8D];
	_ =	swait.ge [sflag:s4], $0x0  }
0x19: {  	s7 =	sld [smem:$0x3F8E]  }
0x1a: {  	s8 =	sadd.s32 $0xFFFFE003, lr  }
0x1b: {  	s9 =	sadd.s32 $0xFFFFFEF7, lr;
	s5 =	simm.s32 $0xFFFFFFFF;
	p2 =	slt.u32 s8, $0xFFFFF086  }
0x1c: {  	p1 =	slt.u32 s9, $0xF7A;
	s5 =	simm.s32 @!p2 $0x0  }
0x1d: {  	s5 =	simm.s32 @p1 $0x1;
	p0 =	seq.s32 s7, s2  }
0x1e: {  	s7 =	smul.u32 @!p0 $0xF7A, s2;
	p2 =	seq.s32 @!p0 s5, $0x0  }
0x1f: {  	s9 =	smul.u32 $0xF7A, s1;
	s8 =	simm.s32 @!p0 $0x1BF5;
	p2 =	por !p2, p0  }
0x20: {  	[sflag:s8] =	ssyncset.s32 @!p0 $0xFFFFF086;
	s6 =	sadd.s32 @!p0 s3, s7;
	s7 =	simm.s32 @!p0 $0x108  }
0x21: {  	s3 =	sadd.s32 s3, s9;
	s6 =	sadd.s32 @!p0 $0x88, s6;
	s7 =	simm.s32 @p2 $0x1082  }
0x22: {  	[simem:s7], [sflag:s8] =	dma.local @!p0 [hbm:s6], $0xF7A  }
0x23: {  	s9 =	sor.u32 $0xD0000000, s2;
	s6 =	simm.s32 $0x108;
	_ =	swait.ge @!p0 [sflag:s8], $0x0  }
0x24: {  	s3 =	sadd.s32 $0x88, s3;
	s6 =	simm.s32 @!p1 $0x1082;
	[sflag:s4] =	ssyncset.s32 $0xFFFFF086  }
0x25: {  	[simem:s6], [sflag:s4] =	dma.local [hbm:s3], $0xF7A  }
0x26: {  	[smem:$0x3F8E] =	sst s1;
	(tag) =	ssettag s2;
	_ =	strace s9  }
0x27: {  	s1 =	sld [smem:$0x3F9E]  }
0x28: {  	s2 =	sld [smem:$0x3F9F]  }
0x29: {  	s4 =	sld [smem:$0x3FA1]  }
0x2a: {  	p0 =	seq.s32 s5, $0x0;
	s5 =	sld [smem:$0x3FA2]  }
0x2b: {  	s6 =	sld [smem:$0x3FA3]  }
0x2c: {  	s7 =	sld [smem:$0x3FA4]  }
0x2d: {  	s3 =	simm.s32 $0x108;
	s8 =	sld [smem:$0x3FA5]  }
0x2e: {  	s3 =	simm.s32 @!p0 $0x1082;
	s9 =	sld [smem:$0x3FA6]  }
0x2f: {  	lr =	sadd.s32 s0, s3;
	s0 =	sld [smem:$0x3F9D]  }
0x30: {  	s3 =	sld [smem:$0x3FA0]  }
0x31: {  	[smem:$0x3FA9] =	sst s10  }
0x32: {  	s10 =	sld [smem:$0x3FA7];
	_ =	sdelay $0x3  }
0x33: {  	p0 =	seq.s32 s10, $0x1;
	s10 =	sld [smem:$0x3FA9];
	_ =	sdelay $0x3  }
0x34: {  	[smem:$0x3FA9] =	sst s10  }
0x35: {  	s10 =	sld [smem:$0x3FA8];
	_ =	sdelay $0x3  }
0x36: {  	p1 =	seq.s32 s10, $0x1;
	s10 =	sld [smem:$0x3FA9];
	_ =	sdelay $0x3  }
0x37: {  	[smem:$0x3FA9] =	sst s10  }
0x38: {  	s10 =	sld [smem:$0x3FAA]  }
0x39: {  	_ = 	snop;
	(pc) =	sbr.ind lr, $3  }
0x3a: {  	_ = 	snop  }
0x3b: {  	_ = 	snop  }
0x3c: {  	p2 =	seq.s32 s10, $0x1;
	s10 =	sld [smem:$0x3FA9]  }
0x3d: {  	_ =	shalt  }
0x3e: {  	_ =	shalt  }
0x3f: {  	_ =	shalt  }
0x40: {  	_ =	shalt  }
0x41: {  	_ =	shalt  }
0x42: {  	_ =	shalt  }
0x43: {  	_ =	shalt  }
0x44: {  	_ =	shalt  }
0x45: {  	_ =	shalt  }
0x46: {  	_ =	shalt  }
0x47: {  	_ =	shalt  }
0x48: {  	_ =	shalt  }
0x49: {  	_ =	shalt  }
0x4a: {  	_ =	shalt  }
0x4b: {  	_ =	shalt  }
0x4c: {  	_ =	shalt  }
0x4d: {  	_ =	shalt  }
0x4e: {  	_ =	shalt  }
0x4f: {  	_ =	shalt  }
0x50: {  	_ =	shalt  }
0x51: {  	_ =	shalt  }
0x52: {  	_ =	shalt  }
0x53: {  	_ =	shalt  }
0x54: {  	_ =	shalt  }
0x55: {  	_ =	shalt  }
0x56: {  	_ =	shalt  }
0x57: {  	_ =	shalt  }
0x58: {  	_ =	shalt  }
0x59: {  	_ =	shalt  }
0x5a: {  	_ =	shalt  }
0x5b: {  	_ =	shalt  }
0x5c: {  	_ =	shalt  }
0x5d: {  	_ =	shalt  }
0x5e: {  	_ =	shalt  }
0x5f: {  	_ =	shalt  }
0x60: {  	_ =	shalt  }
0x61: {  	_ =	shalt  }
0x62: {  	_ =	shalt  }
0x63: {  	_ =	shalt  }
0x64: {  	_ =	shalt  }
0x65: {  	_ =	shalt  }
0x66: {  	_ =	shalt  }
0x67: {  	_ =	shalt  }
0x68: {  	_ =	shalt  }
0x69: {  	_ =	shalt  }
0x6a: {  	_ =	shalt  }
0x6b: {  	_ =	shalt  }
0x6c: {  	_ =	shalt  }
0x6d: {  	_ =	shalt  }
0x6e: {  	_ =	shalt  }
0x6f: {  	_ =	shalt  }
0x70: {  	_ =	shalt  }
0x71: {  	_ =	shalt  }
0x72: {  	_ =	shalt  }
0x73: {  	_ =	shalt  }
0x74: {  	_ =	shalt  }
0x75: {  	_ =	shalt  }
0x76: {  	_ =	shalt  }
0x77: {  	_ =	shalt  }
0x78: {  	_ =	shalt  }
0x79: {  	_ =	shalt  }
0x7a: {  	_ =	shalt  }
0x7b: {  	_ =	shalt  }
0x7c: {  	_ =	shalt  }
0x7d: {  	_ =	shalt  }
0x7e: {  	_ =	shalt  }
0x7f: {  	_ =	shalt  }
0x80: {  	_ =	shalt  }
0x81: {  	_ =	shalt  }
0x82: {  	_ =	shalt  }
0x83: {  	_ =	shalt  }
0x84: {  	_ =	shalt  }
0x85: {  	_ =	shalt  }
0x86: {  	_ =	shalt  }
0x87: {  	_ =	shalt  }
.Lfunc_end0:
.L_simem_size_0:
called_computation.4_lowered:
.L_overlay_start_0:
0x88: {  	s2 =	sld [smem:$0x3FD9]  }
0x89: {  	s3 =	sld [smem:$0x3FFE];
	_ =	sdelay $0x1  }
0x8a: {  	s1 =	srdreg.scid  }
0x8b: {  	s0 =	sand.u32 $0x1, s1  }
0x8c: {  	s16 =	sshll.u32 s0, $0xA;
	s2 =	sadd.s32 s3, s2  }
0x8d: {  	s2 =	sadd.s32 s2, s16  }
0x8e: {  	[smem:$0x3FB5] =	sst s2  }
0x8f: {  	_ = 	snop  }
0x90: {  	(tm) =	ssettm $0x1  }
0x91: {  	s17 =	sld [smem:$0x3FFB];
	_ =	sdelay $0x3  }
0x92: {  	_ =	strace s17  }
0x93: {  	s2 =	sld [smem:$0x3FFC];
	_ =	sdelay $0x3  }
0x94: {  	_ =	strace s2  }
0x95: {  	s2 =	sld [smem:$0x3FFD];
	_ =	sdelay $0x3  }
0x96: {  	_ =	strace s2  }
0x97: {  	_ =	strace $0x8FFFFFFF  }
0x98: {  	s18 =	sld [smem:$0x3FDB];
	_ =	sdelay $0x1  }
0x99: {  	s19 =	simm.s32 $_scs_section_size  }
0x9a: {  	s4 =	simm.s32 $_size__tile_overlayer_lowered;
	s5 =	simm.s32 $_tile_overlayer_lowered  }
0x9b: {  	s22 =	simm.s32 $0x1BFF;
	s21 =	sshll.u32 s5, $0x1;
	s2 =	sadd.s32 s19, s18  }
0x9c: {  	s6 =	simm.s32 $0x0;
	s20 =	sshll.u32 s4, $0x1;
	s4 =	sadd.s32 s21, s2  }
0x9d: {  	[timem:s6], [sflag:s22] =	dma.local [hbm:s4], s20  }
0x9e: {  	_ =	swait.ge [sflag:s22], s20  }
0x9f: {  	s3 =	ssub.s32 $0x0, s20;
	[sflag:s22] =	ssyncset.done $0x0  }
0xa0: {  	[sflag:s22] =	ssyncadd.s32 s3;
	_ =	sdelay $0x1  }
0xa1: {  	s23 =	simm.s32 $0x1B8B  }
0xa2: {  	_ =	swait.ge [sflag:s23], $0x1  }
0xa3: {  	[sflag:s23] =	ssyncset.done $0x0  }
0xa4: {  	s25 =	simm.s32 $0x1B8E;
	s24 =	sld [smem:$0x3FFE];
	[sflag:s23] =	ssyncadd.s32 $0xFFFFFFFF  }
0xa5: {  	s26 =	simm.s32 $execute0_lowered;
	[smem:$0x3FD2] =	sst s25  }
0xa6: {  	s4 =	sshll.u32 s26, $0x1;
	_ =	strace $0x8000004F;
	[dreg:$0x1] =	wrdreg $0xFFFFFFFF  }
0xa7: {  	s28 =	simm.s32 $_size_execute0_lowered;
	s2 =	sadd.s32 s2, s4;
	[dreg:$0x0] =	wrdreg $0x0  }
0xa8: {  	s4 =	sshll.u32 s28, $0x1;
	[dreg:$0x2] =	wrdreg s2  }
0xa9: {  	[dreg:$0x3] =	wrdreg s4  }
0xaa: {  	[dreg:$0x4] =	wrdreg $0xC0  }
0xab: {  	_ =	task [dreg:s6], $0x5FFFF  }
0xac: {  	[dreg:$0x1] =	wrdreg $0xFFFFFFFF  }
0xad: {  	[dreg:$0x0] =	wrdreg $0x60  }
0xae: {  	[dreg:$0x2] =	wrdreg s24  }
0xaf: {  	[dreg:$0x3] =	wrdreg $0x88000  }
0xb0: {  	[dreg:$0x4] =	wrdreg $0xA  }
0xb1: {  	_ =	task.clear_ibuf [dreg:s6], $0x5FFFF;
	_ =	strace $0x9000004F  }
0xb2: {  	s29 =	simm.s32 $0xA;
	_ =	strace $0x80000051  }
0xb3: {  	_ =	swait.ge [sflag:s29], $0x1  }
0xb4: {  	[sflag:s29] =	ssyncadd.s32 $0xFFFFFFFF  }
0xb5: {  	_ =	strace $0x90000051  }
0xb6: {  	_ =	sfence  }
0xb7: {  	s30 =	sld [smem:$0x0];
	_ =	sdelay $0x2  }
0xb8: {  	s31 =	sshll.u32 s1, $0xD;
	s1 =	sshrl.u32 s1, $0x2  }
0xb9: {  	s3 =	sand.u32 $0x4000, s31;
	s1 =	sadd.s32 s1, s30  }
0xba: {  	s0 =	sor.u32 s3, s0;
	s1 =	sshll.u32 s1, $0x11  }
0xbb: {  	s0 =	sor.u32 s1, s0  }
0xbc: {  	s0 =	sadd.s32 $0x8F2B, s0  }
0xbd: {  	[sflag:s0] =	ssyncadd.remote.s32 $0x1  }
0xbe: {  	_ =	sfence.sel $0xFFFF  }
0xbf: {  	[dreg:$0x0] =	wrdreg $0xFFFFFFFF;
	(pc) =	sbr.abs _section_cstart, $3  }
0xc0: {  	[dreg:$0x1] =	wrdreg $0xFFFFFFFF  }
0xc1: {  	_ =	task.clear_ibuf [dreg:s6], $0x2FFFF;
	_ =	strace $0x9FFFFFFF  }
0xc2: {  	(tm) =	ssettm $0x7FFFFFFF  }
0xc3: {  	_ =	shalt  }
tec
execute0_lowered:
.L_overlay_start_1:
0x0: {  	(tag) =	ssettag $0x1  }
0x1: {  	s0 =	rddreg [dreg:$0x0]  }
0x2: {  	s2 =	rddreg [dreg:$0x1];
	s3 =	simm.s32 $0x0  }
0x3: {  	s13 =	stileid.u32;
	s1 =	srdreg.scid;
	s19 =	simm.s32 $0x3  }
0x4: {  	s21 =	simm.s32 $0x40;
	s22 =	simm.s32 $0x800;
	s28 =	simm.s32 $0x1  }
0x5: {  	s29 =	simm.s32 $0x2;
	s30 =	simm.s32 $0x0;
	[smem:$0x7FF] =	sst s3  }
0x6: {  	s8 =	smul.u32 $0x14000, s13;
	s1 =	sand.u32 $0x1, s1;
	s4 =	sadd.s32 $0x37600, s0  }
0x7: {  	s5 =	sadd.s32 $0x109600, s0;
	s6 =	sadd.s32 $0xF5600, s0;
	s7 =	sadd.s32 $0xE1600, s0  }
0x8: {  	s11 =	smul.u32 $0x50000, s13;
	s24 =	sshll.u32 s13, $0x6;
	_ =	strace $0x80000050  }
0x9: {  	s9 =	smul.u32 $0x140000, s1;
	s23 =	sshll.u32 s1, $0x4;
	s1 =	ssub.s32 $0x2, s1  }
0xa: {  	s10 =	sshrl.u32 s8, $0x3;
	s12 =	sshrl.u32 s1, $0x1;
	s11 =	sshrl.u32 s11, $0x2  }
0xb: {  	s8 =	sadd.s32 s8, s9;
	s10 =	sadd.s32 s10, s0;
	s9 =	sor.u32 s13, s23  }
0xc: {  	s1 =	ssub.s32 s1, s12;
	s18 =	sadd.s32 s11, s2;
	s8 =	sshrl.u32 s8, $0x3  }
0xd: {  	s11 =	sor.u32 $0x1C03, s24;
	s0 =	sadd.s32 s8, s0;
	s8 =	smul.u32 $0x5000, s9  }
0xe: {  	s23 =	simm.s32 $0x4800;
	s10 =	sadd.s32 $0xF600, s10;
	s9 =	smul.u32 $0x140000, s9  }
.Ltmp0:
0xf: {  	s17 =	smax.u32 s1, $0x1;
	s18 =	sshrl.u32 s18, $0x3;
	(pc) =	sbr.rel .LBB2_1-.Ltmp0, $4  }
0x10: {  	[dreg:$0x3] =	wrdreg s10;
	s16 =	sadd.s32 $0x609600, s0;
	s25 =	sshrl.u32 s8, $0x3  }
0x11: {  	s14 =	sshrl.u32 s9, $0x3;
	s26 =	sadd.s32 s6, s25;
	s31 =	sadd.s32 s7, s25  }
0x12: {  	s14 =	sadd.s32 s5, s14;
	s25 =	simm.s32 $0x2800;
	[dreg:$0x4] =	wrdreg s26  }
0x13: {  	[dreg:$0x5] =	wrdreg s31;
	s15 =	sadd.s32 $0x400, s14;
	s26 =	simm.s32 $0x6800  }
.LBB2_8:
0x14: {  	s30 =	sadd.s32 $0x1, s30  }
0x15: {  	p0 =	sne.s32 s30, s17  }
.Ltmp1:
0x16: {  	[bflag:$0x0] =	sbarrier.arrive $0xFFFF;
	(pc) =	sbr.rel @!p0 .LBB2_9-.Ltmp1, $4  }
0x17: {  	[hbm:s16], [sflag:s11] =	dma.local [spmem:s18], $0x2800  }
0x18: {  	_ =	swait.ge [sflag:s19], $0x2800  }
0x19: {  	[sflag:s19] =	ssyncset.done $0x0  }
0x1a: {  	[sflag:s19] =	ssyncadd.s32 $0xFFFFD800  }
.LBB2_1:
0x1b: {  	s0 =	rddreg [dreg:$0x3]  }
0x1c: {  	[spmem:s18], [sflag:s11] =	dma.local [hbm:s0], $0x2800  }
0x1d: {  	_ =	swait.ge [sflag:s19], $0x2800  }
0x1e: {  	[sflag:s19] =	ssyncset.done $0x0  }
0x1f: {  	[sflag:s19] =	ssyncadd.s32 $0xFFFFD800  }
0x20: {  	[bflag:$0x0] =	sbarrier.arrive $0xFFFF  }
0x21: {  	s13 =	rddreg [dreg:$0x4]  }
0x22: {  	[tilespmem:s3], [sflag:$0x3] =	stream.linear.gather [hbm4b:s13+s3], $0x400, $0x38;
	[tilespmem:$0x1C800] =	vst v63  }
0x23: {  	_ =	swait.ge [sflag:s19], $0x400  }
0x24: {  	[sflag:s19] =	ssyncset.done $0x0  }
0x25: {  	s1 =	simm.s32 $0x400;
	s20 =	rddreg [dreg:$0x5];
	[sflag:s19] =	ssyncadd.s32 $0xFFFFFC00  }
0x26: {  	[tilespmem:s1], [sflag:$0x3] =	stream.linear.gather [hbm4b:s20+s3], $0x400, $0x38;
	[tilespmem:$0x1C800] =	vst v63  }
0x27: {  	_ =	swait.ge [sflag:s19], $0x400  }
0x28: {  	[sflag:s19] =	ssyncset.done $0x0  }
0x29: {  	[sflag:s19] =	ssyncadd.s32 $0xFFFFFC00  }
0x2a: {  	[tilespmem:s22], [sflag:$0x1] =	stream.indirect.gather [hbm4b:s4+s21], $0x80, s3, s21, $0xb8;
	[tilespmem:$0x1C800] =	vst v63  }
0x2b: {  	_ = 	snop  }
0x2c: {  	[tilespmem:s23], [sflag:$0x1] =	stream.linear.gather [hbm4b:s14+s3], $0x2000, $0x38;
	[tilespmem:$0x1C800] =	vst v63  }
0x2d: {  	s24 =	simm.s32 $0x80  }
0x2e: {  	[tilespmem:s25], [sflag:$0x2] =	stream.indirect.gather [hbm4b:s4+s21], $0x80, s24, s21, $0xb8;
	[tilespmem:$0x1C800] =	vst v63  }
0x2f: {  	s31 =	simm.s32 $0x0  }
0x30: {  	[tilespmem:s26], [sflag:$0x2] =	stream.linear.gather [hbm4b:s15+s3], $0x2000, $0x38;
	[tilespmem:$0x1C800] =	vst v63  }
.LBB2_2:
0x31: {  	_ =	swait.ge [sflag:s28], $0x2000  }
0x32: {  	[sflag:s28] =	ssyncset.done $0x0  }
0x33: {  	[sflag:s28] =	ssyncadd.s32 $0xFFFFE000  }
0x34: {  	_ =	swait.ge [sflag:s28], $0x2000  }
0x35: {  	[sflag:s28] =	ssyncset.done $0x0  }
0x36: {  	s1 =	simm.s32 $0x0;
	[sflag:s28] =	ssyncadd.s32 $0xFFFFE000  }
0x37: {  	v1 =	vld [tilespmem:s1+$0x4800]  }
0x38: {  	v2 =	vld [tilespmem:s1+$0x4880]  }
0x39: {  	v5 =	vld [tilespmem:s1+$0x4900]  }
0x3a: {  	v3 =	vld [tilespmem:s1+$0x800]  }
0x3b: {  	v4 =	vld [tilespmem:s1+$0x810]  }
0x3c: {  	v6 =	vld [tilespmem:s1+$0x820]  }
0x3d: {  	v8 =	vld [tilespmem:s1+$0x830];
	v7 =	vbroadcast v1, $0x0  }
0x3e: {  	v9 =	vld [tilespmem:s1+$0x840]  }
0x3f: {  	v10 =	vld [tilespmem:s1+$0x850];
	v12 =	vbroadcast v1, $0x1;
	v3 =	vmul.f32 v7, v3  }
0x40: {  	v11 =	vld [tilespmem:s1+$0x860];
	v4 =	vmul.f32 v4, v7  }
0x41: {  	v6 =	vmul.f32 v6, v12;
	v7 =	vbroadcast v1, $0x2;
	[tilespmem:s1+$0x800] =	vst v3;
	v3 =	vld [tilespmem:s1+$0x870]  }
0x42: {  	v8 =	vmul.f32 v8, v12;
	[tilespmem:s1+$0x810] =	vst v4;
	v4 =	vld [tilespmem:s1+$0x880]  }
0x43: {  	v1 =	vbroadcast v1, $0x3;
	[tilespmem:s1+$0x820] =	vst v6;
	v6 =	vld [tilespmem:s1+$0x890];
	v9 =	vmul.f32 v9, v7  }
0x44: {  	[tilespmem:s1+$0x830] =	vst v8;
	v8 =	vld [tilespmem:s1+$0x8A0];
	v7 =	vmul.f32 v10, v7  }
0x45: {  	v10 =	vmul.f32 v11, v1;
	v11 =	vbroadcast v2, $0x0;
	[tilespmem:s1+$0x840] =	vst v9;
	v9 =	vld [tilespmem:s1+$0x8B0]  }
0x46: {  	[tilespmem:s1+$0x850] =	vst v7;
	v7 =	vld [tilespmem:s1+$0x8C0];
	v1 =	vmul.f32 v3, v1  }
0x47: {  	[tilespmem:s1+$0x860] =	vst v10;
	v10 =	vbroadcast v2, $0x1;
	v3 =	vld [tilespmem:s1+$0x8D0];
	v4 =	vmul.f32 v11, v4  }
0x48: {  	v0 =	vld [tilespmem:s1+$0x4980];
	v6 =	vmul.f32 v6, v11;
	[tilespmem:s1+$0x870] =	vst v1  }
0x49: {  	v8 =	vmul.f32 v8, v10;
	v11 =	vbroadcast v2, $0x2;
	v1 =	vld [tilespmem:s1+$0x8E0];
	[tilespmem:s1+$0x880] =	vst v4  }
0x4a: {  	v4 =	vld [tilespmem:s1+$0x8F0];
	[tilespmem:s1+$0x890] =	vst v6;
	v9 =	vmul.f32 v9, v10  }
0x4b: {  	v6 =	vld [tilespmem:s1+$0x900];
	[tilespmem:s1+$0x8A0] =	vst v8;
	v7 =	vmul.f32 v7, v11  }
0x4c: {  	v2 =	vbroadcast v2, $0x3;
	v8 =	vld [tilespmem:s1+$0x910];
	[tilespmem:s1+$0x8B0] =	vst v9;
	v3 =	vmul.f32 v3, v11  }
0x4d: {  	v9 =	vld [tilespmem:s1+$0x920];
	[tilespmem:s1+$0x8C0] =	vst v7  }
0x4e: {  	v7 =	vld [tilespmem:s1+$0x930];
	v1 =	vmul.f32 v1, v2;
	[tilespmem:s1+$0x8D0] =	vst v3;
	v3 =	vbroadcast v5, $0x0  }
0x4f: {  	v10 =	vld [tilespmem:s1+$0x940];
	v2 =	vmul.f32 v4, v2  }
0x50: {  	v11 =	vbroadcast v5, $0x1;
	[tilespmem:s1+$0x8E0] =	vst v1;
	v1 =	vld [tilespmem:s1+$0x950];
	v4 =	vmul.f32 v3, v6  }
0x51: {  	[tilespmem:s1+$0x8F0] =	vst v2;
	v6 =	vld [tilespmem:s1+$0x960];
	v2 =	vmul.f32 v8, v3  }
0x52: {  	v8 =	vld [tilespmem:s1+$0x970];
	v3 =	vmul.f32 v9, v11;
	v9 =	vbroadcast v5, $0x2;
	[tilespmem:s1+$0x900] =	vst v4  }
0x53: {  	[tilespmem:s1+$0x910] =	vst v2;
	v2 =	vld [tilespmem:s1+$0x980];
	v4 =	vmul.f32 v7, v11  }
0x54: {  	v5 =	vbroadcast v5, $0x3;
	[tilespmem:s1+$0x920] =	vst v3;
	v3 =	vld [tilespmem:s1+$0x990];
	v7 =	vmul.f32 v10, v9  }
0x55: {  	[tilespmem:s1+$0x930] =	vst v4;
	v4 =	vld [tilespmem:s1+$0x9A0];
	v9 =	vmul.f32 v1, v9  }
0x56: {  	[tilespmem:s1+$0x940] =	vst v7;
	v1 =	vld [tilespmem:s1+$0x9B0];
	v7 =	vmul.f32 v6, v5;
	v6 =	vbroadcast v0, $0x0  }
0x57: {  	s0 =	simm.s32 $0x800;
	v8 =	vmul.f32 v8, v5;
	v5 =	vld [tilespmem:s1+$0x9C0];
	[tilespmem:s1+$0x950] =	vst v9  }
.LBB2_3:
0x58: {  	p0 =	sne.s32 s0, $0x7800;
	[tilespmem:s1+$0x960] =	vst v7;
	v2 =	vmul.f32 v6, v2;
	v7 =	vbroadcast v0, $0x1;
	v9 =	vld [tilespmem:s1+$0x9D0]  }
0x59: {  	[tilespmem:s1+$0x970] =	vst v8;
	v3 =	vmul.f32 v3, v6;
	v6 =	vld [tilespmem:s1+$0x9E0]  }
0x5a: {  	s20 =	sshra.s32 s0, $0x2;
	[tilespmem:s1+$0x980] =	vst v2;
	v2 =	vmul.f32 v4, v7;
	v4 =	vbroadcast v0, $0x2;
	v8 =	vld [tilespmem:s1+$0x9F0]  }
0x5b: {  	v10 =	vld [tilespmem:s20+$0x4800];
	[tilespmem:s1+$0x990] =	vst v3;
	v1 =	vmul.f32 v1, v7  }
0x5c: {  	v3 =	vld [tilespmem:s20+$0x4880];
	[tilespmem:s1+$0x9A0] =	vst v2;
	v2 =	vmul.f32 v5, v4;
	v5 =	vbroadcast v0, $0x3  }
0x5d: {  	v7 =	vld [tilespmem:s20+$0x4900];
	[tilespmem:s1+$0x9B0] =	vst v1;
	v1 =	vmul.f32 v9, v4  }
0x5e: {  	v0 =	vld [tilespmem:s20+$0x4980];
	[tilespmem:s1+$0x9C0] =	vst v2;
	v2 =	vmul.f32 v6, v5  }
0x5f: {  	v4 =	vld [tilespmem:s20+$0x800];
	[tilespmem:s1+$0x9D0] =	vst v1;
	v1 =	vmul.f32 v8, v5  }
0x60: {  	v5 =	vld [tilespmem:s20+$0x810];
	[tilespmem:s1+$0x9E0] =	vst v2  }
0x61: {  	v2 =	vld [tilespmem:s20+$0x820];
	[tilespmem:s1+$0x9F0] =	vst v1;
	s1 =	smov.u32 s20  }
0x62: {  	v1 =	vbroadcast v10, $0x0;
	v6 =	vld [tilespmem:s1+$0x830]  }
0x63: {  	v8 =	vld [tilespmem:s1+$0x840]  }
0x64: {  	v9 =	vbroadcast v10, $0x1;
	v4 =	vmul.f32 v1, v4;
	v11 =	vld [tilespmem:s1+$0x850]  }
0x65: {  	v1 =	vmul.f32 v5, v1;
	v5 =	vld [tilespmem:s1+$0x860]  }
0x66: {  	[tilespmem:s1+$0x800] =	vst v4;
	v2 =	vmul.f32 v2, v9;
	v4 =	vbroadcast v10, $0x2;
	v12 =	vld [tilespmem:s1+$0x870]  }
0x67: {  	[tilespmem:s1+$0x810] =	vst v1;
	v1 =	vmul.f32 v6, v9;
	v6 =	vld [tilespmem:s1+$0x880]  }
0x68: {  	[tilespmem:s1+$0x820] =	vst v2;
	v2 =	vmul.f32 v8, v4;
	v8 =	vbroadcast v10, $0x3;
	v9 =	vld [tilespmem:s1+$0x890]  }
0x69: {  	[tilespmem:s1+$0x830] =	vst v1;
	v1 =	vmul.f32 v11, v4;
	v4 =	vld [tilespmem:s1+$0x8A0]  }
0x6a: {  	[tilespmem:s1+$0x840] =	vst v2;
	v2 =	vmul.f32 v5, v8;
	v5 =	vbroadcast v3, $0x0;
	v10 =	vld [tilespmem:s1+$0x8B0]  }
0x6b: {  	[tilespmem:s1+$0x850] =	vst v1;
	v1 =	vmul.f32 v12, v8;
	v8 =	vld [tilespmem:s1+$0x8C0]  }
0x6c: {  	[tilespmem:s1+$0x860] =	vst v2;
	v2 =	vmul.f32 v5, v6;
	v6 =	vbroadcast v3, $0x1;
	v11 =	vld [tilespmem:s1+$0x8D0]  }
0x6d: {  	[tilespmem:s1+$0x870] =	vst v1;
	v1 =	vmul.f32 v9, v5;
	v5 =	vld [tilespmem:s1+$0x8E0]  }
0x6e: {  	[tilespmem:s1+$0x880] =	vst v2;
	v2 =	vmul.f32 v4, v6;
	v4 =	vbroadcast v3, $0x2;
	v9 =	vld [tilespmem:s1+$0x8F0]  }
0x6f: {  	[tilespmem:s1+$0x890] =	vst v1;
	v1 =	vmul.f32 v10, v6;
	v6 =	vld [tilespmem:s1+$0x900]  }
0x70: {  	v3 =	vbroadcast v3, $0x3;
	[tilespmem:s1+$0x8A0] =	vst v2;
	v2 =	vmul.f32 v8, v4;
	v8 =	vld [tilespmem:s1+$0x910]  }
0x71: {  	[tilespmem:s1+$0x8B0] =	vst v1;
	v1 =	vmul.f32 v11, v4;
	v4 =	vld [tilespmem:s1+$0x920]  }
0x72: {  	[tilespmem:s1+$0x8C0] =	vst v2;
	v2 =	vmul.f32 v5, v3;
	v5 =	vbroadcast v7, $0x0;
	v10 =	vld [tilespmem:s1+$0x930]  }
0x73: {  	[tilespmem:s1+$0x8D0] =	vst v1;
	v1 =	vmul.f32 v9, v3;
	v3 =	vld [tilespmem:s1+$0x940]  }
0x74: {  	[tilespmem:s1+$0x8E0] =	vst v2;
	v2 =	vmul.f32 v5, v6;
	v6 =	vbroadcast v7, $0x1;
	v9 =	vld [tilespmem:s1+$0x950]  }
0x75: {  	[tilespmem:s1+$0x8F0] =	vst v1;
	v1 =	vmul.f32 v8, v5;
	v5 =	vld [tilespmem:s1+$0x960]  }
0x76: {  	v8 =	vbroadcast v7, $0x2;
	[tilespmem:s1+$0x900] =	vst v2;
	v4 =	vmul.f32 v4, v6;
	v11 =	vld [tilespmem:s1+$0x970]  }
.Ltmp2:
0x77: {  	[tilespmem:s1+$0x910] =	vst v1;
	v1 =	vmul.f32 v10, v6;
	v2 =	vld [tilespmem:s1+$0x980];
	(pc) =	sbr.rel @p0 .LBB2_3-.Ltmp2, $4  }
0x78: {  	v10 =	vbroadcast v7, $0x3;
	[tilespmem:s1+$0x920] =	vst v4;
	v6 =	vmul.f32 v3, v8;
	v3 =	vld [tilespmem:s1+$0x990]  }
0x79: {  	[tilespmem:s1+$0x930] =	vst v1;
	v8 =	vmul.f32 v9, v8;
	v4 =	vld [tilespmem:s1+$0x9A0]  }
0x7a: {  	[tilespmem:s1+$0x940] =	vst v6;
	v7 =	vmul.f32 v5, v10;
	v6 =	vbroadcast v0, $0x0;
	v1 =	vld [tilespmem:s1+$0x9B0]  }
0x7b: {  	s0 =	sadd.s32 $0x800, s0;
	[tilespmem:s1+$0x950] =	vst v8;
	v8 =	vmul.f32 v11, v10;
	v5 =	vld [tilespmem:s1+$0x9C0]  }
0x7c: {  	[tilespmem:s1+$0x960] =	vst v7  }
0x7d: {  	v7 =	vld [tilespmem:s1+$0x9D0];
	v2 =	vmul.f32 v6, v2;
	[tilespmem:s1+$0x970] =	vst v8;
	v8 =	vbroadcast v0, $0x1  }
0x7e: {  	v9 =	vld [tilespmem:s1+$0x9E0];
	v3 =	vmul.f32 v3, v6  }
0x7f: {  	v6 =	vld [tilespmem:s1+$0x9F0];
	[tilespmem:s1+$0x980] =	vst v2;
	v2 =	vmul.f32 v4, v8;
	v4 =	vbroadcast v0, $0x2  }
0x80: {  	[tilespmem:s1+$0x990] =	vst v3;
	v1 =	vmul.f32 v1, v8  }
0x81: {  	v0 =	vbroadcast v0, $0x3;
	[tilespmem:s1+$0x9A0] =	vst v2;
	v2 =	vmul.f32 v5, v4  }
0x82: {  	[tilespmem:s1+$0x9B0] =	vst v1;
	v1 =	vmul.f32 v7, v4  }
0x83: {  	[tilespmem:s1+$0x9C0] =	vst v2;
	v2 =	vmul.f32 v9, v0  }
0x84: {  	s0 =	sshll.u32 s31, $0x8;
	[tilespmem:s1+$0x9D0] =	vst v1;
	v0 =	vmul.f32 v6, v0  }
0x85: {  	s0 =	sand.u32 $0x300, s0;
	[tilespmem:s1+$0x9E0] =	vst v2  }
0x86: {  	s24 =	sor.u32 $0x400, s0;
	[tilespmem:s1+$0x9F0] =	vst v0  }
0x87: {  	[spmem:s2] =	stream.indirect.scatter.add.f32 [tilespmem:s22], [sflag:$0x3], $0x80, s24, s21, $0xb8;
	[tilespmem:$0x1C800] =	vst v63  }
0x88: {  	_ =	swait.ge [sflag:s19], $0x2000  }
0x89: {  	[sflag:s19] =	ssyncset.done $0x0  }
0x8a: {  	[sflag:s19] =	ssyncadd.s32 $0xFFFFE000  }
0x8b: {  	_ =	swait.ge [sflag:s29], $0x2000  }
0x8c: {  	[sflag:s29] =	ssyncset.done $0x0  }
0x8d: {  	[sflag:s29] =	ssyncadd.s32 $0xFFFFE000  }
0x8e: {  	_ =	swait.ge [sflag:s29], $0x2000  }
0x8f: {  	[sflag:s29] =	ssyncset.done $0x0  }
0x90: {  	s1 =	simm.s32 $0x0;
	[sflag:s29] =	ssyncadd.s32 $0xFFFFE000  }
0x91: {  	v1 =	vld [tilespmem:s1+$0x6800]  }
0x92: {  	v2 =	vld [tilespmem:s1+$0x6880]  }
0x93: {  	v5 =	vld [tilespmem:s1+$0x6900]  }
0x94: {  	v3 =	vld [tilespmem:s1+$0x2800]  }
0x95: {  	v4 =	vld [tilespmem:s1+$0x2810]  }
0x96: {  	v6 =	vld [tilespmem:s1+$0x2820]  }
0x97: {  	v8 =	vld [tilespmem:s1+$0x2830];
	v7 =	vbroadcast v1, $0x0  }
0x98: {  	v9 =	vld [tilespmem:s1+$0x2840]  }
0x99: {  	v10 =	vld [tilespmem:s1+$0x2850];
	v12 =	vbroadcast v1, $0x1;
	v3 =	vmul.f32 v7, v3  }
0x9a: {  	v11 =	vld [tilespmem:s1+$0x2860];
	v4 =	vmul.f32 v4, v7  }
0x9b: {  	v6 =	vmul.f32 v6, v12;
	v7 =	vbroadcast v1, $0x2;
	[tilespmem:s1+$0x2800] =	vst v3;
	v3 =	vld [tilespmem:s1+$0x2870]  }
0x9c: {  	v8 =	vmul.f32 v8, v12;
	[tilespmem:s1+$0x2810] =	vst v4;
	v4 =	vld [tilespmem:s1+$0x2880]  }
0x9d: {  	v1 =	vbroadcast v1, $0x3;
	[tilespmem:s1+$0x2820] =	vst v6;
	v6 =	vld [tilespmem:s1+$0x2890];
	v9 =	vmul.f32 v9, v7  }
0x9e: {  	[tilespmem:s1+$0x2830] =	vst v8;
	v8 =	vld [tilespmem:s1+$0x28A0];
	v7 =	vmul.f32 v10, v7  }
0x9f: {  	v10 =	vmul.f32 v11, v1;
	v11 =	vbroadcast v2, $0x0;
	[tilespmem:s1+$0x2840] =	vst v9;
	v9 =	vld [tilespmem:s1+$0x28B0]  }
0xa0: {  	[tilespmem:s1+$0x2850] =	vst v7;
	v7 =	vld [tilespmem:s1+$0x28C0];
	v1 =	vmul.f32 v3, v1  }
0xa1: {  	[tilespmem:s1+$0x2860] =	vst v10;
	v10 =	vbroadcast v2, $0x1;
	v3 =	vld [tilespmem:s1+$0x28D0];
	v4 =	vmul.f32 v11, v4  }
0xa2: {  	v0 =	vld [tilespmem:s1+$0x6980];
	v6 =	vmul.f32 v6, v11;
	[tilespmem:s1+$0x2870] =	vst v1  }
0xa3: {  	v8 =	vmul.f32 v8, v10;
	v11 =	vbroadcast v2, $0x2;
	v1 =	vld [tilespmem:s1+$0x28E0];
	[tilespmem:s1+$0x2880] =	vst v4  }
0xa4: {  	v4 =	vld [tilespmem:s1+$0x28F0];
	[tilespmem:s1+$0x2890] =	vst v6;
	v9 =	vmul.f32 v9, v10  }
0xa5: {  	v6 =	vld [tilespmem:s1+$0x2900];
	[tilespmem:s1+$0x28A0] =	vst v8;
	v7 =	vmul.f32 v7, v11  }
0xa6: {  	v2 =	vbroadcast v2, $0x3;
	v8 =	vld [tilespmem:s1+$0x2910];
	[tilespmem:s1+$0x28B0] =	vst v9;
	v3 =	vmul.f32 v3, v11  }
0xa7: {  	v9 =	vld [tilespmem:s1+$0x2920];
	[tilespmem:s1+$0x28C0] =	vst v7  }
0xa8: {  	v7 =	vld [tilespmem:s1+$0x2930];
	v1 =	vmul.f32 v1, v2;
	[tilespmem:s1+$0x28D0] =	vst v3;
	v3 =	vbroadcast v5, $0x0  }
0xa9: {  	v10 =	vld [tilespmem:s1+$0x2940];
	v2 =	vmul.f32 v4, v2  }
0xaa: {  	v11 =	vbroadcast v5, $0x1;
	[tilespmem:s1+$0x28E0] =	vst v1;
	v1 =	vld [tilespmem:s1+$0x2950];
	v4 =	vmul.f32 v3, v6  }
0xab: {  	[tilespmem:s1+$0x28F0] =	vst v2;
	v6 =	vld [tilespmem:s1+$0x2960];
	v2 =	vmul.f32 v8, v3  }
0xac: {  	v8 =	vld [tilespmem:s1+$0x2970];
	v3 =	vmul.f32 v9, v11;
	v9 =	vbroadcast v5, $0x2;
	[tilespmem:s1+$0x2900] =	vst v4  }
0xad: {  	[tilespmem:s1+$0x2910] =	vst v2;
	v2 =	vld [tilespmem:s1+$0x2980];
	v4 =	vmul.f32 v7, v11  }
0xae: {  	v5 =	vbroadcast v5, $0x3;
	[tilespmem:s1+$0x2920] =	vst v3;
	v3 =	vld [tilespmem:s1+$0x2990];
	v7 =	vmul.f32 v10, v9  }
0xaf: {  	[tilespmem:s1+$0x2930] =	vst v4;
	v4 =	vld [tilespmem:s1+$0x29A0];
	v9 =	vmul.f32 v1, v9  }
0xb0: {  	[tilespmem:s1+$0x2940] =	vst v7;
	v1 =	vld [tilespmem:s1+$0x29B0];
	v7 =	vmul.f32 v6, v5;
	v6 =	vbroadcast v0, $0x0  }
0xb1: {  	s20 =	simm.s32 $0x800;
	v8 =	vmul.f32 v8, v5;
	v5 =	vld [tilespmem:s1+$0x29C0];
	[tilespmem:s1+$0x2950] =	vst v9  }
.LBB2_5:
0xb2: {  	p0 =	sne.s32 s20, $0x7800;
	[tilespmem:s1+$0x2960] =	vst v7;
	v2 =	vmul.f32 v6, v2;
	v7 =	vbroadcast v0, $0x1;
	v9 =	vld [tilespmem:s1+$0x29D0]  }
0xb3: {  	[tilespmem:s1+$0x2970] =	vst v8;
	v3 =	vmul.f32 v3, v6;
	v6 =	vld [tilespmem:s1+$0x29E0]  }
0xb4: {  	s24 =	sshra.s32 s20, $0x2;
	[tilespmem:s1+$0x2980] =	vst v2;
	v2 =	vmul.f32 v4, v7;
	v4 =	vbroadcast v0, $0x2;
	v8 =	vld [tilespmem:s1+$0x29F0]  }
0xb5: {  	v10 =	vld [tilespmem:s24+$0x6800];
	[tilespmem:s1+$0x2990] =	vst v3;
	v1 =	vmul.f32 v1, v7  }
0xb6: {  	v3 =	vld [tilespmem:s24+$0x6880];
	[tilespmem:s1+$0x29A0] =	vst v2;
	v2 =	vmul.f32 v5, v4;
	v5 =	vbroadcast v0, $0x3  }
0xb7: {  	v7 =	vld [tilespmem:s24+$0x6900];
	[tilespmem:s1+$0x29B0] =	vst v1;
	v1 =	vmul.f32 v9, v4  }
0xb8: {  	v0 =	vld [tilespmem:s24+$0x6980];
	[tilespmem:s1+$0x29C0] =	vst v2;
	v2 =	vmul.f32 v6, v5  }
0xb9: {  	v4 =	vld [tilespmem:s24+$0x2800];
	[tilespmem:s1+$0x29D0] =	vst v1;
	v1 =	vmul.f32 v8, v5  }
0xba: {  	v5 =	vld [tilespmem:s24+$0x2810];
	[tilespmem:s1+$0x29E0] =	vst v2  }
0xbb: {  	v2 =	vld [tilespmem:s24+$0x2820];
	[tilespmem:s1+$0x29F0] =	vst v1;
	s1 =	smov.u32 s24  }
0xbc: {  	v1 =	vbroadcast v10, $0x0;
	v6 =	vld [tilespmem:s1+$0x2830]  }
0xbd: {  	v8 =	vld [tilespmem:s1+$0x2840]  }
0xbe: {  	v9 =	vbroadcast v10, $0x1;
	v4 =	vmul.f32 v1, v4;
	v11 =	vld [tilespmem:s1+$0x2850]  }
0xbf: {  	v1 =	vmul.f32 v5, v1;
	v5 =	vld [tilespmem:s1+$0x2860]  }
0xc0: {  	[tilespmem:s1+$0x2800] =	vst v4;
	v2 =	vmul.f32 v2, v9;
	v4 =	vbroadcast v10, $0x2;
	v12 =	vld [tilespmem:s1+$0x2870]  }
0xc1: {  	[tilespmem:s1+$0x2810] =	vst v1;
	v1 =	vmul.f32 v6, v9;
	v6 =	vld [tilespmem:s1+$0x2880]  }
0xc2: {  	[tilespmem:s1+$0x2820] =	vst v2;
	v2 =	vmul.f32 v8, v4;
	v8 =	vbroadcast v10, $0x3;
	v9 =	vld [tilespmem:s1+$0x2890]  }
0xc3: {  	[tilespmem:s1+$0x2830] =	vst v1;
	v1 =	vmul.f32 v11, v4;
	v4 =	vld [tilespmem:s1+$0x28A0]  }
0xc4: {  	[tilespmem:s1+$0x2840] =	vst v2;
	v2 =	vmul.f32 v5, v8;
	v5 =	vbroadcast v3, $0x0;
	v10 =	vld [tilespmem:s1+$0x28B0]  }
0xc5: {  	[tilespmem:s1+$0x2850] =	vst v1;
	v1 =	vmul.f32 v12, v8;
	v8 =	vld [tilespmem:s1+$0x28C0]  }
0xc6: {  	[tilespmem:s1+$0x2860] =	vst v2;
	v2 =	vmul.f32 v5, v6;
	v6 =	vbroadcast v3, $0x1;
	v11 =	vld [tilespmem:s1+$0x28D0]  }
0xc7: {  	[tilespmem:s1+$0x2870] =	vst v1;
	v1 =	vmul.f32 v9, v5;
	v5 =	vld [tilespmem:s1+$0x28E0]  }
0xc8: {  	[tilespmem:s1+$0x2880] =	vst v2;
	v2 =	vmul.f32 v4, v6;
	v4 =	vbroadcast v3, $0x2;
	v9 =	vld [tilespmem:s1+$0x28F0]  }
0xc9: {  	[tilespmem:s1+$0x2890] =	vst v1;
	v1 =	vmul.f32 v10, v6;
	v6 =	vld [tilespmem:s1+$0x2900]  }
0xca: {  	v3 =	vbroadcast v3, $0x3;
	[tilespmem:s1+$0x28A0] =	vst v2;
	v2 =	vmul.f32 v8, v4;
	v8 =	vld [tilespmem:s1+$0x2910]  }
0xcb: {  	[tilespmem:s1+$0x28B0] =	vst v1;
	v1 =	vmul.f32 v11, v4;
	v4 =	vld [tilespmem:s1+$0x2920]  }
0xcc: {  	[tilespmem:s1+$0x28C0] =	vst v2;
	v2 =	vmul.f32 v5, v3;
	v5 =	vbroadcast v7, $0x0;
	v10 =	vld [tilespmem:s1+$0x2930]  }
0xcd: {  	[tilespmem:s1+$0x28D0] =	vst v1;
	v1 =	vmul.f32 v9, v3;
	v3 =	vld [tilespmem:s1+$0x2940]  }
0xce: {  	[tilespmem:s1+$0x28E0] =	vst v2;
	v2 =	vmul.f32 v5, v6;
	v6 =	vbroadcast v7, $0x1;
	v9 =	vld [tilespmem:s1+$0x2950]  }
0xcf: {  	[tilespmem:s1+$0x28F0] =	vst v1;
	v1 =	vmul.f32 v8, v5;
	v5 =	vld [tilespmem:s1+$0x2960]  }
0xd0: {  	v8 =	vbroadcast v7, $0x2;
	[tilespmem:s1+$0x2900] =	vst v2;
	v4 =	vmul.f32 v4, v6;
	v11 =	vld [tilespmem:s1+$0x2970]  }
.Ltmp3:
0xd1: {  	[tilespmem:s1+$0x2910] =	vst v1;
	v1 =	vmul.f32 v10, v6;
	v2 =	vld [tilespmem:s1+$0x2980];
	(pc) =	sbr.rel @p0 .LBB2_5-.Ltmp3, $4  }
0xd2: {  	v10 =	vbroadcast v7, $0x3;
	[tilespmem:s1+$0x2920] =	vst v4;
	v6 =	vmul.f32 v3, v8;
	v3 =	vld [tilespmem:s1+$0x2990]  }
0xd3: {  	[tilespmem:s1+$0x2930] =	vst v1;
	v8 =	vmul.f32 v9, v8;
	v4 =	vld [tilespmem:s1+$0x29A0]  }
0xd4: {  	[tilespmem:s1+$0x2940] =	vst v6;
	v7 =	vmul.f32 v5, v10;
	v6 =	vbroadcast v0, $0x0;
	v1 =	vld [tilespmem:s1+$0x29B0]  }
0xd5: {  	s20 =	sadd.s32 $0x800, s20;
	[tilespmem:s1+$0x2950] =	vst v8;
	v8 =	vmul.f32 v11, v10;
	v5 =	vld [tilespmem:s1+$0x29C0]  }
0xd6: {  	[tilespmem:s1+$0x2960] =	vst v7;
	v55 =	vld [tilespmem:s1+$0x29D0];
	v2 =	vmul.f32 v6, v2;
	v56 =	vbroadcast v0, $0x1  }
0xd7: {  	v9 =	vld [tilespmem:s1+$0x29E0];
	[tilespmem:s1+$0x2970] =	vst v8;
	v3 =	vmul.f32 v3, v6  }
0xd8: {  	v58 =	vbroadcast v0, $0x2;
	v59 =	vld [tilespmem:s1+$0x29F0];
	[tilespmem:s1+$0x2980] =	vst v2;
	v57 =	vmul.f32 v4, v56  }
0xd9: {  	[tilespmem:s1+$0x2990] =	vst v3;
	v1 =	vmul.f32 v1, v56  }
0xda: {  	v61 =	vbroadcast v0, $0x3;
	[tilespmem:s1+$0x29A0] =	vst v57;
	v60 =	vmul.f32 v5, v58  }
0xdb: {  	[tilespmem:s1+$0x29B0] =	vst v1;
	v62 =	vmul.f32 v55, v58  }
0xdc: {  	v63 =	vmul.f32 v9, v61;
	[tilespmem:s1+$0x29C0] =	vst v60  }
0xdd: {  	v0 =	vmul.f32 v59, v61;
	[tilespmem:s1+$0x29D0] =	vst v62  }
0xde: {  	p0 =	seq.s32 s31, $0x4F;
	[tilespmem:s1+$0x29E0] =	vst v63  }
.Ltmp4:
0xdf: {  	s0 =	sadd.s32 $0x480, s0;
	[tilespmem:s1+$0x29F0] =	vst v0;
	(pc) =	sbr.rel @p0 .LBB2_8-.Ltmp4, $4  }
0xe0: {  	[spmem:s2] =	stream.indirect.scatter.add.f32 [tilespmem:s25], [sflag:$0x3], $0x80, s0, s21, $0xb8;
	[tilespmem:$0x1C800] =	vst v63  }
0xe1: {  	_ =	swait.ge [sflag:s19], $0x2000  }
0xe2: {  	[sflag:s19] =	ssyncset.done $0x0  }
0xe3: {  	[sflag:s19] =	ssyncadd.s32 $0xFFFFE000  }
0xe4: {  	s0 =	sshll.u32 s31, $0x1  }
0xe5: {  	s1 =	sadd.s32 $0x2, s0  }
0xe6: {  	s20 =	sand.u32 $0x6, s1  }
0xe7: {  	p0 =	sne.s32 s20, $0x0  }
0xe8: {  	s24 =	sshll.u32 @!p0 s1, $0x7  }
0xe9: {  	s24 =	sadd.s32 @!p0 s8, s24  }
0xea: {  	s24 =	sshrl.u32 @!p0 s24, $0x3  }
0xeb: {  	s12 =	simm.s32 @!p0 $0x0;
	s10 =	sadd.s32 @!p0 s6, s24  }
0xec: {  	[tilespmem:s12], [sflag:$0x3] =	stream.linear.gather @!p0 [hbm4b:s10+s12], $0x400, $0x38;
	[tilespmem:$0x1C800] =	vst v63  }
0xed: {  	s10 =	simm.s32 @!p0 $0x3  }
0xee: {  	_ =	swait.ge @!p0 [sflag:s10], $0x400  }
0xef: {  	[sflag:s10] =	ssyncset.done @!p0 $0x0  }
0xf0: {  	s13 =	simm.s32 @!p0 $0x400;
	s24 =	sadd.s32 @!p0 s7, s24;
	[sflag:s10] =	ssyncadd.s32 @!p0 $0xFFFFFC00  }
0xf1: {  	[tilespmem:s13], [sflag:$0x3] =	stream.linear.gather @!p0 [hbm4b:s24+s12], $0x400, $0x38;
	[tilespmem:$0x1C800] =	vst v63  }
0xf2: {  	s1 =	sshll.u32 s1, $0xD;
	_ =	swait.ge @!p0 [sflag:s10], $0x400  }
0xf3: {  	s0 =	sadd.s32 $0x3, s0;
	s1 =	sadd.s32 s9, s1;
	[sflag:s10] =	ssyncset.done @!p0 $0x0  }
0xf4: {  	s20 =	sshll.u32 s20, $0x7;
	s1 =	sshrl.u32 s1, $0x3;
	[sflag:s10] =	ssyncadd.s32 @!p0 $0xFFFFFC00  }
0xf5: {  	[tilespmem:s22], [sflag:$0x1] =	stream.indirect.gather [hbm4b:s4+s21], $0x80, s20, s21, $0xb8;
	[tilespmem:$0x1C800] =	vst v63  }
0xf6: {  	s1 =	sadd.s32 s5, s1;
	s24 =	sshll.u32 s0, $0x7;
	s0 =	sshll.u32 s0, $0xD  }
0xf7: {  	[tilespmem:s23], [sflag:$0x1] =	stream.linear.gather [hbm4b:s1+s3], $0x2000, $0x38;
	[tilespmem:$0x1C800] =	vst v63  }
.Ltmp5:
0xf8: {  	s0 =	sadd.s32 s9, s0;
	(pc) =	sbr.rel .LBB2_2-.Ltmp5, $4  }
0xf9: {  	s0 =	sshrl.u32 s0, $0x3;
	s1 =	sand.u32 $0x380, s24  }
0xfa: {  	[tilespmem:s25], [sflag:$0x2] =	stream.indirect.gather [hbm4b:s4+s21], $0x80, s1, s21, $0xb8;
	[tilespmem:$0x1C800] =	vst v63  }
0xfb: {  	s31 =	sadd.s32 $0x1, s31;
	s0 =	sadd.s32 s5, s0  }
0xfc: {  	[tilespmem:s26], [sflag:$0x2] =	stream.linear.gather [hbm4b:s0+s3], $0x2000, $0x38;
	[tilespmem:$0x1C800] =	vst v63  }
.LBB2_9:
0xfd: {  	_ =	sfence.sel $0x180000  }
0xfe: {  	[bflag:$0x0] =	sbarrier.arrive $0xFFFF  }
0xff: {  	_ =	strace $0x90000050  }
0x100: {  	s0 =	stileid.u32;
	[bflag:$0x2] =	sbarrier.arrive $0xFFFF  }
0x101: {  	p0 =	sne.s32 s0, $0x0;
	s0 =	rddreg [dreg:$0x2]  }
0x102: {  	s0 =	sadd.s32 @!p0 $0x100000, s0  }
0x103: {  	[sflag:s0] =	ssyncadd.tile.s32 @!p0 $0x1;
	_ =	shalt  }
.Lfunc_end2:
_tile_overlayer_lowered:
.L_overlay_start_2:
0x104: {  	(tag) =	ssettag $0x2  }
0x105: {  	s0 =	rddreg [dreg:$0x0];
	s2 =	stileid.u32  }
0x106: {  	s1 =	rddreg [dreg:$0x1];
	p0 =	sne.s32 s2, $0x0  }
0x107: {  	s3 =	rddreg [dreg:$0x2];
	[bflag:$0x3] =	sbarrier.arrive $0xFFFF;
	s2 =	simm.s32 @!p0 $0x1C03  }
0x108: {  	[timem:s3], [sflag:s2] =	dma.local @!p0 [hbm:s0], s1  }
0x109: {  	s0 =	simm.s32 @!p0 $0x3  }
0x10a: {  	_ =	swait.ge @!p0 [sflag:s0], s1  }
0x10b: {  	s1 =	ssub.s32 @!p0 $0x0, s1;
	[sflag:s0] =	ssyncset.done @!p0 $0x0  }
0x10c: {  	[sflag:s0] =	ssyncadd.s32 @!p0 s1  }
0x10d: {  	[bflag:$0x3] =	sbarrier.arrive $0xFFFF  }
0x10e: {  	_ =	shalt  }

// kernel: kernel.27.cloned.1.call-start
scs
__scs_entry_jumppad:
0x0: {  	(pc) =	sbr.rel $0x88, $3  }
0x1: {  	(tag) =	ssettag $0x0;
	lr =	simm.s32 $0x1  }
0x2: {  	[smem:$0x3F8E] =	sst lr;
	_ =	strace $0xD0000000  }
0x3: {  	_ = 	snop  }
0x4: {  	_ = 	snop  }
0x5: {  	_ = 	snop  }
0x6: {  	_ = 	snop  }
0x7: {  	_ = 	snop  }
__scs_overlays_trampoline_lowered:
0x8: {  	[smem:$0x3F9D] =	sst s0  }
0x9: {  	[smem:$0x3F9E] =	sst s1  }
0xa: {  	[smem:$0x3F9F] =	sst s2  }
0xb: {  	[smem:$0x3FA0] =	sst s3  }
0xc: {  	[smem:$0x3FA1] =	sst s4  }
0xd: {  	[smem:$0x3FA2] =	sst s5  }
0xe: {  	[smem:$0x3FA3] =	sst s6  }
0xf: {  	[smem:$0x3FA4] =	sst s7  }
0x10: {  	[smem:$0x3FA5] =	sst s8  }
0x11: {  	[smem:$0x3FA6] =	sst s9;
	s0 =	simm.s32 @!p0 $0x0  }
0x12: {  	s1 =	sld [smem:$0x3F8C];
	s0 =	simm.s32 @p0 $0x1  }
0x13: {  	[smem:$0x3FA7] =	sst s0;
	s0 =	simm.s32 @!p1 $0x0  }
0x14: {  	s2 =	sld [smem:$0x3F8B];
	s0 =	simm.s32 @p1 $0x1  }
0x15: {  	[smem:$0x3FA8] =	sst s0;
	s0 =	simm.s32 @!p2 $0x0  }
0x16: {  	s3 =	sld [smem:$0x3FDB];
	s0 =	simm.s32 @p2 $0x1  }
0x17: {  	s4 =	simm.s32 $0x1BF5;
	[smem:$0x3FAA] =	sst s0  }
0x18: {  	s0 =	sld [smem:$0x3F8D];
	_ =	swait.ge [sflag:s4], $0x0  }
0x19: {  	s7 =	sld [smem:$0x3F8E]  }
0x1a: {  	s8 =	sadd.s32 $0xFFFFE003, lr  }
0x1b: {  	s9 =	sadd.s32 $0xFFFFFEF7, lr;
	s5 =	simm.s32 $0xFFFFFFFF;
	p2 =	slt.u32 s8, $0xFFFFF086  }
0x1c: {  	p1 =	slt.u32 s9, $0xF7A;
	s5 =	simm.s32 @!p2 $0x0  }
0x1d: {  	s5 =	simm.s32 @p1 $0x1;
	p0 =	seq.s32 s7, s2  }
0x1e: {  	s7 =	smul.u32 @!p0 $0xF7A, s2;
	p2 =	seq.s32 @!p0 s5, $0x0  }
0x1f: {  	s9 =	smul.u32 $0xF7A, s1;
	s8 =	simm.s32 @!p0 $0x1BF5;
	p2 =	por !p2, p0  }
0x20: {  	[sflag:s8] =	ssyncset.s32 @!p0 $0xFFFFF086;
	s6 =	sadd.s32 @!p0 s3, s7;
	s7 =	simm.s32 @!p0 $0x108  }
0x21: {  	s3 =	sadd.s32 s3, s9;
	s6 =	sadd.s32 @!p0 $0x88, s6;
	s7 =	simm.s32 @p2 $0x1082  }
0x22: {  	[simem:s7], [sflag:s8] =	dma.local @!p0 [hbm:s6], $0xF7A  }
0x23: {  	s9 =	sor.u32 $0xD0000000, s2;
	s6 =	simm.s32 $0x108;
	_ =	swait.ge @!p0 [sflag:s8], $0x0  }
0x24: {  	s3 =	sadd.s32 $0x88, s3;
	s6 =	simm.s32 @!p1 $0x1082;
	[sflag:s4] =	ssyncset.s32 $0xFFFFF086  }
0x25: {  	[simem:s6], [sflag:s4] =	dma.local [hbm:s3], $0xF7A  }
0x26: {  	[smem:$0x3F8E] =	sst s1;
	(tag) =	ssettag s2;
	_ =	strace s9  }
0x27: {  	s1 =	sld [smem:$0x3F9E]  }
0x28: {  	s2 =	sld [smem:$0x3F9F]  }
0x29: {  	s4 =	sld [smem:$0x3FA1]  }
0x2a: {  	p0 =	seq.s32 s5, $0x0;
	s5 =	sld [smem:$0x3FA2]  }
0x2b: {  	s6 =	sld [smem:$0x3FA3]  }
0x2c: {  	s7 =	sld [smem:$0x3FA4]  }
0x2d: {  	s3 =	simm.s32 $0x108;
	s8 =	sld [smem:$0x3FA5]  }
0x2e: {  	s3 =	simm.s32 @!p0 $0x1082;
	s9 =	sld [smem:$0x3FA6]  }
0x2f: {  	lr =	sadd.s32 s0, s3;
	s0 =	sld [smem:$0x3F9D]  }
0x30: {  	s3 =	sld [smem:$0x3FA0]  }
0x31: {  	[smem:$0x3FA9] =	sst s10  }
0x32: {  	s10 =	sld [smem:$0x3FA7];
	_ =	sdelay $0x3  }
0x33: {  	p0 =	seq.s32 s10, $0x1;
	s10 =	sld [smem:$0x3FA9];
	_ =	sdelay $0x3  }
0x34: {  	[smem:$0x3FA9] =	sst s10  }
0x35: {  	s10 =	sld [smem:$0x3FA8];
	_ =	sdelay $0x3  }
0x36: {  	p1 =	seq.s32 s10, $0x1;
	s10 =	sld [smem:$0x3FA9];
	_ =	sdelay $0x3  }
0x37: {  	[smem:$0x3FA9] =	sst s10  }
0x38: {  	s10 =	sld [smem:$0x3FAA]  }
0x39: {  	_ = 	snop;
	(pc) =	sbr.ind lr, $3  }
0x3a: {  	_ = 	snop  }
0x3b: {  	_ = 	snop  }
0x3c: {  	p2 =	seq.s32 s10, $0x1;
	s10 =	sld [smem:$0x3FA9]  }
0x3d: {  	_ =	shalt  }
0x3e: {  	_ =	shalt  }
0x3f: {  	_ =	shalt  }
0x40: {  	_ =	shalt  }
0x41: {  	_ =	shalt  }
0x42: {  	_ =	shalt  }
0x43: {  	_ =	shalt  }
0x44: {  	_ =	shalt  }
0x45: {  	_ =	shalt  }
0x46: {  	_ =	shalt  }
0x47: {  	_ =	shalt  }
0x48: {  	_ =	shalt  }
0x49: {  	_ =	shalt  }
0x4a: {  	_ =	shalt  }
0x4b: {  	_ =	shalt  }
0x4c: {  	_ =	shalt  }
0x4d: {  	_ =	shalt  }
0x4e: {  	_ =	shalt  }
0x4f: {  	_ =	shalt  }
0x50: {  	_ =	shalt  }
0x51: {  	_ =	shalt  }
0x52: {  	_ =	shalt  }
0x53: {  	_ =	shalt  }
0x54: {  	_ =	shalt  }
0x55: {  	_ =	shalt  }
0x56: {  	_ =	shalt  }
0x57: {  	_ =	shalt  }
0x58: {  	_ =	shalt  }
0x59: {  	_ =	shalt  }
0x5a: {  	_ =	shalt  }
0x5b: {  	_ =	shalt  }
0x5c: {  	_ =	shalt  }
0x5d: {  	_ =	shalt  }
0x5e: {  	_ =	shalt  }
0x5f: {  	_ =	shalt  }
0x60: {  	_ =	shalt  }
0x61: {  	_ =	shalt  }
0x62: {  	_ =	shalt  }
0x63: {  	_ =	shalt  }
0x64: {  	_ =	shalt  }
0x65: {  	_ =	shalt  }
0x66: {  	_ =	shalt  }
0x67: {  	_ =	shalt  }
0x68: {  	_ =	shalt  }
0x69: {  	_ =	shalt  }
0x6a: {  	_ =	shalt  }
0x6b: {  	_ =	shalt  }
0x6c: {  	_ =	shalt  }
0x6d: {  	_ =	shalt  }
0x6e: {  	_ =	shalt  }
0x6f: {  	_ =	shalt  }
0x70: {  	_ =	shalt  }
0x71: {  	_ =	shalt  }
0x72: {  	_ =	shalt  }
0x73: {  	_ =	shalt  }
0x74: {  	_ =	shalt  }
0x75: {  	_ =	shalt  }
0x76: {  	_ =	shalt  }
0x77: {  	_ =	shalt  }
0x78: {  	_ =	shalt  }
0x79: {  	_ =	shalt  }
0x7a: {  	_ =	shalt  }
0x7b: {  	_ =	shalt  }
0x7c: {  	_ =	shalt  }
0x7d: {  	_ =	shalt  }
0x7e: {  	_ =	shalt  }
0x7f: {  	_ =	shalt  }
0x80: {  	_ =	shalt  }
0x81: {  	_ =	shalt  }
0x82: {  	_ =	shalt  }
0x83: {  	_ =	shalt  }
0x84: {  	_ =	shalt  }
0x85: {  	_ =	shalt  }
0x86: {  	_ =	shalt  }
0x87: {  	_ =	shalt  }
.Lfunc_end0:
.L_simem_size_0:
called_computation.5_lowered:
.L_overlay_start_0:
0x88: {  	s2 =	sld [smem:$0x3FD9]  }
0x89: {  	s3 =	sld [smem:$0x3FFE];
	_ =	sdelay $0x1  }
0x8a: {  	s1 =	srdreg.scid  }
0x8b: {  	s0 =	sand.u32 $0x1, s1  }
0x8c: {  	s16 =	sshll.u32 s0, $0xA;
	s2 =	sadd.s32 s3, s2  }
0x8d: {  	s2 =	sadd.s32 s2, s16  }
0x8e: {  	[smem:$0x3FB5] =	sst s2  }
0x8f: {  	_ = 	snop  }
0x90: {  	(tm) =	ssettm $0x1  }
0x91: {  	s17 =	sld [smem:$0x3FFB];
	_ =	sdelay $0x3  }
0x92: {  	_ =	strace s17  }
0x93: {  	s2 =	sld [smem:$0x3FFC];
	_ =	sdelay $0x3  }
0x94: {  	_ =	strace s2  }
0x95: {  	s2 =	sld [smem:$0x3FFD];
	_ =	sdelay $0x3  }
0x96: {  	_ =	strace s2  }
0x97: {  	_ =	strace $0x8FFFFFFF  }
0x98: {  	s18 =	sld [smem:$0x3FDB];
	_ =	sdelay $0x1  }
0x99: {  	s19 =	simm.s32 $_scs_section_size  }
0x9a: {  	s4 =	simm.s32 $_size__tile_overlayer_lowered;
	s5 =	simm.s32 $_tile_overlayer_lowered  }
0x9b: {  	s22 =	simm.s32 $0x1BFF;
	s21 =	sshll.u32 s5, $0x1;
	s2 =	sadd.s32 s19, s18  }
0x9c: {  	s6 =	simm.s32 $0x0;
	s20 =	sshll.u32 s4, $0x1;
	s4 =	sadd.s32 s21, s2  }
0x9d: {  	[timem:s6], [sflag:s22] =	dma.local [hbm:s4], s20  }
0x9e: {  	_ =	swait.ge [sflag:s22], s20  }
0x9f: {  	s3 =	ssub.s32 $0x0, s20;
	[sflag:s22] =	ssyncset.done $0x0  }
0xa0: {  	[sflag:s22] =	ssyncadd.s32 s3;
	_ =	sdelay $0x1  }
0xa1: {  	s23 =	simm.s32 $0x1B8B  }
0xa2: {  	_ =	swait.ge [sflag:s23], $0x1  }
0xa3: {  	[sflag:s23] =	ssyncset.done $0x0  }
0xa4: {  	s25 =	simm.s32 $0x1B8E;
	s24 =	sld [smem:$0x3FFE];
	[sflag:s23] =	ssyncadd.s32 $0xFFFFFFFF  }
0xa5: {  	s26 =	simm.s32 $execute0_lowered;
	[smem:$0x3FD2] =	sst s25  }
0xa6: {  	s4 =	sshll.u32 s26, $0x1;
	_ =	strace $0x80000055;
	[dreg:$0x1] =	wrdreg $0xFFFFFFFF  }
0xa7: {  	s28 =	simm.s32 $_size_execute0_lowered;
	s2 =	sadd.s32 s2, s4;
	[dreg:$0x0] =	wrdreg $0x0  }
0xa8: {  	s4 =	sshll.u32 s28, $0x1;
	[dreg:$0x2] =	wrdreg s2  }
0xa9: {  	[dreg:$0x3] =	wrdreg s4  }
0xaa: {  	[dreg:$0x4] =	wrdreg $0xC0  }
0xab: {  	_ =	task [dreg:s6], $0x5FFFF  }
0xac: {  	[dreg:$0x1] =	wrdreg $0xFFFFFFFF  }
0xad: {  	[dreg:$0x0] =	wrdreg $0x60  }
0xae: {  	[dreg:$0x2] =	wrdreg s24  }
0xaf: {  	[dreg:$0x3] =	wrdreg $0x88000  }
0xb0: {  	[dreg:$0x4] =	wrdreg $0x9  }
0xb1: {  	_ =	task.clear_ibuf [dreg:s6], $0x5FFFF;
	_ =	strace $0x90000055  }
0xb2: {  	s29 =	simm.s32 $0x9;
	_ =	strace $0x80000057  }
0xb3: {  	_ =	swait.ge [sflag:s29], $0x1  }
0xb4: {  	[sflag:s29] =	ssyncadd.s32 $0xFFFFFFFF  }
0xb5: {  	_ =	strace $0x90000057  }
0xb6: {  	_ =	sfence  }
0xb7: {  	s30 =	sld [smem:$0x0];
	_ =	sdelay $0x2  }
0xb8: {  	s31 =	sshll.u32 s1, $0xD;
	s1 =	sshrl.u32 s1, $0x2  }
0xb9: {  	s3 =	sand.u32 $0x4000, s31;
	s1 =	sadd.s32 s1, s30  }
0xba: {  	s0 =	sor.u32 s3, s0;
	s1 =	sshll.u32 s1, $0x11  }
0xbb: {  	s0 =	sor.u32 s1, s0  }
0xbc: {  	s0 =	sadd.s32 $0x8F2B, s0  }
0xbd: {  	[sflag:s0] =	ssyncadd.remote.s32 $0x1  }
0xbe: {  	_ =	sfence.sel $0xFFFF  }
0xbf: {  	[dreg:$0x0] =	wrdreg $0xFFFFFFFF;
	(pc) =	sbr.abs _section_cstart, $3  }
0xc0: {  	[dreg:$0x1] =	wrdreg $0xFFFFFFFF  }
0xc1: {  	_ =	task.clear_ibuf [dreg:s6], $0x2FFFF;
	_ =	strace $0x9FFFFFFF  }
0xc2: {  	(tm) =	ssettm $0x7FFFFFFF  }
0xc3: {  	_ =	shalt  }
tec
execute0_lowered:
.L_overlay_start_1:
0x0: {  	(tag) =	ssettag $0x1  }
0x1: {  	s5 =	rddreg [dreg:$0x0]  }
0x2: {  	s2 =	rddreg [dreg:$0x1]  }
0x3: {  	s1 =	stileid.u32;
	s4 =	srdreg.scid;
	s3 =	simm.s32 $0x0  }
0x4: {  	s16 =	simm.s32 $0x80;
	s17 =	simm.s32 $0x800;
	s18 =	simm.s32 $0x4800  }
0x5: {  	s19 =	simm.s32 $0x1;
	s20 =	simm.s32 $0x2;
	s21 =	simm.s32 $0x700  }
0x6: {  	s22 =	simm.s32 $0x780;
	s23 =	simm.s32 $0x0;
	s6 =	smul.u32 $0x14000, s1  }
0x7: {  	s7 =	sand.u32 $0x1, s4;
	[smem:$0x7FF] =	sst s3;
	s28 =	smul.u32 $0x50000, s1  }
0x8: {  	s4 =	sadd.s32 $0x37600, s5;
	s12 =	sadd.s32 $0x87600, s5;
	s14 =	smul.u32 $0x2800, s1  }
0x9: {  	s11 =	sadd.s32 $0x5600, s5;
	s29 =	sshll.u32 s1, $0x6;
	s8 =	smul.u32 $0x140000, s7  }
0xa: {  	_ =	strace $0x80000056;
	s26 =	ssub.s32 $0x2, s7;
	s13 =	sshll.u32 s7, $0x4  }
0xb: {  	s7 =	smul.u32 $0x28000, s7;
	s9 =	sshrl.u32 s6, $0x3;
	s10 =	sshrl.u32 s26, $0x1  }
0xc: {  	s13 =	sor.u32 s1, s13;
	s6 =	sadd.s32 s6, s8;
	s24 =	sadd.s32 s9, s5  }
0xd: {  	s10 =	ssub.s32 s26, s10;
	s13 =	smul.u32 $0x2800, s13;
	s7 =	sadd.s32 s14, s7  }
0xe: {  	s14 =	simm.s32 $0x3;
	s6 =	sshrl.u32 s6, $0x3;
	s31 =	sor.u32 $0x100, s7  }
0xf: {  	s10 =	smax.u32 s10, $0x1;
	s25 =	sadd.s32 s6, s5;
	s6 =	sshrl.u32 s28, $0x2  }
0x10: {  	s5 =	sadd.s32 $0xF600, s24;
	s30 =	sshrl.u32 s13, $0x3;
	s13 =	sshrl.u32 s31, $0x3  }
0x11: {  	s15 =	sadd.s32 s6, s2;
	s6 =	sor.u32 $0x1C03, s29;
	s7 =	sadd.s32 s12, s30  }
0x12: {  	s8 =	sadd.s32 s11, s30;
	s9 =	sadd.s32 $0x91600, s25;
	s11 =	sadd.s32 s13, s11  }
0x13: {  	s12 =	sadd.s32 s13, s12;
	s13 =	sshrl.u32 s15, $0x3;
	s15 =	simm.s32 $0x400  }
.LBB2_1:
0x14: {  	[spmem:s13], [sflag:s6] =	dma.local [hbm:s5], $0x2800  }
0x15: {  	_ =	swait.ge [sflag:s14], $0x2800  }
0x16: {  	[sflag:s14] =	ssyncset.done $0x0  }
0x17: {  	[sflag:s14] =	ssyncadd.s32 $0xFFFFD800  }
0x18: {  	[bflag:$0x0] =	sbarrier.arrive $0xFFFF  }
0x19: {  	[tilespmem:s3], [sflag:$0x3] =	stream.linear.gather [hbm4b:s7+s3], $0x400, $0x38;
	[tilespmem:$0x1C800] =	vst v63  }
0x1a: {  	_ =	swait.ge [sflag:s14], $0x400  }
0x1b: {  	[sflag:s14] =	ssyncset.done $0x0  }
0x1c: {  	[sflag:s14] =	ssyncadd.s32 $0xFFFFFC00  }
0x1d: {  	[tilespmem:s15], [sflag:$0x3] =	stream.linear.gather [hbm4b:s8+s3], $0x400, $0x38;
	[tilespmem:$0x1C800] =	vst v63  }
0x1e: {  	_ =	swait.ge [sflag:s14], $0x400  }
0x1f: {  	[sflag:s14] =	ssyncset.done $0x0  }
0x20: {  	[sflag:s14] =	ssyncadd.s32 $0xFFFFFC00  }
0x21: {  	[tilespmem:s17], [sflag:$0x1] =	stream.indirect.gather [hbm4b:s4+s16], $0x80, s3, s16, $0xb8;
	[tilespmem:$0x1C800] =	vst v63  }
0x22: {  	_ = 	snop  }
0x23: {  	[tilespmem:s18], [sflag:$0x2] =	stream.indirect.gather [hbm4b:s4+s16], $0x80, s16, s16, $0xb8;
	[tilespmem:$0x1C800] =	vst v63  }
0x24: {  	s24 =	simm.s32 $0x0;
	_ =	swait.ge [sflag:s19], $0x4000  }
0x25: {  	s24 =	sand.u32 $0x300, s24;
	[sflag:s19] =	ssyncset.done $0x0  }
0x26: {  	s25 =	sor.u32 $0x400, s24;
	[sflag:s19] =	ssyncadd.s32 $0xFFFFC000  }
0x27: {  	[spmem:s2] =	stream.indirect.scatter.add.f32 [tilespmem:s17], [sflag:$0x3], $0x80, s25, s16, $0xb8;
	[tilespmem:$0x1C800] =	vst v63  }
0x28: {  	_ =	swait.ge [sflag:s14], $0x4000  }
0x29: {  	[sflag:s14] =	ssyncset.done $0x0  }
0x2a: {  	[sflag:s14] =	ssyncadd.s32 $0xFFFFC000  }
0x2b: {  	_ =	swait.ge [sflag:s20], $0x4000  }
0x2c: {  	[sflag:s20] =	ssyncset.done $0x0  }
0x2d: {  	s24 =	sor.u32 $0x480, s24;
	[sflag:s20] =	ssyncadd.s32 $0xFFFFC000  }
0x2e: {  	[spmem:s2] =	stream.indirect.scatter.add.f32 [tilespmem:s18], [sflag:$0x3], $0x80, s24, s16, $0xb8;
	[tilespmem:$0x1C800] =	vst v63  }
0x2f: {  	s30 =	sand.u32 $0x6, s20;
	_ =	swait.ge [sflag:s14], $0x4000  }
0x30: {  	p0 =	sne.s32 s30, $0x0;
	[sflag:s14] =	ssyncset.done $0x0  }
0x31: {  	s26 =	simm.s32 @!p0 $0x3;
	s25 =	simm.s32 @!p0 $0x0;
	[sflag:s14] =	ssyncadd.s32 $0xFFFFC000  }
0x32: {  	[tilespmem:s25], [sflag:$0x3] =	stream.linear.gather @!p0 [hbm4b:s12+s25], $0x400, $0x38;
	[tilespmem:$0x1C800] =	vst v63  }
0x33: {  	_ =	swait.ge @!p0 [sflag:s26], $0x400  }
0x34: {  	[sflag:s26] =	ssyncset.done @!p0 $0x0  }
0x35: {  	s28 =	simm.s32 @!p0 $0x400;
	[sflag:s26] =	ssyncadd.s32 @!p0 $0xFFFFFC00  }
0x36: {  	[tilespmem:s28], [sflag:$0x3] =	stream.linear.gather @!p0 [hbm4b:s11+s25], $0x400, $0x38;
	[tilespmem:$0x1C800] =	vst v63  }
0x37: {  	s31 =	simm.s32 $0x600;
	_ =	swait.ge @!p0 [sflag:s26], $0x400  }
0x38: {  	s29 =	sand.u32 $0xE00, s31;
	[sflag:s26] =	ssyncset.done @!p0 $0x0  }
0x39: {  	s24 =	sshll.u32 s30, $0x7;
	s25 =	sadd.s32 $0x20, s12;
	[sflag:s26] =	ssyncadd.s32 @!p0 $0xFFFFFC00  }
0x3a: {  	[tilespmem:s17], [sflag:$0x1] =	stream.indirect.gather [hbm4b:s4+s16], $0x80, s24, s16, $0xb8;
	[tilespmem:$0x1C800] =	vst v63  }
0x3b: {  	s28 =	smov.u32 s11;
	s26 =	simm.s32 $0x400;
	s24 =	simm.s32 $0x4  }
.LBB2_2:
0x3c: {  	s29 =	sshrl.u32 s29, $0x2  }
0x3d: {  	s28 =	sadd.s32 $0x20, s28;
	s30 =	smov.u32 s24;
	s24 =	sadd.s32 $0x2, s24  }
0x3e: {  	[tilespmem:s18], [sflag:$0x2] =	stream.indirect.gather [hbm4b:s4+s16], $0x80, s29, s16, $0xb8;
	[tilespmem:$0x1C800] =	vst v63  }
0x3f: {  	s29 =	sshrl.u32 s26, $0x2;
	p0 =	sne.s32 s24, $0x50;
	_ =	swait.ge [sflag:s19], $0x4000  }
0x40: {  	s29 =	sand.u32 $0x300, s29;
	[sflag:s19] =	ssyncset.done $0x0  }
0x41: {  	s31 =	sor.u32 $0x400, s29;
	[sflag:s19] =	ssyncadd.s32 $0xFFFFC000  }
0x42: {  	[spmem:s2] =	stream.indirect.scatter.add.f32 [tilespmem:s17], [sflag:$0x3], $0x80, s31, s16, $0xb8;
	[tilespmem:$0x1C800] =	vst v63  }
0x43: {  	_ =	swait.ge [sflag:s14], $0x4000  }
0x44: {  	[sflag:s14] =	ssyncset.done $0x0  }
0x45: {  	[sflag:s14] =	ssyncadd.s32 $0xFFFFC000  }
0x46: {  	_ =	swait.ge [sflag:s20], $0x4000  }
0x47: {  	[sflag:s20] =	ssyncset.done $0x0  }
0x48: {  	s29 =	sor.u32 $0x480, s29;
	[sflag:s20] =	ssyncadd.s32 $0xFFFFC000  }
0x49: {  	[spmem:s2] =	stream.indirect.scatter.add.f32 [tilespmem:s18], [sflag:$0x3], $0x80, s29, s16, $0xb8;
	[tilespmem:$0x1C800] =	vst v63  }
0x4a: {  	s29 =	sand.u32 $0x6, s30;
	_ =	swait.ge [sflag:s14], $0x4000  }
0x4b: {  	p1 =	sne.s32 s29, $0x0;
	[sflag:s14] =	ssyncset.done $0x0  }
0x4c: {  	s30 =	simm.s32 @!p1 $0x0;
	s31 =	simm.s32 @!p1 $0x3;
	[sflag:s14] =	ssyncadd.s32 $0xFFFFC000  }
0x4d: {  	[tilespmem:s30], [sflag:$0x3] =	stream.linear.gather @!p1 [hbm4b:s25+s30], $0x400, $0x38;
	[tilespmem:$0x1C800] =	vst v63  }
0x4e: {  	_ =	swait.ge @!p1 [sflag:s31], $0x400  }
0x4f: {  	[sflag:s31] =	ssyncset.done @!p1 $0x0  }
0x50: {  	s0 =	simm.s32 @!p1 $0x400;
	[sflag:s31] =	ssyncadd.s32 @!p1 $0xFFFFFC00  }
0x51: {  	[tilespmem:s0], [sflag:$0x3] =	stream.linear.gather @!p1 [hbm4b:s28+s30], $0x400, $0x38;
	[tilespmem:$0x1C800] =	vst v63  }
.Ltmp0:
0x52: {  	_ =	swait.ge @!p1 [sflag:s31], $0x400;
	(pc) =	sbr.rel @p0 .LBB2_2-.Ltmp0, $4  }
0x53: {  	[sflag:s31] =	ssyncset.done @!p1 $0x0  }
0x54: {  	s0 =	sshll.u32 s29, $0x7;
	s29 =	sadd.s32 $0x600, s26;
	[sflag:s31] =	ssyncadd.s32 @!p1 $0xFFFFFC00  }
0x55: {  	[tilespmem:s17], [sflag:$0x1] =	stream.indirect.gather [hbm4b:s4+s16], $0x80, s0, s16, $0xb8;
	[tilespmem:$0x1C800] =	vst v63  }
0x56: {  	s25 =	sadd.s32 $0x20, s25;
	s26 =	sadd.s32 $0x400, s26;
	s29 =	sand.u32 $0xE00, s29  }
0x57: {  	s0 =	sshrl.u32 s29, $0x2  }
0x58: {  	[tilespmem:s18], [sflag:$0x2] =	stream.indirect.gather [hbm4b:s4+s16], $0x80, s0, s16, $0xb8;
	[tilespmem:$0x1C800] =	vst v63  }
0x59: {  	_ =	swait.ge [sflag:s19], $0x4000  }
0x5a: {  	[sflag:s19] =	ssyncset.done $0x0  }
0x5b: {  	[sflag:s19] =	ssyncadd.s32 $0xFFFFC000  }
0x5c: {  	[spmem:s2] =	stream.indirect.scatter.add.f32 [tilespmem:s17], [sflag:$0x3], $0x80, s21, s16, $0xb8;
	[tilespmem:$0x1C800] =	vst v63  }
0x5d: {  	_ =	swait.ge [sflag:s14], $0x4000  }
0x5e: {  	[sflag:s14] =	ssyncset.done $0x0  }
0x5f: {  	[sflag:s14] =	ssyncadd.s32 $0xFFFFC000  }
0x60: {  	_ =	swait.ge [sflag:s20], $0x4000  }
0x61: {  	[sflag:s20] =	ssyncset.done $0x0  }
0x62: {  	[sflag:s20] =	ssyncadd.s32 $0xFFFFC000  }
0x63: {  	[spmem:s2] =	stream.indirect.scatter.add.f32 [tilespmem:s18], [sflag:$0x3], $0x80, s22, s16, $0xb8;
	[tilespmem:$0x1C800] =	vst v63  }
0x64: {  	_ =	swait.ge [sflag:s14], $0x4000  }
0x65: {  	s23 =	sadd.s32 $0x1, s23;
	[sflag:s14] =	ssyncset.done $0x0  }
0x66: {  	p0 =	sne.s32 s23, s10;
	[sflag:s14] =	ssyncadd.s32 $0xFFFFC000  }
.Ltmp1:
0x67: {  	[bflag:$0x0] =	sbarrier.arrive $0xFFFF;
	(pc) =	sbr.rel @p0 .LBB2_1-.Ltmp1, $4  }
0x68: {  	[hbm:s9], [sflag:s6] =	dma.local [spmem:s13], $0x2800  }
0x69: {  	_ =	swait.ge [sflag:s14], $0x2800  }
0x6a: {  	[sflag:s14] =	ssyncset.done $0x0  }
0x6b: {  	[sflag:s14] =	ssyncadd.s32 $0xFFFFD800  }
0x6c: {  	_ =	sfence.sel $0x180000  }
0x6d: {  	[bflag:$0x0] =	sbarrier.arrive $0xFFFF  }
0x6e: {  	_ =	strace $0x90000056  }
0x6f: {  	[bflag:$0x2] =	sbarrier.arrive $0xFFFF  }
0x70: {  	p0 =	sne.s32 s1, $0x0;
	s0 =	rddreg [dreg:$0x2]  }
0x71: {  	s0 =	sadd.s32 @!p0 $0x100000, s0  }
0x72: {  	[sflag:s0] =	ssyncadd.tile.s32 @!p0 $0x1;
	_ =	shalt  }
.Lfunc_end2:
_tile_overlayer_lowered:
.L_overlay_start_2:
0x73: {  	(tag) =	ssettag $0x2  }
0x74: {  	s0 =	rddreg [dreg:$0x0];
	s2 =	stileid.u32  }
0x75: {  	s1 =	rddreg [dreg:$0x1];
	p0 =	sne.s32 s2, $0x0  }
0x76: {  	s3 =	rddreg [dreg:$0x2];
	[bflag:$0x3] =	sbarrier.arrive $0xFFFF;
	s2 =	simm.s32 @!p0 $0x1C03  }
0x77: {  	[timem:s3], [sflag:s2] =	dma.local @!p0 [hbm:s0], s1  }
0x78: {  	s0 =	simm.s32 @!p0 $0x3  }
0x79: {  	_ =	swait.ge @!p0 [sflag:s0], s1  }
0x7a: {  	s1 =	ssub.s32 @!p0 $0x0, s1;
	[sflag:s0] =	ssyncset.done @!p0 $0x0  }
0x7b: {  	[sflag:s0] =	ssyncadd.s32 @!p0 s1  }
0x7c: {  	[bflag:$0x3] =	sbarrier.arrive $0xFFFF  }
0x7d: {  	_ =	shalt  }

</sc_bundles>
